<compile_context>
chip_gen: v7x
topology: tpu7x:2x2x1
jax: 0.10.2.dev20260603
libtpu: 0.0.44.dev20260713+nightly
codegen_flags: <defaults>
</compile_context>

<pallas_src>
import functools

import numpy as np

import jax
import jax.numpy as jnp
from jax import lax
from jax.experimental import pallas as pl
from jax.experimental.pallas import tpu as pltpu
from jax.experimental.pallas import tpu_sc as plsc

NC = 2
NS = 16
NT = NC * NS
CH = 128
LANES = 16
NPH = 2


def _ceil_to(v, m):
    return (v + m - 1) // m * m


def _sc_mesh():
    return plsc.VectorSubcoreMesh(core_axis_name="c", subcore_axis_name="s")


def _make_deg_kernel(K, n_acc, r):

    @functools.partial(
        pl.kernel,
        out_type=jax.ShapeDtypeStruct((NC * n_acc,), jnp.float32),
        mesh=_sc_mesh(),
        scratch_types=[
            pltpu.VMEM((K, CH), jnp.int32),
            pltpu.VMEM((CH,), jnp.float32),
            pltpu.VMEM((CH,), jnp.float32),
            pltpu.VMEM_SHARED((n_acc,), jnp.float32),
        ],
    )
    def deg_kernel(dst_hbm, out_hbm, dst_v, ones_v, zb, deg_sh):
        c = lax.axis_index("c")
        s = lax.axis_index("s")
        base = s * r
        pltpu.sync_copy(dst_hbm.at[c, s], dst_v)
        for j in range(CH // LANES):
            ones_v[pl.ds(j * LANES, LANES)] = jnp.ones((LANES,), jnp.float32)
            zb[pl.ds(j * LANES, LANES)] = jnp.zeros((LANES,), jnp.float32)
        nfull, rem = r // CH, r % CH
        for k in range(nfull):
            pltpu.sync_copy(zb, deg_sh.at[pl.ds(base + k * CH, CH)])
        if rem:
            pltpu.sync_copy(zb.at[pl.ds(0, rem)], deg_sh.at[pl.ds(base + nfull * CH, rem)])
        plsc.subcore_barrier()

        def body(g, carry):
            pltpu.sync_copy(ones_v, deg_sh.at[dst_v.at[g]], add=True)
            return carry

        lax.fori_loop(jnp.int32(0), jnp.int32(K), body, None)
        plsc.subcore_barrier()
        for k in range(nfull):
            pltpu.sync_copy(deg_sh.at[pl.ds(base + k * CH, CH)], zb)
            pltpu.sync_copy(zb, out_hbm.at[pl.ds(c * n_acc + base + k * CH, CH)])
        if rem:
            pltpu.sync_copy(deg_sh.at[pl.ds(base + nfull * CH, rem)], zb.at[pl.ds(0, rem)])
            pltpu.sync_copy(zb.at[pl.ds(0, rem)],
                            out_hbm.at[pl.ds(c * n_acc + base + nfull * CH, rem)])

    return deg_kernel


def _make_agg_kernel(D, K, n_acc, r):
    assert K % (2 * NPH) == 0
    kp = K // NPH
    kk = kp // 2

    @functools.partial(
        pl.kernel,
        out_type=jax.ShapeDtypeStruct((NC, n_acc, D), jnp.float32),
        mesh=_sc_mesh(),
        scratch_types=[
            pltpu.VMEM((kp, CH), jnp.int32),
            pltpu.VMEM((kp, CH), jnp.int32),
            pltpu.VMEM((CH, D), jnp.float32),
            pltpu.VMEM((CH, D), jnp.float32),
            pltpu.VMEM_SHARED((n_acc, D), jnp.float32),
            pltpu.SemaphoreType.DMA,
            pltpu.SemaphoreType.DMA,
        ],
    )
    def agg_kernel(y_hbm, src_hbm, dst_hbm, out_hbm,
                   src_v, dst_v, rows_a, rows_b, acc_sh, gsem, ssem):
        c = lax.axis_index("c")
        s = lax.axis_index("s")
        base = s * r
        nfull, rem = r // CH, r % CH

        def drain_gather(buf, g):
            pltpu.make_async_copy(y_hbm.at[src_v.at[g]], buf, gsem).wait()

        def drain_scatter(buf, g):
            pltpu.make_async_copy(buf, acc_sh.at[dst_v.at[g]], ssem).wait()

        def step0(t, carry):
            g0 = t + t
            pltpu.async_copy(y_hbm.at[src_v.at[g0]], rows_a, gsem)
            pltpu.async_copy(y_hbm.at[src_v.at[g0 + 1]], rows_b, gsem)
            drain_gather(rows_a, t)
            pltpu.async_copy(rows_a, acc_sh.at[dst_v.at[g0]], ssem, add=True)
            drain_gather(rows_b, t)
            pltpu.async_copy(rows_b, acc_sh.at[dst_v.at[g0 + 1]], ssem, add=True)
            return carry

        def step(t, carry):
            g0 = t + t
            drain_scatter(rows_a, t)
            pltpu.async_copy(y_hbm.at[src_v.at[g0]], rows_a, gsem)
            drain_scatter(rows_b, t)
            pltpu.async_copy(y_hbm.at[src_v.at[g0 + 1]], rows_b, gsem)
            drain_gather(rows_a, t)
            pltpu.async_copy(rows_a, acc_sh.at[dst_v.at[g0]], ssem, add=True)
            drain_gather(rows_b, t)
            pltpu.async_copy(rows_b, acc_sh.at[dst_v.at[g0 + 1]], ssem, add=True)
            return carry

        def epi(q, carry):
            drain_scatter(rows_a, q)
            drain_scatter(rows_b, q)
            return carry

        for ph in range(NPH):
            pltpu.sync_copy(src_hbm.at[c, s, pl.ds(ph * kp, kp)], src_v)
            pltpu.sync_copy(dst_hbm.at[c, s, pl.ds(ph * kp, kp)], dst_v)
            if ph == 0:
                def zero_row(i, carry):
                    for j in range(D // LANES):
                        rows_b[i, pl.ds(j * LANES, LANES)] = jnp.zeros(
                            (LANES,), jnp.float32)
                    return carry

                lax.fori_loop(jnp.int32(0), jnp.int32(CH), zero_row, None)
                for k in range(nfull):
                    pltpu.sync_copy(rows_b, acc_sh.at[pl.ds(base + k * CH, CH)])
                if rem:
                    pltpu.sync_copy(rows_b.at[pl.ds(0, rem)],
                                    acc_sh.at[pl.ds(base + nfull * CH, rem)])
                plsc.subcore_barrier()
            lax.fori_loop(jnp.int32(0), jnp.int32(1), step0, None)
            lax.fori_loop(jnp.int32(1), jnp.int32(kk), step, None)
            lax.fori_loop(jnp.int32(0), jnp.int32(1), epi, None)
        plsc.subcore_barrier()
        for k in range(nfull):
            pltpu.sync_copy(acc_sh.at[pl.ds(base + k * CH, CH)], rows_a)
            pltpu.sync_copy(rows_a, out_hbm.at[c, pl.ds(base + k * CH, CH)])
        if rem:
            pltpu.sync_copy(acc_sh.at[pl.ds(base + nfull * CH, rem)], rows_a.at[pl.ds(0, rem)])
            pltpu.sync_copy(rows_a.at[pl.ds(0, rem)], out_hbm.at[c, pl.ds(base + nfull * CH, rem)])

    return agg_kernel


def _pick_block(n):
    for cand in (512, 400, 256, 200, 128, 80, 40, 16, 8):
        if n % cand == 0:
            return cand
    return 8


def kernel(x, edge_index, W1, b1, W2, b2):
    out_dtype = jnp.result_type(x.dtype, W1.dtype, W2.dtype, b1.dtype, b2.dtype)
    x = x.astype(jnp.float32)
    W1 = W1.astype(jnp.float32)
    b1 = b1.astype(jnp.float32)
    W2 = W2.astype(jnp.float32)
    b2 = b2.astype(jnp.float32)
    N, D = x.shape
    E = edge_index.shape[1]
    K = _ceil_to(-(-E // (NT * CH)), 2 * NPH)
    e_pad = NT * K * CH
    n_acc = _ceil_to(N + 1, NS * 8)
    r = n_acc // NS

    src = edge_index[0].astype(jnp.int32)
    dst = edge_index[1].astype(jnp.int32)
    pad = e_pad - E
    if pad:
        ar = jnp.arange(pad, dtype=jnp.int32)
        src = jnp.concatenate([src, ar % jnp.int32(N)])
        dst = jnp.concatenate([dst, jnp.int32(N) + ar % jnp.int32(n_acc - N)])
    srcp = src.reshape(NC, NS, K, CH)
    dstp = dst.reshape(NC, NS, K, CH)

    deg_kernel = _make_deg_kernel(K, n_acc, r)
    agg_kernel = _make_agg_kernel(D, K, n_acc, r)

    dpart = deg_kernel(dstp).reshape(NC, n_acc, 1)

    BLK = _pick_block(N)
    grid = (N // BLK,)
    z = np.int32(0)
    o = np.int32(1)
    row_spec = pl.BlockSpec((BLK, D), lambda i: (i, z))
    col_spec = pl.BlockSpec((BLK, 1), lambda i: (i, z))
    full_spec = pl.BlockSpec((D, D), lambda i: (z, z))
    bias_spec = pl.BlockSpec((1, D), lambda i: (z, z))
    part0_spec = pl.BlockSpec((1, BLK, 1), lambda i: (z, i, z))
    part1_spec = pl.BlockSpec((1, BLK, 1), lambda i: (o, i, z))
    agg0_spec = pl.BlockSpec((1, BLK, D), lambda i: (z, i, z))
    agg1_spec = pl.BlockSpec((1, BLK, D), lambda i: (o, i, z))

    def k1_body(x_ref, w_ref, d0_ref, d1_ref, y_ref, dis_ref):
        deg = d0_ref[0] + d1_ref[0] + 1.0
        dis = lax.rsqrt(deg)
        dis_ref[...] = dis
        y_ref[...] = jnp.dot(x_ref[...], w_ref[...],
                             preferred_element_type=jnp.float32) * dis

    y1, dis = pl.pallas_call(
        k1_body,
        grid=grid,
        in_specs=[row_spec, full_spec, part0_spec, part1_spec],
        out_specs=[row_spec, col_spec],
        out_shape=[jax.ShapeDtypeStruct((N, D), jnp.float32),
                   jax.ShapeDtypeStruct((N, 1), jnp.float32)],
    )(x, W1, dpart, dpart)

    a1 = agg_kernel(y1, srcp, dstp)

    def k2_body(a0_ref, a1_ref, y1_ref, dis_ref, b1_ref, w2_ref, y2_ref):
        dis = dis_ref[...]
        h = jnp.maximum((a0_ref[0] + a1_ref[0] + y1_ref[...]) * dis + b1_ref[...], 0.0)
        y2_ref[...] = jnp.dot(h, w2_ref[...],
                              preferred_element_type=jnp.float32) * dis

    y2 = pl.pallas_call(
        k2_body,
        grid=grid,
        in_specs=[agg0_spec, agg1_spec, row_spec, col_spec, bias_spec, full_spec],
        out_specs=row_spec,
        out_shape=jax.ShapeDtypeStruct((N, D), jnp.float32),
    )(a1, a1, y1, dis, b1.reshape(1, D), W2)

    a2 = agg_kernel(y2, srcp, dstp)

    def k3_body(a0_ref, a1_ref, y2_ref, dis_ref, b2_ref, out_ref):
        out_ref[...] = jnp.maximum(
            (a0_ref[0] + a1_ref[0] + y2_ref[...]) * dis_ref[...] + b2_ref[...], 0.0)

    out = pl.pallas_call(
        k3_body,
        grid=grid,
        in_specs=[agg0_spec, agg1_spec, row_spec, col_spec, bias_spec],
        out_specs=row_spec,
        out_shape=jax.ShapeDtypeStruct((N, D), jnp.float32),
    )(a2, a2, y2, dis, b2.reshape(1, D))

    return out.astype(out_dtype)

# --- scband reference (transcript-rebuilt; emitter-appended) ---
"""Pipeline reference for scband-basic-block-32375463477659 (READ-ONLY COPY).

The authoritative reference and input builder live on the scoring server;
editing this copy changes nothing except your own understanding.
"""

import jax
from jax import config
config.update("jax_enable_x64", True)
import jax.numpy as jnp
import numpy as np

N = 10000
E = 320000
D_IN = 128
D_OUT = 128


def setup_inputs(seed: int = 0) -> dict:
    key = jax.random.key(seed)
    k1, k2, k3, k4, k5, k6 = jax.random.split(key, 6)
    x = jax.random.normal(k1, (N, D_IN), dtype=jnp.float32)
    edge_index = jax.random.randint(k2, (2, E), 0, N, dtype=jnp.int64)
    # GCNConv learned params (glorot-ish init)
    W1 = jax.random.normal(k3, (D_IN, D_OUT), dtype=jnp.float32) * (1.0 / np.sqrt(D_IN))
    b1 = jnp.zeros((D_OUT,), dtype=jnp.float32)
    W2 = jax.random.normal(k4, (D_OUT, D_OUT), dtype=jnp.float32) * (1.0 / np.sqrt(D_OUT))
    b2 = jnp.zeros((D_OUT,), dtype=jnp.float32)
    return {"x": x, "edge_index": edge_index, "W1": W1, "b1": b1, "W2": W2, "b2": b2}


def gcn_conv(x, edge_index, W, b):
    # Faithful PyG GCNConv: add self-loops, symmetric normalization,
    # linear transform, scatter-add aggregation, bias.
    num_nodes = x.shape[0]
    xw = x @ W
    src = edge_index[0]
    dst = edge_index[1]
    loop = jnp.arange(num_nodes, dtype=src.dtype)
    src = jnp.concatenate([src, loop])
    dst = jnp.concatenate([dst, loop])
    deg = jnp.zeros((num_nodes,), dtype=xw.dtype).at[dst].add(1.0)
    deg_inv_sqrt = jnp.where(deg > 0, 1.0 / jnp.sqrt(deg), 0.0)
    norm = deg_inv_sqrt[src] * deg_inv_sqrt[dst]
    msgs = xw[src] * norm[:, None]
    out = jnp.zeros_like(xw).at[dst].add(msgs)
    return out + b


def reference(x, edge_index, W1, b1, W2, b2):
    out = gcn_conv(x, edge_index, W1, b1)
    out1 = jax.nn.relu(out)
    out = gcn_conv(out1, edge_index, W2, b2)
    out2 = jax.nn.relu(out)
    return out2

if __name__ == "__main__":
    import jax
    _d = setup_inputs()
    print(jax.jit(kernel)(*tuple(_d.values())))

</pallas_src>

<mosaic_0001>
#map = affine_map<(d0, d1) -> (0, 0, 0, 0)>
#map1 = affine_map<(d0, d1) -> (0)>
module attributes {stable_mosaic.version = 14 : i64} {
  func.func @deg_kernel(%arg0: i32, %arg1: i32, %arg2: memref<2x16x80x128xi32, #tpu.memory_space<hbm>>, %arg3: memref<20224xf32, #tpu.memory_space<hbm>>, %arg4: memref<80x128xi32, #tpu.memory_space<vmem>>, %arg5: memref<128xf32, #tpu.memory_space<vmem>>, %arg6: memref<128xf32, #tpu.memory_space<vmem>>, %arg7: memref<10112xf32, #tpu.memory_space<vmem_shared>>) attributes {dimension_semantics = [#tpu.dimension_semantics<core_parallel>, #tpu.dimension_semantics<subcore_parallel>], iteration_bounds = array<i64: 2, 16>, scalar_prefetch = 0 : i64, scratch_operands = 4 : i64, tpu.core_type = #tpu.core_type<sc_vector_subcore>, window_params = [{transform_indices = #map}, {transform_indices = #map1}]} {
    %mul3A = arith.constant 632 : i32
    %mul3A_0 = arith.muli %arg1, %mul3A : i32
    "tpu.region"() ({
      %run_scoped3A = tpu.sem_alloc : memref<!tpu.dma_semaphore, #tpu.memory_space<semaphore_mem>>
      %dma_start3A = arith.constant 0 : i32
      %dma_start3A_149 = arith.constant 0 : i32
      %dma_start3A_150 = tpu.memref_slice %arg2[%arg0, %arg1, %dma_start3A, %dma_start3A_149] : memref<2x16x80x128xi32, #tpu.memory_space<hbm>> -> memref<1x1x80x128xi32, #tpu.memory_space<hbm>>
      %dma_start3A_151 = tpu.memref_squeeze %dma_start3A_150 : memref<1x1x80x128xi32, #tpu.memory_space<hbm>> -> memref<80x128xi32, #tpu.memory_space<hbm>>
      %dma_start3A_152 = arith.constant 0 : i32
      %dma_start3A_153 = arith.constant 0 : i32
      %dma_start3A_154 = tpu.memref_slice %arg2[%arg0, %arg1, %dma_start3A_152, %dma_start3A_153] : memref<2x16x80x128xi32, #tpu.memory_space<hbm>> -> memref<1x1x80x128xi32, #tpu.memory_space<hbm>>
      %dma_start3A_155 = tpu.memref_squeeze %dma_start3A_154 : memref<1x1x80x128xi32, #tpu.memory_space<hbm>> -> memref<80x128xi32, #tpu.memory_space<hbm>>
      tpu.enqueue_dma source(%dma_start3A_155 : memref<80x128xi32, #tpu.memory_space<hbm>>) target(%arg4 : memref<80x128xi32, #tpu.memory_space<vmem>>) target_semaphore(%run_scoped3A : memref<!tpu.dma_semaphore, #tpu.memory_space<semaphore_mem>>)
      %dma_wait3A = arith.constant 0 : i32
      %dma_wait3A_156 = arith.constant 0 : i32
      %dma_wait3A_157 = tpu.memref_slice %arg2[%arg0, %arg1, %dma_wait3A, %dma_wait3A_156] : memref<2x16x80x128xi32, #tpu.memory_space<hbm>> -> memref<1x1x80x128xi32, #tpu.memory_space<hbm>>
      %dma_wait3A_158 = tpu.memref_squeeze %dma_wait3A_157 : memref<1x1x80x128xi32, #tpu.memory_space<hbm>> -> memref<80x128xi32, #tpu.memory_space<hbm>>
      %dma_wait3A_159 = arith.constant 0 : i32
      %dma_wait3A_160 = arith.constant 0 : i32
      %dma_wait3A_161 = tpu.memref_slice %arg2[%arg0, %arg1, %dma_wait3A_159, %dma_wait3A_160] : memref<2x16x80x128xi32, #tpu.memory_space<hbm>> -> memref<1x1x80x128xi32, #tpu.memory_space<hbm>>
      %dma_wait3A_162 = tpu.memref_squeeze %dma_wait3A_161 : memref<1x1x80x128xi32, #tpu.memory_space<hbm>> -> memref<80x128xi32, #tpu.memory_space<hbm>>
      tpu.wait_dma2 semaphore(%run_scoped3A : memref<!tpu.dma_semaphore, #tpu.memory_space<semaphore_mem>>) src(%dma_wait3A_162 : memref<80x128xi32, #tpu.memory_space<hbm>>) dst(%arg4 : memref<80x128xi32, #tpu.memory_space<vmem>>)
      tpu.yield
    }) : () -> ()
    %broadcast_in_dim3A = arith.constant 1.000000e+00 : f32
    %broadcast_in_dim3A_1 = vector.broadcast %broadcast_in_dim3A : f32 to vector<16xf32>
    %swap3A = arith.constant 0 : index
    %swap3A_2 = tpu.vector_load %arg5[%swap3A] {strides = array<i32>} : memref<128xf32, #tpu.memory_space<vmem>>, vector<16xf32>,
    %swap3A_3 = vector.shape_cast %swap3A_2 : vector<16xf32> to vector<16xf32>
    %swap3A_4 = vector.shape_cast %broadcast_in_dim3A_1 : vector<16xf32> to vector<16xf32>
    tpu.vector_store %arg5[%swap3A], %swap3A_4 {strides = array<i32>} : memref<128xf32, #tpu.memory_space<vmem>>, vector<16xf32>,
    %broadcast_in_dim3A_5 = arith.constant 0.000000e+00 : f32
    %broadcast_in_dim3A_6 = vector.broadcast %broadcast_in_dim3A_5 : f32 to vector<16xf32>
    %swap3A_7 = arith.constant 0 : index
    %swap3A_8 = tpu.vector_load %arg6[%swap3A_7] {strides = array<i32>} : memref<128xf32, #tpu.memory_space<vmem>>, vector<16xf32>,
    %swap3A_9 = vector.shape_cast %swap3A_8 : vector<16xf32> to vector<16xf32>
    %swap3A_10 = vector.shape_cast %broadcast_in_dim3A_6 : vector<16xf32> to vector<16xf32>
    tpu.vector_store %arg6[%swap3A_7], %swap3A_10 {strides = array<i32>} : memref<128xf32, #tpu.memory_space<vmem>>, vector<16xf32>,
    %broadcast_in_dim3A_11 = arith.constant 1.000000e+00 : f32
    %broadcast_in_dim3A_12 = vector.broadcast %broadcast_in_dim3A_11 : f32 to vector<16xf32>
    %swap3A_13 = arith.constant 16 : index
    %swap3A_14 = tpu.vector_load %arg5[%swap3A_13] {strides = array<i32>} : memref<128xf32, #tpu.memory_space<vmem>>, vector<16xf32>,
    %swap3A_15 = vector.shape_cast %swap3A_14 : vector<16xf32> to vector<16xf32>
    %swap3A_16 = vector.shape_cast %broadcast_in_dim3A_12 : vector<16xf32> to vector<16xf32>
    tpu.vector_store %arg5[%swap3A_13], %swap3A_16 {strides = array<i32>} : memref<128xf32, #tpu.memory_space<vmem>>, vector<16xf32>,
    %broadcast_in_dim3A_17 = arith.constant 0.000000e+00 : f32
    %broadcast_in_dim3A_18 = vector.broadcast %broadcast_in_dim3A_17 : f32 to vector<16xf32>
    %swap3A_19 = arith.constant 16 : index
    %swap3A_20 = tpu.vector_load %arg6[%swap3A_19] {strides = array<i32>} : memref<128xf32, #tpu.memory_space<vmem>>, vector<16xf32>,
    %swap3A_21 = vector.shape_cast %swap3A_20 : vector<16xf32> to vector<16xf32>
    %swap3A_22 = vector.shape_cast %broadcast_in_dim3A_18 : vector<16xf32> to vector<16xf32>
    tpu.vector_store %arg6[%swap3A_19], %swap3A_22 {strides = array<i32>} : memref<128xf32, #tpu.memory_space<vmem>>, vector<16xf32>,
    %broadcast_in_dim3A_23 = arith.constant 1.000000e+00 : f32
    %broadcast_in_dim3A_24 = vector.broadcast %broadcast_in_dim3A_23 : f32 to vector<16xf32>
    %swap3A_25 = arith.constant 32 : index
    %swap3A_26 = tpu.vector_load %arg5[%swap3A_25] {strides = array<i32>} : memref<128xf32, #tpu.memory_space<vmem>>, vector<16xf32>,
    %swap3A_27 = vector.shape_cast %swap3A_26 : vector<16xf32> to vector<16xf32>
    %swap3A_28 = vector.shape_cast %broadcast_in_dim3A_24 : vector<16xf32> to vector<16xf32>
    tpu.vector_store %arg5[%swap3A_25], %swap3A_28 {strides = array<i32>} : memref<128xf32, #tpu.memory_space<vmem>>, vector<16xf32>,
    %broadcast_in_dim3A_29 = arith.constant 0.000000e+00 : f32
    %broadcast_in_dim3A_30 = vector.broadcast %broadcast_in_dim3A_29 : f32 to vector<16xf32>
    %swap3A_31 = arith.constant 32 : index
    %swap3A_32 = tpu.vector_load %arg6[%swap3A_31] {strides = array<i32>} : memref<128xf32, #tpu.memory_space<vmem>>, vector<16xf32>,
    %swap3A_33 = vector.shape_cast %swap3A_32 : vector<16xf32> to vector<16xf32>
    %swap3A_34 = vector.shape_cast %broadcast_in_dim3A_30 : vector<16xf32> to vector<16xf32>
    tpu.vector_store %arg6[%swap3A_31], %swap3A_34 {strides = array<i32>} : memref<128xf32, #tpu.memory_space<vmem>>, vector<16xf32>,
    %broadcast_in_dim3A_35 = arith.constant 1.000000e+00 : f32
    %broadcast_in_dim3A_36 = vector.broadcast %broadcast_in_dim3A_35 : f32 to vector<16xf32>
    %swap3A_37 = arith.constant 48 : index
    %swap3A_38 = tpu.vector_load %arg5[%swap3A_37] {strides = array<i32>} : memref<128xf32, #tpu.memory_space<vmem>>, vector<16xf32>,
    %swap3A_39 = vector.shape_cast %swap3A_38 : vector<16xf32> to vector<16xf32>
    %swap3A_40 = vector.shape_cast %broadcast_in_dim3A_36 : vector<16xf32> to vector<16xf32>
    tpu.vector_store %arg5[%swap3A_37], %swap3A_40 {strides = array<i32>} : memref<128xf32, #tpu.memory_space<vmem>>, vector<16xf32>,
    %broadcast_in_dim3A_41 = arith.constant 0.000000e+00 : f32
    %broadcast_in_dim3A_42 = vector.broadcast %broadcast_in_dim3A_41 : f32 to vector<16xf32>
    %swap3A_43 = arith.constant 48 : index
    %swap3A_44 = tpu.vector_load %arg6[%swap3A_43] {strides = array<i32>} : memref<128xf32, #tpu.memory_space<vmem>>, vector<16xf32>,
    %swap3A_45 = vector.shape_cast %swap3A_44 : vector<16xf32> to vector<16xf32>
    %swap3A_46 = vector.shape_cast %broadcast_in_dim3A_42 : vector<16xf32> to vector<16xf32>
    tpu.vector_store %arg6[%swap3A_43], %swap3A_46 {strides = array<i32>} : memref<128xf32, #tpu.memory_space<vmem>>, vector<16xf32>,
    %broadcast_in_dim3A_47 = arith.constant 1.000000e+00 : f32
    %broadcast_in_dim3A_48 = vector.broadcast %broadcast_in_dim3A_47 : f32 to vector<16xf32>
    %swap3A_49 = arith.constant 64 : index
    %swap3A_50 = tpu.vector_load %arg5[%swap3A_49] {strides = array<i32>} : memref<128xf32, #tpu.memory_space<vmem>>, vector<16xf32>,
    %swap3A_51 = vector.shape_cast %swap3A_50 : vector<16xf32> to vector<16xf32>
    %swap3A_52 = vector.shape_cast %broadcast_in_dim3A_48 : vector<16xf32> to vector<16xf32>
    tpu.vector_store %arg5[%swap3A_49], %swap3A_52 {strides = array<i32>} : memref<128xf32, #tpu.memory_space<vmem>>, vector<16xf32>,
    %broadcast_in_dim3A_53 = arith.constant 0.000000e+00 : f32
    %broadcast_in_dim3A_54 = vector.broadcast %broadcast_in_dim3A_53 : f32 to vector<16xf32>
    %swap3A_55 = arith.constant 64 : index
    %swap3A_56 = tpu.vector_load %arg6[%swap3A_55] {strides = array<i32>} : memref<128xf32, #tpu.memory_space<vmem>>, vector<16xf32>,
    %swap3A_57 = vector.shape_cast %swap3A_56 : vector<16xf32> to vector<16xf32>
    %swap3A_58 = vector.shape_cast %broadcast_in_dim3A_54 : vector<16xf32> to vector<16xf32>
    tpu.vector_store %arg6[%swap3A_55], %swap3A_58 {strides = array<i32>} : memref<128xf32, #tpu.memory_space<vmem>>, vector<16xf32>,
    %broadcast_in_dim3A_59 = arith.constant 1.000000e+00 : f32
    %broadcast_in_dim3A_60 = vector.broadcast %broadcast_in_dim3A_59 : f32 to vector<16xf32>
    %swap3A_61 = arith.constant 80 : index
    %swap3A_62 = tpu.vector_load %arg5[%swap3A_61] {strides = array<i32>} : memref<128xf32, #tpu.memory_space<vmem>>, vector<16xf32>,
    %swap3A_63 = vector.shape_cast %swap3A_62 : vector<16xf32> to vector<16xf32>
    %swap3A_64 = vector.shape_cast %broadcast_in_dim3A_60 : vector<16xf32> to vector<16xf32>
    tpu.vector_store %arg5[%swap3A_61], %swap3A_64 {strides = array<i32>} : memref<128xf32, #tpu.memory_space<vmem>>, vector<16xf32>,
    %broadcast_in_dim3A_65 = arith.constant 0.000000e+00 : f32
    %broadcast_in_dim3A_66 = vector.broadcast %broadcast_in_dim3A_65 : f32 to vector<16xf32>
    %swap3A_67 = arith.constant 80 : index
    %swap3A_68 = tpu.vector_load %arg6[%swap3A_67] {strides = array<i32>} : memref<128xf32, #tpu.memory_space<vmem>>, vector<16xf32>,
    %swap3A_69 = vector.shape_cast %swap3A_68 : vector<16xf32> to vector<16xf32>
    %swap3A_70 = vector.shape_cast %broadcast_in_dim3A_66 : vector<16xf32> to vector<16xf32>
    tpu.vector_store %arg6[%swap3A_67], %swap3A_70 {strides = array<i32>} : memref<128xf32, #tpu.memory_space<vmem>>, vector<16xf32>,
    %broadcast_in_dim3A_71 = arith.constant 1.000000e+00 : f32
    %broadcast_in_dim3A_72 = vector.broadcast %broadcast_in_dim3A_71 : f32 to vector<16xf32>
    %swap3A_73 = arith.constant 96 : index
    %swap3A_74 = tpu.vector_load %arg5[%swap3A_73] {strides = array<i32>} : memref<128xf32, #tpu.memory_space<vmem>>, vector<16xf32>,
    %swap3A_75 = vector.shape_cast %swap3A_74 : vector<16xf32> to vector<16xf32>
    %swap3A_76 = vector.shape_cast %broadcast_in_dim3A_72 : vector<16xf32> to vector<16xf32>
    tpu.vector_store %arg5[%swap3A_73], %swap3A_76 {strides = array<i32>} : memref<128xf32, #tpu.memory_space<vmem>>, vector<16xf32>,
    %broadcast_in_dim3A_77 = arith.constant 0.000000e+00 : f32
    %broadcast_in_dim3A_78 = vector.broadcast %broadcast_in_dim3A_77 : f32 to vector<16xf32>
    %swap3A_79 = arith.constant 96 : index
    %swap3A_80 = tpu.vector_load %arg6[%swap3A_79] {strides = array<i32>} : memref<128xf32, #tpu.memory_space<vmem>>, vector<16xf32>,
    %swap3A_81 = vector.shape_cast %swap3A_80 : vector<16xf32> to vector<16xf32>
    %swap3A_82 = vector.shape_cast %broadcast_in_dim3A_78 : vector<16xf32> to vector<16xf32>
    tpu.vector_store %arg6[%swap3A_79], %swap3A_82 {strides = array<i32>} : memref<128xf32, #tpu.memory_space<vmem>>, vector<16xf32>,
    %broadcast_in_dim3A_83 = arith.constant 1.000000e+00 : f32
    %broadcast_in_dim3A_84 = vector.broadcast %broadcast_in_dim3A_83 : f32 to vector<16xf32>
    %swap3A_85 = arith.constant 112 : index
    %swap3A_86 = tpu.vector_load %arg5[%swap3A_85] {strides = array<i32>} : memref<128xf32, #tpu.memory_space<vmem>>, vector<16xf32>,
    %swap3A_87 = vector.shape_cast %swap3A_86 : vector<16xf32> to vector<16xf32>
    %swap3A_88 = vector.shape_cast %broadcast_in_dim3A_84 : vector<16xf32> to vector<16xf32>
    tpu.vector_store %arg5[%swap3A_85], %swap3A_88 {strides = array<i32>} : memref<128xf32, #tpu.memory_space<vmem>>, vector<16xf32>,
    %broadcast_in_dim3A_89 = arith.constant 0.000000e+00 : f32
    %broadcast_in_dim3A_90 = vector.broadcast %broadcast_in_dim3A_89 : f32 to vector<16xf32>
    %swap3A_91 = arith.constant 112 : index
    %swap3A_92 = tpu.vector_load %arg6[%swap3A_91] {strides = array<i32>} : memref<128xf32, #tpu.memory_space<vmem>>, vector<16xf32>,
    %swap3A_93 = vector.shape_cast %swap3A_92 : vector<16xf32> to vector<16xf32>
    %swap3A_94 = vector.shape_cast %broadcast_in_dim3A_90 : vector<16xf32> to vector<16xf32>
    tpu.vector_store %arg6[%swap3A_91], %swap3A_94 {strides = array<i32>} : memref<128xf32, #tpu.memory_space<vmem>>, vector<16xf32>,
    %add3A = arith.constant 0 : i32
    %add3A_95 = arith.addi %mul3A_0, %add3A : i32
    "tpu.region"() ({
      %run_scoped3A = tpu.sem_alloc : memref<!tpu.dma_semaphore, #tpu.memory_space<semaphore_mem>>
      %dma_start3A = tpu.memref_slice %arg7[%add3A_95] : memref<10112xf32, #tpu.memory_space<vmem_shared>> -> memref<128xf32, #tpu.memory_space<vmem_shared>>
      %dma_start3A_149 = tpu.memref_slice %arg7[%add3A_95] : memref<10112xf32, #tpu.memory_space<vmem_shared>> -> memref<128xf32, #tpu.memory_space<vmem_shared>>
      tpu.enqueue_dma source(%arg6 : memref<128xf32, #tpu.memory_space<vmem>>) target(%dma_start3A_149 : memref<128xf32, #tpu.memory_space<vmem_shared>>) target_semaphore(%run_scoped3A : memref<!tpu.dma_semaphore, #tpu.memory_space<semaphore_mem>>)
      %dma_wait3A = tpu.memref_slice %arg7[%add3A_95] : memref<10112xf32, #tpu.memory_space<vmem_shared>> -> memref<128xf32, #tpu.memory_space<vmem_shared>>
      %dma_wait3A_150 = tpu.memref_slice %arg7[%add3A_95] : memref<10112xf32, #tpu.memory_space<vmem_shared>> -> memref<128xf32, #tpu.memory_space<vmem_shared>>
      tpu.wait_dma2 semaphore(%run_scoped3A : memref<!tpu.dma_semaphore, #tpu.memory_space<semaphore_mem>>) src(%arg6 : memref<128xf32, #tpu.memory_space<vmem>>) dst(%dma_wait3A_150 : memref<128xf32, #tpu.memory_space<vmem_shared>>)
      tpu.yield
    }) : () -> ()
    %add3A_96 = arith.constant 128 : i32
    %add3A_97 = arith.addi %mul3A_0, %add3A_96 : i32
    "tpu.region"() ({
      %run_scoped3A = tpu.sem_alloc : memref<!tpu.dma_semaphore, #tpu.memory_space<semaphore_mem>>
      %dma_start3A = tpu.memref_slice %arg7[%add3A_97] : memref<10112xf32, #tpu.memory_space<vmem_shared>> -> memref<128xf32, #tpu.memory_space<vmem_shared>>
      %dma_start3A_149 = tpu.memref_slice %arg7[%add3A_97] : memref<10112xf32, #tpu.memory_space<vmem_shared>> -> memref<128xf32, #tpu.memory_space<vmem_shared>>
      tpu.enqueue_dma source(%arg6 : memref<128xf32, #tpu.memory_space<vmem>>) target(%dma_start3A_149 : memref<128xf32, #tpu.memory_space<vmem_shared>>) target_semaphore(%run_scoped3A : memref<!tpu.dma_semaphore, #tpu.memory_space<semaphore_mem>>)
      %dma_wait3A = tpu.memref_slice %arg7[%add3A_97] : memref<10112xf32, #tpu.memory_space<vmem_shared>> -> memref<128xf32, #tpu.memory_space<vmem_shared>>
      %dma_wait3A_150 = tpu.memref_slice %arg7[%add3A_97] : memref<10112xf32, #tpu.memory_space<vmem_shared>> -> memref<128xf32, #tpu.memory_space<vmem_shared>>
      tpu.wait_dma2 semaphore(%run_scoped3A : memref<!tpu.dma_semaphore, #tpu.memory_space<semaphore_mem>>) src(%arg6 : memref<128xf32, #tpu.memory_space<vmem>>) dst(%dma_wait3A_150 : memref<128xf32, #tpu.memory_space<vmem_shared>>)
      tpu.yield
    }) : () -> ()
    %add3A_98 = arith.constant 256 : i32
    %add3A_99 = arith.addi %mul3A_0, %add3A_98 : i32
    "tpu.region"() ({
      %run_scoped3A = tpu.sem_alloc : memref<!tpu.dma_semaphore, #tpu.memory_space<semaphore_mem>>
      %dma_start3A = tpu.memref_slice %arg7[%add3A_99] : memref<10112xf32, #tpu.memory_space<vmem_shared>> -> memref<128xf32, #tpu.memory_space<vmem_shared>>
      %dma_start3A_149 = tpu.memref_slice %arg7[%add3A_99] : memref<10112xf32, #tpu.memory_space<vmem_shared>> -> memref<128xf32, #tpu.memory_space<vmem_shared>>
      tpu.enqueue_dma source(%arg6 : memref<128xf32, #tpu.memory_space<vmem>>) target(%dma_start3A_149 : memref<128xf32, #tpu.memory_space<vmem_shared>>) target_semaphore(%run_scoped3A : memref<!tpu.dma_semaphore, #tpu.memory_space<semaphore_mem>>)
      %dma_wait3A = tpu.memref_slice %arg7[%add3A_99] : memref<10112xf32, #tpu.memory_space<vmem_shared>> -> memref<128xf32, #tpu.memory_space<vmem_shared>>
      %dma_wait3A_150 = tpu.memref_slice %arg7[%add3A_99] : memref<10112xf32, #tpu.memory_space<vmem_shared>> -> memref<128xf32, #tpu.memory_space<vmem_shared>>
      tpu.wait_dma2 semaphore(%run_scoped3A : memref<!tpu.dma_semaphore, #tpu.memory_space<semaphore_mem>>) src(%arg6 : memref<128xf32, #tpu.memory_space<vmem>>) dst(%dma_wait3A_150 : memref<128xf32, #tpu.memory_space<vmem_shared>>)
      tpu.yield
    }) : () -> ()
    %add3A_100 = arith.constant 384 : i32
    %add3A_101 = arith.addi %mul3A_0, %add3A_100 : i32
    "tpu.region"() ({
      %run_scoped3A = tpu.sem_alloc : memref<!tpu.dma_semaphore, #tpu.memory_space<semaphore_mem>>
      %dma_start3A = tpu.memref_slice %arg7[%add3A_101] : memref<10112xf32, #tpu.memory_space<vmem_shared>> -> memref<128xf32, #tpu.memory_space<vmem_shared>>
      %dma_start3A_149 = tpu.memref_slice %arg7[%add3A_101] : memref<10112xf32, #tpu.memory_space<vmem_shared>> -> memref<128xf32, #tpu.memory_space<vmem_shared>>
      tpu.enqueue_dma source(%arg6 : memref<128xf32, #tpu.memory_space<vmem>>) target(%dma_start3A_149 : memref<128xf32, #tpu.memory_space<vmem_shared>>) target_semaphore(%run_scoped3A : memref<!tpu.dma_semaphore, #tpu.memory_space<semaphore_mem>>)
      %dma_wait3A = tpu.memref_slice %arg7[%add3A_101] : memref<10112xf32, #tpu.memory_space<vmem_shared>> -> memref<128xf32, #tpu.memory_space<vmem_shared>>
      %dma_wait3A_150 = tpu.memref_slice %arg7[%add3A_101] : memref<10112xf32, #tpu.memory_space<vmem_shared>> -> memref<128xf32, #tpu.memory_space<vmem_shared>>
      tpu.wait_dma2 semaphore(%run_scoped3A : memref<!tpu.dma_semaphore, #tpu.memory_space<semaphore_mem>>) src(%arg6 : memref<128xf32, #tpu.memory_space<vmem>>) dst(%dma_wait3A_150 : memref<128xf32, #tpu.memory_space<vmem_shared>>)
      tpu.yield
    }) : () -> ()
    %add3A_102 = arith.constant 512 : i32
    %add3A_103 = arith.addi %mul3A_0, %add3A_102 : i32
    "tpu.region"() ({
      %run_scoped3A = tpu.sem_alloc : memref<!tpu.dma_semaphore, #tpu.memory_space<semaphore_mem>>
      %dma_start3A = arith.constant 0 : i32
      %dma_start3A_149 = tpu.memref_slice %arg6[%dma_start3A] : memref<128xf32, #tpu.memory_space<vmem>> -> memref<120xf32, #tpu.memory_space<vmem>>
      %dma_start3A_150 = tpu.memref_slice %arg7[%add3A_103] : memref<10112xf32, #tpu.memory_space<vmem_shared>> -> memref<120xf32, #tpu.memory_space<vmem_shared>>
      %dma_start3A_151 = tpu.memref_slice %arg7[%add3A_103] : memref<10112xf32, #tpu.memory_space<vmem_shared>> -> memref<120xf32, #tpu.memory_space<vmem_shared>>
      %dma_start3A_152 = arith.constant 0 : i32
      %dma_start3A_153 = tpu.memref_slice %arg6[%dma_start3A_152] : memref<128xf32, #tpu.memory_space<vmem>> -> memref<120xf32, #tpu.memory_space<vmem>>
      tpu.enqueue_dma source(%dma_start3A_153 : memref<120xf32, #tpu.memory_space<vmem>>) target(%dma_start3A_151 : memref<120xf32, #tpu.memory_space<vmem_shared>>) target_semaphore(%run_scoped3A : memref<!tpu.dma_semaphore, #tpu.memory_space<semaphore_mem>>)
      %dma_wait3A = arith.constant 0 : i32
      %dma_wait3A_154 = tpu.memref_slice %arg6[%dma_wait3A] : memref<128xf32, #tpu.memory_space<vmem>> -> memref<120xf32, #tpu.memory_space<vmem>>
      %dma_wait3A_155 = tpu.memref_slice %arg7[%add3A_103] : memref<10112xf32, #tpu.memory_space<vmem_shared>> -> memref<120xf32, #tpu.memory_space<vmem_shared>>
      %dma_wait3A_156 = tpu.memref_slice %arg7[%add3A_103] : memref<10112xf32, #tpu.memory_space<vmem_shared>> -> memref<120xf32, #tpu.memory_space<vmem_shared>>
      %dma_wait3A_157 = arith.constant 0 : i32
      %dma_wait3A_158 = tpu.memref_slice %arg6[%dma_wait3A_157] : memref<128xf32, #tpu.memory_space<vmem>> -> memref<120xf32, #tpu.memory_space<vmem>>
      tpu.wait_dma2 semaphore(%run_scoped3A : memref<!tpu.dma_semaphore, #tpu.memory_space<semaphore_mem>>) src(%dma_wait3A_158 : memref<120xf32, #tpu.memory_space<vmem>>) dst(%dma_wait3A_156 : memref<120xf32, #tpu.memory_space<vmem_shared>>)
      tpu.yield
    }) : () -> ()
    %barrier3A = arith.constant 0 : index
    tpu.barrier barrier_id(%barrier3A)
    %while3A = arith.constant 0 : i32
    %while3A_104 = arith.constant 80 : i32
    %while3A_105 = arith.subi %while3A_104, %while3A : i32
    %while3A_106 = arith.addi %while3A, %while3A_105 : i32
    %while3A_107 = arith.constant 1 : i32
    %while3A_108 = arith.divsi %while3A_105, %while3A_107 : i32
    %while3A_109 = arith.muli %while3A_108, %while3A_107 : i32
    %while3A_110 = arith.addi %while3A, %while3A_109 : i32
    %while3A_111 = arith.constant 1 : i32
    scf.for %while3A_149 = %while3A to %while3A_110 step %while3A_111  : i32 {
      "tpu.region"() ({
        %run_scoped3A = tpu.sem_alloc : memref<!tpu.dma_semaphore, #tpu.memory_space<semaphore_mem>>
        %dma_start3A = arith.constant 0 : i32
        %dma_start3A_150 = tpu.memref_slice %arg4[%while3A_149, %dma_start3A] : memref<80x128xi32, #tpu.memory_space<vmem>> -> memref<1x128xi32, #tpu.memory_space<vmem>>
        %dma_start3A_151 = tpu.memref_squeeze %dma_start3A_150 : memref<1x128xi32, #tpu.memory_space<vmem>> -> memref<128xi32, #tpu.memory_space<vmem>>
        %dma_start3A_152 = arith.constant 0 : i32
        %dma_start3A_153 = tpu.memref_slice %arg7[%dma_start3A_152] : memref<10112xf32, #tpu.memory_space<vmem_shared>> -> memref<10112xf32, #tpu.memory_space<vmem_shared>>
        tpu.enqueue_indirect_dma source(%arg5 : memref<128xf32, #tpu.memory_space<vmem>>) target(%dma_start3A_153 : memref<10112xf32, #tpu.memory_space<vmem_shared>>) offsets(%dma_start3A_151 : memref<128xi32, #tpu.memory_space<vmem>>) semaphore(%run_scoped3A : memref<!tpu.dma_semaphore, #tpu.memory_space<semaphore_mem>>) {add = true}
        %dma_wait3A = arith.constant 0 : i32
        %dma_wait3A_154 = tpu.memref_slice %arg4[%while3A_149, %dma_wait3A] : memref<80x128xi32, #tpu.memory_space<vmem>> -> memref<1x128xi32, #tpu.memory_space<vmem>>
        %dma_wait3A_155 = tpu.memref_squeeze %dma_wait3A_154 : memref<1x128xi32, #tpu.memory_space<vmem>> -> memref<128xi32, #tpu.memory_space<vmem>>
        %dma_wait3A_156 = arith.constant 0 : i32
        %dma_wait3A_157 = tpu.memref_slice %arg7[%dma_wait3A_156] : memref<10112xf32, #tpu.memory_space<vmem_shared>> -> memref<10112xf32, #tpu.memory_space<vmem_shared>>
        tpu.wait_indirect_dma semaphore(%run_scoped3A : memref<!tpu.dma_semaphore, #tpu.memory_space<semaphore_mem>>) src(%arg5 : memref<128xf32, #tpu.memory_space<vmem>>) dst(%dma_wait3A_157 : memref<10112xf32, #tpu.memory_space<vmem_shared>>)
        tpu.yield
      }) : () -> ()
    }
    %while3A_112 = arith.constant 1 : i32
    scf.for %while3A_149 = %while3A_110 to %while3A_106 step %while3A_112  : i32 {
      "tpu.region"() ({
        %run_scoped3A = tpu.sem_alloc : memref<!tpu.dma_semaphore, #tpu.memory_space<semaphore_mem>>
        %dma_start3A = arith.constant 0 : i32
        %dma_start3A_150 = tpu.memref_slice %arg4[%while3A_149, %dma_start3A] : memref<80x128xi32, #tpu.memory_space<vmem>> -> memref<1x128xi32, #tpu.memory_space<vmem>>
        %dma_start3A_151 = tpu.memref_squeeze %dma_start3A_150 : memref<1x128xi32, #tpu.memory_space<vmem>> -> memref<128xi32, #tpu.memory_space<vmem>>
        %dma_start3A_152 = arith.constant 0 : i32
        %dma_start3A_153 = tpu.memref_slice %arg7[%dma_start3A_152] : memref<10112xf32, #tpu.memory_space<vmem_shared>> -> memref<10112xf32, #tpu.memory_space<vmem_shared>>
        tpu.enqueue_indirect_dma source(%arg5 : memref<128xf32, #tpu.memory_space<vmem>>) target(%dma_start3A_153 : memref<10112xf32, #tpu.memory_space<vmem_shared>>) offsets(%dma_start3A_151 : memref<128xi32, #tpu.memory_space<vmem>>) semaphore(%run_scoped3A : memref<!tpu.dma_semaphore, #tpu.memory_space<semaphore_mem>>) {add = true}
        %dma_wait3A = arith.constant 0 : i32
        %dma_wait3A_154 = tpu.memref_slice %arg4[%while3A_149, %dma_wait3A] : memref<80x128xi32, #tpu.memory_space<vmem>> -> memref<1x128xi32, #tpu.memory_space<vmem>>
        %dma_wait3A_155 = tpu.memref_squeeze %dma_wait3A_154 : memref<1x128xi32, #tpu.memory_space<vmem>> -> memref<128xi32, #tpu.memory_space<vmem>>
        %dma_wait3A_156 = arith.constant 0 : i32
        %dma_wait3A_157 = tpu.memref_slice %arg7[%dma_wait3A_156] : memref<10112xf32, #tpu.memory_space<vmem_shared>> -> memref<10112xf32, #tpu.memory_space<vmem_shared>>
        tpu.wait_indirect_dma semaphore(%run_scoped3A : memref<!tpu.dma_semaphore, #tpu.memory_space<semaphore_mem>>) src(%arg5 : memref<128xf32, #tpu.memory_space<vmem>>) dst(%dma_wait3A_157 : memref<10112xf32, #tpu.memory_space<vmem_shared>>)
        tpu.yield
      }) : () -> ()
    }
    %barrier3A_113 = arith.constant 0 : index
    tpu.barrier barrier_id(%barrier3A_113)
    %add3A_114 = arith.constant 0 : i32
    %add3A_115 = arith.addi %mul3A_0, %add3A_114 : i32
    "tpu.region"() ({
      %run_scoped3A = tpu.sem_alloc : memref<!tpu.dma_semaphore, #tpu.memory_space<semaphore_mem>>
      %dma_start3A = tpu.memref_slice %arg7[%add3A_115] : memref<10112xf32, #tpu.memory_space<vmem_shared>> -> memref<128xf32, #tpu.memory_space<vmem_shared>>
      %dma_start3A_149 = tpu.memref_slice %arg7[%add3A_115] : memref<10112xf32, #tpu.memory_space<vmem_shared>> -> memref<128xf32, #tpu.memory_space<vmem_shared>>
      tpu.enqueue_dma source(%dma_start3A_149 : memref<128xf32, #tpu.memory_space<vmem_shared>>) target(%arg6 : memref<128xf32, #tpu.memory_space<vmem>>) target_semaphore(%run_scoped3A : memref<!tpu.dma_semaphore, #tpu.memory_space<semaphore_mem>>)
      %dma_wait3A = tpu.memref_slice %arg7[%add3A_115] : memref<10112xf32, #tpu.memory_space<vmem_shared>> -> memref<128xf32, #tpu.memory_space<vmem_shared>>
      %dma_wait3A_150 = tpu.memref_slice %arg7[%add3A_115] : memref<10112xf32, #tpu.memory_space<vmem_shared>> -> memref<128xf32, #tpu.memory_space<vmem_shared>>
      tpu.wait_dma2 semaphore(%run_scoped3A : memref<!tpu.dma_semaphore, #tpu.memory_space<semaphore_mem>>) src(%dma_wait3A_150 : memref<128xf32, #tpu.memory_space<vmem_shared>>) dst(%arg6 : memref<128xf32, #tpu.memory_space<vmem>>)
      tpu.yield
    }) : () -> ()
    %mul3A_116 = arith.constant 10112 : i32
    %mul3A_117 = arith.muli %arg0, %mul3A_116 : i32
    %add3A_118 = arith.addi %mul3A_117, %mul3A_0 : i32
    %add3A_119 = arith.constant 0 : i32
    %add3A_120 = arith.addi %add3A_118, %add3A_119 : i32
    "tpu.region"() ({
      %run_scoped3A = tpu.sem_alloc : memref<!tpu.dma_semaphore, #tpu.memory_space<semaphore_mem>>
      %dma_start3A = tpu.memref_slice %arg3[%add3A_120] : memref<20224xf32, #tpu.memory_space<hbm>> -> memref<128xf32, #tpu.memory_space<hbm>>
      %dma_start3A_149 = tpu.memref_slice %arg3[%add3A_120] : memref<20224xf32, #tpu.memory_space<hbm>> -> memref<128xf32, #tpu.memory_space<hbm>>
      tpu.enqueue_dma source(%arg6 : memref<128xf32, #tpu.memory_space<vmem>>) target(%dma_start3A_149 : memref<128xf32, #tpu.memory_space<hbm>>) target_semaphore(%run_scoped3A : memref<!tpu.dma_semaphore, #tpu.memory_space<semaphore_mem>>)
      %dma_wait3A = tpu.memref_slice %arg3[%add3A_120] : memref<20224xf32, #tpu.memory_space<hbm>> -> memref<128xf32, #tpu.memory_space<hbm>>
      %dma_wait3A_150 = tpu.memref_slice %arg3[%add3A_120] : memref<20224xf32, #tpu.memory_space<hbm>> -> memref<128xf32, #tpu.memory_space<hbm>>
      tpu.wait_dma2 semaphore(%run_scoped3A : memref<!tpu.dma_semaphore, #tpu.memory_space<semaphore_mem>>) src(%arg6 : memref<128xf32, #tpu.memory_space<vmem>>) dst(%dma_wait3A_150 : memref<128xf32, #tpu.memory_space<hbm>>)
      tpu.yield
    }) : () -> ()
    %add3A_121 = arith.constant 128 : i32
    %add3A_122 = arith.addi %mul3A_0, %add3A_121 : i32
    "tpu.region"() ({
      %run_scoped3A = tpu.sem_alloc : memref<!tpu.dma_semaphore, #tpu.memory_space<semaphore_mem>>
      %dma_start3A = tpu.memref_slice %arg7[%add3A_122] : memref<10112xf32, #tpu.memory_space<vmem_shared>> -> memref<128xf32, #tpu.memory_space<vmem_shared>>
      %dma_start3A_149 = tpu.memref_slice %arg7[%add3A_122] : memref<10112xf32, #tpu.memory_space<vmem_shared>> -> memref<128xf32, #tpu.memory_space<vmem_shared>>
      tpu.enqueue_dma source(%dma_start3A_149 : memref<128xf32, #tpu.memory_space<vmem_shared>>) target(%arg6 : memref<128xf32, #tpu.memory_space<vmem>>) target_semaphore(%run_scoped3A : memref<!tpu.dma_semaphore, #tpu.memory_space<semaphore_mem>>)
      %dma_wait3A = tpu.memref_slice %arg7[%add3A_122] : memref<10112xf32, #tpu.memory_space<vmem_shared>> -> memref<128xf32, #tpu.memory_space<vmem_shared>>
      %dma_wait3A_150 = tpu.memref_slice %arg7[%add3A_122] : memref<10112xf32, #tpu.memory_space<vmem_shared>> -> memref<128xf32, #tpu.memory_space<vmem_shared>>
      tpu.wait_dma2 semaphore(%run_scoped3A : memref<!tpu.dma_semaphore, #tpu.memory_space<semaphore_mem>>) src(%dma_wait3A_150 : memref<128xf32, #tpu.memory_space<vmem_shared>>) dst(%arg6 : memref<128xf32, #tpu.memory_space<vmem>>)
      tpu.yield
    }) : () -> ()
    %mul3A_123 = arith.constant 10112 : i32
    %mul3A_124 = arith.muli %arg0, %mul3A_123 : i32
    %add3A_125 = arith.addi %mul3A_124, %mul3A_0 : i32
    %add3A_126 = arith.constant 128 : i32
    %add3A_127 = arith.addi %add3A_125, %add3A_126 : i32
    "tpu.region"() ({
      %run_scoped3A = tpu.sem_alloc : memref<!tpu.dma_semaphore, #tpu.memory_space<semaphore_mem>>
      %dma_start3A = tpu.memref_slice %arg3[%add3A_127] : memref<20224xf32, #tpu.memory_space<hbm>> -> memref<128xf32, #tpu.memory_space<hbm>>
      %dma_start3A_149 = tpu.memref_slice %arg3[%add3A_127] : memref<20224xf32, #tpu.memory_space<hbm>> -> memref<128xf32, #tpu.memory_space<hbm>>
      tpu.enqueue_dma source(%arg6 : memref<128xf32, #tpu.memory_space<vmem>>) target(%dma_start3A_149 : memref<128xf32, #tpu.memory_space<hbm>>) target_semaphore(%run_scoped3A : memref<!tpu.dma_semaphore, #tpu.memory_space<semaphore_mem>>)
      %dma_wait3A = tpu.memref_slice %arg3[%add3A_127] : memref<20224xf32, #tpu.memory_space<hbm>> -> memref<128xf32, #tpu.memory_space<hbm>>
      %dma_wait3A_150 = tpu.memref_slice %arg3[%add3A_127] : memref<20224xf32, #tpu.memory_space<hbm>> -> memref<128xf32, #tpu.memory_space<hbm>>
      tpu.wait_dma2 semaphore(%run_scoped3A : memref<!tpu.dma_semaphore, #tpu.memory_space<semaphore_mem>>) src(%arg6 : memref<128xf32, #tpu.memory_space<vmem>>) dst(%dma_wait3A_150 : memref<128xf32, #tpu.memory_space<hbm>>)
      tpu.yield
    }) : () -> ()
    %add3A_128 = arith.constant 256 : i32
    %add3A_129 = arith.addi %mul3A_0, %add3A_128 : i32
    "tpu.region"() ({
      %run_scoped3A = tpu.sem_alloc : memref<!tpu.dma_semaphore, #tpu.memory_space<semaphore_mem>>
      %dma_start3A = tpu.memref_slice %arg7[%add3A_129] : memref<10112xf32, #tpu.memory_space<vmem_shared>> -> memref<128xf32, #tpu.memory_space<vmem_shared>>
      %dma_start3A_149 = tpu.memref_slice %arg7[%add3A_129] : memref<10112xf32, #tpu.memory_space<vmem_shared>> -> memref<128xf32, #tpu.memory_space<vmem_shared>>
      tpu.enqueue_dma source(%dma_start3A_149 : memref<128xf32, #tpu.memory_space<vmem_shared>>) target(%arg6 : memref<128xf32, #tpu.memory_space<vmem>>) target_semaphore(%run_scoped3A : memref<!tpu.dma_semaphore, #tpu.memory_space<semaphore_mem>>)
      %dma_wait3A = tpu.memref_slice %arg7[%add3A_129] : memref<10112xf32, #tpu.memory_space<vmem_shared>> -> memref<128xf32, #tpu.memory_space<vmem_shared>>
      %dma_wait3A_150 = tpu.memref_slice %arg7[%add3A_129] : memref<10112xf32, #tpu.memory_space<vmem_shared>> -> memref<128xf32, #tpu.memory_space<vmem_shared>>
      tpu.wait_dma2 semaphore(%run_scoped3A : memref<!tpu.dma_semaphore, #tpu.memory_space<semaphore_mem>>) src(%dma_wait3A_150 : memref<128xf32, #tpu.memory_space<vmem_shared>>) dst(%arg6 : memref<128xf32, #tpu.memory_space<vmem>>)
      tpu.yield
    }) : () -> ()
    %mul3A_130 = arith.constant 10112 : i32
    %mul3A_131 = arith.muli %arg0, %mul3A_130 : i32
    %add3A_132 = arith.addi %mul3A_131, %mul3A_0 : i32
    %add3A_133 = arith.constant 256 : i32
    %add3A_134 = arith.addi %add3A_132, %add3A_133 : i32
    "tpu.region"() ({
      %run_scoped3A = tpu.sem_alloc : memref<!tpu.dma_semaphore, #tpu.memory_space<semaphore_mem>>
      %dma_start3A = tpu.memref_slice %arg3[%add3A_134] : memref<20224xf32, #tpu.memory_space<hbm>> -> memref<128xf32, #tpu.memory_space<hbm>>
      %dma_start3A_149 = tpu.memref_slice %arg3[%add3A_134] : memref<20224xf32, #tpu.memory_space<hbm>> -> memref<128xf32, #tpu.memory_space<hbm>>
      tpu.enqueue_dma source(%arg6 : memref<128xf32, #tpu.memory_space<vmem>>) target(%dma_start3A_149 : memref<128xf32, #tpu.memory_space<hbm>>) target_semaphore(%run_scoped3A : memref<!tpu.dma_semaphore, #tpu.memory_space<semaphore_mem>>)
      %dma_wait3A = tpu.memref_slice %arg3[%add3A_134] : memref<20224xf32, #tpu.memory_space<hbm>> -> memref<128xf32, #tpu.memory_space<hbm>>
      %dma_wait3A_150 = tpu.memref_slice %arg3[%add3A_134] : memref<20224xf32, #tpu.memory_space<hbm>> -> memref<128xf32, #tpu.memory_space<hbm>>
      tpu.wait_dma2 semaphore(%run_scoped3A : memref<!tpu.dma_semaphore, #tpu.memory_space<semaphore_mem>>) src(%arg6 : memref<128xf32, #tpu.memory_space<vmem>>) dst(%dma_wait3A_150 : memref<128xf32, #tpu.memory_space<hbm>>)
      tpu.yield
    }) : () -> ()
    %add3A_135 = arith.constant 384 : i32
    %add3A_136 = arith.addi %mul3A_0, %add3A_135 : i32
    "tpu.region"() ({
      %run_scoped3A = tpu.sem_alloc : memref<!tpu.dma_semaphore, #tpu.memory_space<semaphore_mem>>
      %dma_start3A = tpu.memref_slice %arg7[%add3A_136] : memref<10112xf32, #tpu.memory_space<vmem_shared>> -> memref<128xf32, #tpu.memory_space<vmem_shared>>
      %dma_start3A_149 = tpu.memref_slice %arg7[%add3A_136] : memref<10112xf32, #tpu.memory_space<vmem_shared>> -> memref<128xf32, #tpu.memory_space<vmem_shared>>
      tpu.enqueue_dma source(%dma_start3A_149 : memref<128xf32, #tpu.memory_space<vmem_shared>>) target(%arg6 : memref<128xf32, #tpu.memory_space<vmem>>) target_semaphore(%run_scoped3A : memref<!tpu.dma_semaphore, #tpu.memory_space<semaphore_mem>>)
      %dma_wait3A = tpu.memref_slice %arg7[%add3A_136] : memref<10112xf32, #tpu.memory_space<vmem_shared>> -> memref<128xf32, #tpu.memory_space<vmem_shared>>
      %dma_wait3A_150 = tpu.memref_slice %arg7[%add3A_136] : memref<10112xf32, #tpu.memory_space<vmem_shared>> -> memref<128xf32, #tpu.memory_space<vmem_shared>>
      tpu.wait_dma2 semaphore(%run_scoped3A : memref<!tpu.dma_semaphore, #tpu.memory_space<semaphore_mem>>) src(%dma_wait3A_150 : memref<128xf32, #tpu.memory_space<vmem_shared>>) dst(%arg6 : memref<128xf32, #tpu.memory_space<vmem>>)
      tpu.yield
    }) : () -> ()
    %mul3A_137 = arith.constant 10112 : i32
    %mul3A_138 = arith.muli %arg0, %mul3A_137 : i32
    %add3A_139 = arith.addi %mul3A_138, %mul3A_0 : i32
    %add3A_140 = arith.constant 384 : i32
    %add3A_141 = arith.addi %add3A_139, %add3A_140 : i32
    "tpu.region"() ({
      %run_scoped3A = tpu.sem_alloc : memref<!tpu.dma_semaphore, #tpu.memory_space<semaphore_mem>>
      %dma_start3A = tpu.memref_slice %arg3[%add3A_141] : memref<20224xf32, #tpu.memory_space<hbm>> -> memref<128xf32, #tpu.memory_space<hbm>>
      %dma_start3A_149 = tpu.memref_slice %arg3[%add3A_141] : memref<20224xf32, #tpu.memory_space<hbm>> -> memref<128xf32, #tpu.memory_space<hbm>>
      tpu.enqueue_dma source(%arg6 : memref<128xf32, #tpu.memory_space<vmem>>) target(%dma_start3A_149 : memref<128xf32, #tpu.memory_space<hbm>>) target_semaphore(%run_scoped3A : memref<!tpu.dma_semaphore, #tpu.memory_space<semaphore_mem>>)
      %dma_wait3A = tpu.memref_slice %arg3[%add3A_141] : memref<20224xf32, #tpu.memory_space<hbm>> -> memref<128xf32, #tpu.memory_space<hbm>>
      %dma_wait3A_150 = tpu.memref_slice %arg3[%add3A_141] : memref<20224xf32, #tpu.memory_space<hbm>> -> memref<128xf32, #tpu.memory_space<hbm>>
      tpu.wait_dma2 semaphore(%run_scoped3A : memref<!tpu.dma_semaphore, #tpu.memory_space<semaphore_mem>>) src(%arg6 : memref<128xf32, #tpu.memory_space<vmem>>) dst(%dma_wait3A_150 : memref<128xf32, #tpu.memory_space<hbm>>)
      tpu.yield
    }) : () -> ()
    %add3A_142 = arith.constant 512 : i32
    %add3A_143 = arith.addi %mul3A_0, %add3A_142 : i32
    "tpu.region"() ({
      %run_scoped3A = tpu.sem_alloc : memref<!tpu.dma_semaphore, #tpu.memory_space<semaphore_mem>>
      %dma_start3A = arith.constant 0 : i32
      %dma_start3A_149 = tpu.memref_slice %arg6[%dma_start3A] : memref<128xf32, #tpu.memory_space<vmem>> -> memref<120xf32, #tpu.memory_space<vmem>>
      %dma_start3A_150 = tpu.memref_slice %arg7[%add3A_143] : memref<10112xf32, #tpu.memory_space<vmem_shared>> -> memref<120xf32, #tpu.memory_space<vmem_shared>>
      %dma_start3A_151 = arith.constant 0 : i32
      %dma_start3A_152 = tpu.memref_slice %arg6[%dma_start3A_151] : memref<128xf32, #tpu.memory_space<vmem>> -> memref<120xf32, #tpu.memory_space<vmem>>
      %dma_start3A_153 = tpu.memref_slice %arg7[%add3A_143] : memref<10112xf32, #tpu.memory_space<vmem_shared>> -> memref<120xf32, #tpu.memory_space<vmem_shared>>
      tpu.enqueue_dma source(%dma_start3A_153 : memref<120xf32, #tpu.memory_space<vmem_shared>>) target(%dma_start3A_152 : memref<120xf32, #tpu.memory_space<vmem>>) target_semaphore(%run_scoped3A : memref<!tpu.dma_semaphore, #tpu.memory_space<semaphore_mem>>)
      %dma_wait3A = arith.constant 0 : i32
      %dma_wait3A_154 = tpu.memref_slice %arg6[%dma_wait3A] : memref<128xf32, #tpu.memory_space<vmem>> -> memref<120xf32, #tpu.memory_space<vmem>>
      %dma_wait3A_155 = tpu.memref_slice %arg7[%add3A_143] : memref<10112xf32, #tpu.memory_space<vmem_shared>> -> memref<120xf32, #tpu.memory_space<vmem_shared>>
      %dma_wait3A_156 = arith.constant 0 : i32
      %dma_wait3A_157 = tpu.memref_slice %arg6[%dma_wait3A_156] : memref<128xf32, #tpu.memory_space<vmem>> -> memref<120xf32, #tpu.memory_space<vmem>>
      %dma_wait3A_158 = tpu.memref_slice %arg7[%add3A_143] : memref<10112xf32, #tpu.memory_space<vmem_shared>> -> memref<120xf32, #tpu.memory_space<vmem_shared>>
      tpu.wait_dma2 semaphore(%run_scoped3A : memref<!tpu.dma_semaphore, #tpu.memory_space<semaphore_mem>>) src(%dma_wait3A_158 : memref<120xf32, #tpu.memory_space<vmem_shared>>) dst(%dma_wait3A_157 : memref<120xf32, #tpu.memory_space<vmem>>)
      tpu.yield
    }) : () -> ()
    %mul3A_144 = arith.constant 10112 : i32
    %mul3A_145 = arith.muli %arg0, %mul3A_144 : i32
    %add3A_146 = arith.addi %mul3A_145, %mul3A_0 : i32
    %add3A_147 = arith.constant 512 : i32
    %add3A_148 = arith.addi %add3A_146, %add3A_147 : i32
    "tpu.region"() ({
      %run_scoped3A = tpu.sem_alloc : memref<!tpu.dma_semaphore, #tpu.memory_space<semaphore_mem>>
      %dma_start3A = arith.constant 0 : i32
      %dma_start3A_149 = tpu.memref_slice %arg6[%dma_start3A] : memref<128xf32, #tpu.memory_space<vmem>> -> memref<120xf32, #tpu.memory_space<vmem>>
      %dma_start3A_150 = tpu.memref_slice %arg3[%add3A_148] : memref<20224xf32, #tpu.memory_space<hbm>> -> memref<120xf32, #tpu.memory_space<hbm>>
      %dma_start3A_151 = tpu.memref_slice %arg3[%add3A_148] : memref<20224xf32, #tpu.memory_space<hbm>> -> memref<120xf32, #tpu.memory_space<hbm>>
      %dma_start3A_152 = arith.constant 0 : i32
      %dma_start3A_153 = tpu.memref_slice %arg6[%dma_start3A_152] : memref<128xf32, #tpu.memory_space<vmem>> -> memref<120xf32, #tpu.memory_space<vmem>>
      tpu.enqueue_dma source(%dma_start3A_153 : memref<120xf32, #tpu.memory_space<vmem>>) target(%dma_start3A_151 : memref<120xf32, #tpu.memory_space<hbm>>) target_semaphore(%run_scoped3A : memref<!tpu.dma_semaphore, #tpu.memory_space<semaphore_mem>>)
      %dma_wait3A = arith.constant 0 : i32
      %dma_wait3A_154 = tpu.memref_slice %arg6[%dma_wait3A] : memref<128xf32, #tpu.memory_space<vmem>> -> memref<120xf32, #tpu.memory_space<vmem>>
      %dma_wait3A_155 = tpu.memref_slice %arg3[%add3A_148] : memref<20224xf32, #tpu.memory_space<hbm>> -> memref<120xf32, #tpu.memory_space<hbm>>
      %dma_wait3A_156 = tpu.memref_slice %arg3[%add3A_148] : memref<20224xf32, #tpu.memory_space<hbm>> -> memref<120xf32, #tpu.memory_space<hbm>>
      %dma_wait3A_157 = arith.constant 0 : i32
      %dma_wait3A_158 = tpu.memref_slice %arg6[%dma_wait3A_157] : memref<128xf32, #tpu.memory_space<vmem>> -> memref<120xf32, #tpu.memory_space<vmem>>
      tpu.wait_dma2 semaphore(%run_scoped3A : memref<!tpu.dma_semaphore, #tpu.memory_space<semaphore_mem>>) src(%dma_wait3A_158 : memref<120xf32, #tpu.memory_space<vmem>>) dst(%dma_wait3A_156 : memref<120xf32, #tpu.memory_space<hbm>>)
      tpu.yield
    }) : () -> ()
    return
  }
}

#map = affine_map<(d0, d1) -> (0, 0)>
#map1 = affine_map<(d0, d1) -> (0, 0, 0, 0)>
#map2 = affine_map<(d0, d1) -> (0, 0, 0)>
module attributes {stable_mosaic.version = 14 : i64} {
  func.func @agg_kernel(%arg0: i32, %arg1: i32, %arg2: memref<10000x128xf32, #tpu.memory_space<hbm>>, %arg3: memref<2x16x80x128xi32, #tpu.memory_space<hbm>>, %arg4: memref<2x16x80x128xi32, #tpu.memory_space<hbm>>, %arg5: memref<2x10112x128xf32, #tpu.memory_space<hbm>>, %arg6: memref<40x128xi32, #tpu.memory_space<vmem>>, %arg7: memref<40x128xi32, #tpu.memory_space<vmem>>, %arg8: memref<128x128xf32, #tpu.memory_space<vmem>>, %arg9: memref<128x128xf32, #tpu.memory_space<vmem>>, %arg10: memref<10112x128xf32, #tpu.memory_space<vmem_shared>>, %arg11: memref<!tpu.dma_semaphore, #tpu.memory_space<semaphore_mem>>, %arg12: memref<!tpu.dma_semaphore, #tpu.memory_space<semaphore_mem>>) attributes {dimension_semantics = [#tpu.dimension_semantics<core_parallel>, #tpu.dimension_semantics<subcore_parallel>], iteration_bounds = array<i64: 2, 16>, scalar_prefetch = 0 : i64, scratch_operands = 7 : i64, tpu.core_type = #tpu.core_type<sc_vector_subcore>, window_params = [{transform_indices = #map}, {transform_indices = #map1}, {transform_indices = #map1}, {transform_indices = #map2}]} {
    %mul3A = arith.constant 632 : i32
    %mul3A_0 = arith.muli %arg1, %mul3A : i32
    "tpu.region"() ({
      %run_scoped3A = tpu.sem_alloc : memref<!tpu.dma_semaphore, #tpu.memory_space<semaphore_mem>>
      %dma_start3A = arith.constant 0 : i32
      %dma_start3A_100 = arith.constant 0 : i32
      %dma_start3A_101 = tpu.memref_slice %arg3[%arg0, %arg1, %dma_start3A, %dma_start3A_100] : memref<2x16x80x128xi32, #tpu.memory_space<hbm>> -> memref<1x1x40x128xi32, #tpu.memory_space<hbm>>
      %dma_start3A_102 = tpu.memref_squeeze %dma_start3A_101 : memref<1x1x40x128xi32, #tpu.memory_space<hbm>> -> memref<40x128xi32, #tpu.memory_space<hbm>>
      %dma_start3A_103 = arith.constant 0 : i32
      %dma_start3A_104 = arith.constant 0 : i32
      %dma_start3A_105 = tpu.memref_slice %arg3[%arg0, %arg1, %dma_start3A_103, %dma_start3A_104] : memref<2x16x80x128xi32, #tpu.memory_space<hbm>> -> memref<1x1x40x128xi32, #tpu.memory_space<hbm>>
      %dma_start3A_106 = tpu.memref_squeeze %dma_start3A_105 : memref<1x1x40x128xi32, #tpu.memory_space<hbm>> -> memref<40x128xi32, #tpu.memory_space<hbm>>
      tpu.enqueue_dma source(%dma_start3A_106 : memref<40x128xi32, #tpu.memory_space<hbm>>) target(%arg6 : memref<40x128xi32, #tpu.memory_space<vmem>>) target_semaphore(%run_scoped3A : memref<!tpu.dma_semaphore, #tpu.memory_space<semaphore_mem>>)
      %dma_wait3A = arith.constant 0 : i32
      %dma_wait3A_107 = arith.constant 0 : i32
      %dma_wait3A_108 = tpu.memref_slice %arg3[%arg0, %arg1, %dma_wait3A, %dma_wait3A_107] : memref<2x16x80x128xi32, #tpu.memory_space<hbm>> -> memref<1x1x40x128xi32, #tpu.memory_space<hbm>>
      %dma_wait3A_109 = tpu.memref_squeeze %dma_wait3A_108 : memref<1x1x40x128xi32, #tpu.memory_space<hbm>> -> memref<40x128xi32, #tpu.memory_space<hbm>>
      %dma_wait3A_110 = arith.constant 0 : i32
      %dma_wait3A_111 = arith.constant 0 : i32
      %dma_wait3A_112 = tpu.memref_slice %arg3[%arg0, %arg1, %dma_wait3A_110, %dma_wait3A_111] : memref<2x16x80x128xi32, #tpu.memory_space<hbm>> -> memref<1x1x40x128xi32, #tpu.memory_space<hbm>>
      %dma_wait3A_113 = tpu.memref_squeeze %dma_wait3A_112 : memref<1x1x40x128xi32, #tpu.memory_space<hbm>> -> memref<40x128xi32, #tpu.memory_space<hbm>>
      tpu.wait_dma2 semaphore(%run_scoped3A : memref<!tpu.dma_semaphore, #tpu.memory_space<semaphore_mem>>) src(%dma_wait3A_113 : memref<40x128xi32, #tpu.memory_space<hbm>>) dst(%arg6 : memref<40x128xi32, #tpu.memory_space<vmem>>)
      tpu.yield
    }) : () -> ()
    "tpu.region"() ({
      %run_scoped3A = tpu.sem_alloc : memref<!tpu.dma_semaphore, #tpu.memory_space<semaphore_mem>>
      %dma_start3A = arith.constant 0 : i32
      %dma_start3A_100 = arith.constant 0 : i32
      %dma_start3A_101 = tpu.memref_slice %arg4[%arg0, %arg1, %dma_start3A, %dma_start3A_100] : memref<2x16x80x128xi32, #tpu.memory_space<hbm>> -> memref<1x1x40x128xi32, #tpu.memory_space<hbm>>
      %dma_start3A_102 = tpu.memref_squeeze %dma_start3A_101 : memref<1x1x40x128xi32, #tpu.memory_space<hbm>> -> memref<40x128xi32, #tpu.memory_space<hbm>>
      %dma_start3A_103 = arith.constant 0 : i32
      %dma_start3A_104 = arith.constant 0 : i32
      %dma_start3A_105 = tpu.memref_slice %arg4[%arg0, %arg1, %dma_start3A_103, %dma_start3A_104] : memref<2x16x80x128xi32, #tpu.memory_space<hbm>> -> memref<1x1x40x128xi32, #tpu.memory_space<hbm>>
      %dma_start3A_106 = tpu.memref_squeeze %dma_start3A_105 : memref<1x1x40x128xi32, #tpu.memory_space<hbm>> -> memref<40x128xi32, #tpu.memory_space<hbm>>
      tpu.enqueue_dma source(%dma_start3A_106 : memref<40x128xi32, #tpu.memory_space<hbm>>) target(%arg7 : memref<40x128xi32, #tpu.memory_space<vmem>>) target_semaphore(%run_scoped3A : memref<!tpu.dma_semaphore, #tpu.memory_space<semaphore_mem>>)
      %dma_wait3A = arith.constant 0 : i32
      %dma_wait3A_107 = arith.constant 0 : i32
      %dma_wait3A_108 = tpu.memref_slice %arg4[%arg0, %arg1, %dma_wait3A, %dma_wait3A_107] : memref<2x16x80x128xi32, #tpu.memory_space<hbm>> -> memref<1x1x40x128xi32, #tpu.memory_space<hbm>>
      %dma_wait3A_109 = tpu.memref_squeeze %dma_wait3A_108 : memref<1x1x40x128xi32, #tpu.memory_space<hbm>> -> memref<40x128xi32, #tpu.memory_space<hbm>>
      %dma_wait3A_110 = arith.constant 0 : i32
      %dma_wait3A_111 = arith.constant 0 : i32
      %dma_wait3A_112 = tpu.memref_slice %arg4[%arg0, %arg1, %dma_wait3A_110, %dma_wait3A_111] : memref<2x16x80x128xi32, #tpu.memory_space<hbm>> -> memref<1x1x40x128xi32, #tpu.memory_space<hbm>>
      %dma_wait3A_113 = tpu.memref_squeeze %dma_wait3A_112 : memref<1x1x40x128xi32, #tpu.memory_space<hbm>> -> memref<40x128xi32, #tpu.memory_space<hbm>>
      tpu.wait_dma2 semaphore(%run_scoped3A : memref<!tpu.dma_semaphore, #tpu.memory_space<semaphore_mem>>) src(%dma_wait3A_113 : memref<40x128xi32, #tpu.memory_space<hbm>>) dst(%arg7 : memref<40x128xi32, #tpu.memory_space<vmem>>)
      tpu.yield
    }) : () -> ()
    %while3A = arith.constant 0 : i32
    %while3A_1 = arith.constant 128 : i32
    %while3A_2 = arith.subi %while3A_1, %while3A : i32
    %while3A_3 = arith.addi %while3A, %while3A_2 : i32
    %while3A_4 = arith.constant 1 : i32
    %while3A_5 = arith.divsi %while3A_2, %while3A_4 : i32
    %while3A_6 = arith.muli %while3A_5, %while3A_4 : i32
    %while3A_7 = arith.addi %while3A, %while3A_6 : i32
    %while3A_8 = arith.constant 1 : i32
    scf.for %while3A_100 = %while3A to %while3A_7 step %while3A_8  : i32 {
      %broadcast_in_dim3A = arith.constant 0.000000e+00 : f32
      %broadcast_in_dim3A_101 = vector.broadcast %broadcast_in_dim3A : f32 to vector<16xf32>
      %swap3A = arith.index_cast %while3A_100 : i32 to index
      %swap3A_102 = arith.constant 0 : index
      %swap3A_103 = tpu.vector_load %arg9[%swap3A, %swap3A_102] {strides = array<i32>} : memref<128x128xf32, #tpu.memory_space<vmem>>, vector<1x16xf32>,
      %swap3A_104 = vector.shape_cast %swap3A_103 : vector<1x16xf32> to vector<16xf32>
      %swap3A_105 = vector.shape_cast %broadcast_in_dim3A_101 : vector<16xf32> to vector<1x16xf32>
      tpu.vector_store %arg9[%swap3A, %swap3A_102], %swap3A_105 {strides = array<i32>} : memref<128x128xf32, #tpu.memory_space<vmem>>, vector<1x16xf32>,
      %broadcast_in_dim3A_106 = arith.constant 0.000000e+00 : f32
      %broadcast_in_dim3A_107 = vector.broadcast %broadcast_in_dim3A_106 : f32 to vector<16xf32>
      %swap3A_108 = arith.index_cast %while3A_100 : i32 to index
      %swap3A_109 = arith.constant 16 : index
      %swap3A_110 = tpu.vector_load %arg9[%swap3A_108, %swap3A_109] {strides = array<i32>} : memref<128x128xf32, #tpu.memory_space<vmem>>, vector<1x16xf32>,
      %swap3A_111 = vector.shape_cast %swap3A_110 : vector<1x16xf32> to vector<16xf32>
      %swap3A_112 = vector.shape_cast %broadcast_in_dim3A_107 : vector<16xf32> to vector<1x16xf32>
      tpu.vector_store %arg9[%swap3A_108, %swap3A_109], %swap3A_112 {strides = array<i32>} : memref<128x128xf32, #tpu.memory_space<vmem>>, vector<1x16xf32>,
      %broadcast_in_dim3A_113 = arith.constant 0.000000e+00 : f32
      %broadcast_in_dim3A_114 = vector.broadcast %broadcast_in_dim3A_113 : f32 to vector<16xf32>
      %swap3A_115 = arith.index_cast %while3A_100 : i32 to index
      %swap3A_116 = arith.constant 32 : index
      %swap3A_117 = tpu.vector_load %arg9[%swap3A_115, %swap3A_116] {strides = array<i32>} : memref<128x128xf32, #tpu.memory_space<vmem>>, vector<1x16xf32>,
      %swap3A_118 = vector.shape_cast %swap3A_117 : vector<1x16xf32> to vector<16xf32>
      %swap3A_119 = vector.shape_cast %broadcast_in_dim3A_114 : vector<16xf32> to vector<1x16xf32>
      tpu.vector_store %arg9[%swap3A_115, %swap3A_116], %swap3A_119 {strides = array<i32>} : memref<128x128xf32, #tpu.memory_space<vmem>>, vector<1x16xf32>,
      %broadcast_in_dim3A_120 = arith.constant 0.000000e+00 : f32
      %broadcast_in_dim3A_121 = vector.broadcast %broadcast_in_dim3A_120 : f32 to vector<16xf32>
      %swap3A_122 = arith.index_cast %while3A_100 : i32 to index
      %swap3A_123 = arith.constant 48 : index
      %swap3A_124 = tpu.vector_load %arg9[%swap3A_122, %swap3A_123] {strides = array<i32>} : memref<128x128xf32, #tpu.memory_space<vmem>>, vector<1x16xf32>,
      %swap3A_125 = vector.shape_cast %swap3A_124 : vector<1x16xf32> to vector<16xf32>
      %swap3A_126 = vector.shape_cast %broadcast_in_dim3A_121 : vector<16xf32> to vector<1x16xf32>
      tpu.vector_store %arg9[%swap3A_122, %swap3A_123], %swap3A_126 {strides = array<i32>} : memref<128x128xf32, #tpu.memory_space<vmem>>, vector<1x16xf32>,
      %broadcast_in_dim3A_127 = arith.constant 0.000000e+00 : f32
      %broadcast_in_dim3A_128 = vector.broadcast %broadcast_in_dim3A_127 : f32 to vector<16xf32>
      %swap3A_129 = arith.index_cast %while3A_100 : i32 to index
      %swap3A_130 = arith.constant 64 : index
      %swap3A_131 = tpu.vector_load %arg9[%swap3A_129, %swap3A_130] {strides = array<i32>} : memref<128x128xf32, #tpu.memory_space<vmem>>, vector<1x16xf32>,
      %swap3A_132 = vector.shape_cast %swap3A_131 : vector<1x16xf32> to vector<16xf32>
      %swap3A_133 = vector.shape_cast %broadcast_in_dim3A_128 : vector<16xf32> to vector<1x16xf32>
      tpu.vector_store %arg9[%swap3A_129, %swap3A_130], %swap3A_133 {strides = array<i32>} : memref<128x128xf32, #tpu.memory_space<vmem>>, vector<1x16xf32>,
      %broadcast_in_dim3A_134 = arith.constant 0.000000e+00 : f32
      %broadcast_in_dim3A_135 = vector.broadcast %broadcast_in_dim3A_134 : f32 to vector<16xf32>
      %swap3A_136 = arith.index_cast %while3A_100 : i32 to index
      %swap3A_137 = arith.constant 80 : index
      %swap3A_138 = tpu.vector_load %arg9[%swap3A_136, %swap3A_137] {strides = array<i32>} : memref<128x128xf32, #tpu.memory_space<vmem>>, vector<1x16xf32>,
      %swap3A_139 = vector.shape_cast %swap3A_138 : vector<1x16xf32> to vector<16xf32>
      %swap3A_140 = vector.shape_cast %broadcast_in_dim3A_135 : vector<16xf32> to vector<1x16xf32>
      tpu.vector_store %arg9[%swap3A_136, %swap3A_137], %swap3A_140 {strides = array<i32>} : memref<128x128xf32, #tpu.memory_space<vmem>>, vector<1x16xf32>,
      %broadcast_in_dim3A_141 = arith.constant 0.000000e+00 : f32
      %broadcast_in_dim3A_142 = vector.broadcast %broadcast_in_dim3A_141 : f32 to vector<16xf32>
      %swap3A_143 = arith.index_cast %while3A_100 : i32 to index
      %swap3A_144 = arith.constant 96 : index
      %swap3A_145 = tpu.vector_load %arg9[%swap3A_143, %swap3A_144] {strides = array<i32>} : memref<128x128xf32, #tpu.memory_space<vmem>>, vector<1x16xf32>,
      %swap3A_146 = vector.shape_cast %swap3A_145 : vector<1x16xf32> to vector<16xf32>
      %swap3A_147 = vector.shape_cast %broadcast_in_dim3A_142 : vector<16xf32> to vector<1x16xf32>
      tpu.vector_store %arg9[%swap3A_143, %swap3A_144], %swap3A_147 {strides = array<i32>} : memref<128x128xf32, #tpu.memory_space<vmem>>, vector<1x16xf32>,
      %broadcast_in_dim3A_148 = arith.constant 0.000000e+00 : f32
      %broadcast_in_dim3A_149 = vector.broadcast %broadcast_in_dim3A_148 : f32 to vector<16xf32>
      %swap3A_150 = arith.index_cast %while3A_100 : i32 to index
      %swap3A_151 = arith.constant 112 : index
      %swap3A_152 = tpu.vector_load %arg9[%swap3A_150, %swap3A_151] {strides = array<i32>} : memref<128x128xf32, #tpu.memory_space<vmem>>, vector<1x16xf32>,
      %swap3A_153 = vector.shape_cast %swap3A_152 : vector<1x16xf32> to vector<16xf32>
      %swap3A_154 = vector.shape_cast %broadcast_in_dim3A_149 : vector<16xf32> to vector<1x16xf32>
      tpu.vector_store %arg9[%swap3A_150, %swap3A_151], %swap3A_154 {strides = array<i32>} : memref<128x128xf32, #tpu.memory_space<vmem>>, vector<1x16xf32>,
    }
    %while3A_9 = arith.constant 1 : i32
    scf.for %while3A_100 = %while3A_7 to %while3A_3 step %while3A_9  : i32 {
      %broadcast_in_dim3A = arith.constant 0.000000e+00 : f32
      %broadcast_in_dim3A_101 = vector.broadcast %broadcast_in_dim3A : f32 to vector<16xf32>
      %swap3A = arith.index_cast %while3A_100 : i32 to index
      %swap3A_102 = arith.constant 0 : index
      %swap3A_103 = tpu.vector_load %arg9[%swap3A, %swap3A_102] {strides = array<i32>} : memref<128x128xf32, #tpu.memory_space<vmem>>, vector<1x16xf32>,
      %swap3A_104 = vector.shape_cast %swap3A_103 : vector<1x16xf32> to vector<16xf32>
      %swap3A_105 = vector.shape_cast %broadcast_in_dim3A_101 : vector<16xf32> to vector<1x16xf32>
      tpu.vector_store %arg9[%swap3A, %swap3A_102], %swap3A_105 {strides = array<i32>} : memref<128x128xf32, #tpu.memory_space<vmem>>, vector<1x16xf32>,
      %broadcast_in_dim3A_106 = arith.constant 0.000000e+00 : f32
      %broadcast_in_dim3A_107 = vector.broadcast %broadcast_in_dim3A_106 : f32 to vector<16xf32>
      %swap3A_108 = arith.index_cast %while3A_100 : i32 to index
      %swap3A_109 = arith.constant 16 : index
      %swap3A_110 = tpu.vector_load %arg9[%swap3A_108, %swap3A_109] {strides = array<i32>} : memref<128x128xf32, #tpu.memory_space<vmem>>, vector<1x16xf32>,
      %swap3A_111 = vector.shape_cast %swap3A_110 : vector<1x16xf32> to vector<16xf32>
      %swap3A_112 = vector.shape_cast %broadcast_in_dim3A_107 : vector<16xf32> to vector<1x16xf32>
      tpu.vector_store %arg9[%swap3A_108, %swap3A_109], %swap3A_112 {strides = array<i32>} : memref<128x128xf32, #tpu.memory_space<vmem>>, vector<1x16xf32>,
      %broadcast_in_dim3A_113 = arith.constant 0.000000e+00 : f32
      %broadcast_in_dim3A_114 = vector.broadcast %broadcast_in_dim3A_113 : f32 to vector<16xf32>
      %swap3A_115 = arith.index_cast %while3A_100 : i32 to index
      %swap3A_116 = arith.constant 32 : index
      %swap3A_117 = tpu.vector_load %arg9[%swap3A_115, %swap3A_116] {strides = array<i32>} : memref<128x128xf32, #tpu.memory_space<vmem>>, vector<1x16xf32>,
      %swap3A_118 = vector.shape_cast %swap3A_117 : vector<1x16xf32> to vector<16xf32>
      %swap3A_119 = vector.shape_cast %broadcast_in_dim3A_114 : vector<16xf32> to vector<1x16xf32>
      tpu.vector_store %arg9[%swap3A_115, %swap3A_116], %swap3A_119 {strides = array<i32>} : memref<128x128xf32, #tpu.memory_space<vmem>>, vector<1x16xf32>,
      %broadcast_in_dim3A_120 = arith.constant 0.000000e+00 : f32
      %broadcast_in_dim3A_121 = vector.broadcast %broadcast_in_dim3A_120 : f32 to vector<16xf32>
      %swap3A_122 = arith.index_cast %while3A_100 : i32 to index
      %swap3A_123 = arith.constant 48 : index
      %swap3A_124 = tpu.vector_load %arg9[%swap3A_122, %swap3A_123] {strides = array<i32>} : memref<128x128xf32, #tpu.memory_space<vmem>>, vector<1x16xf32>,
      %swap3A_125 = vector.shape_cast %swap3A_124 : vector<1x16xf32> to vector<16xf32>
      %swap3A_126 = vector.shape_cast %broadcast_in_dim3A_121 : vector<16xf32> to vector<1x16xf32>
      tpu.vector_store %arg9[%swap3A_122, %swap3A_123], %swap3A_126 {strides = array<i32>} : memref<128x128xf32, #tpu.memory_space<vmem>>, vector<1x16xf32>,
      %broadcast_in_dim3A_127 = arith.constant 0.000000e+00 : f32
      %broadcast_in_dim3A_128 = vector.broadcast %broadcast_in_dim3A_127 : f32 to vector<16xf32>
      %swap3A_129 = arith.index_cast %while3A_100 : i32 to index
      %swap3A_130 = arith.constant 64 : index
      %swap3A_131 = tpu.vector_load %arg9[%swap3A_129, %swap3A_130] {strides = array<i32>} : memref<128x128xf32, #tpu.memory_space<vmem>>, vector<1x16xf32>,
      %swap3A_132 = vector.shape_cast %swap3A_131 : vector<1x16xf32> to vector<16xf32>
      %swap3A_133 = vector.shape_cast %broadcast_in_dim3A_128 : vector<16xf32> to vector<1x16xf32>
      tpu.vector_store %arg9[%swap3A_129, %swap3A_130], %swap3A_133 {strides = array<i32>} : memref<128x128xf32, #tpu.memory_space<vmem>>, vector<1x16xf32>,
      %broadcast_in_dim3A_134 = arith.constant 0.000000e+00 : f32
      %broadcast_in_dim3A_135 = vector.broadcast %broadcast_in_dim3A_134 : f32 to vector<16xf32>
      %swap3A_136 = arith.index_cast %while3A_100 : i32 to index
      %swap3A_137 = arith.constant 80 : index
      %swap3A_138 = tpu.vector_load %arg9[%swap3A_136, %swap3A_137] {strides = array<i32>} : memref<128x128xf32, #tpu.memory_space<vmem>>, vector<1x16xf32>,
      %swap3A_139 = vector.shape_cast %swap3A_138 : vector<1x16xf32> to vector<16xf32>
      %swap3A_140 = vector.shape_cast %broadcast_in_dim3A_135 : vector<16xf32> to vector<1x16xf32>
      tpu.vector_store %arg9[%swap3A_136, %swap3A_137], %swap3A_140 {strides = array<i32>} : memref<128x128xf32, #tpu.memory_space<vmem>>, vector<1x16xf32>,
      %broadcast_in_dim3A_141 = arith.constant 0.000000e+00 : f32
      %broadcast_in_dim3A_142 = vector.broadcast %broadcast_in_dim3A_141 : f32 to vector<16xf32>
      %swap3A_143 = arith.index_cast %while3A_100 : i32 to index
      %swap3A_144 = arith.constant 96 : index
      %swap3A_145 = tpu.vector_load %arg9[%swap3A_143, %swap3A_144] {strides = array<i32>} : memref<128x128xf32, #tpu.memory_space<vmem>>, vector<1x16xf32>,
      %swap3A_146 = vector.shape_cast %swap3A_145 : vector<1x16xf32> to vector<16xf32>
      %swap3A_147 = vector.shape_cast %broadcast_in_dim3A_142 : vector<16xf32> to vector<1x16xf32>
      tpu.vector_store %arg9[%swap3A_143, %swap3A_144], %swap3A_147 {strides = array<i32>} : memref<128x128xf32, #tpu.memory_space<vmem>>, vector<1x16xf32>,
      %broadcast_in_dim3A_148 = arith.constant 0.000000e+00 : f32
      %broadcast_in_dim3A_149 = vector.broadcast %broadcast_in_dim3A_148 : f32 to vector<16xf32>
      %swap3A_150 = arith.index_cast %while3A_100 : i32 to index
      %swap3A_151 = arith.constant 112 : index
      %swap3A_152 = tpu.vector_load %arg9[%swap3A_150, %swap3A_151] {strides = array<i32>} : memref<128x128xf32, #tpu.memory_space<vmem>>, vector<1x16xf32>,
      %swap3A_153 = vector.shape_cast %swap3A_152 : vector<1x16xf32> to vector<16xf32>
      %swap3A_154 = vector.shape_cast %broadcast_in_dim3A_149 : vector<16xf32> to vector<1x16xf32>
      tpu.vector_store %arg9[%swap3A_150, %swap3A_151], %swap3A_154 {strides = array<i32>} : memref<128x128xf32, #tpu.memory_space<vmem>>, vector<1x16xf32>,
    }
    %add3A = arith.constant 0 : i32
    %add3A_10 = arith.addi %mul3A_0, %add3A : i32
    "tpu.region"() ({
      %run_scoped3A = tpu.sem_alloc : memref<!tpu.dma_semaphore, #tpu.memory_space<semaphore_mem>>
      %dma_start3A = arith.constant 0 : i32
      %dma_start3A_100 = tpu.memref_slice %arg10[%add3A_10, %dma_start3A] : memref<10112x128xf32, #tpu.memory_space<vmem_shared>> -> memref<128x128xf32, #tpu.memory_space<vmem_shared>>
      %dma_start3A_101 = arith.constant 0 : i32
      %dma_start3A_102 = tpu.memref_slice %arg10[%add3A_10, %dma_start3A_101] : memref<10112x128xf32, #tpu.memory_space<vmem_shared>> -> memref<128x128xf32, #tpu.memory_space<vmem_shared>>
      tpu.enqueue_dma source(%arg9 : memref<128x128xf32, #tpu.memory_space<vmem>>) target(%dma_start3A_102 : memref<128x128xf32, #tpu.memory_space<vmem_shared>>) target_semaphore(%run_scoped3A : memref<!tpu.dma_semaphore, #tpu.memory_space<semaphore_mem>>)
      %dma_wait3A = arith.constant 0 : i32
      %dma_wait3A_103 = tpu.memref_slice %arg10[%add3A_10, %dma_wait3A] : memref<10112x128xf32, #tpu.memory_space<vmem_shared>> -> memref<128x128xf32, #tpu.memory_space<vmem_shared>>
      %dma_wait3A_104 = arith.constant 0 : i32
      %dma_wait3A_105 = tpu.memref_slice %arg10[%add3A_10, %dma_wait3A_104] : memref<10112x128xf32, #tpu.memory_space<vmem_shared>> -> memref<128x128xf32, #tpu.memory_space<vmem_shared>>
      tpu.wait_dma2 semaphore(%run_scoped3A : memref<!tpu.dma_semaphore, #tpu.memory_space<semaphore_mem>>) src(%arg9 : memref<128x128xf32, #tpu.memory_space<vmem>>) dst(%dma_wait3A_105 : memref<128x128xf32, #tpu.memory_space<vmem_shared>>)
      tpu.yield
    }) : () -> ()
    %add3A_11 = arith.constant 128 : i32
    %add3A_12 = arith.addi %mul3A_0, %add3A_11 : i32
    "tpu.region"() ({
      %run_scoped3A = tpu.sem_alloc : memref<!tpu.dma_semaphore, #tpu.memory_space<semaphore_mem>>
      %dma_start3A = arith.constant 0 : i32
      %dma_start3A_100 = tpu.memref_slice %arg10[%add3A_12, %dma_start3A] : memref<10112x128xf32, #tpu.memory_space<vmem_shared>> -> memref<128x128xf32, #tpu.memory_space<vmem_shared>>
      %dma_start3A_101 = arith.constant 0 : i32
      %dma_start3A_102 = tpu.memref_slice %arg10[%add3A_12, %dma_start3A_101] : memref<10112x128xf32, #tpu.memory_space<vmem_shared>> -> memref<128x128xf32, #tpu.memory_space<vmem_shared>>
      tpu.enqueue_dma source(%arg9 : memref<128x128xf32, #tpu.memory_space<vmem>>) target(%dma_start3A_102 : memref<128x128xf32, #tpu.memory_space<vmem_shared>>) target_semaphore(%run_scoped3A : memref<!tpu.dma_semaphore, #tpu.memory_space<semaphore_mem>>)
      %dma_wait3A = arith.constant 0 : i32
      %dma_wait3A_103 = tpu.memref_slice %arg10[%add3A_12, %dma_wait3A] : memref<10112x128xf32, #tpu.memory_space<vmem_shared>> -> memref<128x128xf32, #tpu.memory_space<vmem_shared>>
      %dma_wait3A_104 = arith.constant 0 : i32
      %dma_wait3A_105 = tpu.memref_slice %arg10[%add3A_12, %dma_wait3A_104] : memref<10112x128xf32, #tpu.memory_space<vmem_shared>> -> memref<128x128xf32, #tpu.memory_space<vmem_shared>>
      tpu.wait_dma2 semaphore(%run_scoped3A : memref<!tpu.dma_semaphore, #tpu.memory_space<semaphore_mem>>) src(%arg9 : memref<128x128xf32, #tpu.memory_space<vmem>>) dst(%dma_wait3A_105 : memref<128x128xf32, #tpu.memory_space<vmem_shared>>)
      tpu.yield
    }) : () -> ()
    %add3A_13 = arith.constant 256 : i32
    %add3A_14 = arith.addi %mul3A_0, %add3A_13 : i32
    "tpu.region"() ({
      %run_scoped3A = tpu.sem_alloc : memref<!tpu.dma_semaphore, #tpu.memory_space<semaphore_mem>>
      %dma_start3A = arith.constant 0 : i32
      %dma_start3A_100 = tpu.memref_slice %arg10[%add3A_14, %dma_start3A] : memref<10112x128xf32, #tpu.memory_space<vmem_shared>> -> memref<128x128xf32, #tpu.memory_space<vmem_shared>>
      %dma_start3A_101 = arith.constant 0 : i32
      %dma_start3A_102 = tpu.memref_slice %arg10[%add3A_14, %dma_start3A_101] : memref<10112x128xf32, #tpu.memory_space<vmem_shared>> -> memref<128x128xf32, #tpu.memory_space<vmem_shared>>
      tpu.enqueue_dma source(%arg9 : memref<128x128xf32, #tpu.memory_space<vmem>>) target(%dma_start3A_102 : memref<128x128xf32, #tpu.memory_space<vmem_shared>>) target_semaphore(%run_scoped3A : memref<!tpu.dma_semaphore, #tpu.memory_space<semaphore_mem>>)
      %dma_wait3A = arith.constant 0 : i32
      %dma_wait3A_103 = tpu.memref_slice %arg10[%add3A_14, %dma_wait3A] : memref<10112x128xf32, #tpu.memory_space<vmem_shared>> -> memref<128x128xf32, #tpu.memory_space<vmem_shared>>
      %dma_wait3A_104 = arith.constant 0 : i32
      %dma_wait3A_105 = tpu.memref_slice %arg10[%add3A_14, %dma_wait3A_104] : memref<10112x128xf32, #tpu.memory_space<vmem_shared>> -> memref<128x128xf32, #tpu.memory_space<vmem_shared>>
      tpu.wait_dma2 semaphore(%run_scoped3A : memref<!tpu.dma_semaphore, #tpu.memory_space<semaphore_mem>>) src(%arg9 : memref<128x128xf32, #tpu.memory_space<vmem>>) dst(%dma_wait3A_105 : memref<128x128xf32, #tpu.memory_space<vmem_shared>>)
      tpu.yield
    }) : () -> ()
    %add3A_15 = arith.constant 384 : i32
    %add3A_16 = arith.addi %mul3A_0, %add3A_15 : i32
    "tpu.region"() ({
      %run_scoped3A = tpu.sem_alloc : memref<!tpu.dma_semaphore, #tpu.memory_space<semaphore_mem>>
      %dma_start3A = arith.constant 0 : i32
      %dma_start3A_100 = tpu.memref_slice %arg10[%add3A_16, %dma_start3A] : memref<10112x128xf32, #tpu.memory_space<vmem_shared>> -> memref<128x128xf32, #tpu.memory_space<vmem_shared>>
      %dma_start3A_101 = arith.constant 0 : i32
      %dma_start3A_102 = tpu.memref_slice %arg10[%add3A_16, %dma_start3A_101] : memref<10112x128xf32, #tpu.memory_space<vmem_shared>> -> memref<128x128xf32, #tpu.memory_space<vmem_shared>>
      tpu.enqueue_dma source(%arg9 : memref<128x128xf32, #tpu.memory_space<vmem>>) target(%dma_start3A_102 : memref<128x128xf32, #tpu.memory_space<vmem_shared>>) target_semaphore(%run_scoped3A : memref<!tpu.dma_semaphore, #tpu.memory_space<semaphore_mem>>)
      %dma_wait3A = arith.constant 0 : i32
      %dma_wait3A_103 = tpu.memref_slice %arg10[%add3A_16, %dma_wait3A] : memref<10112x128xf32, #tpu.memory_space<vmem_shared>> -> memref<128x128xf32, #tpu.memory_space<vmem_shared>>
      %dma_wait3A_104 = arith.constant 0 : i32
      %dma_wait3A_105 = tpu.memref_slice %arg10[%add3A_16, %dma_wait3A_104] : memref<10112x128xf32, #tpu.memory_space<vmem_shared>> -> memref<128x128xf32, #tpu.memory_space<vmem_shared>>
      tpu.wait_dma2 semaphore(%run_scoped3A : memref<!tpu.dma_semaphore, #tpu.memory_space<semaphore_mem>>) src(%arg9 : memref<128x128xf32, #tpu.memory_space<vmem>>) dst(%dma_wait3A_105 : memref<128x128xf32, #tpu.memory_space<vmem_shared>>)
      tpu.yield
    }) : () -> ()
    %add3A_17 = arith.constant 512 : i32
    %add3A_18 = arith.addi %mul3A_0, %add3A_17 : i32
    "tpu.region"() ({
      %run_scoped3A = tpu.sem_alloc : memref<!tpu.dma_semaphore, #tpu.memory_space<semaphore_mem>>
      %dma_start3A = arith.constant 0 : i32
      %dma_start3A_100 = arith.constant 0 : i32
      %dma_start3A_101 = tpu.memref_slice %arg9[%dma_start3A, %dma_start3A_100] : memref<128x128xf32, #tpu.memory_space<vmem>> -> memref<120x128xf32, #tpu.memory_space<vmem>>
      %dma_start3A_102 = arith.constant 0 : i32
      %dma_start3A_103 = tpu.memref_slice %arg10[%add3A_18, %dma_start3A_102] : memref<10112x128xf32, #tpu.memory_space<vmem_shared>> -> memref<120x128xf32, #tpu.memory_space<vmem_shared>>
      %dma_start3A_104 = arith.constant 0 : i32
      %dma_start3A_105 = tpu.memref_slice %arg10[%add3A_18, %dma_start3A_104] : memref<10112x128xf32, #tpu.memory_space<vmem_shared>> -> memref<120x128xf32, #tpu.memory_space<vmem_shared>>
      %dma_start3A_106 = arith.constant 0 : i32
      %dma_start3A_107 = arith.constant 0 : i32
      %dma_start3A_108 = tpu.memref_slice %arg9[%dma_start3A_106, %dma_start3A_107] : memref<128x128xf32, #tpu.memory_space<vmem>> -> memref<120x128xf32, #tpu.memory_space<vmem>>
      tpu.enqueue_dma source(%dma_start3A_108 : memref<120x128xf32, #tpu.memory_space<vmem>>) target(%dma_start3A_105 : memref<120x128xf32, #tpu.memory_space<vmem_shared>>) target_semaphore(%run_scoped3A : memref<!tpu.dma_semaphore, #tpu.memory_space<semaphore_mem>>)
      %dma_wait3A = arith.constant 0 : i32
      %dma_wait3A_109 = arith.constant 0 : i32
      %dma_wait3A_110 = tpu.memref_slice %arg9[%dma_wait3A, %dma_wait3A_109] : memref<128x128xf32, #tpu.memory_space<vmem>> -> memref<120x128xf32, #tpu.memory_space<vmem>>
      %dma_wait3A_111 = arith.constant 0 : i32
      %dma_wait3A_112 = tpu.memref_slice %arg10[%add3A_18, %dma_wait3A_111] : memref<10112x128xf32, #tpu.memory_space<vmem_shared>> -> memref<120x128xf32, #tpu.memory_space<vmem_shared>>
      %dma_wait3A_113 = arith.constant 0 : i32
      %dma_wait3A_114 = tpu.memref_slice %arg10[%add3A_18, %dma_wait3A_113] : memref<10112x128xf32, #tpu.memory_space<vmem_shared>> -> memref<120x128xf32, #tpu.memory_space<vmem_shared>>
      %dma_wait3A_115 = arith.constant 0 : i32
      %dma_wait3A_116 = arith.constant 0 : i32
      %dma_wait3A_117 = tpu.memref_slice %arg9[%dma_wait3A_115, %dma_wait3A_116] : memref<128x128xf32, #tpu.memory_space<vmem>> -> memref<120x128xf32, #tpu.memory_space<vmem>>
      tpu.wait_dma2 semaphore(%run_scoped3A : memref<!tpu.dma_semaphore, #tpu.memory_space<semaphore_mem>>) src(%dma_wait3A_117 : memref<120x128xf32, #tpu.memory_space<vmem>>) dst(%dma_wait3A_114 : memref<120x128xf32, #tpu.memory_space<vmem_shared>>)
      tpu.yield
    }) : () -> ()
    %barrier3A = arith.constant 0 : index
    tpu.barrier barrier_id(%barrier3A)
    %while3A_19 = arith.constant 0 : i32
    %while3A_20 = arith.constant 1 : i32
    %while3A_21 = arith.subi %while3A_20, %while3A_19 : i32
    %while3A_22 = arith.addi %while3A_19, %while3A_21 : i32
    %while3A_23 = arith.constant 1 : i32
    %while3A_24 = arith.divsi %while3A_21, %while3A_23 : i32
    %while3A_25 = arith.muli %while3A_24, %while3A_23 : i32
    %while3A_26 = arith.addi %while3A_19, %while3A_25 : i32
    %while3A_27 = arith.constant 1 : i32
    scf.for %while3A_100 = %while3A_19 to %while3A_26 step %while3A_27  : i32 {
      %add3A_101 = arith.addi %while3A_100, %while3A_100 : i32
      %dma_start3A = arith.constant 0 : i32
      %dma_start3A_102 = tpu.memref_slice %arg6[%add3A_101, %dma_start3A] : memref<40x128xi32, #tpu.memory_space<vmem>> -> memref<1x128xi32, #tpu.memory_space<vmem>>
      %dma_start3A_103 = tpu.memref_squeeze %dma_start3A_102 : memref<1x128xi32, #tpu.memory_space<vmem>> -> memref<128xi32, #tpu.memory_space<vmem>>
      %dma_start3A_104 = arith.constant 0 : i32
      %dma_start3A_105 = arith.constant 0 : i32
      %dma_start3A_106 = tpu.memref_slice %arg2[%dma_start3A_104, %dma_start3A_105] : memref<10000x128xf32, #tpu.memory_space<hbm>> -> memref<10000x128xf32, #tpu.memory_space<hbm>>
      tpu.enqueue_indirect_dma source(%dma_start3A_106 : memref<10000x128xf32, #tpu.memory_space<hbm>>) target(%arg8 : memref<128x128xf32, #tpu.memory_space<vmem>>) offsets(%dma_start3A_103 : memref<128xi32, #tpu.memory_space<vmem>>) semaphore(%arg11 : memref<!tpu.dma_semaphore, #tpu.memory_space<semaphore_mem>>)
      %add3A_107 = arith.constant 1 : i32
      %add3A_108 = arith.addi %add3A_101, %add3A_107 : i32
      %dma_start3A_109 = arith.constant 0 : i32
      %dma_start3A_110 = tpu.memref_slice %arg6[%add3A_108, %dma_start3A_109] : memref<40x128xi32, #tpu.memory_space<vmem>> -> memref<1x128xi32, #tpu.memory_space<vmem>>
      %dma_start3A_111 = tpu.memref_squeeze %dma_start3A_110 : memref<1x128xi32, #tpu.memory_space<vmem>> -> memref<128xi32, #tpu.memory_space<vmem>>
      %dma_start3A_112 = arith.constant 0 : i32
      %dma_start3A_113 = arith.constant 0 : i32
      %dma_start3A_114 = tpu.memref_slice %arg2[%dma_start3A_112, %dma_start3A_113] : memref<10000x128xf32, #tpu.memory_space<hbm>> -> memref<10000x128xf32, #tpu.memory_space<hbm>>
      tpu.enqueue_indirect_dma source(%dma_start3A_114 : memref<10000x128xf32, #tpu.memory_space<hbm>>) target(%arg9 : memref<128x128xf32, #tpu.memory_space<vmem>>) offsets(%dma_start3A_111 : memref<128xi32, #tpu.memory_space<vmem>>) semaphore(%arg11 : memref<!tpu.dma_semaphore, #tpu.memory_space<semaphore_mem>>)
      %dma_wait3A = arith.constant 0 : i32
      %dma_wait3A_115 = tpu.memref_slice %arg6[%while3A_100, %dma_wait3A] : memref<40x128xi32, #tpu.memory_space<vmem>> -> memref<1x128xi32, #tpu.memory_space<vmem>>
      %dma_wait3A_116 = tpu.memref_squeeze %dma_wait3A_115 : memref<1x128xi32, #tpu.memory_space<vmem>> -> memref<128xi32, #tpu.memory_space<vmem>>
      %dma_wait3A_117 = arith.constant 0 : i32
      %dma_wait3A_118 = arith.constant 0 : i32
      %dma_wait3A_119 = tpu.memref_slice %arg2[%dma_wait3A_117, %dma_wait3A_118] : memref<10000x128xf32, #tpu.memory_space<hbm>> -> memref<10000x128xf32, #tpu.memory_space<hbm>>
      tpu.wait_indirect_dma semaphore(%arg11 : memref<!tpu.dma_semaphore, #tpu.memory_space<semaphore_mem>>) src(%dma_wait3A_119 : memref<10000x128xf32, #tpu.memory_space<hbm>>) dst(%arg8 : memref<128x128xf32, #tpu.memory_space<vmem>>)
      %dma_start3A_120 = arith.constant 0 : i32
      %dma_start3A_121 = tpu.memref_slice %arg7[%add3A_101, %dma_start3A_120] : memref<40x128xi32, #tpu.memory_space<vmem>> -> memref<1x128xi32, #tpu.memory_space<vmem>>
      %dma_start3A_122 = tpu.memref_squeeze %dma_start3A_121 : memref<1x128xi32, #tpu.memory_space<vmem>> -> memref<128xi32, #tpu.memory_space<vmem>>
      %dma_start3A_123 = arith.constant 0 : i32
      %dma_start3A_124 = arith.constant 0 : i32
      %dma_start3A_125 = tpu.memref_slice %arg10[%dma_start3A_123, %dma_start3A_124] : memref<10112x128xf32, #tpu.memory_space<vmem_shared>> -> memref<10112x128xf32, #tpu.memory_space<vmem_shared>>
      tpu.enqueue_indirect_dma source(%arg8 : memref<128x128xf32, #tpu.memory_space<vmem>>) target(%dma_start3A_125 : memref<10112x128xf32, #tpu.memory_space<vmem_shared>>) offsets(%dma_start3A_122 : memref<128xi32, #tpu.memory_space<vmem>>) semaphore(%arg12 : memref<!tpu.dma_semaphore, #tpu.memory_space<semaphore_mem>>) {add = true}
      %dma_wait3A_126 = arith.constant 0 : i32
      %dma_wait3A_127 = tpu.memref_slice %arg6[%while3A_100, %dma_wait3A_126] : memref<40x128xi32, #tpu.memory_space<vmem>> -> memref<1x128xi32, #tpu.memory_space<vmem>>
      %dma_wait3A_128 = tpu.memref_squeeze %dma_wait3A_127 : memref<1x128xi32, #tpu.memory_space<vmem>> -> memref<128xi32, #tpu.memory_space<vmem>>
      %dma_wait3A_129 = arith.constant 0 : i32
      %dma_wait3A_130 = arith.constant 0 : i32
      %dma_wait3A_131 = tpu.memref_slice %arg2[%dma_wait3A_129, %dma_wait3A_130] : memref<10000x128xf32, #tpu.memory_space<hbm>> -> memref<10000x128xf32, #tpu.memory_space<hbm>>
      tpu.wait_indirect_dma semaphore(%arg11 : memref<!tpu.dma_semaphore, #tpu.memory_space<semaphore_mem>>) src(%dma_wait3A_131 : memref<10000x128xf32, #tpu.memory_space<hbm>>) dst(%arg9 : memref<128x128xf32, #tpu.memory_space<vmem>>)
      %add3A_132 = arith.constant 1 : i32
      %add3A_133 = arith.addi %add3A_101, %add3A_132 : i32
      %dma_start3A_134 = arith.constant 0 : i32
      %dma_start3A_135 = tpu.memref_slice %arg7[%add3A_133, %dma_start3A_134] : memref<40x128xi32, #tpu.memory_space<vmem>> -> memref<1x128xi32, #tpu.memory_space<vmem>>
      %dma_start3A_136 = tpu.memref_squeeze %dma_start3A_135 : memref<1x128xi32, #tpu.memory_space<vmem>> -> memref<128xi32, #tpu.memory_space<vmem>>
      %dma_start3A_137 = arith.constant 0 : i32
      %dma_start3A_138 = arith.constant 0 : i32
      %dma_start3A_139 = tpu.memref_slice %arg10[%dma_start3A_137, %dma_start3A_138] : memref<10112x128xf32, #tpu.memory_space<vmem_shared>> -> memref<10112x128xf32, #tpu.memory_space<vmem_shared>>
      tpu.enqueue_indirect_dma source(%arg9 : memref<128x128xf32, #tpu.memory_space<vmem>>) target(%dma_start3A_139 : memref<10112x128xf32, #tpu.memory_space<vmem_shared>>) offsets(%dma_start3A_136 : memref<128xi32, #tpu.memory_space<vmem>>) semaphore(%arg12 : memref<!tpu.dma_semaphore, #tpu.memory_space<semaphore_mem>>) {add = true}
    }
    %while3A_28 = arith.constant 1 : i32
    scf.for %while3A_100 = %while3A_26 to %while3A_22 step %while3A_28  : i32 {
      %add3A_101 = arith.addi %while3A_100, %while3A_100 : i32
      %dma_start3A = arith.constant 0 : i32
      %dma_start3A_102 = tpu.memref_slice %arg6[%add3A_101, %dma_start3A] : memref<40x128xi32, #tpu.memory_space<vmem>> -> memref<1x128xi32, #tpu.memory_space<vmem>>
      %dma_start3A_103 = tpu.memref_squeeze %dma_start3A_102 : memref<1x128xi32, #tpu.memory_space<vmem>> -> memref<128xi32, #tpu.memory_space<vmem>>
      %dma_start3A_104 = arith.constant 0 : i32
      %dma_start3A_105 = arith.constant 0 : i32
      %dma_start3A_106 = tpu.memref_slice %arg2[%dma_start3A_104, %dma_start3A_105] : memref<10000x128xf32, #tpu.memory_space<hbm>> -> memref<10000x128xf32, #tpu.memory_space<hbm>>
      tpu.enqueue_indirect_dma source(%dma_start3A_106 : memref<10000x128xf32, #tpu.memory_space<hbm>>) target(%arg8 : memref<128x128xf32, #tpu.memory_space<vmem>>) offsets(%dma_start3A_103 : memref<128xi32, #tpu.memory_space<vmem>>) semaphore(%arg11 : memref<!tpu.dma_semaphore, #tpu.memory_space<semaphore_mem>>)
      %add3A_107 = arith.constant 1 : i32
      %add3A_108 = arith.addi %add3A_101, %add3A_107 : i32
      %dma_start3A_109 = arith.constant 0 : i32
      %dma_start3A_110 = tpu.memref_slice %arg6[%add3A_108, %dma_start3A_109] : memref<40x128xi32, #tpu.memory_space<vmem>> -> memref<1x128xi32, #tpu.memory_space<vmem>>
      %dma_start3A_111 = tpu.memref_squeeze %dma_start3A_110 : memref<1x128xi32, #tpu.memory_space<vmem>> -> memref<128xi32, #tpu.memory_space<vmem>>
      %dma_start3A_112 = arith.constant 0 : i32
      %dma_start3A_113 = arith.constant 0 : i32
      %dma_start3A_114 = tpu.memref_slice %arg2[%dma_start3A_112, %dma_start3A_113] : memref<10000x128xf32, #tpu.memory_space<hbm>> -> memref<10000x128xf32, #tpu.memory_space<hbm>>
      tpu.enqueue_indirect_dma source(%dma_start3A_114 : memref<10000x128xf32, #tpu.memory_space<hbm>>) target(%arg9 : memref<128x128xf32, #tpu.memory_space<vmem>>) offsets(%dma_start3A_111 : memref<128xi32, #tpu.memory_space<vmem>>) semaphore(%arg11 : memref<!tpu.dma_semaphore, #tpu.memory_space<semaphore_mem>>)
      %dma_wait3A = arith.constant 0 : i32
      %dma_wait3A_115 = tpu.memref_slice %arg6[%while3A_100, %dma_wait3A] : memref<40x128xi32, #tpu.memory_space<vmem>> -> memref<1x128xi32, #tpu.memory_space<vmem>>
      %dma_wait3A_116 = tpu.memref_squeeze %dma_wait3A_115 : memref<1x128xi32, #tpu.memory_space<vmem>> -> memref<128xi32, #tpu.memory_space<vmem>>
      %dma_wait3A_117 = arith.constant 0 : i32
      %dma_wait3A_118 = arith.constant 0 : i32
      %dma_wait3A_119 = tpu.memref_slice %arg2[%dma_wait3A_117, %dma_wait3A_118] : memref<10000x128xf32, #tpu.memory_space<hbm>> -> memref<10000x128xf32, #tpu.memory_space<hbm>>
      tpu.wait_indirect_dma semaphore(%arg11 : memref<!tpu.dma_semaphore, #tpu.memory_space<semaphore_mem>>) src(%dma_wait3A_119 : memref<10000x128xf32, #tpu.memory_space<hbm>>) dst(%arg8 : memref<128x128xf32, #tpu.memory_space<vmem>>)
      %dma_start3A_120 = arith.constant 0 : i32
      %dma_start3A_121 = tpu.memref_slice %arg7[%add3A_101, %dma_start3A_120] : memref<40x128xi32, #tpu.memory_space<vmem>> -> memref<1x128xi32, #tpu.memory_space<vmem>>
      %dma_start3A_122 = tpu.memref_squeeze %dma_start3A_121 : memref<1x128xi32, #tpu.memory_space<vmem>> -> memref<128xi32, #tpu.memory_space<vmem>>
      %dma_start3A_123 = arith.constant 0 : i32
      %dma_start3A_124 = arith.constant 0 : i32
      %dma_start3A_125 = tpu.memref_slice %arg10[%dma_start3A_123, %dma_start3A_124] : memref<10112x128xf32, #tpu.memory_space<vmem_shared>> -> memref<10112x128xf32, #tpu.memory_space<vmem_shared>>
      tpu.enqueue_indirect_dma source(%arg8 : memref<128x128xf32, #tpu.memory_space<vmem>>) target(%dma_start3A_125 : memref<10112x128xf32, #tpu.memory_space<vmem_shared>>) offsets(%dma_start3A_122 : memref<128xi32, #tpu.memory_space<vmem>>) semaphore(%arg12 : memref<!tpu.dma_semaphore, #tpu.memory_space<semaphore_mem>>) {add = true}
      %dma_wait3A_126 = arith.constant 0 : i32
      %dma_wait3A_127 = tpu.memref_slice %arg6[%while3A_100, %dma_wait3A_126] : memref<40x128xi32, #tpu.memory_space<vmem>> -> memref<1x128xi32, #tpu.memory_space<vmem>>
      %dma_wait3A_128 = tpu.memref_squeeze %dma_wait3A_127 : memref<1x128xi32, #tpu.memory_space<vmem>> -> memref<128xi32, #tpu.memory_space<vmem>>
      %dma_wait3A_129 = arith.constant 0 : i32
      %dma_wait3A_130 = arith.constant 0 : i32
      %dma_wait3A_131 = tpu.memref_slice %arg2[%dma_wait3A_129, %dma_wait3A_130] : memref<10000x128xf32, #tpu.memory_space<hbm>> -> memref<10000x128xf32, #tpu.memory_space<hbm>>
      tpu.wait_indirect_dma semaphore(%arg11 : memref<!tpu.dma_semaphore, #tpu.memory_space<semaphore_mem>>) src(%dma_wait3A_131 : memref<10000x128xf32, #tpu.memory_space<hbm>>) dst(%arg9 : memref<128x128xf32, #tpu.memory_space<vmem>>)
      %add3A_132 = arith.constant 1 : i32
      %add3A_133 = arith.addi %add3A_101, %add3A_132 : i32
      %dma_start3A_134 = arith.constant 0 : i32
      %dma_start3A_135 = tpu.memref_slice %arg7[%add3A_133, %dma_start3A_134] : memref<40x128xi32, #tpu.memory_space<vmem>> -> memref<1x128xi32, #tpu.memory_space<vmem>>
      %dma_start3A_136 = tpu.memref_squeeze %dma_start3A_135 : memref<1x128xi32, #tpu.memory_space<vmem>> -> memref<128xi32, #tpu.memory_space<vmem>>
      %dma_start3A_137 = arith.constant 0 : i32
      %dma_start3A_138 = arith.constant 0 : i32
      %dma_start3A_139 = tpu.memref_slice %arg10[%dma_start3A_137, %dma_start3A_138] : memref<10112x128xf32, #tpu.memory_space<vmem_shared>> -> memref<10112x128xf32, #tpu.memory_space<vmem_shared>>
      tpu.enqueue_indirect_dma source(%arg9 : memref<128x128xf32, #tpu.memory_space<vmem>>) target(%dma_start3A_139 : memref<10112x128xf32, #tpu.memory_space<vmem_shared>>) offsets(%dma_start3A_136 : memref<128xi32, #tpu.memory_space<vmem>>) semaphore(%arg12 : memref<!tpu.dma_semaphore, #tpu.memory_space<semaphore_mem>>) {add = true}
    }
    %while3A_29 = arith.constant 1 : i32
    %while3A_30 = arith.constant 20 : i32
    %while3A_31 = arith.subi %while3A_30, %while3A_29 : i32
    %while3A_32 = arith.addi %while3A_29, %while3A_31 : i32
    %while3A_33 = arith.constant 1 : i32
    %while3A_34 = arith.divsi %while3A_31, %while3A_33 : i32
    %while3A_35 = arith.muli %while3A_34, %while3A_33 : i32
    %while3A_36 = arith.addi %while3A_29, %while3A_35 : i32
    %while3A_37 = arith.constant 1 : i32
    scf.for %while3A_100 = %while3A_29 to %while3A_36 step %while3A_37  : i32 {
      %add3A_101 = arith.addi %while3A_100, %while3A_100 : i32
      %dma_wait3A = arith.constant 0 : i32
      %dma_wait3A_102 = tpu.memref_slice %arg7[%while3A_100, %dma_wait3A] : memref<40x128xi32, #tpu.memory_space<vmem>> -> memref<1x128xi32, #tpu.memory_space<vmem>>
      %dma_wait3A_103 = tpu.memref_squeeze %dma_wait3A_102 : memref<1x128xi32, #tpu.memory_space<vmem>> -> memref<128xi32, #tpu.memory_space<vmem>>
      %dma_wait3A_104 = arith.constant 0 : i32
      %dma_wait3A_105 = arith.constant 0 : i32
      %dma_wait3A_106 = tpu.memref_slice %arg10[%dma_wait3A_104, %dma_wait3A_105] : memref<10112x128xf32, #tpu.memory_space<vmem_shared>> -> memref<10112x128xf32, #tpu.memory_space<vmem_shared>>
      tpu.wait_indirect_dma semaphore(%arg12 : memref<!tpu.dma_semaphore, #tpu.memory_space<semaphore_mem>>) src(%arg8 : memref<128x128xf32, #tpu.memory_space<vmem>>) dst(%dma_wait3A_106 : memref<10112x128xf32, #tpu.memory_space<vmem_shared>>)
      %dma_start3A = arith.constant 0 : i32
      %dma_start3A_107 = tpu.memref_slice %arg6[%add3A_101, %dma_start3A] : memref<40x128xi32, #tpu.memory_space<vmem>> -> memref<1x128xi32, #tpu.memory_space<vmem>>
      %dma_start3A_108 = tpu.memref_squeeze %dma_start3A_107 : memref<1x128xi32, #tpu.memory_space<vmem>> -> memref<128xi32, #tpu.memory_space<vmem>>
      %dma_start3A_109 = arith.constant 0 : i32
      %dma_start3A_110 = arith.constant 0 : i32
      %dma_start3A_111 = tpu.memref_slice %arg2[%dma_start3A_109, %dma_start3A_110] : memref<10000x128xf32, #tpu.memory_space<hbm>> -> memref<10000x128xf32, #tpu.memory_space<hbm>>
      tpu.enqueue_indirect_dma source(%dma_start3A_111 : memref<10000x128xf32, #tpu.memory_space<hbm>>) target(%arg8 : memref<128x128xf32, #tpu.memory_space<vmem>>) offsets(%dma_start3A_108 : memref<128xi32, #tpu.memory_space<vmem>>) semaphore(%arg11 : memref<!tpu.dma_semaphore, #tpu.memory_space<semaphore_mem>>)
      %dma_wait3A_112 = arith.constant 0 : i32
      %dma_wait3A_113 = tpu.memref_slice %arg7[%while3A_100, %dma_wait3A_112] : memref<40x128xi32, #tpu.memory_space<vmem>> -> memref<1x128xi32, #tpu.memory_space<vmem>>
      %dma_wait3A_114 = tpu.memref_squeeze %dma_wait3A_113 : memref<1x128xi32, #tpu.memory_space<vmem>> -> memref<128xi32, #tpu.memory_space<vmem>>
      %dma_wait3A_115 = arith.constant 0 : i32
      %dma_wait3A_116 = arith.constant 0 : i32
      %dma_wait3A_117 = tpu.memref_slice %arg10[%dma_wait3A_115, %dma_wait3A_116] : memref<10112x128xf32, #tpu.memory_space<vmem_shared>> -> memref<10112x128xf32, #tpu.memory_space<vmem_shared>>
      tpu.wait_indirect_dma semaphore(%arg12 : memref<!tpu.dma_semaphore, #tpu.memory_space<semaphore_mem>>) src(%arg9 : memref<128x128xf32, #tpu.memory_space<vmem>>) dst(%dma_wait3A_117 : memref<10112x128xf32, #tpu.memory_space<vmem_shared>>)
      %add3A_118 = arith.constant 1 : i32
      %add3A_119 = arith.addi %add3A_101, %add3A_118 : i32
      %dma_start3A_120 = arith.constant 0 : i32
      %dma_start3A_121 = tpu.memref_slice %arg6[%add3A_119, %dma_start3A_120] : memref<40x128xi32, #tpu.memory_space<vmem>> -> memref<1x128xi32, #tpu.memory_space<vmem>>
      %dma_start3A_122 = tpu.memref_squeeze %dma_start3A_121 : memref<1x128xi32, #tpu.memory_space<vmem>> -> memref<128xi32, #tpu.memory_space<vmem>>
      %dma_start3A_123 = arith.constant 0 : i32
      %dma_start3A_124 = arith.constant 0 : i32
      %dma_start3A_125 = tpu.memref_slice %arg2[%dma_start3A_123, %dma_start3A_124] : memref<10000x128xf32, #tpu.memory_space<hbm>> -> memref<10000x128xf32, #tpu.memory_space<hbm>>
      tpu.enqueue_indirect_dma source(%dma_start3A_125 : memref<10000x128xf32, #tpu.memory_space<hbm>>) target(%arg9 : memref<128x128xf32, #tpu.memory_space<vmem>>) offsets(%dma_start3A_122 : memref<128xi32, #tpu.memory_space<vmem>>) semaphore(%arg11 : memref<!tpu.dma_semaphore, #tpu.memory_space<semaphore_mem>>)
      %dma_wait3A_126 = arith.constant 0 : i32
      %dma_wait3A_127 = tpu.memref_slice %arg6[%while3A_100, %dma_wait3A_126] : memref<40x128xi32, #tpu.memory_space<vmem>> -> memref<1x128xi32, #tpu.memory_space<vmem>>
      %dma_wait3A_128 = tpu.memref_squeeze %dma_wait3A_127 : memref<1x128xi32, #tpu.memory_space<vmem>> -> memref<128xi32, #tpu.memory_space<vmem>>
      %dma_wait3A_129 = arith.constant 0 : i32
      %dma_wait3A_130 = arith.constant 0 : i32
      %dma_wait3A_131 = tpu.memref_slice %arg2[%dma_wait3A_129, %dma_wait3A_130] : memref<10000x128xf32, #tpu.memory_space<hbm>> -> memref<10000x128xf32, #tpu.memory_space<hbm>>
      tpu.wait_indirect_dma semaphore(%arg11 : memref<!tpu.dma_semaphore, #tpu.memory_space<semaphore_mem>>) src(%dma_wait3A_131 : memref<10000x128xf32, #tpu.memory_space<hbm>>) dst(%arg8 : memref<128x128xf32, #tpu.memory_space<vmem>>)
      %dma_start3A_132 = arith.constant 0 : i32
      %dma_start3A_133 = tpu.memref_slice %arg7[%add3A_101, %dma_start3A_132] : memref<40x128xi32, #tpu.memory_space<vmem>> -> memref<1x128xi32, #tpu.memory_space<vmem>>
      %dma_start3A_134 = tpu.memref_squeeze %dma_start3A_133 : memref<1x128xi32, #tpu.memory_space<vmem>> -> memref<128xi32, #tpu.memory_space<vmem>>
      %dma_start3A_135 = arith.constant 0 : i32
      %dma_start3A_136 = arith.constant 0 : i32
      %dma_start3A_137 = tpu.memref_slice %arg10[%dma_start3A_135, %dma_start3A_136] : memref<10112x128xf32, #tpu.memory_space<vmem_shared>> -> memref<10112x128xf32, #tpu.memory_space<vmem_shared>>
      tpu.enqueue_indirect_dma source(%arg8 : memref<128x128xf32, #tpu.memory_space<vmem>>) target(%dma_start3A_137 : memref<10112x128xf32, #tpu.memory_space<vmem_shared>>) offsets(%dma_start3A_134 : memref<128xi32, #tpu.memory_space<vmem>>) semaphore(%arg12 : memref<!tpu.dma_semaphore, #tpu.memory_space<semaphore_mem>>) {add = true}
      %dma_wait3A_138 = arith.constant 0 : i32
      %dma_wait3A_139 = tpu.memref_slice %arg6[%while3A_100, %dma_wait3A_138] : memref<40x128xi32, #tpu.memory_space<vmem>> -> memref<1x128xi32, #tpu.memory_space<vmem>>
      %dma_wait3A_140 = tpu.memref_squeeze %dma_wait3A_139 : memref<1x128xi32, #tpu.memory_space<vmem>> -> memref<128xi32, #tpu.memory_space<vmem>>
      %dma_wait3A_141 = arith.constant 0 : i32
      %dma_wait3A_142 = arith.constant 0 : i32
      %dma_wait3A_143 = tpu.memref_slice %arg2[%dma_wait3A_141, %dma_wait3A_142] : memref<10000x128xf32, #tpu.memory_space<hbm>> -> memref<10000x128xf32, #tpu.memory_space<hbm>>
      tpu.wait_indirect_dma semaphore(%arg11 : memref<!tpu.dma_semaphore, #tpu.memory_space<semaphore_mem>>) src(%dma_wait3A_143 : memref<10000x128xf32, #tpu.memory_space<hbm>>) dst(%arg9 : memref<128x128xf32, #tpu.memory_space<vmem>>)
      %add3A_144 = arith.constant 1 : i32
      %add3A_145 = arith.addi %add3A_101, %add3A_144 : i32
      %dma_start3A_146 = arith.constant 0 : i32
      %dma_start3A_147 = tpu.memref_slice %arg7[%add3A_145, %dma_start3A_146] : memref<40x128xi32, #tpu.memory_space<vmem>> -> memref<1x128xi32, #tpu.memory_space<vmem>>
      %dma_start3A_148 = tpu.memref_squeeze %dma_start3A_147 : memref<1x128xi32, #tpu.memory_space<vmem>> -> memref<128xi32, #tpu.memory_space<vmem>>
      %dma_start3A_149 = arith.constant 0 : i32
      %dma_start3A_150 = arith.constant 0 : i32
      %dma_start3A_151 = tpu.memref_slice %arg10[%dma_start3A_149, %dma_start3A_150] : memref<10112x128xf32, #tpu.memory_space<vmem_shared>> -> memref<10112x128xf32, #tpu.memory_space<vmem_shared>>
      tpu.enqueue_indirect_dma source(%arg9 : memref<128x128xf32, #tpu.memory_space<vmem>>) target(%dma_start3A_151 : memref<10112x128xf32, #tpu.memory_space<vmem_shared>>) offsets(%dma_start3A_148 : memref<128xi32, #tpu.memory_space<vmem>>) semaphore(%arg12 : memref<!tpu.dma_semaphore, #tpu.memory_space<semaphore_mem>>) {add = true}
    }
    %while3A_38 = arith.constant 1 : i32
    scf.for %while3A_100 = %while3A_36 to %while3A_32 step %while3A_38  : i32 {
      %add3A_101 = arith.addi %while3A_100, %while3A_100 : i32
      %dma_wait3A = arith.constant 0 : i32
      %dma_wait3A_102 = tpu.memref_slice %arg7[%while3A_100, %dma_wait3A] : memref<40x128xi32, #tpu.memory_space<vmem>> -> memref<1x128xi32, #tpu.memory_space<vmem>>
      %dma_wait3A_103 = tpu.memref_squeeze %dma_wait3A_102 : memref<1x128xi32, #tpu.memory_space<vmem>> -> memref<128xi32, #tpu.memory_space<vmem>>
      %dma_wait3A_104 = arith.constant 0 : i32
      %dma_wait3A_105 = arith.constant 0 : i32
      %dma_wait3A_106 = tpu.memref_slice %arg10[%dma_wait3A_104, %dma_wait3A_105] : memref<10112x128xf32, #tpu.memory_space<vmem_shared>> -> memref<10112x128xf32, #tpu.memory_space<vmem_shared>>
      tpu.wait_indirect_dma semaphore(%arg12 : memref<!tpu.dma_semaphore, #tpu.memory_space<semaphore_mem>>) src(%arg8 : memref<128x128xf32, #tpu.memory_space<vmem>>) dst(%dma_wait3A_106 : memref<10112x128xf32, #tpu.memory_space<vmem_shared>>)
      %dma_start3A = arith.constant 0 : i32
      %dma_start3A_107 = tpu.memref_slice %arg6[%add3A_101, %dma_start3A] : memref<40x128xi32, #tpu.memory_space<vmem>> -> memref<1x128xi32, #tpu.memory_space<vmem>>
      %dma_start3A_108 = tpu.memref_squeeze %dma_start3A_107 : memref<1x128xi32, #tpu.memory_space<vmem>> -> memref<128xi32, #tpu.memory_space<vmem>>
      %dma_start3A_109 = arith.constant 0 : i32
      %dma_start3A_110 = arith.constant 0 : i32
      %dma_start3A_111 = tpu.memref_slice %arg2[%dma_start3A_109, %dma_start3A_110] : memref<10000x128xf32, #tpu.memory_space<hbm>> -> memref<10000x128xf32, #tpu.memory_space<hbm>>
      tpu.enqueue_indirect_dma source(%dma_start3A_111 : memref<10000x128xf32, #tpu.memory_space<hbm>>) target(%arg8 : memref<128x128xf32, #tpu.memory_space<vmem>>) offsets(%dma_start3A_108 : memref<128xi32, #tpu.memory_space<vmem>>) semaphore(%arg11 : memref<!tpu.dma_semaphore, #tpu.memory_space<semaphore_mem>>)
      %dma_wait3A_112 = arith.constant 0 : i32
      %dma_wait3A_113 = tpu.memref_slice %arg7[%while3A_100, %dma_wait3A_112] : memref<40x128xi32, #tpu.memory_space<vmem>> -> memref<1x128xi32, #tpu.memory_space<vmem>>
      %dma_wait3A_114 = tpu.memref_squeeze %dma_wait3A_113 : memref<1x128xi32, #tpu.memory_space<vmem>> -> memref<128xi32, #tpu.memory_space<vmem>>
      %dma_wait3A_115 = arith.constant 0 : i32
      %dma_wait3A_116 = arith.constant 0 : i32
      %dma_wait3A_117 = tpu.memref_slice %arg10[%dma_wait3A_115, %dma_wait3A_116] : memref<10112x128xf32, #tpu.memory_space<vmem_shared>> -> memref<10112x128xf32, #tpu.memory_space<vmem_shared>>
      tpu.wait_indirect_dma semaphore(%arg12 : memref<!tpu.dma_semaphore, #tpu.memory_space<semaphore_mem>>) src(%arg9 : memref<128x128xf32, #tpu.memory_space<vmem>>) dst(%dma_wait3A_117 : memref<10112x128xf32, #tpu.memory_space<vmem_shared>>)
      %add3A_118 = arith.constant 1 : i32
      %add3A_119 = arith.addi %add3A_101, %add3A_118 : i32
      %dma_start3A_120 = arith.constant 0 : i32
      %dma_start3A_121 = tpu.memref_slice %arg6[%add3A_119, %dma_start3A_120] : memref<40x128xi32, #tpu.memory_space<vmem>> -> memref<1x128xi32, #tpu.memory_space<vmem>>
      %dma_start3A_122 = tpu.memref_squeeze %dma_start3A_121 : memref<1x128xi32, #tpu.memory_space<vmem>> -> memref<128xi32, #tpu.memory_space<vmem>>
      %dma_start3A_123 = arith.constant 0 : i32
      %dma_start3A_124 = arith.constant 0 : i32
      %dma_start3A_125 = tpu.memref_slice %arg2[%dma_start3A_123, %dma_start3A_124] : memref<10000x128xf32, #tpu.memory_space<hbm>> -> memref<10000x128xf32, #tpu.memory_space<hbm>>
      tpu.enqueue_indirect_dma source(%dma_start3A_125 : memref<10000x128xf32, #tpu.memory_space<hbm>>) target(%arg9 : memref<128x128xf32, #tpu.memory_space<vmem>>) offsets(%dma_start3A_122 : memref<128xi32, #tpu.memory_space<vmem>>) semaphore(%arg11 : memref<!tpu.dma_semaphore, #tpu.memory_space<semaphore_mem>>)
      %dma_wait3A_126 = arith.constant 0 : i32
      %dma_wait3A_127 = tpu.memref_slice %arg6[%while3A_100, %dma_wait3A_126] : memref<40x128xi32, #tpu.memory_space<vmem>> -> memref<1x128xi32, #tpu.memory_space<vmem>>
      %dma_wait3A_128 = tpu.memref_squeeze %dma_wait3A_127 : memref<1x128xi32, #tpu.memory_space<vmem>> -> memref<128xi32, #tpu.memory_space<vmem>>
      %dma_wait3A_129 = arith.constant 0 : i32
      %dma_wait3A_130 = arith.constant 0 : i32
      %dma_wait3A_131 = tpu.memref_slice %arg2[%dma_wait3A_129, %dma_wait3A_130] : memref<10000x128xf32, #tpu.memory_space<hbm>> -> memref<10000x128xf32, #tpu.memory_space<hbm>>
      tpu.wait_indirect_dma semaphore(%arg11 : memref<!tpu.dma_semaphore, #tpu.memory_space<semaphore_mem>>) src(%dma_wait3A_131 : memref<10000x128xf32, #tpu.memory_space<hbm>>) dst(%arg8 : memref<128x128xf32, #tpu.memory_space<vmem>>)
      %dma_start3A_132 = arith.constant 0 : i32
      %dma_start3A_133 = tpu.memref_slice %arg7[%add3A_101, %dma_start3A_132] : memref<40x128xi32, #tpu.memory_space<vmem>> -> memref<1x128xi32, #tpu.memory_space<vmem>>
      %dma_start3A_134 = tpu.memref_squeeze %dma_start3A_133 : memref<1x128xi32, #tpu.memory_space<vmem>> -> memref<128xi32, #tpu.memory_space<vmem>>
      %dma_start3A_135 = arith.constant 0 : i32
      %dma_start3A_136 = arith.constant 0 : i32
      %dma_start3A_137 = tpu.memref_slice %arg10[%dma_start3A_135, %dma_start3A_136] : memref<10112x128xf32, #tpu.memory_space<vmem_shared>> -> memref<10112x128xf32, #tpu.memory_space<vmem_shared>>
      tpu.enqueue_indirect_dma source(%arg8 : memref<128x128xf32, #tpu.memory_space<vmem>>) target(%dma_start3A_137 : memref<10112x128xf32, #tpu.memory_space<vmem_shared>>) offsets(%dma_start3A_134 : memref<128xi32, #tpu.memory_space<vmem>>) semaphore(%arg12 : memref<!tpu.dma_semaphore, #tpu.memory_space<semaphore_mem>>) {add = true}
      %dma_wait3A_138 = arith.constant 0 : i32
      %dma_wait3A_139 = tpu.memref_slice %arg6[%while3A_100, %dma_wait3A_138] : memref<40x128xi32, #tpu.memory_space<vmem>> -> memref<1x128xi32, #tpu.memory_space<vmem>>
      %dma_wait3A_140 = tpu.memref_squeeze %dma_wait3A_139 : memref<1x128xi32, #tpu.memory_space<vmem>> -> memref<128xi32, #tpu.memory_space<vmem>>
      %dma_wait3A_141 = arith.constant 0 : i32
      %dma_wait3A_142 = arith.constant 0 : i32
      %dma_wait3A_143 = tpu.memref_slice %arg2[%dma_wait3A_141, %dma_wait3A_142] : memref<10000x128xf32, #tpu.memory_space<hbm>> -> memref<10000x128xf32, #tpu.memory_space<hbm>>
      tpu.wait_indirect_dma semaphore(%arg11 : memref<!tpu.dma_semaphore, #tpu.memory_space<semaphore_mem>>) src(%dma_wait3A_143 : memref<10000x128xf32, #tpu.memory_space<hbm>>) dst(%arg9 : memref<128x128xf32, #tpu.memory_space<vmem>>)
      %add3A_144 = arith.constant 1 : i32
      %add3A_145 = arith.addi %add3A_101, %add3A_144 : i32
      %dma_start3A_146 = arith.constant 0 : i32
      %dma_start3A_147 = tpu.memref_slice %arg7[%add3A_145, %dma_start3A_146] : memref<40x128xi32, #tpu.memory_space<vmem>> -> memref<1x128xi32, #tpu.memory_space<vmem>>
      %dma_start3A_148 = tpu.memref_squeeze %dma_start3A_147 : memref<1x128xi32, #tpu.memory_space<vmem>> -> memref<128xi32, #tpu.memory_space<vmem>>
      %dma_start3A_149 = arith.constant 0 : i32
      %dma_start3A_150 = arith.constant 0 : i32
      %dma_start3A_151 = tpu.memref_slice %arg10[%dma_start3A_149, %dma_start3A_150] : memref<10112x128xf32, #tpu.memory_space<vmem_shared>> -> memref<10112x128xf32, #tpu.memory_space<vmem_shared>>
      tpu.enqueue_indirect_dma source(%arg9 : memref<128x128xf32, #tpu.memory_space<vmem>>) target(%dma_start3A_151 : memref<10112x128xf32, #tpu.memory_space<vmem_shared>>) offsets(%dma_start3A_148 : memref<128xi32, #tpu.memory_space<vmem>>) semaphore(%arg12 : memref<!tpu.dma_semaphore, #tpu.memory_space<semaphore_mem>>) {add = true}
    }
    %while3A_39 = arith.constant 0 : i32
    %while3A_40 = arith.constant 1 : i32
    %while3A_41 = arith.subi %while3A_40, %while3A_39 : i32
    %while3A_42 = arith.addi %while3A_39, %while3A_41 : i32
    %while3A_43 = arith.constant 1 : i32
    %while3A_44 = arith.divsi %while3A_41, %while3A_43 : i32
    %while3A_45 = arith.muli %while3A_44, %while3A_43 : i32
    %while3A_46 = arith.addi %while3A_39, %while3A_45 : i32
    %while3A_47 = arith.constant 1 : i32
    scf.for %while3A_100 = %while3A_39 to %while3A_46 step %while3A_47  : i32 {
      %dma_wait3A = arith.constant 0 : i32
      %dma_wait3A_101 = tpu.memref_slice %arg7[%while3A_100, %dma_wait3A] : memref<40x128xi32, #tpu.memory_space<vmem>> -> memref<1x128xi32, #tpu.memory_space<vmem>>
      %dma_wait3A_102 = tpu.memref_squeeze %dma_wait3A_101 : memref<1x128xi32, #tpu.memory_space<vmem>> -> memref<128xi32, #tpu.memory_space<vmem>>
      %dma_wait3A_103 = arith.constant 0 : i32
      %dma_wait3A_104 = arith.constant 0 : i32
      %dma_wait3A_105 = tpu.memref_slice %arg10[%dma_wait3A_103, %dma_wait3A_104] : memref<10112x128xf32, #tpu.memory_space<vmem_shared>> -> memref<10112x128xf32, #tpu.memory_space<vmem_shared>>
      tpu.wait_indirect_dma semaphore(%arg12 : memref<!tpu.dma_semaphore, #tpu.memory_space<semaphore_mem>>) src(%arg8 : memref<128x128xf32, #tpu.memory_space<vmem>>) dst(%dma_wait3A_105 : memref<10112x128xf32, #tpu.memory_space<vmem_shared>>)
      %dma_wait3A_106 = arith.constant 0 : i32
      %dma_wait3A_107 = tpu.memref_slice %arg7[%while3A_100, %dma_wait3A_106] : memref<40x128xi32, #tpu.memory_space<vmem>> -> memref<1x128xi32, #tpu.memory_space<vmem>>
      %dma_wait3A_108 = tpu.memref_squeeze %dma_wait3A_107 : memref<1x128xi32, #tpu.memory_space<vmem>> -> memref<128xi32, #tpu.memory_space<vmem>>
      %dma_wait3A_109 = arith.constant 0 : i32
      %dma_wait3A_110 = arith.constant 0 : i32
      %dma_wait3A_111 = tpu.memref_slice %arg10[%dma_wait3A_109, %dma_wait3A_110] : memref<10112x128xf32, #tpu.memory_space<vmem_shared>> -> memref<10112x128xf32, #tpu.memory_space<vmem_shared>>
      tpu.wait_indirect_dma semaphore(%arg12 : memref<!tpu.dma_semaphore, #tpu.memory_space<semaphore_mem>>) src(%arg9 : memref<128x128xf32, #tpu.memory_space<vmem>>) dst(%dma_wait3A_111 : memref<10112x128xf32, #tpu.memory_space<vmem_shared>>)
    }
    %while3A_48 = arith.constant 1 : i32
    scf.for %while3A_100 = %while3A_46 to %while3A_42 step %while3A_48  : i32 {
      %dma_wait3A = arith.constant 0 : i32
      %dma_wait3A_101 = tpu.memref_slice %arg7[%while3A_100, %dma_wait3A] : memref<40x128xi32, #tpu.memory_space<vmem>> -> memref<1x128xi32, #tpu.memory_space<vmem>>
      %dma_wait3A_102 = tpu.memref_squeeze %dma_wait3A_101 : memref<1x128xi32, #tpu.memory_space<vmem>> -> memref<128xi32, #tpu.memory_space<vmem>>
      %dma_wait3A_103 = arith.constant 0 : i32
      %dma_wait3A_104 = arith.constant 0 : i32
      %dma_wait3A_105 = tpu.memref_slice %arg10[%dma_wait3A_103, %dma_wait3A_104] : memref<10112x128xf32, #tpu.memory_space<vmem_shared>> -> memref<10112x128xf32, #tpu.memory_space<vmem_shared>>
      tpu.wait_indirect_dma semaphore(%arg12 : memref<!tpu.dma_semaphore, #tpu.memory_space<semaphore_mem>>) src(%arg8 : memref<128x128xf32, #tpu.memory_space<vmem>>) dst(%dma_wait3A_105 : memref<10112x128xf32, #tpu.memory_space<vmem_shared>>)
      %dma_wait3A_106 = arith.constant 0 : i32
      %dma_wait3A_107 = tpu.memref_slice %arg7[%while3A_100, %dma_wait3A_106] : memref<40x128xi32, #tpu.memory_space<vmem>> -> memref<1x128xi32, #tpu.memory_space<vmem>>
      %dma_wait3A_108 = tpu.memref_squeeze %dma_wait3A_107 : memref<1x128xi32, #tpu.memory_space<vmem>> -> memref<128xi32, #tpu.memory_space<vmem>>
      %dma_wait3A_109 = arith.constant 0 : i32
      %dma_wait3A_110 = arith.constant 0 : i32
      %dma_wait3A_111 = tpu.memref_slice %arg10[%dma_wait3A_109, %dma_wait3A_110] : memref<10112x128xf32, #tpu.memory_space<vmem_shared>> -> memref<10112x128xf32, #tpu.memory_space<vmem_shared>>
      tpu.wait_indirect_dma semaphore(%arg12 : memref<!tpu.dma_semaphore, #tpu.memory_space<semaphore_mem>>) src(%arg9 : memref<128x128xf32, #tpu.memory_space<vmem>>) dst(%dma_wait3A_111 : memref<10112x128xf32, #tpu.memory_space<vmem_shared>>)
    }
    "tpu.region"() ({
      %run_scoped3A = tpu.sem_alloc : memref<!tpu.dma_semaphore, #tpu.memory_space<semaphore_mem>>
      %dma_start3A = arith.constant 40 : i32
      %dma_start3A_100 = arith.constant 0 : i32
      %dma_start3A_101 = tpu.memref_slice %arg3[%arg0, %arg1, %dma_start3A, %dma_start3A_100] : memref<2x16x80x128xi32, #tpu.memory_space<hbm>> -> memref<1x1x40x128xi32, #tpu.memory_space<hbm>>
      %dma_start3A_102 = tpu.memref_squeeze %dma_start3A_101 : memref<1x1x40x128xi32, #tpu.memory_space<hbm>> -> memref<40x128xi32, #tpu.memory_space<hbm>>
      %dma_start3A_103 = arith.constant 40 : i32
      %dma_start3A_104 = arith.constant 0 : i32
      %dma_start3A_105 = tpu.memref_slice %arg3[%arg0, %arg1, %dma_start3A_103, %dma_start3A_104] : memref<2x16x80x128xi32, #tpu.memory_space<hbm>> -> memref<1x1x40x128xi32, #tpu.memory_space<hbm>>
      %dma_start3A_106 = tpu.memref_squeeze %dma_start3A_105 : memref<1x1x40x128xi32, #tpu.memory_space<hbm>> -> memref<40x128xi32, #tpu.memory_space<hbm>>
      tpu.enqueue_dma source(%dma_start3A_106 : memref<40x128xi32, #tpu.memory_space<hbm>>) target(%arg6 : memref<40x128xi32, #tpu.memory_space<vmem>>) target_semaphore(%run_scoped3A : memref<!tpu.dma_semaphore, #tpu.memory_space<semaphore_mem>>)
      %dma_wait3A = arith.constant 40 : i32
      %dma_wait3A_107 = arith.constant 0 : i32
      %dma_wait3A_108 = tpu.memref_slice %arg3[%arg0, %arg1, %dma_wait3A, %dma_wait3A_107] : memref<2x16x80x128xi32, #tpu.memory_space<hbm>> -> memref<1x1x40x128xi32, #tpu.memory_space<hbm>>
      %dma_wait3A_109 = tpu.memref_squeeze %dma_wait3A_108 : memref<1x1x40x128xi32, #tpu.memory_space<hbm>> -> memref<40x128xi32, #tpu.memory_space<hbm>>
      %dma_wait3A_110 = arith.constant 40 : i32
      %dma_wait3A_111 = arith.constant 0 : i32
      %dma_wait3A_112 = tpu.memref_slice %arg3[%arg0, %arg1, %dma_wait3A_110, %dma_wait3A_111] : memref<2x16x80x128xi32, #tpu.memory_space<hbm>> -> memref<1x1x40x128xi32, #tpu.memory_space<hbm>>
      %dma_wait3A_113 = tpu.memref_squeeze %dma_wait3A_112 : memref<1x1x40x128xi32, #tpu.memory_space<hbm>> -> memref<40x128xi32, #tpu.memory_space<hbm>>
      tpu.wait_dma2 semaphore(%run_scoped3A : memref<!tpu.dma_semaphore, #tpu.memory_space<semaphore_mem>>) src(%dma_wait3A_113 : memref<40x128xi32, #tpu.memory_space<hbm>>) dst(%arg6 : memref<40x128xi32, #tpu.memory_space<vmem>>)
      tpu.yield
    }) : () -> ()
    "tpu.region"() ({
      %run_scoped3A = tpu.sem_alloc : memref<!tpu.dma_semaphore, #tpu.memory_space<semaphore_mem>>
      %dma_start3A = arith.constant 40 : i32
      %dma_start3A_100 = arith.constant 0 : i32
      %dma_start3A_101 = tpu.memref_slice %arg4[%arg0, %arg1, %dma_start3A, %dma_start3A_100] : memref<2x16x80x128xi32, #tpu.memory_space<hbm>> -> memref<1x1x40x128xi32, #tpu.memory_space<hbm>>
      %dma_start3A_102 = tpu.memref_squeeze %dma_start3A_101 : memref<1x1x40x128xi32, #tpu.memory_space<hbm>> -> memref<40x128xi32, #tpu.memory_space<hbm>>
      %dma_start3A_103 = arith.constant 40 : i32
      %dma_start3A_104 = arith.constant 0 : i32
      %dma_start3A_105 = tpu.memref_slice %arg4[%arg0, %arg1, %dma_start3A_103, %dma_start3A_104] : memref<2x16x80x128xi32, #tpu.memory_space<hbm>> -> memref<1x1x40x128xi32, #tpu.memory_space<hbm>>
      %dma_start3A_106 = tpu.memref_squeeze %dma_start3A_105 : memref<1x1x40x128xi32, #tpu.memory_space<hbm>> -> memref<40x128xi32, #tpu.memory_space<hbm>>
      tpu.enqueue_dma source(%dma_start3A_106 : memref<40x128xi32, #tpu.memory_space<hbm>>) target(%arg7 : memref<40x128xi32, #tpu.memory_space<vmem>>) target_semaphore(%run_scoped3A : memref<!tpu.dma_semaphore, #tpu.memory_space<semaphore_mem>>)
      %dma_wait3A = arith.constant 40 : i32
      %dma_wait3A_107 = arith.constant 0 : i32
      %dma_wait3A_108 = tpu.memref_slice %arg4[%arg0, %arg1, %dma_wait3A, %dma_wait3A_107] : memref<2x16x80x128xi32, #tpu.memory_space<hbm>> -> memref<1x1x40x128xi32, #tpu.memory_space<hbm>>
      %dma_wait3A_109 = tpu.memref_squeeze %dma_wait3A_108 : memref<1x1x40x128xi32, #tpu.memory_space<hbm>> -> memref<40x128xi32, #tpu.memory_space<hbm>>
      %dma_wait3A_110 = arith.constant 40 : i32
      %dma_wait3A_111 = arith.constant 0 : i32
      %dma_wait3A_112 = tpu.memref_slice %arg4[%arg0, %arg1, %dma_wait3A_110, %dma_wait3A_111] : memref<2x16x80x128xi32, #tpu.memory_space<hbm>> -> memref<1x1x40x128xi32, #tpu.memory_space<hbm>>
      %dma_wait3A_113 = tpu.memref_squeeze %dma_wait3A_112 : memref<1x1x40x128xi32, #tpu.memory_space<hbm>> -> memref<40x128xi32, #tpu.memory_space<hbm>>
      tpu.wait_dma2 semaphore(%run_scoped3A : memref<!tpu.dma_semaphore, #tpu.memory_space<semaphore_mem>>) src(%dma_wait3A_113 : memref<40x128xi32, #tpu.memory_space<hbm>>) dst(%arg7 : memref<40x128xi32, #tpu.memory_space<vmem>>)
      tpu.yield
    }) : () -> ()
    %while3A_49 = arith.constant 0 : i32
    %while3A_50 = arith.constant 1 : i32
    %while3A_51 = arith.subi %while3A_50, %while3A_49 : i32
    %while3A_52 = arith.addi %while3A_49, %while3A_51 : i32
    %while3A_53 = arith.constant 1 : i32
    %while3A_54 = arith.divsi %while3A_51, %while3A_53 : i32
    %while3A_55 = arith.muli %while3A_54, %while3A_53 : i32
    %while3A_56 = arith.addi %while3A_49, %while3A_55 : i32
    %while3A_57 = arith.constant 1 : i32
    scf.for %while3A_100 = %while3A_49 to %while3A_56 step %while3A_57  : i32 {
      %add3A_101 = arith.addi %while3A_100, %while3A_100 : i32
      %dma_start3A = arith.constant 0 : i32
      %dma_start3A_102 = tpu.memref_slice %arg6[%add3A_101, %dma_start3A] : memref<40x128xi32, #tpu.memory_space<vmem>> -> memref<1x128xi32, #tpu.memory_space<vmem>>
      %dma_start3A_103 = tpu.memref_squeeze %dma_start3A_102 : memref<1x128xi32, #tpu.memory_space<vmem>> -> memref<128xi32, #tpu.memory_space<vmem>>
      %dma_start3A_104 = arith.constant 0 : i32
      %dma_start3A_105 = arith.constant 0 : i32
      %dma_start3A_106 = tpu.memref_slice %arg2[%dma_start3A_104, %dma_start3A_105] : memref<10000x128xf32, #tpu.memory_space<hbm>> -> memref<10000x128xf32, #tpu.memory_space<hbm>>
      tpu.enqueue_indirect_dma source(%dma_start3A_106 : memref<10000x128xf32, #tpu.memory_space<hbm>>) target(%arg8 : memref<128x128xf32, #tpu.memory_space<vmem>>) offsets(%dma_start3A_103 : memref<128xi32, #tpu.memory_space<vmem>>) semaphore(%arg11 : memref<!tpu.dma_semaphore, #tpu.memory_space<semaphore_mem>>)
      %add3A_107 = arith.constant 1 : i32
      %add3A_108 = arith.addi %add3A_101, %add3A_107 : i32
      %dma_start3A_109 = arith.constant 0 : i32
      %dma_start3A_110 = tpu.memref_slice %arg6[%add3A_108, %dma_start3A_109] : memref<40x128xi32, #tpu.memory_space<vmem>> -> memref<1x128xi32, #tpu.memory_space<vmem>>
      %dma_start3A_111 = tpu.memref_squeeze %dma_start3A_110 : memref<1x128xi32, #tpu.memory_space<vmem>> -> memref<128xi32, #tpu.memory_space<vmem>>
      %dma_start3A_112 = arith.constant 0 : i32
      %dma_start3A_113 = arith.constant 0 : i32
      %dma_start3A_114 = tpu.memref_slice %arg2[%dma_start3A_112, %dma_start3A_113] : memref<10000x128xf32, #tpu.memory_space<hbm>> -> memref<10000x128xf32, #tpu.memory_space<hbm>>
      tpu.enqueue_indirect_dma source(%dma_start3A_114 : memref<10000x128xf32, #tpu.memory_space<hbm>>) target(%arg9 : memref<128x128xf32, #tpu.memory_space<vmem>>) offsets(%dma_start3A_111 : memref<128xi32, #tpu.memory_space<vmem>>) semaphore(%arg11 : memref<!tpu.dma_semaphore, #tpu.memory_space<semaphore_mem>>)
      %dma_wait3A = arith.constant 0 : i32
      %dma_wait3A_115 = tpu.memref_slice %arg6[%while3A_100, %dma_wait3A] : memref<40x128xi32, #tpu.memory_space<vmem>> -> memref<1x128xi32, #tpu.memory_space<vmem>>
      %dma_wait3A_116 = tpu.memref_squeeze %dma_wait3A_115 : memref<1x128xi32, #tpu.memory_space<vmem>> -> memref<128xi32, #tpu.memory_space<vmem>>
      %dma_wait3A_117 = arith.constant 0 : i32
      %dma_wait3A_118 = arith.constant 0 : i32
      %dma_wait3A_119 = tpu.memref_slice %arg2[%dma_wait3A_117, %dma_wait3A_118] : memref<10000x128xf32, #tpu.memory_space<hbm>> -> memref<10000x128xf32, #tpu.memory_space<hbm>>
      tpu.wait_indirect_dma semaphore(%arg11 : memref<!tpu.dma_semaphore, #tpu.memory_space<semaphore_mem>>) src(%dma_wait3A_119 : memref<10000x128xf32, #tpu.memory_space<hbm>>) dst(%arg8 : memref<128x128xf32, #tpu.memory_space<vmem>>)
      %dma_start3A_120 = arith.constant 0 : i32
      %dma_start3A_121 = tpu.memref_slice %arg7[%add3A_101, %dma_start3A_120] : memref<40x128xi32, #tpu.memory_space<vmem>> -> memref<1x128xi32, #tpu.memory_space<vmem>>
      %dma_start3A_122 = tpu.memref_squeeze %dma_start3A_121 : memref<1x128xi32, #tpu.memory_space<vmem>> -> memref<128xi32, #tpu.memory_space<vmem>>
      %dma_start3A_123 = arith.constant 0 : i32
      %dma_start3A_124 = arith.constant 0 : i32
      %dma_start3A_125 = tpu.memref_slice %arg10[%dma_start3A_123, %dma_start3A_124] : memref<10112x128xf32, #tpu.memory_space<vmem_shared>> -> memref<10112x128xf32, #tpu.memory_space<vmem_shared>>
      tpu.enqueue_indirect_dma source(%arg8 : memref<128x128xf32, #tpu.memory_space<vmem>>) target(%dma_start3A_125 : memref<10112x128xf32, #tpu.memory_space<vmem_shared>>) offsets(%dma_start3A_122 : memref<128xi32, #tpu.memory_space<vmem>>) semaphore(%arg12 : memref<!tpu.dma_semaphore, #tpu.memory_space<semaphore_mem>>) {add = true}
      %dma_wait3A_126 = arith.constant 0 : i32
      %dma_wait3A_127 = tpu.memref_slice %arg6[%while3A_100, %dma_wait3A_126] : memref<40x128xi32, #tpu.memory_space<vmem>> -> memref<1x128xi32, #tpu.memory_space<vmem>>
      %dma_wait3A_128 = tpu.memref_squeeze %dma_wait3A_127 : memref<1x128xi32, #tpu.memory_space<vmem>> -> memref<128xi32, #tpu.memory_space<vmem>>
      %dma_wait3A_129 = arith.constant 0 : i32
      %dma_wait3A_130 = arith.constant 0 : i32
      %dma_wait3A_131 = tpu.memref_slice %arg2[%dma_wait3A_129, %dma_wait3A_130] : memref<10000x128xf32, #tpu.memory_space<hbm>> -> memref<10000x128xf32, #tpu.memory_space<hbm>>
      tpu.wait_indirect_dma semaphore(%arg11 : memref<!tpu.dma_semaphore, #tpu.memory_space<semaphore_mem>>) src(%dma_wait3A_131 : memref<10000x128xf32, #tpu.memory_space<hbm>>) dst(%arg9 : memref<128x128xf32, #tpu.memory_space<vmem>>)
      %add3A_132 = arith.constant 1 : i32
      %add3A_133 = arith.addi %add3A_101, %add3A_132 : i32
      %dma_start3A_134 = arith.constant 0 : i32
      %dma_start3A_135 = tpu.memref_slice %arg7[%add3A_133, %dma_start3A_134] : memref<40x128xi32, #tpu.memory_space<vmem>> -> memref<1x128xi32, #tpu.memory_space<vmem>>
      %dma_start3A_136 = tpu.memref_squeeze %dma_start3A_135 : memref<1x128xi32, #tpu.memory_space<vmem>> -> memref<128xi32, #tpu.memory_space<vmem>>
      %dma_start3A_137 = arith.constant 0 : i32
      %dma_start3A_138 = arith.constant 0 : i32
      %dma_start3A_139 = tpu.memref_slice %arg10[%dma_start3A_137, %dma_start3A_138] : memref<10112x128xf32, #tpu.memory_space<vmem_shared>> -> memref<10112x128xf32, #tpu.memory_space<vmem_shared>>
      tpu.enqueue_indirect_dma source(%arg9 : memref<128x128xf32, #tpu.memory_space<vmem>>) target(%dma_start3A_139 : memref<10112x128xf32, #tpu.memory_space<vmem_shared>>) offsets(%dma_start3A_136 : memref<128xi32, #tpu.memory_space<vmem>>) semaphore(%arg12 : memref<!tpu.dma_semaphore, #tpu.memory_space<semaphore_mem>>) {add = true}
    }
    %while3A_58 = arith.constant 1 : i32
    scf.for %while3A_100 = %while3A_56 to %while3A_52 step %while3A_58  : i32 {
      %add3A_101 = arith.addi %while3A_100, %while3A_100 : i32
      %dma_start3A = arith.constant 0 : i32
      %dma_start3A_102 = tpu.memref_slice %arg6[%add3A_101, %dma_start3A] : memref<40x128xi32, #tpu.memory_space<vmem>> -> memref<1x128xi32, #tpu.memory_space<vmem>>
      %dma_start3A_103 = tpu.memref_squeeze %dma_start3A_102 : memref<1x128xi32, #tpu.memory_space<vmem>> -> memref<128xi32, #tpu.memory_space<vmem>>
      %dma_start3A_104 = arith.constant 0 : i32
      %dma_start3A_105 = arith.constant 0 : i32
      %dma_start3A_106 = tpu.memref_slice %arg2[%dma_start3A_104, %dma_start3A_105] : memref<10000x128xf32, #tpu.memory_space<hbm>> -> memref<10000x128xf32, #tpu.memory_space<hbm>>
      tpu.enqueue_indirect_dma source(%dma_start3A_106 : memref<10000x128xf32, #tpu.memory_space<hbm>>) target(%arg8 : memref<128x128xf32, #tpu.memory_space<vmem>>) offsets(%dma_start3A_103 : memref<128xi32, #tpu.memory_space<vmem>>) semaphore(%arg11 : memref<!tpu.dma_semaphore, #tpu.memory_space<semaphore_mem>>)
      %add3A_107 = arith.constant 1 : i32
      %add3A_108 = arith.addi %add3A_101, %add3A_107 : i32
      %dma_start3A_109 = arith.constant 0 : i32
      %dma_start3A_110 = tpu.memref_slice %arg6[%add3A_108, %dma_start3A_109] : memref<40x128xi32, #tpu.memory_space<vmem>> -> memref<1x128xi32, #tpu.memory_space<vmem>>
      %dma_start3A_111 = tpu.memref_squeeze %dma_start3A_110 : memref<1x128xi32, #tpu.memory_space<vmem>> -> memref<128xi32, #tpu.memory_space<vmem>>
      %dma_start3A_112 = arith.constant 0 : i32
      %dma_start3A_113 = arith.constant 0 : i32
      %dma_start3A_114 = tpu.memref_slice %arg2[%dma_start3A_112, %dma_start3A_113] : memref<10000x128xf32, #tpu.memory_space<hbm>> -> memref<10000x128xf32, #tpu.memory_space<hbm>>
      tpu.enqueue_indirect_dma source(%dma_start3A_114 : memref<10000x128xf32, #tpu.memory_space<hbm>>) target(%arg9 : memref<128x128xf32, #tpu.memory_space<vmem>>) offsets(%dma_start3A_111 : memref<128xi32, #tpu.memory_space<vmem>>) semaphore(%arg11 : memref<!tpu.dma_semaphore, #tpu.memory_space<semaphore_mem>>)
      %dma_wait3A = arith.constant 0 : i32
      %dma_wait3A_115 = tpu.memref_slice %arg6[%while3A_100, %dma_wait3A] : memref<40x128xi32, #tpu.memory_space<vmem>> -> memref<1x128xi32, #tpu.memory_space<vmem>>
      %dma_wait3A_116 = tpu.memref_squeeze %dma_wait3A_115 : memref<1x128xi32, #tpu.memory_space<vmem>> -> memref<128xi32, #tpu.memory_space<vmem>>
      %dma_wait3A_117 = arith.constant 0 : i32
      %dma_wait3A_118 = arith.constant 0 : i32
      %dma_wait3A_119 = tpu.memref_slice %arg2[%dma_wait3A_117, %dma_wait3A_118] : memref<10000x128xf32, #tpu.memory_space<hbm>> -> memref<10000x128xf32, #tpu.memory_space<hbm>>
      tpu.wait_indirect_dma semaphore(%arg11 : memref<!tpu.dma_semaphore, #tpu.memory_space<semaphore_mem>>) src(%dma_wait3A_119 : memref<10000x128xf32, #tpu.memory_space<hbm>>) dst(%arg8 : memref<128x128xf32, #tpu.memory_space<vmem>>)
      %dma_start3A_120 = arith.constant 0 : i32
      %dma_start3A_121 = tpu.memref_slice %arg7[%add3A_101, %dma_start3A_120] : memref<40x128xi32, #tpu.memory_space<vmem>> -> memref<1x128xi32, #tpu.memory_space<vmem>>
      %dma_start3A_122 = tpu.memref_squeeze %dma_start3A_121 : memref<1x128xi32, #tpu.memory_space<vmem>> -> memref<128xi32, #tpu.memory_space<vmem>>
      %dma_start3A_123 = arith.constant 0 : i32
      %dma_start3A_124 = arith.constant 0 : i32
      %dma_start3A_125 = tpu.memref_slice %arg10[%dma_start3A_123, %dma_start3A_124] : memref<10112x128xf32, #tpu.memory_space<vmem_shared>> -> memref<10112x128xf32, #tpu.memory_space<vmem_shared>>
      tpu.enqueue_indirect_dma source(%arg8 : memref<128x128xf32, #tpu.memory_space<vmem>>) target(%dma_start3A_125 : memref<10112x128xf32, #tpu.memory_space<vmem_shared>>) offsets(%dma_start3A_122 : memref<128xi32, #tpu.memory_space<vmem>>) semaphore(%arg12 : memref<!tpu.dma_semaphore, #tpu.memory_space<semaphore_mem>>) {add = true}
      %dma_wait3A_126 = arith.constant 0 : i32
      %dma_wait3A_127 = tpu.memref_slice %arg6[%while3A_100, %dma_wait3A_126] : memref<40x128xi32, #tpu.memory_space<vmem>> -> memref<1x128xi32, #tpu.memory_space<vmem>>
      %dma_wait3A_128 = tpu.memref_squeeze %dma_wait3A_127 : memref<1x128xi32, #tpu.memory_space<vmem>> -> memref<128xi32, #tpu.memory_space<vmem>>
      %dma_wait3A_129 = arith.constant 0 : i32
      %dma_wait3A_130 = arith.constant 0 : i32
      %dma_wait3A_131 = tpu.memref_slice %arg2[%dma_wait3A_129, %dma_wait3A_130] : memref<10000x128xf32, #tpu.memory_space<hbm>> -> memref<10000x128xf32, #tpu.memory_space<hbm>>
      tpu.wait_indirect_dma semaphore(%arg11 : memref<!tpu.dma_semaphore, #tpu.memory_space<semaphore_mem>>) src(%dma_wait3A_131 : memref<10000x128xf32, #tpu.memory_space<hbm>>) dst(%arg9 : memref<128x128xf32, #tpu.memory_space<vmem>>)
      %add3A_132 = arith.constant 1 : i32
      %add3A_133 = arith.addi %add3A_101, %add3A_132 : i32
      %dma_start3A_134 = arith.constant 0 : i32
      %dma_start3A_135 = tpu.memref_slice %arg7[%add3A_133, %dma_start3A_134] : memref<40x128xi32, #tpu.memory_space<vmem>> -> memref<1x128xi32, #tpu.memory_space<vmem>>
      %dma_start3A_136 = tpu.memref_squeeze %dma_start3A_135 : memref<1x128xi32, #tpu.memory_space<vmem>> -> memref<128xi32, #tpu.memory_space<vmem>>
      %dma_start3A_137 = arith.constant 0 : i32
      %dma_start3A_138 = arith.constant 0 : i32
      %dma_start3A_139 = tpu.memref_slice %arg10[%dma_start3A_137, %dma_start3A_138] : memref<10112x128xf32, #tpu.memory_space<vmem_shared>> -> memref<10112x128xf32, #tpu.memory_space<vmem_shared>>
      tpu.enqueue_indirect_dma source(%arg9 : memref<128x128xf32, #tpu.memory_space<vmem>>) target(%dma_start3A_139 : memref<10112x128xf32, #tpu.memory_space<vmem_shared>>) offsets(%dma_start3A_136 : memref<128xi32, #tpu.memory_space<vmem>>) semaphore(%arg12 : memref<!tpu.dma_semaphore, #tpu.memory_space<semaphore_mem>>) {add = true}
    }
    %while3A_59 = arith.constant 1 : i32
    %while3A_60 = arith.constant 20 : i32
    %while3A_61 = arith.subi %while3A_60, %while3A_59 : i32
    %while3A_62 = arith.addi %while3A_59, %while3A_61 : i32
    %while3A_63 = arith.constant 1 : i32
    %while3A_64 = arith.divsi %while3A_61, %while3A_63 : i32
    %while3A_65 = arith.muli %while3A_64, %while3A_63 : i32
    %while3A_66 = arith.addi %while3A_59, %while3A_65 : i32
    %while3A_67 = arith.constant 1 : i32
    scf.for %while3A_100 = %while3A_59 to %while3A_66 step %while3A_67  : i32 {
      %add3A_101 = arith.addi %while3A_100, %while3A_100 : i32
      %dma_wait3A = arith.constant 0 : i32
      %dma_wait3A_102 = tpu.memref_slice %arg7[%while3A_100, %dma_wait3A] : memref<40x128xi32, #tpu.memory_space<vmem>> -> memref<1x128xi32, #tpu.memory_space<vmem>>
      %dma_wait3A_103 = tpu.memref_squeeze %dma_wait3A_102 : memref<1x128xi32, #tpu.memory_space<vmem>> -> memref<128xi32, #tpu.memory_space<vmem>>
      %dma_wait3A_104 = arith.constant 0 : i32
      %dma_wait3A_105 = arith.constant 0 : i32
      %dma_wait3A_106 = tpu.memref_slice %arg10[%dma_wait3A_104, %dma_wait3A_105] : memref<10112x128xf32, #tpu.memory_space<vmem_shared>> -> memref<10112x128xf32, #tpu.memory_space<vmem_shared>>
      tpu.wait_indirect_dma semaphore(%arg12 : memref<!tpu.dma_semaphore, #tpu.memory_space<semaphore_mem>>) src(%arg8 : memref<128x128xf32, #tpu.memory_space<vmem>>) dst(%dma_wait3A_106 : memref<10112x128xf32, #tpu.memory_space<vmem_shared>>)
      %dma_start3A = arith.constant 0 : i32
      %dma_start3A_107 = tpu.memref_slice %arg6[%add3A_101, %dma_start3A] : memref<40x128xi32, #tpu.memory_space<vmem>> -> memref<1x128xi32, #tpu.memory_space<vmem>>
      %dma_start3A_108 = tpu.memref_squeeze %dma_start3A_107 : memref<1x128xi32, #tpu.memory_space<vmem>> -> memref<128xi32, #tpu.memory_space<vmem>>
      %dma_start3A_109 = arith.constant 0 : i32
      %dma_start3A_110 = arith.constant 0 : i32
      %dma_start3A_111 = tpu.memref_slice %arg2[%dma_start3A_109, %dma_start3A_110] : memref<10000x128xf32, #tpu.memory_space<hbm>> -> memref<10000x128xf32, #tpu.memory_space<hbm>>
      tpu.enqueue_indirect_dma source(%dma_start3A_111 : memref<10000x128xf32, #tpu.memory_space<hbm>>) target(%arg8 : memref<128x128xf32, #tpu.memory_space<vmem>>) offsets(%dma_start3A_108 : memref<128xi32, #tpu.memory_space<vmem>>) semaphore(%arg11 : memref<!tpu.dma_semaphore, #tpu.memory_space<semaphore_mem>>)
      %dma_wait3A_112 = arith.constant 0 : i32
      %dma_wait3A_113 = tpu.memref_slice %arg7[%while3A_100, %dma_wait3A_112] : memref<40x128xi32, #tpu.memory_space<vmem>> -> memref<1x128xi32, #tpu.memory_space<vmem>>
      %dma_wait3A_114 = tpu.memref_squeeze %dma_wait3A_113 : memref<1x128xi32, #tpu.memory_space<vmem>> -> memref<128xi32, #tpu.memory_space<vmem>>
      %dma_wait3A_115 = arith.constant 0 : i32
      %dma_wait3A_116 = arith.constant 0 : i32
      %dma_wait3A_117 = tpu.memref_slice %arg10[%dma_wait3A_115, %dma_wait3A_116] : memref<10112x128xf32, #tpu.memory_space<vmem_shared>> -> memref<10112x128xf32, #tpu.memory_space<vmem_shared>>
      tpu.wait_indirect_dma semaphore(%arg12 : memref<!tpu.dma_semaphore, #tpu.memory_space<semaphore_mem>>) src(%arg9 : memref<128x128xf32, #tpu.memory_space<vmem>>) dst(%dma_wait3A_117 : memref<10112x128xf32, #tpu.memory_space<vmem_shared>>)
      %add3A_118 = arith.constant 1 : i32
      %add3A_119 = arith.addi %add3A_101, %add3A_118 : i32
      %dma_start3A_120 = arith.constant 0 : i32
      %dma_start3A_121 = tpu.memref_slice %arg6[%add3A_119, %dma_start3A_120] : memref<40x128xi32, #tpu.memory_space<vmem>> -> memref<1x128xi32, #tpu.memory_space<vmem>>
      %dma_start3A_122 = tpu.memref_squeeze %dma_start3A_121 : memref<1x128xi32, #tpu.memory_space<vmem>> -> memref<128xi32, #tpu.memory_space<vmem>>
      %dma_start3A_123 = arith.constant 0 : i32
      %dma_start3A_124 = arith.constant 0 : i32
      %dma_start3A_125 = tpu.memref_slice %arg2[%dma_start3A_123, %dma_start3A_124] : memref<10000x128xf32, #tpu.memory_space<hbm>> -> memref<10000x128xf32, #tpu.memory_space<hbm>>
      tpu.enqueue_indirect_dma source(%dma_start3A_125 : memref<10000x128xf32, #tpu.memory_space<hbm>>) target(%arg9 : memref<128x128xf32, #tpu.memory_space<vmem>>) offsets(%dma_start3A_122 : memref<128xi32, #tpu.memory_space<vmem>>) semaphore(%arg11 : memref<!tpu.dma_semaphore, #tpu.memory_space<semaphore_mem>>)
      %dma_wait3A_126 = arith.constant 0 : i32
      %dma_wait3A_127 = tpu.memref_slice %arg6[%while3A_100, %dma_wait3A_126] : memref<40x128xi32, #tpu.memory_space<vmem>> -> memref<1x128xi32, #tpu.memory_space<vmem>>
      %dma_wait3A_128 = tpu.memref_squeeze %dma_wait3A_127 : memref<1x128xi32, #tpu.memory_space<vmem>> -> memref<128xi32, #tpu.memory_space<vmem>>
      %dma_wait3A_129 = arith.constant 0 : i32
      %dma_wait3A_130 = arith.constant 0 : i32
      %dma_wait3A_131 = tpu.memref_slice %arg2[%dma_wait3A_129, %dma_wait3A_130] : memref<10000x128xf32, #tpu.memory_space<hbm>> -> memref<10000x128xf32, #tpu.memory_space<hbm>>
      tpu.wait_indirect_dma semaphore(%arg11 : memref<!tpu.dma_semaphore, #tpu.memory_space<semaphore_mem>>) src(%dma_wait3A_131 : memref<10000x128xf32, #tpu.memory_space<hbm>>) dst(%arg8 : memref<128x128xf32, #tpu.memory_space<vmem>>)
      %dma_start3A_132 = arith.constant 0 : i32
      %dma_start3A_133 = tpu.memref_slice %arg7[%add3A_101, %dma_start3A_132] : memref<40x128xi32, #tpu.memory_space<vmem>> -> memref<1x128xi32, #tpu.memory_space<vmem>>
      %dma_start3A_134 = tpu.memref_squeeze %dma_start3A_133 : memref<1x128xi32, #tpu.memory_space<vmem>> -> memref<128xi32, #tpu.memory_space<vmem>>
      %dma_start3A_135 = arith.constant 0 : i32
      %dma_start3A_136 = arith.constant 0 : i32
      %dma_start3A_137 = tpu.memref_slice %arg10[%dma_start3A_135, %dma_start3A_136] : memref<10112x128xf32, #tpu.memory_space<vmem_shared>> -> memref<10112x128xf32, #tpu.memory_space<vmem_shared>>
      tpu.enqueue_indirect_dma source(%arg8 : memref<128x128xf32, #tpu.memory_space<vmem>>) target(%dma_start3A_137 : memref<10112x128xf32, #tpu.memory_space<vmem_shared>>) offsets(%dma_start3A_134 : memref<128xi32, #tpu.memory_space<vmem>>) semaphore(%arg12 : memref<!tpu.dma_semaphore, #tpu.memory_space<semaphore_mem>>) {add = true}
      %dma_wait3A_138 = arith.constant 0 : i32
      %dma_wait3A_139 = tpu.memref_slice %arg6[%while3A_100, %dma_wait3A_138] : memref<40x128xi32, #tpu.memory_space<vmem>> -> memref<1x128xi32, #tpu.memory_space<vmem>>
      %dma_wait3A_140 = tpu.memref_squeeze %dma_wait3A_139 : memref<1x128xi32, #tpu.memory_space<vmem>> -> memref<128xi32, #tpu.memory_space<vmem>>
      %dma_wait3A_141 = arith.constant 0 : i32
      %dma_wait3A_142 = arith.constant 0 : i32
      %dma_wait3A_143 = tpu.memref_slice %arg2[%dma_wait3A_141, %dma_wait3A_142] : memref<10000x128xf32, #tpu.memory_space<hbm>> -> memref<10000x128xf32, #tpu.memory_space<hbm>>
      tpu.wait_indirect_dma semaphore(%arg11 : memref<!tpu.dma_semaphore, #tpu.memory_space<semaphore_mem>>) src(%dma_wait3A_143 : memref<10000x128xf32, #tpu.memory_space<hbm>>) dst(%arg9 : memref<128x128xf32, #tpu.memory_space<vmem>>)
      %add3A_144 = arith.constant 1 : i32
      %add3A_145 = arith.addi %add3A_101, %add3A_144 : i32
      %dma_start3A_146 = arith.constant 0 : i32
      %dma_start3A_147 = tpu.memref_slice %arg7[%add3A_145, %dma_start3A_146] : memref<40x128xi32, #tpu.memory_space<vmem>> -> memref<1x128xi32, #tpu.memory_space<vmem>>
      %dma_start3A_148 = tpu.memref_squeeze %dma_start3A_147 : memref<1x128xi32, #tpu.memory_space<vmem>> -> memref<128xi32, #tpu.memory_space<vmem>>
      %dma_start3A_149 = arith.constant 0 : i32
      %dma_start3A_150 = arith.constant 0 : i32
      %dma_start3A_151 = tpu.memref_slice %arg10[%dma_start3A_149, %dma_start3A_150] : memref<10112x128xf32, #tpu.memory_space<vmem_shared>> -> memref<10112x128xf32, #tpu.memory_space<vmem_shared>>
      tpu.enqueue_indirect_dma source(%arg9 : memref<128x128xf32, #tpu.memory_space<vmem>>) target(%dma_start3A_151 : memref<10112x128xf32, #tpu.memory_space<vmem_shared>>) offsets(%dma_start3A_148 : memref<128xi32, #tpu.memory_space<vmem>>) semaphore(%arg12 : memref<!tpu.dma_semaphore, #tpu.memory_space<semaphore_mem>>) {add = true}
    }
    %while3A_68 = arith.constant 1 : i32
    scf.for %while3A_100 = %while3A_66 to %while3A_62 step %while3A_68  : i32 {
      %add3A_101 = arith.addi %while3A_100, %while3A_100 : i32
      %dma_wait3A = arith.constant 0 : i32
      %dma_wait3A_102 = tpu.memref_slice %arg7[%while3A_100, %dma_wait3A] : memref<40x128xi32, #tpu.memory_space<vmem>> -> memref<1x128xi32, #tpu.memory_space<vmem>>
      %dma_wait3A_103 = tpu.memref_squeeze %dma_wait3A_102 : memref<1x128xi32, #tpu.memory_space<vmem>> -> memref<128xi32, #tpu.memory_space<vmem>>
      %dma_wait3A_104 = arith.constant 0 : i32
      %dma_wait3A_105 = arith.constant 0 : i32
      %dma_wait3A_106 = tpu.memref_slice %arg10[%dma_wait3A_104, %dma_wait3A_105] : memref<10112x128xf32, #tpu.memory_space<vmem_shared>> -> memref<10112x128xf32, #tpu.memory_space<vmem_shared>>
      tpu.wait_indirect_dma semaphore(%arg12 : memref<!tpu.dma_semaphore, #tpu.memory_space<semaphore_mem>>) src(%arg8 : memref<128x128xf32, #tpu.memory_space<vmem>>) dst(%dma_wait3A_106 : memref<10112x128xf32, #tpu.memory_space<vmem_shared>>)
      %dma_start3A = arith.constant 0 : i32
      %dma_start3A_107 = tpu.memref_slice %arg6[%add3A_101, %dma_start3A] : memref<40x128xi32, #tpu.memory_space<vmem>> -> memref<1x128xi32, #tpu.memory_space<vmem>>
      %dma_start3A_108 = tpu.memref_squeeze %dma_start3A_107 : memref<1x128xi32, #tpu.memory_space<vmem>> -> memref<128xi32, #tpu.memory_space<vmem>>
      %dma_start3A_109 = arith.constant 0 : i32
      %dma_start3A_110 = arith.constant 0 : i32
      %dma_start3A_111 = tpu.memref_slice %arg2[%dma_start3A_109, %dma_start3A_110] : memref<10000x128xf32, #tpu.memory_space<hbm>> -> memref<10000x128xf32, #tpu.memory_space<hbm>>
      tpu.enqueue_indirect_dma source(%dma_start3A_111 : memref<10000x128xf32, #tpu.memory_space<hbm>>) target(%arg8 : memref<128x128xf32, #tpu.memory_space<vmem>>) offsets(%dma_start3A_108 : memref<128xi32, #tpu.memory_space<vmem>>) semaphore(%arg11 : memref<!tpu.dma_semaphore, #tpu.memory_space<semaphore_mem>>)
      %dma_wait3A_112 = arith.constant 0 : i32
      %dma_wait3A_113 = tpu.memref_slice %arg7[%while3A_100, %dma_wait3A_112] : memref<40x128xi32, #tpu.memory_space<vmem>> -> memref<1x128xi32, #tpu.memory_space<vmem>>
      %dma_wait3A_114 = tpu.memref_squeeze %dma_wait3A_113 : memref<1x128xi32, #tpu.memory_space<vmem>> -> memref<128xi32, #tpu.memory_space<vmem>>
      %dma_wait3A_115 = arith.constant 0 : i32
      %dma_wait3A_116 = arith.constant 0 : i32
      %dma_wait3A_117 = tpu.memref_slice %arg10[%dma_wait3A_115, %dma_wait3A_116] : memref<10112x128xf32, #tpu.memory_space<vmem_shared>> -> memref<10112x128xf32, #tpu.memory_space<vmem_shared>>
      tpu.wait_indirect_dma semaphore(%arg12 : memref<!tpu.dma_semaphore, #tpu.memory_space<semaphore_mem>>) src(%arg9 : memref<128x128xf32, #tpu.memory_space<vmem>>) dst(%dma_wait3A_117 : memref<10112x128xf32, #tpu.memory_space<vmem_shared>>)
      %add3A_118 = arith.constant 1 : i32
      %add3A_119 = arith.addi %add3A_101, %add3A_118 : i32
      %dma_start3A_120 = arith.constant 0 : i32
      %dma_start3A_121 = tpu.memref_slice %arg6[%add3A_119, %dma_start3A_120] : memref<40x128xi32, #tpu.memory_space<vmem>> -> memref<1x128xi32, #tpu.memory_space<vmem>>
      %dma_start3A_122 = tpu.memref_squeeze %dma_start3A_121 : memref<1x128xi32, #tpu.memory_space<vmem>> -> memref<128xi32, #tpu.memory_space<vmem>>
      %dma_start3A_123 = arith.constant 0 : i32
      %dma_start3A_124 = arith.constant 0 : i32
      %dma_start3A_125 = tpu.memref_slice %arg2[%dma_start3A_123, %dma_start3A_124] : memref<10000x128xf32, #tpu.memory_space<hbm>> -> memref<10000x128xf32, #tpu.memory_space<hbm>>
      tpu.enqueue_indirect_dma source(%dma_start3A_125 : memref<10000x128xf32, #tpu.memory_space<hbm>>) target(%arg9 : memref<128x128xf32, #tpu.memory_space<vmem>>) offsets(%dma_start3A_122 : memref<128xi32, #tpu.memory_space<vmem>>) semaphore(%arg11 : memref<!tpu.dma_semaphore, #tpu.memory_space<semaphore_mem>>)
      %dma_wait3A_126 = arith.constant 0 : i32
      %dma_wait3A_127 = tpu.memref_slice %arg6[%while3A_100, %dma_wait3A_126] : memref<40x128xi32, #tpu.memory_space<vmem>> -> memref<1x128xi32, #tpu.memory_space<vmem>>
      %dma_wait3A_128 = tpu.memref_squeeze %dma_wait3A_127 : memref<1x128xi32, #tpu.memory_space<vmem>> -> memref<128xi32, #tpu.memory_space<vmem>>
      %dma_wait3A_129 = arith.constant 0 : i32
      %dma_wait3A_130 = arith.constant 0 : i32
      %dma_wait3A_131 = tpu.memref_slice %arg2[%dma_wait3A_129, %dma_wait3A_130] : memref<10000x128xf32, #tpu.memory_space<hbm>> -> memref<10000x128xf32, #tpu.memory_space<hbm>>
      tpu.wait_indirect_dma semaphore(%arg11 : memref<!tpu.dma_semaphore, #tpu.memory_space<semaphore_mem>>) src(%dma_wait3A_131 : memref<10000x128xf32, #tpu.memory_space<hbm>>) dst(%arg8 : memref<128x128xf32, #tpu.memory_space<vmem>>)
      %dma_start3A_132 = arith.constant 0 : i32
      %dma_start3A_133 = tpu.memref_slice %arg7[%add3A_101, %dma_start3A_132] : memref<40x128xi32, #tpu.memory_space<vmem>> -> memref<1x128xi32, #tpu.memory_space<vmem>>
      %dma_start3A_134 = tpu.memref_squeeze %dma_start3A_133 : memref<1x128xi32, #tpu.memory_space<vmem>> -> memref<128xi32, #tpu.memory_space<vmem>>
      %dma_start3A_135 = arith.constant 0 : i32
      %dma_start3A_136 = arith.constant 0 : i32
      %dma_start3A_137 = tpu.memref_slice %arg10[%dma_start3A_135, %dma_start3A_136] : memref<10112x128xf32, #tpu.memory_space<vmem_shared>> -> memref<10112x128xf32, #tpu.memory_space<vmem_shared>>
      tpu.enqueue_indirect_dma source(%arg8 : memref<128x128xf32, #tpu.memory_space<vmem>>) target(%dma_start3A_137 : memref<10112x128xf32, #tpu.memory_space<vmem_shared>>) offsets(%dma_start3A_134 : memref<128xi32, #tpu.memory_space<vmem>>) semaphore(%arg12 : memref<!tpu.dma_semaphore, #tpu.memory_space<semaphore_mem>>) {add = true}
      %dma_wait3A_138 = arith.constant 0 : i32
      %dma_wait3A_139 = tpu.memref_slice %arg6[%while3A_100, %dma_wait3A_138] : memref<40x128xi32, #tpu.memory_space<vmem>> -> memref<1x128xi32, #tpu.memory_space<vmem>>
      %dma_wait3A_140 = tpu.memref_squeeze %dma_wait3A_139 : memref<1x128xi32, #tpu.memory_space<vmem>> -> memref<128xi32, #tpu.memory_space<vmem>>
      %dma_wait3A_141 = arith.constant 0 : i32
      %dma_wait3A_142 = arith.constant 0 : i32
      %dma_wait3A_143 = tpu.memref_slice %arg2[%dma_wait3A_141, %dma_wait3A_142] : memref<10000x128xf32, #tpu.memory_space<hbm>> -> memref<10000x128xf32, #tpu.memory_space<hbm>>
      tpu.wait_indirect_dma semaphore(%arg11 : memref<!tpu.dma_semaphore, #tpu.memory_space<semaphore_mem>>) src(%dma_wait3A_143 : memref<10000x128xf32, #tpu.memory_space<hbm>>) dst(%arg9 : memref<128x128xf32, #tpu.memory_space<vmem>>)
      %add3A_144 = arith.constant 1 : i32
      %add3A_145 = arith.addi %add3A_101, %add3A_144 : i32
      %dma_start3A_146 = arith.constant 0 : i32
      %dma_start3A_147 = tpu.memref_slice %arg7[%add3A_145, %dma_start3A_146] : memref<40x128xi32, #tpu.memory_space<vmem>> -> memref<1x128xi32, #tpu.memory_space<vmem>>
      %dma_start3A_148 = tpu.memref_squeeze %dma_start3A_147 : memref<1x128xi32, #tpu.memory_space<vmem>> -> memref<128xi32, #tpu.memory_space<vmem>>
      %dma_start3A_149 = arith.constant 0 : i32
      %dma_start3A_150 = arith.constant 0 : i32
      %dma_start3A_151 = tpu.memref_slice %arg10[%dma_start3A_149, %dma_start3A_150] : memref<10112x128xf32, #tpu.memory_space<vmem_shared>> -> memref<10112x128xf32, #tpu.memory_space<vmem_shared>>
      tpu.enqueue_indirect_dma source(%arg9 : memref<128x128xf32, #tpu.memory_space<vmem>>) target(%dma_start3A_151 : memref<10112x128xf32, #tpu.memory_space<vmem_shared>>) offsets(%dma_start3A_148 : memref<128xi32, #tpu.memory_space<vmem>>) semaphore(%arg12 : memref<!tpu.dma_semaphore, #tpu.memory_space<semaphore_mem>>) {add = true}
    }
    %while3A_69 = arith.constant 0 : i32
    %while3A_70 = arith.constant 1 : i32
    %while3A_71 = arith.subi %while3A_70, %while3A_69 : i32
    %while3A_72 = arith.addi %while3A_69, %while3A_71 : i32
    %while3A_73 = arith.constant 1 : i32
    %while3A_74 = arith.divsi %while3A_71, %while3A_73 : i32
    %while3A_75 = arith.muli %while3A_74, %while3A_73 : i32
    %while3A_76 = arith.addi %while3A_69, %while3A_75 : i32
    %while3A_77 = arith.constant 1 : i32
    scf.for %while3A_100 = %while3A_69 to %while3A_76 step %while3A_77  : i32 {
      %dma_wait3A = arith.constant 0 : i32
      %dma_wait3A_101 = tpu.memref_slice %arg7[%while3A_100, %dma_wait3A] : memref<40x128xi32, #tpu.memory_space<vmem>> -> memref<1x128xi32, #tpu.memory_space<vmem>>
      %dma_wait3A_102 = tpu.memref_squeeze %dma_wait3A_101 : memref<1x128xi32, #tpu.memory_space<vmem>> -> memref<128xi32, #tpu.memory_space<vmem>>
      %dma_wait3A_103 = arith.constant 0 : i32
      %dma_wait3A_104 = arith.constant 0 : i32
      %dma_wait3A_105 = tpu.memref_slice %arg10[%dma_wait3A_103, %dma_wait3A_104] : memref<10112x128xf32, #tpu.memory_space<vmem_shared>> -> memref<10112x128xf32, #tpu.memory_space<vmem_shared>>
      tpu.wait_indirect_dma semaphore(%arg12 : memref<!tpu.dma_semaphore, #tpu.memory_space<semaphore_mem>>) src(%arg8 : memref<128x128xf32, #tpu.memory_space<vmem>>) dst(%dma_wait3A_105 : memref<10112x128xf32, #tpu.memory_space<vmem_shared>>)
      %dma_wait3A_106 = arith.constant 0 : i32
      %dma_wait3A_107 = tpu.memref_slice %arg7[%while3A_100, %dma_wait3A_106] : memref<40x128xi32, #tpu.memory_space<vmem>> -> memref<1x128xi32, #tpu.memory_space<vmem>>
      %dma_wait3A_108 = tpu.memref_squeeze %dma_wait3A_107 : memref<1x128xi32, #tpu.memory_space<vmem>> -> memref<128xi32, #tpu.memory_space<vmem>>
      %dma_wait3A_109 = arith.constant 0 : i32
      %dma_wait3A_110 = arith.constant 0 : i32
      %dma_wait3A_111 = tpu.memref_slice %arg10[%dma_wait3A_109, %dma_wait3A_110] : memref<10112x128xf32, #tpu.memory_space<vmem_shared>> -> memref<10112x128xf32, #tpu.memory_space<vmem_shared>>
      tpu.wait_indirect_dma semaphore(%arg12 : memref<!tpu.dma_semaphore, #tpu.memory_space<semaphore_mem>>) src(%arg9 : memref<128x128xf32, #tpu.memory_space<vmem>>) dst(%dma_wait3A_111 : memref<10112x128xf32, #tpu.memory_space<vmem_shared>>)
    }
    %while3A_78 = arith.constant 1 : i32
    scf.for %while3A_100 = %while3A_76 to %while3A_72 step %while3A_78  : i32 {
      %dma_wait3A = arith.constant 0 : i32
      %dma_wait3A_101 = tpu.memref_slice %arg7[%while3A_100, %dma_wait3A] : memref<40x128xi32, #tpu.memory_space<vmem>> -> memref<1x128xi32, #tpu.memory_space<vmem>>
      %dma_wait3A_102 = tpu.memref_squeeze %dma_wait3A_101 : memref<1x128xi32, #tpu.memory_space<vmem>> -> memref<128xi32, #tpu.memory_space<vmem>>
      %dma_wait3A_103 = arith.constant 0 : i32
      %dma_wait3A_104 = arith.constant 0 : i32
      %dma_wait3A_105 = tpu.memref_slice %arg10[%dma_wait3A_103, %dma_wait3A_104] : memref<10112x128xf32, #tpu.memory_space<vmem_shared>> -> memref<10112x128xf32, #tpu.memory_space<vmem_shared>>
      tpu.wait_indirect_dma semaphore(%arg12 : memref<!tpu.dma_semaphore, #tpu.memory_space<semaphore_mem>>) src(%arg8 : memref<128x128xf32, #tpu.memory_space<vmem>>) dst(%dma_wait3A_105 : memref<10112x128xf32, #tpu.memory_space<vmem_shared>>)
      %dma_wait3A_106 = arith.constant 0 : i32
      %dma_wait3A_107 = tpu.memref_slice %arg7[%while3A_100, %dma_wait3A_106] : memref<40x128xi32, #tpu.memory_space<vmem>> -> memref<1x128xi32, #tpu.memory_space<vmem>>
      %dma_wait3A_108 = tpu.memref_squeeze %dma_wait3A_107 : memref<1x128xi32, #tpu.memory_space<vmem>> -> memref<128xi32, #tpu.memory_space<vmem>>
      %dma_wait3A_109 = arith.constant 0 : i32
      %dma_wait3A_110 = arith.constant 0 : i32
      %dma_wait3A_111 = tpu.memref_slice %arg10[%dma_wait3A_109, %dma_wait3A_110] : memref<10112x128xf32, #tpu.memory_space<vmem_shared>> -> memref<10112x128xf32, #tpu.memory_space<vmem_shared>>
      tpu.wait_indirect_dma semaphore(%arg12 : memref<!tpu.dma_semaphore, #tpu.memory_space<semaphore_mem>>) src(%arg9 : memref<128x128xf32, #tpu.memory_space<vmem>>) dst(%dma_wait3A_111 : memref<10112x128xf32, #tpu.memory_space<vmem_shared>>)
    }
    %barrier3A_79 = arith.constant 0 : index
    tpu.barrier barrier_id(%barrier3A_79)
    %add3A_80 = arith.constant 0 : i32
    %add3A_81 = arith.addi %mul3A_0, %add3A_80 : i32
    "tpu.region"() ({
      %run_scoped3A = tpu.sem_alloc : memref<!tpu.dma_semaphore, #tpu.memory_space<semaphore_mem>>
      %dma_start3A = arith.constant 0 : i32
      %dma_start3A_100 = tpu.memref_slice %arg10[%add3A_81, %dma_start3A] : memref<10112x128xf32, #tpu.memory_space<vmem_shared>> -> memref<128x128xf32, #tpu.memory_space<vmem_shared>>
      %dma_start3A_101 = arith.constant 0 : i32
      %dma_start3A_102 = tpu.memref_slice %arg10[%add3A_81, %dma_start3A_101] : memref<10112x128xf32, #tpu.memory_space<vmem_shared>> -> memref<128x128xf32, #tpu.memory_space<vmem_shared>>
      tpu.enqueue_dma source(%dma_start3A_102 : memref<128x128xf32, #tpu.memory_space<vmem_shared>>) target(%arg8 : memref<128x128xf32, #tpu.memory_space<vmem>>) target_semaphore(%run_scoped3A : memref<!tpu.dma_semaphore, #tpu.memory_space<semaphore_mem>>)
      %dma_wait3A = arith.constant 0 : i32
      %dma_wait3A_103 = tpu.memref_slice %arg10[%add3A_81, %dma_wait3A] : memref<10112x128xf32, #tpu.memory_space<vmem_shared>> -> memref<128x128xf32, #tpu.memory_space<vmem_shared>>
      %dma_wait3A_104 = arith.constant 0 : i32
      %dma_wait3A_105 = tpu.memref_slice %arg10[%add3A_81, %dma_wait3A_104] : memref<10112x128xf32, #tpu.memory_space<vmem_shared>> -> memref<128x128xf32, #tpu.memory_space<vmem_shared>>
      tpu.wait_dma2 semaphore(%run_scoped3A : memref<!tpu.dma_semaphore, #tpu.memory_space<semaphore_mem>>) src(%dma_wait3A_105 : memref<128x128xf32, #tpu.memory_space<vmem_shared>>) dst(%arg8 : memref<128x128xf32, #tpu.memory_space<vmem>>)
      tpu.yield
    }) : () -> ()
    %add3A_82 = arith.constant 0 : i32
    %add3A_83 = arith.addi %mul3A_0, %add3A_82 : i32
    "tpu.region"() ({
      %run_scoped3A = tpu.sem_alloc : memref<!tpu.dma_semaphore, #tpu.memory_space<semaphore_mem>>
      %dma_start3A = arith.constant 0 : i32
      %dma_start3A_100 = tpu.memref_slice %arg5[%arg0, %add3A_83, %dma_start3A] : memref<2x10112x128xf32, #tpu.memory_space<hbm>> -> memref<1x128x128xf32, #tpu.memory_space<hbm>>
      %dma_start3A_101 = tpu.memref_squeeze %dma_start3A_100 : memref<1x128x128xf32, #tpu.memory_space<hbm>> -> memref<128x128xf32, #tpu.memory_space<hbm>>
      %dma_start3A_102 = arith.constant 0 : i32
      %dma_start3A_103 = tpu.memref_slice %arg5[%arg0, %add3A_83, %dma_start3A_102] : memref<2x10112x128xf32, #tpu.memory_space<hbm>> -> memref<1x128x128xf32, #tpu.memory_space<hbm>>
      %dma_start3A_104 = tpu.memref_squeeze %dma_start3A_103 : memref<1x128x128xf32, #tpu.memory_space<hbm>> -> memref<128x128xf32, #tpu.memory_space<hbm>>
      tpu.enqueue_dma source(%arg8 : memref<128x128xf32, #tpu.memory_space<vmem>>) target(%dma_start3A_104 : memref<128x128xf32, #tpu.memory_space<hbm>>) target_semaphore(%run_scoped3A : memref<!tpu.dma_semaphore, #tpu.memory_space<semaphore_mem>>)
      %dma_wait3A = arith.constant 0 : i32
      %dma_wait3A_105 = tpu.memref_slice %arg5[%arg0, %add3A_83, %dma_wait3A] : memref<2x10112x128xf32, #tpu.memory_space<hbm>> -> memref<1x128x128xf32, #tpu.memory_space<hbm>>
      %dma_wait3A_106 = tpu.memref_squeeze %dma_wait3A_105 : memref<1x128x128xf32, #tpu.memory_space<hbm>> -> memref<128x128xf32, #tpu.memory_space<hbm>>
      %dma_wait3A_107 = arith.constant 0 : i32
      %dma_wait3A_108 = tpu.memref_slice %arg5[%arg0, %add3A_83, %dma_wait3A_107] : memref<2x10112x128xf32, #tpu.memory_space<hbm>> -> memref<1x128x128xf32, #tpu.memory_space<hbm>>
      %dma_wait3A_109 = tpu.memref_squeeze %dma_wait3A_108 : memref<1x128x128xf32, #tpu.memory_space<hbm>> -> memref<128x128xf32, #tpu.memory_space<hbm>>
      tpu.wait_dma2 semaphore(%run_scoped3A : memref<!tpu.dma_semaphore, #tpu.memory_space<semaphore_mem>>) src(%arg8 : memref<128x128xf32, #tpu.memory_space<vmem>>) dst(%dma_wait3A_109 : memref<128x128xf32, #tpu.memory_space<hbm>>)
      tpu.yield
    }) : () -> ()
    %add3A_84 = arith.constant 128 : i32
    %add3A_85 = arith.addi %mul3A_0, %add3A_84 : i32
    "tpu.region"() ({
      %run_scoped3A = tpu.sem_alloc : memref<!tpu.dma_semaphore, #tpu.memory_space<semaphore_mem>>
      %dma_start3A = arith.constant 0 : i32
      %dma_start3A_100 = tpu.memref_slice %arg10[%add3A_85, %dma_start3A] : memref<10112x128xf32, #tpu.memory_space<vmem_shared>> -> memref<128x128xf32, #tpu.memory_space<vmem_shared>>
      %dma_start3A_101 = arith.constant 0 : i32
      %dma_start3A_102 = tpu.memref_slice %arg10[%add3A_85, %dma_start3A_101] : memref<10112x128xf32, #tpu.memory_space<vmem_shared>> -> memref<128x128xf32, #tpu.memory_space<vmem_shared>>
      tpu.enqueue_dma source(%dma_start3A_102 : memref<128x128xf32, #tpu.memory_space<vmem_shared>>) target(%arg8 : memref<128x128xf32, #tpu.memory_space<vmem>>) target_semaphore(%run_scoped3A : memref<!tpu.dma_semaphore, #tpu.memory_space<semaphore_mem>>)
      %dma_wait3A = arith.constant 0 : i32
      %dma_wait3A_103 = tpu.memref_slice %arg10[%add3A_85, %dma_wait3A] : memref<10112x128xf32, #tpu.memory_space<vmem_shared>> -> memref<128x128xf32, #tpu.memory_space<vmem_shared>>
      %dma_wait3A_104 = arith.constant 0 : i32
      %dma_wait3A_105 = tpu.memref_slice %arg10[%add3A_85, %dma_wait3A_104] : memref<10112x128xf32, #tpu.memory_space<vmem_shared>> -> memref<128x128xf32, #tpu.memory_space<vmem_shared>>
      tpu.wait_dma2 semaphore(%run_scoped3A : memref<!tpu.dma_semaphore, #tpu.memory_space<semaphore_mem>>) src(%dma_wait3A_105 : memref<128x128xf32, #tpu.memory_space<vmem_shared>>) dst(%arg8 : memref<128x128xf32, #tpu.memory_space<vmem>>)
      tpu.yield
    }) : () -> ()
    %add3A_86 = arith.constant 128 : i32
    %add3A_87 = arith.addi %mul3A_0, %add3A_86 : i32
    "tpu.region"() ({
      %run_scoped3A = tpu.sem_alloc : memref<!tpu.dma_semaphore, #tpu.memory_space<semaphore_mem>>
      %dma_start3A = arith.constant 0 : i32
      %dma_start3A_100 = tpu.memref_slice %arg5[%arg0, %add3A_87, %dma_start3A] : memref<2x10112x128xf32, #tpu.memory_space<hbm>> -> memref<1x128x128xf32, #tpu.memory_space<hbm>>
      %dma_start3A_101 = tpu.memref_squeeze %dma_start3A_100 : memref<1x128x128xf32, #tpu.memory_space<hbm>> -> memref<128x128xf32, #tpu.memory_space<hbm>>
      %dma_start3A_102 = arith.constant 0 : i32
      %dma_start3A_103 = tpu.memref_slice %arg5[%arg0, %add3A_87, %dma_start3A_102] : memref<2x10112x128xf32, #tpu.memory_space<hbm>> -> memref<1x128x128xf32, #tpu.memory_space<hbm>>
      %dma_start3A_104 = tpu.memref_squeeze %dma_start3A_103 : memref<1x128x128xf32, #tpu.memory_space<hbm>> -> memref<128x128xf32, #tpu.memory_space<hbm>>
      tpu.enqueue_dma source(%arg8 : memref<128x128xf32, #tpu.memory_space<vmem>>) target(%dma_start3A_104 : memref<128x128xf32, #tpu.memory_space<hbm>>) target_semaphore(%run_scoped3A : memref<!tpu.dma_semaphore, #tpu.memory_space<semaphore_mem>>)
      %dma_wait3A = arith.constant 0 : i32
      %dma_wait3A_105 = tpu.memref_slice %arg5[%arg0, %add3A_87, %dma_wait3A] : memref<2x10112x128xf32, #tpu.memory_space<hbm>> -> memref<1x128x128xf32, #tpu.memory_space<hbm>>
      %dma_wait3A_106 = tpu.memref_squeeze %dma_wait3A_105 : memref<1x128x128xf32, #tpu.memory_space<hbm>> -> memref<128x128xf32, #tpu.memory_space<hbm>>
      %dma_wait3A_107 = arith.constant 0 : i32
      %dma_wait3A_108 = tpu.memref_slice %arg5[%arg0, %add3A_87, %dma_wait3A_107] : memref<2x10112x128xf32, #tpu.memory_space<hbm>> -> memref<1x128x128xf32, #tpu.memory_space<hbm>>
      %dma_wait3A_109 = tpu.memref_squeeze %dma_wait3A_108 : memref<1x128x128xf32, #tpu.memory_space<hbm>> -> memref<128x128xf32, #tpu.memory_space<hbm>>
      tpu.wait_dma2 semaphore(%run_scoped3A : memref<!tpu.dma_semaphore, #tpu.memory_space<semaphore_mem>>) src(%arg8 : memref<128x128xf32, #tpu.memory_space<vmem>>) dst(%dma_wait3A_109 : memref<128x128xf32, #tpu.memory_space<hbm>>)
      tpu.yield
    }) : () -> ()
    %add3A_88 = arith.constant 256 : i32
    %add3A_89 = arith.addi %mul3A_0, %add3A_88 : i32
    "tpu.region"() ({
      %run_scoped3A = tpu.sem_alloc : memref<!tpu.dma_semaphore, #tpu.memory_space<semaphore_mem>>
      %dma_start3A = arith.constant 0 : i32
      %dma_start3A_100 = tpu.memref_slice %arg10[%add3A_89, %dma_start3A] : memref<10112x128xf32, #tpu.memory_space<vmem_shared>> -> memref<128x128xf32, #tpu.memory_space<vmem_shared>>
      %dma_start3A_101 = arith.constant 0 : i32
      %dma_start3A_102 = tpu.memref_slice %arg10[%add3A_89, %dma_start3A_101] : memref<10112x128xf32, #tpu.memory_space<vmem_shared>> -> memref<128x128xf32, #tpu.memory_space<vmem_shared>>
      tpu.enqueue_dma source(%dma_start3A_102 : memref<128x128xf32, #tpu.memory_space<vmem_shared>>) target(%arg8 : memref<128x128xf32, #tpu.memory_space<vmem>>) target_semaphore(%run_scoped3A : memref<!tpu.dma_semaphore, #tpu.memory_space<semaphore_mem>>)
      %dma_wait3A = arith.constant 0 : i32
      %dma_wait3A_103 = tpu.memref_slice %arg10[%add3A_89, %dma_wait3A] : memref<10112x128xf32, #tpu.memory_space<vmem_shared>> -> memref<128x128xf32, #tpu.memory_space<vmem_shared>>
      %dma_wait3A_104 = arith.constant 0 : i32
      %dma_wait3A_105 = tpu.memref_slice %arg10[%add3A_89, %dma_wait3A_104] : memref<10112x128xf32, #tpu.memory_space<vmem_shared>> -> memref<128x128xf32, #tpu.memory_space<vmem_shared>>
      tpu.wait_dma2 semaphore(%run_scoped3A : memref<!tpu.dma_semaphore, #tpu.memory_space<semaphore_mem>>) src(%dma_wait3A_105 : memref<128x128xf32, #tpu.memory_space<vmem_shared>>) dst(%arg8 : memref<128x128xf32, #tpu.memory_space<vmem>>)
      tpu.yield
    }) : () -> ()
    %add3A_90 = arith.constant 256 : i32
    %add3A_91 = arith.addi %mul3A_0, %add3A_90 : i32
    "tpu.region"() ({
      %run_scoped3A = tpu.sem_alloc : memref<!tpu.dma_semaphore, #tpu.memory_space<semaphore_mem>>
      %dma_start3A = arith.constant 0 : i32
      %dma_start3A_100 = tpu.memref_slice %arg5[%arg0, %add3A_91, %dma_start3A] : memref<2x10112x128xf32, #tpu.memory_space<hbm>> -> memref<1x128x128xf32, #tpu.memory_space<hbm>>
      %dma_start3A_101 = tpu.memref_squeeze %dma_start3A_100 : memref<1x128x128xf32, #tpu.memory_space<hbm>> -> memref<128x128xf32, #tpu.memory_space<hbm>>
      %dma_start3A_102 = arith.constant 0 : i32
      %dma_start3A_103 = tpu.memref_slice %arg5[%arg0, %add3A_91, %dma_start3A_102] : memref<2x10112x128xf32, #tpu.memory_space<hbm>> -> memref<1x128x128xf32, #tpu.memory_space<hbm>>
      %dma_start3A_104 = tpu.memref_squeeze %dma_start3A_103 : memref<1x128x128xf32, #tpu.memory_space<hbm>> -> memref<128x128xf32, #tpu.memory_space<hbm>>
      tpu.enqueue_dma source(%arg8 : memref<128x128xf32, #tpu.memory_space<vmem>>) target(%dma_start3A_104 : memref<128x128xf32, #tpu.memory_space<hbm>>) target_semaphore(%run_scoped3A : memref<!tpu.dma_semaphore, #tpu.memory_space<semaphore_mem>>)
      %dma_wait3A = arith.constant 0 : i32
      %dma_wait3A_105 = tpu.memref_slice %arg5[%arg0, %add3A_91, %dma_wait3A] : memref<2x10112x128xf32, #tpu.memory_space<hbm>> -> memref<1x128x128xf32, #tpu.memory_space<hbm>>
      %dma_wait3A_106 = tpu.memref_squeeze %dma_wait3A_105 : memref<1x128x128xf32, #tpu.memory_space<hbm>> -> memref<128x128xf32, #tpu.memory_space<hbm>>
      %dma_wait3A_107 = arith.constant 0 : i32
      %dma_wait3A_108 = tpu.memref_slice %arg5[%arg0, %add3A_91, %dma_wait3A_107] : memref<2x10112x128xf32, #tpu.memory_space<hbm>> -> memref<1x128x128xf32, #tpu.memory_space<hbm>>
      %dma_wait3A_109 = tpu.memref_squeeze %dma_wait3A_108 : memref<1x128x128xf32, #tpu.memory_space<hbm>> -> memref<128x128xf32, #tpu.memory_space<hbm>>
      tpu.wait_dma2 semaphore(%run_scoped3A : memref<!tpu.dma_semaphore, #tpu.memory_space<semaphore_mem>>) src(%arg8 : memref<128x128xf32, #tpu.memory_space<vmem>>) dst(%dma_wait3A_109 : memref<128x128xf32, #tpu.memory_space<hbm>>)
      tpu.yield
    }) : () -> ()
    %add3A_92 = arith.constant 384 : i32
    %add3A_93 = arith.addi %mul3A_0, %add3A_92 : i32
    "tpu.region"() ({
      %run_scoped3A = tpu.sem_alloc : memref<!tpu.dma_semaphore, #tpu.memory_space<semaphore_mem>>
      %dma_start3A = arith.constant 0 : i32
      %dma_start3A_100 = tpu.memref_slice %arg10[%add3A_93, %dma_start3A] : memref<10112x128xf32, #tpu.memory_space<vmem_shared>> -> memref<128x128xf32, #tpu.memory_space<vmem_shared>>
      %dma_start3A_101 = arith.constant 0 : i32
      %dma_start3A_102 = tpu.memref_slice %arg10[%add3A_93, %dma_start3A_101] : memref<10112x128xf32, #tpu.memory_space<vmem_shared>> -> memref<128x128xf32, #tpu.memory_space<vmem_shared>>
      tpu.enqueue_dma source(%dma_start3A_102 : memref<128x128xf32, #tpu.memory_space<vmem_shared>>) target(%arg8 : memref<128x128xf32, #tpu.memory_space<vmem>>) target_semaphore(%run_scoped3A : memref<!tpu.dma_semaphore, #tpu.memory_space<semaphore_mem>>)
      %dma_wait3A = arith.constant 0 : i32
      %dma_wait3A_103 = tpu.memref_slice %arg10[%add3A_93, %dma_wait3A] : memref<10112x128xf32, #tpu.memory_space<vmem_shared>> -> memref<128x128xf32, #tpu.memory_space<vmem_shared>>
      %dma_wait3A_104 = arith.constant 0 : i32
      %dma_wait3A_105 = tpu.memref_slice %arg10[%add3A_93, %dma_wait3A_104] : memref<10112x128xf32, #tpu.memory_space<vmem_shared>> -> memref<128x128xf32, #tpu.memory_space<vmem_shared>>
      tpu.wait_dma2 semaphore(%run_scoped3A : memref<!tpu.dma_semaphore, #tpu.memory_space<semaphore_mem>>) src(%dma_wait3A_105 : memref<128x128xf32, #tpu.memory_space<vmem_shared>>) dst(%arg8 : memref<128x128xf32, #tpu.memory_space<vmem>>)
      tpu.yield
    }) : () -> ()
    %add3A_94 = arith.constant 384 : i32
    %add3A_95 = arith.addi %mul3A_0, %add3A_94 : i32
    "tpu.region"() ({
      %run_scoped3A = tpu.sem_alloc : memref<!tpu.dma_semaphore, #tpu.memory_space<semaphore_mem>>
      %dma_start3A = arith.constant 0 : i32
      %dma_start3A_100 = tpu.memref_slice %arg5[%arg0, %add3A_95, %dma_start3A] : memref<2x10112x128xf32, #tpu.memory_space<hbm>> -> memref<1x128x128xf32, #tpu.memory_space<hbm>>
      %dma_start3A_101 = tpu.memref_squeeze %dma_start3A_100 : memref<1x128x128xf32, #tpu.memory_space<hbm>> -> memref<128x128xf32, #tpu.memory_space<hbm>>
      %dma_start3A_102 = arith.constant 0 : i32
      %dma_start3A_103 = tpu.memref_slice %arg5[%arg0, %add3A_95, %dma_start3A_102] : memref<2x10112x128xf32, #tpu.memory_space<hbm>> -> memref<1x128x128xf32, #tpu.memory_space<hbm>>
      %dma_start3A_104 = tpu.memref_squeeze %dma_start3A_103 : memref<1x128x128xf32, #tpu.memory_space<hbm>> -> memref<128x128xf32, #tpu.memory_space<hbm>>
      tpu.enqueue_dma source(%arg8 : memref<128x128xf32, #tpu.memory_space<vmem>>) target(%dma_start3A_104 : memref<128x128xf32, #tpu.memory_space<hbm>>) target_semaphore(%run_scoped3A : memref<!tpu.dma_semaphore, #tpu.memory_space<semaphore_mem>>)
      %dma_wait3A = arith.constant 0 : i32
      %dma_wait3A_105 = tpu.memref_slice %arg5[%arg0, %add3A_95, %dma_wait3A] : memref<2x10112x128xf32, #tpu.memory_space<hbm>> -> memref<1x128x128xf32, #tpu.memory_space<hbm>>
      %dma_wait3A_106 = tpu.memref_squeeze %dma_wait3A_105 : memref<1x128x128xf32, #tpu.memory_space<hbm>> -> memref<128x128xf32, #tpu.memory_space<hbm>>
      %dma_wait3A_107 = arith.constant 0 : i32
      %dma_wait3A_108 = tpu.memref_slice %arg5[%arg0, %add3A_95, %dma_wait3A_107] : memref<2x10112x128xf32, #tpu.memory_space<hbm>> -> memref<1x128x128xf32, #tpu.memory_space<hbm>>
      %dma_wait3A_109 = tpu.memref_squeeze %dma_wait3A_108 : memref<1x128x128xf32, #tpu.memory_space<hbm>> -> memref<128x128xf32, #tpu.memory_space<hbm>>
      tpu.wait_dma2 semaphore(%run_scoped3A : memref<!tpu.dma_semaphore, #tpu.memory_space<semaphore_mem>>) src(%arg8 : memref<128x128xf32, #tpu.memory_space<vmem>>) dst(%dma_wait3A_109 : memref<128x128xf32, #tpu.memory_space<hbm>>)
      tpu.yield
    }) : () -> ()
    %add3A_96 = arith.constant 512 : i32
    %add3A_97 = arith.addi %mul3A_0, %add3A_96 : i32
    "tpu.region"() ({
      %run_scoped3A = tpu.sem_alloc : memref<!tpu.dma_semaphore, #tpu.memory_space<semaphore_mem>>
      %dma_start3A = arith.constant 0 : i32
      %dma_start3A_100 = arith.constant 0 : i32
      %dma_start3A_101 = tpu.memref_slice %arg8[%dma_start3A, %dma_start3A_100] : memref<128x128xf32, #tpu.memory_space<vmem>> -> memref<120x128xf32, #tpu.memory_space<vmem>>
      %dma_start3A_102 = arith.constant 0 : i32
      %dma_start3A_103 = tpu.memref_slice %arg10[%add3A_97, %dma_start3A_102] : memref<10112x128xf32, #tpu.memory_space<vmem_shared>> -> memref<120x128xf32, #tpu.memory_space<vmem_shared>>
      %dma_start3A_104 = arith.constant 0 : i32
      %dma_start3A_105 = arith.constant 0 : i32
      %dma_start3A_106 = tpu.memref_slice %arg8[%dma_start3A_104, %dma_start3A_105] : memref<128x128xf32, #tpu.memory_space<vmem>> -> memref<120x128xf32, #tpu.memory_space<vmem>>
      %dma_start3A_107 = arith.constant 0 : i32
      %dma_start3A_108 = tpu.memref_slice %arg10[%add3A_97, %dma_start3A_107] : memref<10112x128xf32, #tpu.memory_space<vmem_shared>> -> memref<120x128xf32, #tpu.memory_space<vmem_shared>>
      tpu.enqueue_dma source(%dma_start3A_108 : memref<120x128xf32, #tpu.memory_space<vmem_shared>>) target(%dma_start3A_106 : memref<120x128xf32, #tpu.memory_space<vmem>>) target_semaphore(%run_scoped3A : memref<!tpu.dma_semaphore, #tpu.memory_space<semaphore_mem>>)
      %dma_wait3A = arith.constant 0 : i32
      %dma_wait3A_109 = arith.constant 0 : i32
      %dma_wait3A_110 = tpu.memref_slice %arg8[%dma_wait3A, %dma_wait3A_109] : memref<128x128xf32, #tpu.memory_space<vmem>> -> memref<120x128xf32, #tpu.memory_space<vmem>>
      %dma_wait3A_111 = arith.constant 0 : i32
      %dma_wait3A_112 = tpu.memref_slice %arg10[%add3A_97, %dma_wait3A_111] : memref<10112x128xf32, #tpu.memory_space<vmem_shared>> -> memref<120x128xf32, #tpu.memory_space<vmem_shared>>
      %dma_wait3A_113 = arith.constant 0 : i32
      %dma_wait3A_114 = arith.constant 0 : i32
      %dma_wait3A_115 = tpu.memref_slice %arg8[%dma_wait3A_113, %dma_wait3A_114] : memref<128x128xf32, #tpu.memory_space<vmem>> -> memref<120x128xf32, #tpu.memory_space<vmem>>
      %dma_wait3A_116 = arith.constant 0 : i32
      %dma_wait3A_117 = tpu.memref_slice %arg10[%add3A_97, %dma_wait3A_116] : memref<10112x128xf32, #tpu.memory_space<vmem_shared>> -> memref<120x128xf32, #tpu.memory_space<vmem_shared>>
      tpu.wait_dma2 semaphore(%run_scoped3A : memref<!tpu.dma_semaphore, #tpu.memory_space<semaphore_mem>>) src(%dma_wait3A_117 : memref<120x128xf32, #tpu.memory_space<vmem_shared>>) dst(%dma_wait3A_115 : memref<120x128xf32, #tpu.memory_space<vmem>>)
      tpu.yield
    }) : () -> ()
    %add3A_98 = arith.constant 512 : i32
    %add3A_99 = arith.addi %mul3A_0, %add3A_98 : i32
    "tpu.region"() ({
      %run_scoped3A = tpu.sem_alloc : memref<!tpu.dma_semaphore, #tpu.memory_space<semaphore_mem>>
      %dma_start3A = arith.constant 0 : i32
      %dma_start3A_100 = arith.constant 0 : i32
      %dma_start3A_101 = tpu.memref_slice %arg8[%dma_start3A, %dma_start3A_100] : memref<128x128xf32, #tpu.memory_space<vmem>> -> memref<120x128xf32, #tpu.memory_space<vmem>>
      %dma_start3A_102 = arith.constant 0 : i32
      %dma_start3A_103 = tpu.memref_slice %arg5[%arg0, %add3A_99, %dma_start3A_102] : memref<2x10112x128xf32, #tpu.memory_space<hbm>> -> memref<1x120x128xf32, #tpu.memory_space<hbm>>
      %dma_start3A_104 = tpu.memref_squeeze %dma_start3A_103 : memref<1x120x128xf32, #tpu.memory_space<hbm>> -> memref<120x128xf32, #tpu.memory_space<hbm>>
      %dma_start3A_105 = arith.constant 0 : i32
      %dma_start3A_106 = tpu.memref_slice %arg5[%arg0, %add3A_99, %dma_start3A_105] : memref<2x10112x128xf32, #tpu.memory_space<hbm>> -> memref<1x120x128xf32, #tpu.memory_space<hbm>>
      %dma_start3A_107 = tpu.memref_squeeze %dma_start3A_106 : memref<1x120x128xf32, #tpu.memory_space<hbm>> -> memref<120x128xf32, #tpu.memory_space<hbm>>
      %dma_start3A_108 = arith.constant 0 : i32
      %dma_start3A_109 = arith.constant 0 : i32
      %dma_start3A_110 = tpu.memref_slice %arg8[%dma_start3A_108, %dma_start3A_109] : memref<128x128xf32, #tpu.memory_space<vmem>> -> memref<120x128xf32, #tpu.memory_space<vmem>>
      tpu.enqueue_dma source(%dma_start3A_110 : memref<120x128xf32, #tpu.memory_space<vmem>>) target(%dma_start3A_107 : memref<120x128xf32, #tpu.memory_space<hbm>>) target_semaphore(%run_scoped3A : memref<!tpu.dma_semaphore, #tpu.memory_space<semaphore_mem>>)
      %dma_wait3A = arith.constant 0 : i32
      %dma_wait3A_111 = arith.constant 0 : i32
      %dma_wait3A_112 = tpu.memref_slice %arg8[%dma_wait3A, %dma_wait3A_111] : memref<128x128xf32, #tpu.memory_space<vmem>> -> memref<120x128xf32, #tpu.memory_space<vmem>>
      %dma_wait3A_113 = arith.constant 0 : i32
      %dma_wait3A_114 = tpu.memref_slice %arg5[%arg0, %add3A_99, %dma_wait3A_113] : memref<2x10112x128xf32, #tpu.memory_space<hbm>> -> memref<1x120x128xf32, #tpu.memory_space<hbm>>
      %dma_wait3A_115 = tpu.memref_squeeze %dma_wait3A_114 : memref<1x120x128xf32, #tpu.memory_space<hbm>> -> memref<120x128xf32, #tpu.memory_space<hbm>>
      %dma_wait3A_116 = arith.constant 0 : i32
      %dma_wait3A_117 = tpu.memref_slice %arg5[%arg0, %add3A_99, %dma_wait3A_116] : memref<2x10112x128xf32, #tpu.memory_space<hbm>> -> memref<1x120x128xf32, #tpu.memory_space<hbm>>
      %dma_wait3A_118 = tpu.memref_squeeze %dma_wait3A_117 : memref<1x120x128xf32, #tpu.memory_space<hbm>> -> memref<120x128xf32, #tpu.memory_space<hbm>>
      %dma_wait3A_119 = arith.constant 0 : i32
      %dma_wait3A_120 = arith.constant 0 : i32
      %dma_wait3A_121 = tpu.memref_slice %arg8[%dma_wait3A_119, %dma_wait3A_120] : memref<128x128xf32, #tpu.memory_space<vmem>> -> memref<120x128xf32, #tpu.memory_space<vmem>>
      tpu.wait_dma2 semaphore(%run_scoped3A : memref<!tpu.dma_semaphore, #tpu.memory_space<semaphore_mem>>) src(%dma_wait3A_121 : memref<120x128xf32, #tpu.memory_space<vmem>>) dst(%dma_wait3A_118 : memref<120x128xf32, #tpu.memory_space<hbm>>)
      tpu.yield
    }) : () -> ()
    return
  }
}

#map = affine_map<(d0, d1) -> (0, 0)>
#map1 = affine_map<(d0, d1) -> (0, 0, 0, 0)>
#map2 = affine_map<(d0, d1) -> (0, 0, 0)>
module attributes {stable_mosaic.version = 14 : i64} {
  func.func @agg_kernel(%arg0: i32, %arg1: i32, %arg2: memref<10000x128xf32, #tpu.memory_space<hbm>>, %arg3: memref<2x16x80x128xi32, #tpu.memory_space<hbm>>, %arg4: memref<2x16x80x128xi32, #tpu.memory_space<hbm>>, %arg5: memref<2x10112x128xf32, #tpu.memory_space<hbm>>, %arg6: memref<40x128xi32, #tpu.memory_space<vmem>>, %arg7: memref<40x128xi32, #tpu.memory_space<vmem>>, %arg8: memref<128x128xf32, #tpu.memory_space<vmem>>, %arg9: memref<128x128xf32, #tpu.memory_space<vmem>>, %arg10: memref<10112x128xf32, #tpu.memory_space<vmem_shared>>, %arg11: memref<!tpu.dma_semaphore, #tpu.memory_space<semaphore_mem>>, %arg12: memref<!tpu.dma_semaphore, #tpu.memory_space<semaphore_mem>>) attributes {dimension_semantics = [#tpu.dimension_semantics<core_parallel>, #tpu.dimension_semantics<subcore_parallel>], iteration_bounds = array<i64: 2, 16>, scalar_prefetch = 0 : i64, scratch_operands = 7 : i64, tpu.core_type = #tpu.core_type<sc_vector_subcore>, window_params = [{transform_indices = #map}, {transform_indices = #map1}, {transform_indices = #map1}, {transform_indices = #map2}]} {
    %mul3A = arith.constant 632 : i32
    %mul3A_0 = arith.muli %arg1, %mul3A : i32
    "tpu.region"() ({
      %run_scoped3A = tpu.sem_alloc : memref<!tpu.dma_semaphore, #tpu.memory_space<semaphore_mem>>
      %dma_start3A = arith.constant 0 : i32
      %dma_start3A_100 = arith.constant 0 : i32
      %dma_start3A_101 = tpu.memref_slice %arg3[%arg0, %arg1, %dma_start3A, %dma_start3A_100] : memref<2x16x80x128xi32, #tpu.memory_space<hbm>> -> memref<1x1x40x128xi32, #tpu.memory_space<hbm>>
      %dma_start3A_102 = tpu.memref_squeeze %dma_start3A_101 : memref<1x1x40x128xi32, #tpu.memory_space<hbm>> -> memref<40x128xi32, #tpu.memory_space<hbm>>
      %dma_start3A_103 = arith.constant 0 : i32
      %dma_start3A_104 = arith.constant 0 : i32
      %dma_start3A_105 = tpu.memref_slice %arg3[%arg0, %arg1, %dma_start3A_103, %dma_start3A_104] : memref<2x16x80x128xi32, #tpu.memory_space<hbm>> -> memref<1x1x40x128xi32, #tpu.memory_space<hbm>>
      %dma_start3A_106 = tpu.memref_squeeze %dma_start3A_105 : memref<1x1x40x128xi32, #tpu.memory_space<hbm>> -> memref<40x128xi32, #tpu.memory_space<hbm>>
      tpu.enqueue_dma source(%dma_start3A_106 : memref<40x128xi32, #tpu.memory_space<hbm>>) target(%arg6 : memref<40x128xi32, #tpu.memory_space<vmem>>) target_semaphore(%run_scoped3A : memref<!tpu.dma_semaphore, #tpu.memory_space<semaphore_mem>>)
      %dma_wait3A = arith.constant 0 : i32
      %dma_wait3A_107 = arith.constant 0 : i32
      %dma_wait3A_108 = tpu.memref_slice %arg3[%arg0, %arg1, %dma_wait3A, %dma_wait3A_107] : memref<2x16x80x128xi32, #tpu.memory_space<hbm>> -> memref<1x1x40x128xi32, #tpu.memory_space<hbm>>
      %dma_wait3A_109 = tpu.memref_squeeze %dma_wait3A_108 : memref<1x1x40x128xi32, #tpu.memory_space<hbm>> -> memref<40x128xi32, #tpu.memory_space<hbm>>
      %dma_wait3A_110 = arith.constant 0 : i32
      %dma_wait3A_111 = arith.constant 0 : i32
      %dma_wait3A_112 = tpu.memref_slice %arg3[%arg0, %arg1, %dma_wait3A_110, %dma_wait3A_111] : memref<2x16x80x128xi32, #tpu.memory_space<hbm>> -> memref<1x1x40x128xi32, #tpu.memory_space<hbm>>
      %dma_wait3A_113 = tpu.memref_squeeze %dma_wait3A_112 : memref<1x1x40x128xi32, #tpu.memory_space<hbm>> -> memref<40x128xi32, #tpu.memory_space<hbm>>
      tpu.wait_dma2 semaphore(%run_scoped3A : memref<!tpu.dma_semaphore, #tpu.memory_space<semaphore_mem>>) src(%dma_wait3A_113 : memref<40x128xi32, #tpu.memory_space<hbm>>) dst(%arg6 : memref<40x128xi32, #tpu.memory_space<vmem>>)
      tpu.yield
    }) : () -> ()
    "tpu.region"() ({
      %run_scoped3A = tpu.sem_alloc : memref<!tpu.dma_semaphore, #tpu.memory_space<semaphore_mem>>
      %dma_start3A = arith.constant 0 : i32
      %dma_start3A_100 = arith.constant 0 : i32
      %dma_start3A_101 = tpu.memref_slice %arg4[%arg0, %arg1, %dma_start3A, %dma_start3A_100] : memref<2x16x80x128xi32, #tpu.memory_space<hbm>> -> memref<1x1x40x128xi32, #tpu.memory_space<hbm>>
      %dma_start3A_102 = tpu.memref_squeeze %dma_start3A_101 : memref<1x1x40x128xi32, #tpu.memory_space<hbm>> -> memref<40x128xi32, #tpu.memory_space<hbm>>
      %dma_start3A_103 = arith.constant 0 : i32
      %dma_start3A_104 = arith.constant 0 : i32
      %dma_start3A_105 = tpu.memref_slice %arg4[%arg0, %arg1, %dma_start3A_103, %dma_start3A_104] : memref<2x16x80x128xi32, #tpu.memory_space<hbm>> -> memref<1x1x40x128xi32, #tpu.memory_space<hbm>>
      %dma_start3A_106 = tpu.memref_squeeze %dma_start3A_105 : memref<1x1x40x128xi32, #tpu.memory_space<hbm>> -> memref<40x128xi32, #tpu.memory_space<hbm>>
      tpu.enqueue_dma source(%dma_start3A_106 : memref<40x128xi32, #tpu.memory_space<hbm>>) target(%arg7 : memref<40x128xi32, #tpu.memory_space<vmem>>) target_semaphore(%run_scoped3A : memref<!tpu.dma_semaphore, #tpu.memory_space<semaphore_mem>>)
      %dma_wait3A = arith.constant 0 : i32
      %dma_wait3A_107 = arith.constant 0 : i32
      %dma_wait3A_108 = tpu.memref_slice %arg4[%arg0, %arg1, %dma_wait3A, %dma_wait3A_107] : memref<2x16x80x128xi32, #tpu.memory_space<hbm>> -> memref<1x1x40x128xi32, #tpu.memory_space<hbm>>
      %dma_wait3A_109 = tpu.memref_squeeze %dma_wait3A_108 : memref<1x1x40x128xi32, #tpu.memory_space<hbm>> -> memref<40x128xi32, #tpu.memory_space<hbm>>
      %dma_wait3A_110 = arith.constant 0 : i32
      %dma_wait3A_111 = arith.constant 0 : i32
      %dma_wait3A_112 = tpu.memref_slice %arg4[%arg0, %arg1, %dma_wait3A_110, %dma_wait3A_111] : memref<2x16x80x128xi32, #tpu.memory_space<hbm>> -> memref<1x1x40x128xi32, #tpu.memory_space<hbm>>
      %dma_wait3A_113 = tpu.memref_squeeze %dma_wait3A_112 : memref<1x1x40x128xi32, #tpu.memory_space<hbm>> -> memref<40x128xi32, #tpu.memory_space<hbm>>
      tpu.wait_dma2 semaphore(%run_scoped3A : memref<!tpu.dma_semaphore, #tpu.memory_space<semaphore_mem>>) src(%dma_wait3A_113 : memref<40x128xi32, #tpu.memory_space<hbm>>) dst(%arg7 : memref<40x128xi32, #tpu.memory_space<vmem>>)
      tpu.yield
    }) : () -> ()
    %while3A = arith.constant 0 : i32
    %while3A_1 = arith.constant 128 : i32
    %while3A_2 = arith.subi %while3A_1, %while3A : i32
    %while3A_3 = arith.addi %while3A, %while3A_2 : i32
    %while3A_4 = arith.constant 1 : i32
    %while3A_5 = arith.divsi %while3A_2, %while3A_4 : i32
    %while3A_6 = arith.muli %while3A_5, %while3A_4 : i32
    %while3A_7 = arith.addi %while3A, %while3A_6 : i32
    %while3A_8 = arith.constant 1 : i32
    scf.for %while3A_100 = %while3A to %while3A_7 step %while3A_8  : i32 {
      %broadcast_in_dim3A = arith.constant 0.000000e+00 : f32
      %broadcast_in_dim3A_101 = vector.broadcast %broadcast_in_dim3A : f32 to vector<16xf32>
      %swap3A = arith.index_cast %while3A_100 : i32 to index
      %swap3A_102 = arith.constant 0 : index
      %swap3A_103 = tpu.vector_load %arg9[%swap3A, %swap3A_102] {strides = array<i32>} : memref<128x128xf32, #tpu.memory_space<vmem>>, vector<1x16xf32>,
      %swap3A_104 = vector.shape_cast %swap3A_103 : vector<1x16xf32> to vector<16xf32>
      %swap3A_105 = vector.shape_cast %broadcast_in_dim3A_101 : vector<16xf32> to vector<1x16xf32>
      tpu.vector_store %arg9[%swap3A, %swap3A_102], %swap3A_105 {strides = array<i32>} : memref<128x128xf32, #tpu.memory_space<vmem>>, vector<1x16xf32>,
      %broadcast_in_dim3A_106 = arith.constant 0.000000e+00 : f32
      %broadcast_in_dim3A_107 = vector.broadcast %broadcast_in_dim3A_106 : f32 to vector<16xf32>
      %swap3A_108 = arith.index_cast %while3A_100 : i32 to index
      %swap3A_109 = arith.constant 16 : index
      %swap3A_110 = tpu.vector_load %arg9[%swap3A_108, %swap3A_109] {strides = array<i32>} : memref<128x128xf32, #tpu.memory_space<vmem>>, vector<1x16xf32>,
      %swap3A_111 = vector.shape_cast %swap3A_110 : vector<1x16xf32> to vector<16xf32>
      %swap3A_112 = vector.shape_cast %broadcast_in_dim3A_107 : vector<16xf32> to vector<1x16xf32>
      tpu.vector_store %arg9[%swap3A_108, %swap3A_109], %swap3A_112 {strides = array<i32>} : memref<128x128xf32, #tpu.memory_space<vmem>>, vector<1x16xf32>,
      %broadcast_in_dim3A_113 = arith.constant 0.000000e+00 : f32
      %broadcast_in_dim3A_114 = vector.broadcast %broadcast_in_dim3A_113 : f32 to vector<16xf32>
      %swap3A_115 = arith.index_cast %while3A_100 : i32 to index
      %swap3A_116 = arith.constant 32 : index
      %swap3A_117 = tpu.vector_load %arg9[%swap3A_115, %swap3A_116] {strides = array<i32>} : memref<128x128xf32, #tpu.memory_space<vmem>>, vector<1x16xf32>,
      %swap3A_118 = vector.shape_cast %swap3A_117 : vector<1x16xf32> to vector<16xf32>
      %swap3A_119 = vector.shape_cast %broadcast_in_dim3A_114 : vector<16xf32> to vector<1x16xf32>
      tpu.vector_store %arg9[%swap3A_115, %swap3A_116], %swap3A_119 {strides = array<i32>} : memref<128x128xf32, #tpu.memory_space<vmem>>, vector<1x16xf32>,
      %broadcast_in_dim3A_120 = arith.constant 0.000000e+00 : f32
      %broadcast_in_dim3A_121 = vector.broadcast %broadcast_in_dim3A_120 : f32 to vector<16xf32>
      %swap3A_122 = arith.index_cast %while3A_100 : i32 to index
      %swap3A_123 = arith.constant 48 : index
      %swap3A_124 = tpu.vector_load %arg9[%swap3A_122, %swap3A_123] {strides = array<i32>} : memref<128x128xf32, #tpu.memory_space<vmem>>, vector<1x16xf32>,
      %swap3A_125 = vector.shape_cast %swap3A_124 : vector<1x16xf32> to vector<16xf32>
      %swap3A_126 = vector.shape_cast %broadcast_in_dim3A_121 : vector<16xf32> to vector<1x16xf32>
      tpu.vector_store %arg9[%swap3A_122, %swap3A_123], %swap3A_126 {strides = array<i32>} : memref<128x128xf32, #tpu.memory_space<vmem>>, vector<1x16xf32>,
      %broadcast_in_dim3A_127 = arith.constant 0.000000e+00 : f32
      %broadcast_in_dim3A_128 = vector.broadcast %broadcast_in_dim3A_127 : f32 to vector<16xf32>
      %swap3A_129 = arith.index_cast %while3A_100 : i32 to index
      %swap3A_130 = arith.constant 64 : index
      %swap3A_131 = tpu.vector_load %arg9[%swap3A_129, %swap3A_130] {strides = array<i32>} : memref<128x128xf32, #tpu.memory_space<vmem>>, vector<1x16xf32>,
      %swap3A_132 = vector.shape_cast %swap3A_131 : vector<1x16xf32> to vector<16xf32>
      %swap3A_133 = vector.shape_cast %broadcast_in_dim3A_128 : vector<16xf32> to vector<1x16xf32>
      tpu.vector_store %arg9[%swap3A_129, %swap3A_130], %swap3A_133 {strides = array<i32>} : memref<128x128xf32, #tpu.memory_space<vmem>>, vector<1x16xf32>,
      %broadcast_in_dim3A_134 = arith.constant 0.000000e+00 : f32
      %broadcast_in_dim3A_135 = vector.broadcast %broadcast_in_dim3A_134 : f32 to vector<16xf32>
      %swap3A_136 = arith.index_cast %while3A_100 : i32 to index
      %swap3A_137 = arith.constant 80 : index
      %swap3A_138 = tpu.vector_load %arg9[%swap3A_136, %swap3A_137] {strides = array<i32>} : memref<128x128xf32, #tpu.memory_space<vmem>>, vector<1x16xf32>,
      %swap3A_139 = vector.shape_cast %swap3A_138 : vector<1x16xf32> to vector<16xf32>
      %swap3A_140 = vector.shape_cast %broadcast_in_dim3A_135 : vector<16xf32> to vector<1x16xf32>
      tpu.vector_store %arg9[%swap3A_136, %swap3A_137], %swap3A_140 {strides = array<i32>} : memref<128x128xf32, #tpu.memory_space<vmem>>, vector<1x16xf32>,
      %broadcast_in_dim3A_141 = arith.constant 0.000000e+00 : f32
      %broadcast_in_dim3A_142 = vector.broadcast %broadcast_in_dim3A_141 : f32 to vector<16xf32>
      %swap3A_143 = arith.index_cast %while3A_100 : i32 to index
      %swap3A_144 = arith.constant 96 : index
      %swap3A_145 = tpu.vector_load %arg9[%swap3A_143, %swap3A_144] {strides = array<i32>} : memref<128x128xf32, #tpu.memory_space<vmem>>, vector<1x16xf32>,
      %swap3A_146 = vector.shape_cast %swap3A_145 : vector<1x16xf32> to vector<16xf32>
      %swap3A_147 = vector.shape_cast %broadcast_in_dim3A_142 : vector<16xf32> to vector<1x16xf32>
      tpu.vector_store %arg9[%swap3A_143, %swap3A_144], %swap3A_147 {strides = array<i32>} : memref<128x128xf32, #tpu.memory_space<vmem>>, vector<1x16xf32>,
      %broadcast_in_dim3A_148 = arith.constant 0.000000e+00 : f32
      %broadcast_in_dim3A_149 = vector.broadcast %broadcast_in_dim3A_148 : f32 to vector<16xf32>
      %swap3A_150 = arith.index_cast %while3A_100 : i32 to index
      %swap3A_151 = arith.constant 112 : index
      %swap3A_152 = tpu.vector_load %arg9[%swap3A_150, %swap3A_151] {strides = array<i32>} : memref<128x128xf32, #tpu.memory_space<vmem>>, vector<1x16xf32>,
      %swap3A_153 = vector.shape_cast %swap3A_152 : vector<1x16xf32> to vector<16xf32>
      %swap3A_154 = vector.shape_cast %broadcast_in_dim3A_149 : vector<16xf32> to vector<1x16xf32>
      tpu.vector_store %arg9[%swap3A_150, %swap3A_151], %swap3A_154 {strides = array<i32>} : memref<128x128xf32, #tpu.memory_space<vmem>>, vector<1x16xf32>,
    }
    %while3A_9 = arith.constant 1 : i32
    scf.for %while3A_100 = %while3A_7 to %while3A_3 step %while3A_9  : i32 {
      %broadcast_in_dim3A = arith.constant 0.000000e+00 : f32
      %broadcast_in_dim3A_101 = vector.broadcast %broadcast_in_dim3A : f32 to vector<16xf32>
      %swap3A = arith.index_cast %while3A_100 : i32 to index
      %swap3A_102 = arith.constant 0 : index
      %swap3A_103 = tpu.vector_load %arg9[%swap3A, %swap3A_102] {strides = array<i32>} : memref<128x128xf32, #tpu.memory_space<vmem>>, vector<1x16xf32>,
      %swap3A_104 = vector.shape_cast %swap3A_103 : vector<1x16xf32> to vector<16xf32>
      %swap3A_105 = vector.shape_cast %broadcast_in_dim3A_101 : vector<16xf32> to vector<1x16xf32>
      tpu.vector_store %arg9[%swap3A, %swap3A_102], %swap3A_105 {strides = array<i32>} : memref<128x128xf32, #tpu.memory_space<vmem>>, vector<1x16xf32>,
      %broadcast_in_dim3A_106 = arith.constant 0.000000e+00 : f32
      %broadcast_in_dim3A_107 = vector.broadcast %broadcast_in_dim3A_106 : f32 to vector<16xf32>
      %swap3A_108 = arith.index_cast %while3A_100 : i32 to index
      %swap3A_109 = arith.constant 16 : index
      %swap3A_110 = tpu.vector_load %arg9[%swap3A_108, %swap3A_109] {strides = array<i32>} : memref<128x128xf32, #tpu.memory_space<vmem>>, vector<1x16xf32>,
      %swap3A_111 = vector.shape_cast %swap3A_110 : vector<1x16xf32> to vector<16xf32>
      %swap3A_112 = vector.shape_cast %broadcast_in_dim3A_107 : vector<16xf32> to vector<1x16xf32>
      tpu.vector_store %arg9[%swap3A_108, %swap3A_109], %swap3A_112 {strides = array<i32>} : memref<128x128xf32, #tpu.memory_space<vmem>>, vector<1x16xf32>,
      %broadcast_in_dim3A_113 = arith.constant 0.000000e+00 : f32
      %broadcast_in_dim3A_114 = vector.broadcast %broadcast_in_dim3A_113 : f32 to vector<16xf32>
      %swap3A_115 = arith.index_cast %while3A_100 : i32 to index
      %swap3A_116 = arith.constant 32 : index
      %swap3A_117 = tpu.vector_load %arg9[%swap3A_115, %swap3A_116] {strides = array<i32>} : memref<128x128xf32, #tpu.memory_space<vmem>>, vector<1x16xf32>,
      %swap3A_118 = vector.shape_cast %swap3A_117 : vector<1x16xf32> to vector<16xf32>
      %swap3A_119 = vector.shape_cast %broadcast_in_dim3A_114 : vector<16xf32> to vector<1x16xf32>
      tpu.vector_store %arg9[%swap3A_115, %swap3A_116], %swap3A_119 {strides = array<i32>} : memref<128x128xf32, #tpu.memory_space<vmem>>, vector<1x16xf32>,
      %broadcast_in_dim3A_120 = arith.constant 0.000000e+00 : f32
      %broadcast_in_dim3A_121 = vector.broadcast %broadcast_in_dim3A_120 : f32 to vector<16xf32>
      %swap3A_122 = arith.index_cast %while3A_100 : i32 to index
      %swap3A_123 = arith.constant 48 : index
      %swap3A_124 = tpu.vector_load %arg9[%swap3A_122, %swap3A_123] {strides = array<i32>} : memref<128x128xf32, #tpu.memory_space<vmem>>, vector<1x16xf32>,
      %swap3A_125 = vector.shape_cast %swap3A_124 : vector<1x16xf32> to vector<16xf32>
      %swap3A_126 = vector.shape_cast %broadcast_in_dim3A_121 : vector<16xf32> to vector<1x16xf32>
      tpu.vector_store %arg9[%swap3A_122, %swap3A_123], %swap3A_126 {strides = array<i32>} : memref<128x128xf32, #tpu.memory_space<vmem>>, vector<1x16xf32>,
      %broadcast_in_dim3A_127 = arith.constant 0.000000e+00 : f32
      %broadcast_in_dim3A_128 = vector.broadcast %broadcast_in_dim3A_127 : f32 to vector<16xf32>
      %swap3A_129 = arith.index_cast %while3A_100 : i32 to index
      %swap3A_130 = arith.constant 64 : index
      %swap3A_131 = tpu.vector_load %arg9[%swap3A_129, %swap3A_130] {strides = array<i32>} : memref<128x128xf32, #tpu.memory_space<vmem>>, vector<1x16xf32>,
      %swap3A_132 = vector.shape_cast %swap3A_131 : vector<1x16xf32> to vector<16xf32>
      %swap3A_133 = vector.shape_cast %broadcast_in_dim3A_128 : vector<16xf32> to vector<1x16xf32>
      tpu.vector_store %arg9[%swap3A_129, %swap3A_130], %swap3A_133 {strides = array<i32>} : memref<128x128xf32, #tpu.memory_space<vmem>>, vector<1x16xf32>,
      %broadcast_in_dim3A_134 = arith.constant 0.000000e+00 : f32
      %broadcast_in_dim3A_135 = vector.broadcast %broadcast_in_dim3A_134 : f32 to vector<16xf32>
      %swap3A_136 = arith.index_cast %while3A_100 : i32 to index
      %swap3A_137 = arith.constant 80 : index
      %swap3A_138 = tpu.vector_load %arg9[%swap3A_136, %swap3A_137] {strides = array<i32>} : memref<128x128xf32, #tpu.memory_space<vmem>>, vector<1x16xf32>,
      %swap3A_139 = vector.shape_cast %swap3A_138 : vector<1x16xf32> to vector<16xf32>
      %swap3A_140 = vector.shape_cast %broadcast_in_dim3A_135 : vector<16xf32> to vector<1x16xf32>
      tpu.vector_store %arg9[%swap3A_136, %swap3A_137], %swap3A_140 {strides = array<i32>} : memref<128x128xf32, #tpu.memory_space<vmem>>, vector<1x16xf32>,
      %broadcast_in_dim3A_141 = arith.constant 0.000000e+00 : f32
      %broadcast_in_dim3A_142 = vector.broadcast %broadcast_in_dim3A_141 : f32 to vector<16xf32>
      %swap3A_143 = arith.index_cast %while3A_100 : i32 to index
      %swap3A_144 = arith.constant 96 : index
      %swap3A_145 = tpu.vector_load %arg9[%swap3A_143, %swap3A_144] {strides = array<i32>} : memref<128x128xf32, #tpu.memory_space<vmem>>, vector<1x16xf32>,
      %swap3A_146 = vector.shape_cast %swap3A_145 : vector<1x16xf32> to vector<16xf32>
      %swap3A_147 = vector.shape_cast %broadcast_in_dim3A_142 : vector<16xf32> to vector<1x16xf32>
      tpu.vector_store %arg9[%swap3A_143, %swap3A_144], %swap3A_147 {strides = array<i32>} : memref<128x128xf32, #tpu.memory_space<vmem>>, vector<1x16xf32>,
      %broadcast_in_dim3A_148 = arith.constant 0.000000e+00 : f32
      %broadcast_in_dim3A_149 = vector.broadcast %broadcast_in_dim3A_148 : f32 to vector<16xf32>
      %swap3A_150 = arith.index_cast %while3A_100 : i32 to index
      %swap3A_151 = arith.constant 112 : index
      %swap3A_152 = tpu.vector_load %arg9[%swap3A_150, %swap3A_151] {strides = array<i32>} : memref<128x128xf32, #tpu.memory_space<vmem>>, vector<1x16xf32>,
      %swap3A_153 = vector.shape_cast %swap3A_152 : vector<1x16xf32> to vector<16xf32>
      %swap3A_154 = vector.shape_cast %broadcast_in_dim3A_149 : vector<16xf32> to vector<1x16xf32>
      tpu.vector_store %arg9[%swap3A_150, %swap3A_151], %swap3A_154 {strides = array<i32>} : memref<128x128xf32, #tpu.memory_space<vmem>>, vector<1x16xf32>,
    }
    %add3A = arith.constant 0 : i32
    %add3A_10 = arith.addi %mul3A_0, %add3A : i32
    "tpu.region"() ({
      %run_scoped3A = tpu.sem_alloc : memref<!tpu.dma_semaphore, #tpu.memory_space<semaphore_mem>>
      %dma_start3A = arith.constant 0 : i32
      %dma_start3A_100 = tpu.memref_slice %arg10[%add3A_10, %dma_start3A] : memref<10112x128xf32, #tpu.memory_space<vmem_shared>> -> memref<128x128xf32, #tpu.memory_space<vmem_shared>>
      %dma_start3A_101 = arith.constant 0 : i32
      %dma_start3A_102 = tpu.memref_slice %arg10[%add3A_10, %dma_start3A_101] : memref<10112x128xf32, #tpu.memory_space<vmem_shared>> -> memref<128x128xf32, #tpu.memory_space<vmem_shared>>
      tpu.enqueue_dma source(%arg9 : memref<128x128xf32, #tpu.memory_space<vmem>>) target(%dma_start3A_102 : memref<128x128xf32, #tpu.memory_space<vmem_shared>>) target_semaphore(%run_scoped3A : memref<!tpu.dma_semaphore, #tpu.memory_space<semaphore_mem>>)
      %dma_wait3A = arith.constant 0 : i32
      %dma_wait3A_103 = tpu.memref_slice %arg10[%add3A_10, %dma_wait3A] : memref<10112x128xf32, #tpu.memory_space<vmem_shared>> -> memref<128x128xf32, #tpu.memory_space<vmem_shared>>
      %dma_wait3A_104 = arith.constant 0 : i32
      %dma_wait3A_105 = tpu.memref_slice %arg10[%add3A_10, %dma_wait3A_104] : memref<10112x128xf32, #tpu.memory_space<vmem_shared>> -> memref<128x128xf32, #tpu.memory_space<vmem_shared>>
      tpu.wait_dma2 semaphore(%run_scoped3A : memref<!tpu.dma_semaphore, #tpu.memory_space<semaphore_mem>>) src(%arg9 : memref<128x128xf32, #tpu.memory_space<vmem>>) dst(%dma_wait3A_105 : memref<128x128xf32, #tpu.memory_space<vmem_shared>>)
      tpu.yield
    }) : () -> ()
    %add3A_11 = arith.constant 128 : i32
    %add3A_12 = arith.addi %mul3A_0, %add3A_11 : i32
    "tpu.region"() ({
      %run_scoped3A = tpu.sem_alloc : memref<!tpu.dma_semaphore, #tpu.memory_space<semaphore_mem>>
      %dma_start3A = arith.constant 0 : i32
      %dma_start3A_100 = tpu.memref_slice %arg10[%add3A_12, %dma_start3A] : memref<10112x128xf32, #tpu.memory_space<vmem_shared>> -> memref<128x128xf32, #tpu.memory_space<vmem_shared>>
      %dma_start3A_101 = arith.constant 0 : i32
      %dma_start3A_102 = tpu.memref_slice %arg10[%add3A_12, %dma_start3A_101] : memref<10112x128xf32, #tpu.memory_space<vmem_shared>> -> memref<128x128xf32, #tpu.memory_space<vmem_shared>>
      tpu.enqueue_dma source(%arg9 : memref<128x128xf32, #tpu.memory_space<vmem>>) target(%dma_start3A_102 : memref<128x128xf32, #tpu.memory_space<vmem_shared>>) target_semaphore(%run_scoped3A : memref<!tpu.dma_semaphore, #tpu.memory_space<semaphore_mem>>)
      %dma_wait3A = arith.constant 0 : i32
      %dma_wait3A_103 = tpu.memref_slice %arg10[%add3A_12, %dma_wait3A] : memref<10112x128xf32, #tpu.memory_space<vmem_shared>> -> memref<128x128xf32, #tpu.memory_space<vmem_shared>>
      %dma_wait3A_104 = arith.constant 0 : i32
      %dma_wait3A_105 = tpu.memref_slice %arg10[%add3A_12, %dma_wait3A_104] : memref<10112x128xf32, #tpu.memory_space<vmem_shared>> -> memref<128x128xf32, #tpu.memory_space<vmem_shared>>
      tpu.wait_dma2 semaphore(%run_scoped3A : memref<!tpu.dma_semaphore, #tpu.memory_space<semaphore_mem>>) src(%arg9 : memref<128x128xf32, #tpu.memory_space<vmem>>) dst(%dma_wait3A_105 : memref<128x128xf32, #tpu.memory_space<vmem_shared>>)
      tpu.yield
    }) : () -> ()
    %add3A_13 = arith.constant 256 : i32
    %add3A_14 = arith.addi %mul3A_0, %add3A_13 : i32
    "tpu.region"() ({
      %run_scoped3A = tpu.sem_alloc : memref<!tpu.dma_semaphore, #tpu.memory_space<semaphore_mem>>
      %dma_start3A = arith.constant 0 : i32
      %dma_start3A_100 = tpu.memref_slice %arg10[%add3A_14, %dma_start3A] : memref<10112x128xf32, #tpu.memory_space<vmem_shared>> -> memref<128x128xf32, #tpu.memory_space<vmem_shared>>
      %dma_start3A_101 = arith.constant 0 : i32
      %dma_start3A_102 = tpu.memref_slice %arg10[%add3A_14, %dma_start3A_101] : memref<10112x128xf32, #tpu.memory_space<vmem_shared>> -> memref<128x128xf32, #tpu.memory_space<vmem_shared>>
      tpu.enqueue_dma source(%arg9 : memref<128x128xf32, #tpu.memory_space<vmem>>) target(%dma_start3A_102 : memref<128x128xf32, #tpu.memory_space<vmem_shared>>) target_semaphore(%run_scoped3A : memref<!tpu.dma_semaphore, #tpu.memory_space<semaphore_mem>>)
      %dma_wait3A = arith.constant 0 : i32
      %dma_wait3A_103 = tpu.memref_slice %arg10[%add3A_14, %dma_wait3A] : memref<10112x128xf32, #tpu.memory_space<vmem_shared>> -> memref<128x128xf32, #tpu.memory_space<vmem_shared>>
      %dma_wait3A_104 = arith.constant 0 : i32
      %dma_wait3A_105 = tpu.memref_slice %arg10[%add3A_14, %dma_wait3A_104] : memref<10112x128xf32, #tpu.memory_space<vmem_shared>> -> memref<128x128xf32, #tpu.memory_space<vmem_shared>>
      tpu.wait_dma2 semaphore(%run_scoped3A : memref<!tpu.dma_semaphore, #tpu.memory_space<semaphore_mem>>) src(%arg9 : memref<128x128xf32, #tpu.memory_space<vmem>>) dst(%dma_wait3A_105 : memref<128x128xf32, #tpu.memory_space<vmem_shared>>)
      tpu.yield
    }) : () -> ()
    %add3A_15 = arith.constant 384 : i32
    %add3A_16 = arith.addi %mul3A_0, %add3A_15 : i32
    "tpu.region"() ({
      %run_scoped3A = tpu.sem_alloc : memref<!tpu.dma_semaphore, #tpu.memory_space<semaphore_mem>>
      %dma_start3A = arith.constant 0 : i32
      %dma_start3A_100 = tpu.memref_slice %arg10[%add3A_16, %dma_start3A] : memref<10112x128xf32, #tpu.memory_space<vmem_shared>> -> memref<128x128xf32, #tpu.memory_space<vmem_shared>>
      %dma_start3A_101 = arith.constant 0 : i32
      %dma_start3A_102 = tpu.memref_slice %arg10[%add3A_16, %dma_start3A_101] : memref<10112x128xf32, #tpu.memory_space<vmem_shared>> -> memref<128x128xf32, #tpu.memory_space<vmem_shared>>
      tpu.enqueue_dma source(%arg9 : memref<128x128xf32, #tpu.memory_space<vmem>>) target(%dma_start3A_102 : memref<128x128xf32, #tpu.memory_space<vmem_shared>>) target_semaphore(%run_scoped3A : memref<!tpu.dma_semaphore, #tpu.memory_space<semaphore_mem>>)
      %dma_wait3A = arith.constant 0 : i32
      %dma_wait3A_103 = tpu.memref_slice %arg10[%add3A_16, %dma_wait3A] : memref<10112x128xf32, #tpu.memory_space<vmem_shared>> -> memref<128x128xf32, #tpu.memory_space<vmem_shared>>
      %dma_wait3A_104 = arith.constant 0 : i32
      %dma_wait3A_105 = tpu.memref_slice %arg10[%add3A_16, %dma_wait3A_104] : memref<10112x128xf32, #tpu.memory_space<vmem_shared>> -> memref<128x128xf32, #tpu.memory_space<vmem_shared>>
      tpu.wait_dma2 semaphore(%run_scoped3A : memref<!tpu.dma_semaphore, #tpu.memory_space<semaphore_mem>>) src(%arg9 : memref<128x128xf32, #tpu.memory_space<vmem>>) dst(%dma_wait3A_105 : memref<128x128xf32, #tpu.memory_space<vmem_shared>>)
      tpu.yield
    }) : () -> ()
    %add3A_17 = arith.constant 512 : i32
    %add3A_18 = arith.addi %mul3A_0, %add3A_17 : i32
    "tpu.region"() ({
      %run_scoped3A = tpu.sem_alloc : memref<!tpu.dma_semaphore, #tpu.memory_space<semaphore_mem>>
      %dma_start3A = arith.constant 0 : i32
      %dma_start3A_100 = arith.constant 0 : i32
      %dma_start3A_101 = tpu.memref_slice %arg9[%dma_start3A, %dma_start3A_100] : memref<128x128xf32, #tpu.memory_space<vmem>> -> memref<120x128xf32, #tpu.memory_space<vmem>>
      %dma_start3A_102 = arith.constant 0 : i32
      %dma_start3A_103 = tpu.memref_slice %arg10[%add3A_18, %dma_start3A_102] : memref<10112x128xf32, #tpu.memory_space<vmem_shared>> -> memref<120x128xf32, #tpu.memory_space<vmem_shared>>
      %dma_start3A_104 = arith.constant 0 : i32
      %dma_start3A_105 = tpu.memref_slice %arg10[%add3A_18, %dma_start3A_104] : memref<10112x128xf32, #tpu.memory_space<vmem_shared>> -> memref<120x128xf32, #tpu.memory_space<vmem_shared>>
      %dma_start3A_106 = arith.constant 0 : i32
      %dma_start3A_107 = arith.constant 0 : i32
      %dma_start3A_108 = tpu.memref_slice %arg9[%dma_start3A_106, %dma_start3A_107] : memref<128x128xf32, #tpu.memory_space<vmem>> -> memref<120x128xf32, #tpu.memory_space<vmem>>
      tpu.enqueue_dma source(%dma_start3A_108 : memref<120x128xf32, #tpu.memory_space<vmem>>) target(%dma_start3A_105 : memref<120x128xf32, #tpu.memory_space<vmem_shared>>) target_semaphore(%run_scoped3A : memref<!tpu.dma_semaphore, #tpu.memory_space<semaphore_mem>>)
      %dma_wait3A = arith.constant 0 : i32
      %dma_wait3A_109 = arith.constant 0 : i32
      %dma_wait3A_110 = tpu.memref_slice %arg9[%dma_wait3A, %dma_wait3A_109] : memref<128x128xf32, #tpu.memory_space<vmem>> -> memref<120x128xf32, #tpu.memory_space<vmem>>
      %dma_wait3A_111 = arith.constant 0 : i32
      %dma_wait3A_112 = tpu.memref_slice %arg10[%add3A_18, %dma_wait3A_111] : memref<10112x128xf32, #tpu.memory_space<vmem_shared>> -> memref<120x128xf32, #tpu.memory_space<vmem_shared>>
      %dma_wait3A_113 = arith.constant 0 : i32
      %dma_wait3A_114 = tpu.memref_slice %arg10[%add3A_18, %dma_wait3A_113] : memref<10112x128xf32, #tpu.memory_space<vmem_shared>> -> memref<120x128xf32, #tpu.memory_space<vmem_shared>>
      %dma_wait3A_115 = arith.constant 0 : i32
      %dma_wait3A_116 = arith.constant 0 : i32
      %dma_wait3A_117 = tpu.memref_slice %arg9[%dma_wait3A_115, %dma_wait3A_116] : memref<128x128xf32, #tpu.memory_space<vmem>> -> memref<120x128xf32, #tpu.memory_space<vmem>>
      tpu.wait_dma2 semaphore(%run_scoped3A : memref<!tpu.dma_semaphore, #tpu.memory_space<semaphore_mem>>) src(%dma_wait3A_117 : memref<120x128xf32, #tpu.memory_space<vmem>>) dst(%dma_wait3A_114 : memref<120x128xf32, #tpu.memory_space<vmem_shared>>)
      tpu.yield
    }) : () -> ()
    %barrier3A = arith.constant 0 : index
    tpu.barrier barrier_id(%barrier3A)
    %while3A_19 = arith.constant 0 : i32
    %while3A_20 = arith.constant 1 : i32
    %while3A_21 = arith.subi %while3A_20, %while3A_19 : i32
    %while3A_22 = arith.addi %while3A_19, %while3A_21 : i32
    %while3A_23 = arith.constant 1 : i32
    %while3A_24 = arith.divsi %while3A_21, %while3A_23 : i32
    %while3A_25 = arith.muli %while3A_24, %while3A_23 : i32
    %while3A_26 = arith.addi %while3A_19, %while3A_25 : i32
    %while3A_27 = arith.constant 1 : i32
    scf.for %while3A_100 = %while3A_19 to %while3A_26 step %while3A_27  : i32 {
      %add3A_101 = arith.addi %while3A_100, %while3A_100 : i32
      %dma_start3A = arith.constant 0 : i32
      %dma_start3A_102 = tpu.memref_slice %arg6[%add3A_101, %dma_start3A] : memref<40x128xi32, #tpu.memory_space<vmem>> -> memref<1x128xi32, #tpu.memory_space<vmem>>
      %dma_start3A_103 = tpu.memref_squeeze %dma_start3A_102 : memref<1x128xi32, #tpu.memory_space<vmem>> -> memref<128xi32, #tpu.memory_space<vmem>>
      %dma_start3A_104 = arith.constant 0 : i32
      %dma_start3A_105 = arith.constant 0 : i32
      %dma_start3A_106 = tpu.memref_slice %arg2[%dma_start3A_104, %dma_start3A_105] : memref<10000x128xf32, #tpu.memory_space<hbm>> -> memref<10000x128xf32, #tpu.memory_space<hbm>>
      tpu.enqueue_indirect_dma source(%dma_start3A_106 : memref<10000x128xf32, #tpu.memory_space<hbm>>) target(%arg8 : memref<128x128xf32, #tpu.memory_space<vmem>>) offsets(%dma_start3A_103 : memref<128xi32, #tpu.memory_space<vmem>>) semaphore(%arg11 : memref<!tpu.dma_semaphore, #tpu.memory_space<semaphore_mem>>)
      %add3A_107 = arith.constant 1 : i32
      %add3A_108 = arith.addi %add3A_101, %add3A_107 : i32
      %dma_start3A_109 = arith.constant 0 : i32
      %dma_start3A_110 = tpu.memref_slice %arg6[%add3A_108, %dma_start3A_109] : memref<40x128xi32, #tpu.memory_space<vmem>> -> memref<1x128xi32, #tpu.memory_space<vmem>>
      %dma_start3A_111 = tpu.memref_squeeze %dma_start3A_110 : memref<1x128xi32, #tpu.memory_space<vmem>> -> memref<128xi32, #tpu.memory_space<vmem>>
      %dma_start3A_112 = arith.constant 0 : i32
      %dma_start3A_113 = arith.constant 0 : i32
      %dma_start3A_114 = tpu.memref_slice %arg2[%dma_start3A_112, %dma_start3A_113] : memref<10000x128xf32, #tpu.memory_space<hbm>> -> memref<10000x128xf32, #tpu.memory_space<hbm>>
      tpu.enqueue_indirect_dma source(%dma_start3A_114 : memref<10000x128xf32, #tpu.memory_space<hbm>>) target(%arg9 : memref<128x128xf32, #tpu.memory_space<vmem>>) offsets(%dma_start3A_111 : memref<128xi32, #tpu.memory_space<vmem>>) semaphore(%arg11 : memref<!tpu.dma_semaphore, #tpu.memory_space<semaphore_mem>>)
      %dma_wait3A = arith.constant 0 : i32
      %dma_wait3A_115 = tpu.memref_slice %arg6[%while3A_100, %dma_wait3A] : memref<40x128xi32, #tpu.memory_space<vmem>> -> memref<1x128xi32, #tpu.memory_space<vmem>>
      %dma_wait3A_116 = tpu.memref_squeeze %dma_wait3A_115 : memref<1x128xi32, #tpu.memory_space<vmem>> -> memref<128xi32, #tpu.memory_space<vmem>>
      %dma_wait3A_117 = arith.constant 0 : i32
      %dma_wait3A_118 = arith.constant 0 : i32
      %dma_wait3A_119 = tpu.memref_slice %arg2[%dma_wait3A_117, %dma_wait3A_118] : memref<10000x128xf32, #tpu.memory_space<hbm>> -> memref<10000x128xf32, #tpu.memory_space<hbm>>
      tpu.wait_indirect_dma semaphore(%arg11 : memref<!tpu.dma_semaphore, #tpu.memory_space<semaphore_mem>>) src(%dma_wait3A_119 : memref<10000x128xf32, #tpu.memory_space<hbm>>) dst(%arg8 : memref<128x128xf32, #tpu.memory_space<vmem>>)
      %dma_start3A_120 = arith.constant 0 : i32
      %dma_start3A_121 = tpu.memref_slice %arg7[%add3A_101, %dma_start3A_120] : memref<40x128xi32, #tpu.memory_space<vmem>> -> memref<1x128xi32, #tpu.memory_space<vmem>>
      %dma_start3A_122 = tpu.memref_squeeze %dma_start3A_121 : memref<1x128xi32, #tpu.memory_space<vmem>> -> memref<128xi32, #tpu.memory_space<vmem>>
      %dma_start3A_123 = arith.constant 0 : i32
      %dma_start3A_124 = arith.constant 0 : i32
      %dma_start3A_125 = tpu.memref_slice %arg10[%dma_start3A_123, %dma_start3A_124] : memref<10112x128xf32, #tpu.memory_space<vmem_shared>> -> memref<10112x128xf32, #tpu.memory_space<vmem_shared>>
      tpu.enqueue_indirect_dma source(%arg8 : memref<128x128xf32, #tpu.memory_space<vmem>>) target(%dma_start3A_125 : memref<10112x128xf32, #tpu.memory_space<vmem_shared>>) offsets(%dma_start3A_122 : memref<128xi32, #tpu.memory_space<vmem>>) semaphore(%arg12 : memref<!tpu.dma_semaphore, #tpu.memory_space<semaphore_mem>>) {add = true}
      %dma_wait3A_126 = arith.constant 0 : i32
      %dma_wait3A_127 = tpu.memref_slice %arg6[%while3A_100, %dma_wait3A_126] : memref<40x128xi32, #tpu.memory_space<vmem>> -> memref<1x128xi32, #tpu.memory_space<vmem>>
      %dma_wait3A_128 = tpu.memref_squeeze %dma_wait3A_127 : memref<1x128xi32, #tpu.memory_space<vmem>> -> memref<128xi32, #tpu.memory_space<vmem>>
      %dma_wait3A_129 = arith.constant 0 : i32
      %dma_wait3A_130 = arith.constant 0 : i32
      %dma_wait3A_131 = tpu.memref_slice %arg2[%dma_wait3A_129, %dma_wait3A_130] : memref<10000x128xf32, #tpu.memory_space<hbm>> -> memref<10000x128xf32, #tpu.memory_space<hbm>>
      tpu.wait_indirect_dma semaphore(%arg11 : memref<!tpu.dma_semaphore, #tpu.memory_space<semaphore_mem>>) src(%dma_wait3A_131 : memref<10000x128xf32, #tpu.memory_space<hbm>>) dst(%arg9 : memref<128x128xf32, #tpu.memory_space<vmem>>)
      %add3A_132 = arith.constant 1 : i32
      %add3A_133 = arith.addi %add3A_101, %add3A_132 : i32
      %dma_start3A_134 = arith.constant 0 : i32
      %dma_start3A_135 = tpu.memref_slice %arg7[%add3A_133, %dma_start3A_134] : memref<40x128xi32, #tpu.memory_space<vmem>> -> memref<1x128xi32, #tpu.memory_space<vmem>>
      %dma_start3A_136 = tpu.memref_squeeze %dma_start3A_135 : memref<1x128xi32, #tpu.memory_space<vmem>> -> memref<128xi32, #tpu.memory_space<vmem>>
      %dma_start3A_137 = arith.constant 0 : i32
      %dma_start3A_138 = arith.constant 0 : i32
      %dma_start3A_139 = tpu.memref_slice %arg10[%dma_start3A_137, %dma_start3A_138] : memref<10112x128xf32, #tpu.memory_space<vmem_shared>> -> memref<10112x128xf32, #tpu.memory_space<vmem_shared>>
      tpu.enqueue_indirect_dma source(%arg9 : memref<128x128xf32, #tpu.memory_space<vmem>>) target(%dma_start3A_139 : memref<10112x128xf32, #tpu.memory_space<vmem_shared>>) offsets(%dma_start3A_136 : memref<128xi32, #tpu.memory_space<vmem>>) semaphore(%arg12 : memref<!tpu.dma_semaphore, #tpu.memory_space<semaphore_mem>>) {add = true}
    }
    %while3A_28 = arith.constant 1 : i32
    scf.for %while3A_100 = %while3A_26 to %while3A_22 step %while3A_28  : i32 {
      %add3A_101 = arith.addi %while3A_100, %while3A_100 : i32
      %dma_start3A = arith.constant 0 : i32
      %dma_start3A_102 = tpu.memref_slice %arg6[%add3A_101, %dma_start3A] : memref<40x128xi32, #tpu.memory_space<vmem>> -> memref<1x128xi32, #tpu.memory_space<vmem>>
      %dma_start3A_103 = tpu.memref_squeeze %dma_start3A_102 : memref<1x128xi32, #tpu.memory_space<vmem>> -> memref<128xi32, #tpu.memory_space<vmem>>
      %dma_start3A_104 = arith.constant 0 : i32
      %dma_start3A_105 = arith.constant 0 : i32
      %dma_start3A_106 = tpu.memref_slice %arg2[%dma_start3A_104, %dma_start3A_105] : memref<10000x128xf32, #tpu.memory_space<hbm>> -> memref<10000x128xf32, #tpu.memory_space<hbm>>
      tpu.enqueue_indirect_dma source(%dma_start3A_106 : memref<10000x128xf32, #tpu.memory_space<hbm>>) target(%arg8 : memref<128x128xf32, #tpu.memory_space<vmem>>) offsets(%dma_start3A_103 : memref<128xi32, #tpu.memory_space<vmem>>) semaphore(%arg11 : memref<!tpu.dma_semaphore, #tpu.memory_space<semaphore_mem>>)
      %add3A_107 = arith.constant 1 : i32
      %add3A_108 = arith.addi %add3A_101, %add3A_107 : i32
      %dma_start3A_109 = arith.constant 0 : i32
      %dma_start3A_110 = tpu.memref_slice %arg6[%add3A_108, %dma_start3A_109] : memref<40x128xi32, #tpu.memory_space<vmem>> -> memref<1x128xi32, #tpu.memory_space<vmem>>
      %dma_start3A_111 = tpu.memref_squeeze %dma_start3A_110 : memref<1x128xi32, #tpu.memory_space<vmem>> -> memref<128xi32, #tpu.memory_space<vmem>>
      %dma_start3A_112 = arith.constant 0 : i32
      %dma_start3A_113 = arith.constant 0 : i32
      %dma_start3A_114 = tpu.memref_slice %arg2[%dma_start3A_112, %dma_start3A_113] : memref<10000x128xf32, #tpu.memory_space<hbm>> -> memref<10000x128xf32, #tpu.memory_space<hbm>>
      tpu.enqueue_indirect_dma source(%dma_start3A_114 : memref<10000x128xf32, #tpu.memory_space<hbm>>) target(%arg9 : memref<128x128xf32, #tpu.memory_space<vmem>>) offsets(%dma_start3A_111 : memref<128xi32, #tpu.memory_space<vmem>>) semaphore(%arg11 : memref<!tpu.dma_semaphore, #tpu.memory_space<semaphore_mem>>)
      %dma_wait3A = arith.constant 0 : i32
      %dma_wait3A_115 = tpu.memref_slice %arg6[%while3A_100, %dma_wait3A] : memref<40x128xi32, #tpu.memory_space<vmem>> -> memref<1x128xi32, #tpu.memory_space<vmem>>
      %dma_wait3A_116 = tpu.memref_squeeze %dma_wait3A_115 : memref<1x128xi32, #tpu.memory_space<vmem>> -> memref<128xi32, #tpu.memory_space<vmem>>
      %dma_wait3A_117 = arith.constant 0 : i32
      %dma_wait3A_118 = arith.constant 0 : i32
      %dma_wait3A_119 = tpu.memref_slice %arg2[%dma_wait3A_117, %dma_wait3A_118] : memref<10000x128xf32, #tpu.memory_space<hbm>> -> memref<10000x128xf32, #tpu.memory_space<hbm>>
      tpu.wait_indirect_dma semaphore(%arg11 : memref<!tpu.dma_semaphore, #tpu.memory_space<semaphore_mem>>) src(%dma_wait3A_119 : memref<10000x128xf32, #tpu.memory_space<hbm>>) dst(%arg8 : memref<128x128xf32, #tpu.memory_space<vmem>>)
      %dma_start3A_120 = arith.constant 0 : i32
      %dma_start3A_121 = tpu.memref_slice %arg7[%add3A_101, %dma_start3A_120] : memref<40x128xi32, #tpu.memory_space<vmem>> -> memref<1x128xi32, #tpu.memory_space<vmem>>
      %dma_start3A_122 = tpu.memref_squeeze %dma_start3A_121 : memref<1x128xi32, #tpu.memory_space<vmem>> -> memref<128xi32, #tpu.memory_space<vmem>>
      %dma_start3A_123 = arith.constant 0 : i32
      %dma_start3A_124 = arith.constant 0 : i32
      %dma_start3A_125 = tpu.memref_slice %arg10[%dma_start3A_123, %dma_start3A_124] : memref<10112x128xf32, #tpu.memory_space<vmem_shared>> -> memref<10112x128xf32, #tpu.memory_space<vmem_shared>>
      tpu.enqueue_indirect_dma source(%arg8 : memref<128x128xf32, #tpu.memory_space<vmem>>) target(%dma_start3A_125 : memref<10112x128xf32, #tpu.memory_space<vmem_shared>>) offsets(%dma_start3A_122 : memref<128xi32, #tpu.memory_space<vmem>>) semaphore(%arg12 : memref<!tpu.dma_semaphore, #tpu.memory_space<semaphore_mem>>) {add = true}
      %dma_wait3A_126 = arith.constant 0 : i32
      %dma_wait3A_127 = tpu.memref_slice %arg6[%while3A_100, %dma_wait3A_126] : memref<40x128xi32, #tpu.memory_space<vmem>> -> memref<1x128xi32, #tpu.memory_space<vmem>>
      %dma_wait3A_128 = tpu.memref_squeeze %dma_wait3A_127 : memref<1x128xi32, #tpu.memory_space<vmem>> -> memref<128xi32, #tpu.memory_space<vmem>>
      %dma_wait3A_129 = arith.constant 0 : i32
      %dma_wait3A_130 = arith.constant 0 : i32
      %dma_wait3A_131 = tpu.memref_slice %arg2[%dma_wait3A_129, %dma_wait3A_130] : memref<10000x128xf32, #tpu.memory_space<hbm>> -> memref<10000x128xf32, #tpu.memory_space<hbm>>
      tpu.wait_indirect_dma semaphore(%arg11 : memref<!tpu.dma_semaphore, #tpu.memory_space<semaphore_mem>>) src(%dma_wait3A_131 : memref<10000x128xf32, #tpu.memory_space<hbm>>) dst(%arg9 : memref<128x128xf32, #tpu.memory_space<vmem>>)
      %add3A_132 = arith.constant 1 : i32
      %add3A_133 = arith.addi %add3A_101, %add3A_132 : i32
      %dma_start3A_134 = arith.constant 0 : i32
      %dma_start3A_135 = tpu.memref_slice %arg7[%add3A_133, %dma_start3A_134] : memref<40x128xi32, #tpu.memory_space<vmem>> -> memref<1x128xi32, #tpu.memory_space<vmem>>
      %dma_start3A_136 = tpu.memref_squeeze %dma_start3A_135 : memref<1x128xi32, #tpu.memory_space<vmem>> -> memref<128xi32, #tpu.memory_space<vmem>>
      %dma_start3A_137 = arith.constant 0 : i32
      %dma_start3A_138 = arith.constant 0 : i32
      %dma_start3A_139 = tpu.memref_slice %arg10[%dma_start3A_137, %dma_start3A_138] : memref<10112x128xf32, #tpu.memory_space<vmem_shared>> -> memref<10112x128xf32, #tpu.memory_space<vmem_shared>>
      tpu.enqueue_indirect_dma source(%arg9 : memref<128x128xf32, #tpu.memory_space<vmem>>) target(%dma_start3A_139 : memref<10112x128xf32, #tpu.memory_space<vmem_shared>>) offsets(%dma_start3A_136 : memref<128xi32, #tpu.memory_space<vmem>>) semaphore(%arg12 : memref<!tpu.dma_semaphore, #tpu.memory_space<semaphore_mem>>) {add = true}
    }
    %while3A_29 = arith.constant 1 : i32
    %while3A_30 = arith.constant 20 : i32
    %while3A_31 = arith.subi %while3A_30, %while3A_29 : i32
    %while3A_32 = arith.addi %while3A_29, %while3A_31 : i32
    %while3A_33 = arith.constant 1 : i32
    %while3A_34 = arith.divsi %while3A_31, %while3A_33 : i32
    %while3A_35 = arith.muli %while3A_34, %while3A_33 : i32
    %while3A_36 = arith.addi %while3A_29, %while3A_35 : i32
    %while3A_37 = arith.constant 1 : i32
    scf.for %while3A_100 = %while3A_29 to %while3A_36 step %while3A_37  : i32 {
      %add3A_101 = arith.addi %while3A_100, %while3A_100 : i32
      %dma_wait3A = arith.constant 0 : i32
      %dma_wait3A_102 = tpu.memref_slice %arg7[%while3A_100, %dma_wait3A] : memref<40x128xi32, #tpu.memory_space<vmem>> -> memref<1x128xi32, #tpu.memory_space<vmem>>
      %dma_wait3A_103 = tpu.memref_squeeze %dma_wait3A_102 : memref<1x128xi32, #tpu.memory_space<vmem>> -> memref<128xi32, #tpu.memory_space<vmem>>
      %dma_wait3A_104 = arith.constant 0 : i32
      %dma_wait3A_105 = arith.constant 0 : i32
      %dma_wait3A_106 = tpu.memref_slice %arg10[%dma_wait3A_104, %dma_wait3A_105] : memref<10112x128xf32, #tpu.memory_space<vmem_shared>> -> memref<10112x128xf32, #tpu.memory_space<vmem_shared>>
      tpu.wait_indirect_dma semaphore(%arg12 : memref<!tpu.dma_semaphore, #tpu.memory_space<semaphore_mem>>) src(%arg8 : memref<128x128xf32, #tpu.memory_space<vmem>>) dst(%dma_wait3A_106 : memref<10112x128xf32, #tpu.memory_space<vmem_shared>>)
      %dma_start3A = arith.constant 0 : i32
      %dma_start3A_107 = tpu.memref_slice %arg6[%add3A_101, %dma_start3A] : memref<40x128xi32, #tpu.memory_space<vmem>> -> memref<1x128xi32, #tpu.memory_space<vmem>>
      %dma_start3A_108 = tpu.memref_squeeze %dma_start3A_107 : memref<1x128xi32, #tpu.memory_space<vmem>> -> memref<128xi32, #tpu.memory_space<vmem>>
      %dma_start3A_109 = arith.constant 0 : i32
      %dma_start3A_110 = arith.constant 0 : i32
      %dma_start3A_111 = tpu.memref_slice %arg2[%dma_start3A_109, %dma_start3A_110] : memref<10000x128xf32, #tpu.memory_space<hbm>> -> memref<10000x128xf32, #tpu.memory_space<hbm>>
      tpu.enqueue_indirect_dma source(%dma_start3A_111 : memref<10000x128xf32, #tpu.memory_space<hbm>>) target(%arg8 : memref<128x128xf32, #tpu.memory_space<vmem>>) offsets(%dma_start3A_108 : memref<128xi32, #tpu.memory_space<vmem>>) semaphore(%arg11 : memref<!tpu.dma_semaphore, #tpu.memory_space<semaphore_mem>>)
      %dma_wait3A_112 = arith.constant 0 : i32
      %dma_wait3A_113 = tpu.memref_slice %arg7[%while3A_100, %dma_wait3A_112] : memref<40x128xi32, #tpu.memory_space<vmem>> -> memref<1x128xi32, #tpu.memory_space<vmem>>
      %dma_wait3A_114 = tpu.memref_squeeze %dma_wait3A_113 : memref<1x128xi32, #tpu.memory_space<vmem>> -> memref<128xi32, #tpu.memory_space<vmem>>
      %dma_wait3A_115 = arith.constant 0 : i32
      %dma_wait3A_116 = arith.constant 0 : i32
      %dma_wait3A_117 = tpu.memref_slice %arg10[%dma_wait3A_115, %dma_wait3A_116] : memref<10112x128xf32, #tpu.memory_space<vmem_shared>> -> memref<10112x128xf32, #tpu.memory_space<vmem_shared>>
      tpu.wait_indirect_dma semaphore(%arg12 : memref<!tpu.dma_semaphore, #tpu.memory_space<semaphore_mem>>) src(%arg9 : memref<128x128xf32, #tpu.memory_space<vmem>>) dst(%dma_wait3A_117 : memref<10112x128xf32, #tpu.memory_space<vmem_shared>>)
      %add3A_118 = arith.constant 1 : i32
      %add3A_119 = arith.addi %add3A_101, %add3A_118 : i32
      %dma_start3A_120 = arith.constant 0 : i32
      %dma_start3A_121 = tpu.memref_slice %arg6[%add3A_119, %dma_start3A_120] : memref<40x128xi32, #tpu.memory_space<vmem>> -> memref<1x128xi32, #tpu.memory_space<vmem>>
      %dma_start3A_122 = tpu.memref_squeeze %dma_start3A_121 : memref<1x128xi32, #tpu.memory_space<vmem>> -> memref<128xi32, #tpu.memory_space<vmem>>
      %dma_start3A_123 = arith.constant 0 : i32
      %dma_start3A_124 = arith.constant 0 : i32
      %dma_start3A_125 = tpu.memref_slice %arg2[%dma_start3A_123, %dma_start3A_124] : memref<10000x128xf32, #tpu.memory_space<hbm>> -> memref<10000x128xf32, #tpu.memory_space<hbm>>
      tpu.enqueue_indirect_dma source(%dma_start3A_125 : memref<10000x128xf32, #tpu.memory_space<hbm>>) target(%arg9 : memref<128x128xf32, #tpu.memory_space<vmem>>) offsets(%dma_start3A_122 : memref<128xi32, #tpu.memory_space<vmem>>) semaphore(%arg11 : memref<!tpu.dma_semaphore, #tpu.memory_space<semaphore_mem>>)
      %dma_wait3A_126 = arith.constant 0 : i32
      %dma_wait3A_127 = tpu.memref_slice %arg6[%while3A_100, %dma_wait3A_126] : memref<40x128xi32, #tpu.memory_space<vmem>> -> memref<1x128xi32, #tpu.memory_space<vmem>>
      %dma_wait3A_128 = tpu.memref_squeeze %dma_wait3A_127 : memref<1x128xi32, #tpu.memory_space<vmem>> -> memref<128xi32, #tpu.memory_space<vmem>>
      %dma_wait3A_129 = arith.constant 0 : i32
      %dma_wait3A_130 = arith.constant 0 : i32
      %dma_wait3A_131 = tpu.memref_slice %arg2[%dma_wait3A_129, %dma_wait3A_130] : memref<10000x128xf32, #tpu.memory_space<hbm>> -> memref<10000x128xf32, #tpu.memory_space<hbm>>
      tpu.wait_indirect_dma semaphore(%arg11 : memref<!tpu.dma_semaphore, #tpu.memory_space<semaphore_mem>>) src(%dma_wait3A_131 : memref<10000x128xf32, #tpu.memory_space<hbm>>) dst(%arg8 : memref<128x128xf32, #tpu.memory_space<vmem>>)
      %dma_start3A_132 = arith.constant 0 : i32
      %dma_start3A_133 = tpu.memref_slice %arg7[%add3A_101, %dma_start3A_132] : memref<40x128xi32, #tpu.memory_space<vmem>> -> memref<1x128xi32, #tpu.memory_space<vmem>>
      %dma_start3A_134 = tpu.memref_squeeze %dma_start3A_133 : memref<1x128xi32, #tpu.memory_space<vmem>> -> memref<128xi32, #tpu.memory_space<vmem>>
      %dma_start3A_135 = arith.constant 0 : i32
      %dma_start3A_136 = arith.constant 0 : i32
      %dma_start3A_137 = tpu.memref_slice %arg10[%dma_start3A_135, %dma_start3A_136] : memref<10112x128xf32, #tpu.memory_space<vmem_shared>> -> memref<10112x128xf32, #tpu.memory_space<vmem_shared>>
      tpu.enqueue_indirect_dma source(%arg8 : memref<128x128xf32, #tpu.memory_space<vmem>>) target(%dma_start3A_137 : memref<10112x128xf32, #tpu.memory_space<vmem_shared>>) offsets(%dma_start3A_134 : memref<128xi32, #tpu.memory_space<vmem>>) semaphore(%arg12 : memref<!tpu.dma_semaphore, #tpu.memory_space<semaphore_mem>>) {add = true}
      %dma_wait3A_138 = arith.constant 0 : i32
      %dma_wait3A_139 = tpu.memref_slice %arg6[%while3A_100, %dma_wait3A_138] : memref<40x128xi32, #tpu.memory_space<vmem>> -> memref<1x128xi32, #tpu.memory_space<vmem>>
      %dma_wait3A_140 = tpu.memref_squeeze %dma_wait3A_139 : memref<1x128xi32, #tpu.memory_space<vmem>> -> memref<128xi32, #tpu.memory_space<vmem>>
      %dma_wait3A_141 = arith.constant 0 : i32
      %dma_wait3A_142 = arith.constant 0 : i32
      %dma_wait3A_143 = tpu.memref_slice %arg2[%dma_wait3A_141, %dma_wait3A_142] : memref<10000x128xf32, #tpu.memory_space<hbm>> -> memref<10000x128xf32, #tpu.memory_space<hbm>>
      tpu.wait_indirect_dma semaphore(%arg11 : memref<!tpu.dma_semaphore, #tpu.memory_space<semaphore_mem>>) src(%dma_wait3A_143 : memref<10000x128xf32, #tpu.memory_space<hbm>>) dst(%arg9 : memref<128x128xf32, #tpu.memory_space<vmem>>)
      %add3A_144 = arith.constant 1 : i32
      %add3A_145 = arith.addi %add3A_101, %add3A_144 : i32
      %dma_start3A_146 = arith.constant 0 : i32
      %dma_start3A_147 = tpu.memref_slice %arg7[%add3A_145, %dma_start3A_146] : memref<40x128xi32, #tpu.memory_space<vmem>> -> memref<1x128xi32, #tpu.memory_space<vmem>>
      %dma_start3A_148 = tpu.memref_squeeze %dma_start3A_147 : memref<1x128xi32, #tpu.memory_space<vmem>> -> memref<128xi32, #tpu.memory_space<vmem>>
      %dma_start3A_149 = arith.constant 0 : i32
      %dma_start3A_150 = arith.constant 0 : i32
      %dma_start3A_151 = tpu.memref_slice %arg10[%dma_start3A_149, %dma_start3A_150] : memref<10112x128xf32, #tpu.memory_space<vmem_shared>> -> memref<10112x128xf32, #tpu.memory_space<vmem_shared>>
      tpu.enqueue_indirect_dma source(%arg9 : memref<128x128xf32, #tpu.memory_space<vmem>>) target(%dma_start3A_151 : memref<10112x128xf32, #tpu.memory_space<vmem_shared>>) offsets(%dma_start3A_148 : memref<128xi32, #tpu.memory_space<vmem>>) semaphore(%arg12 : memref<!tpu.dma_semaphore, #tpu.memory_space<semaphore_mem>>) {add = true}
    }
    %while3A_38 = arith.constant 1 : i32
    scf.for %while3A_100 = %while3A_36 to %while3A_32 step %while3A_38  : i32 {
      %add3A_101 = arith.addi %while3A_100, %while3A_100 : i32
      %dma_wait3A = arith.constant 0 : i32
      %dma_wait3A_102 = tpu.memref_slice %arg7[%while3A_100, %dma_wait3A] : memref<40x128xi32, #tpu.memory_space<vmem>> -> memref<1x128xi32, #tpu.memory_space<vmem>>
      %dma_wait3A_103 = tpu.memref_squeeze %dma_wait3A_102 : memref<1x128xi32, #tpu.memory_space<vmem>> -> memref<128xi32, #tpu.memory_space<vmem>>
      %dma_wait3A_104 = arith.constant 0 : i32
      %dma_wait3A_105 = arith.constant 0 : i32
      %dma_wait3A_106 = tpu.memref_slice %arg10[%dma_wait3A_104, %dma_wait3A_105] : memref<10112x128xf32, #tpu.memory_space<vmem_shared>> -> memref<10112x128xf32, #tpu.memory_space<vmem_shared>>
      tpu.wait_indirect_dma semaphore(%arg12 : memref<!tpu.dma_semaphore, #tpu.memory_space<semaphore_mem>>) src(%arg8 : memref<128x128xf32, #tpu.memory_space<vmem>>) dst(%dma_wait3A_106 : memref<10112x128xf32, #tpu.memory_space<vmem_shared>>)
      %dma_start3A = arith.constant 0 : i32
      %dma_start3A_107 = tpu.memref_slice %arg6[%add3A_101, %dma_start3A] : memref<40x128xi32, #tpu.memory_space<vmem>> -> memref<1x128xi32, #tpu.memory_space<vmem>>
      %dma_start3A_108 = tpu.memref_squeeze %dma_start3A_107 : memref<1x128xi32, #tpu.memory_space<vmem>> -> memref<128xi32, #tpu.memory_space<vmem>>
      %dma_start3A_109 = arith.constant 0 : i32
      %dma_start3A_110 = arith.constant 0 : i32
      %dma_start3A_111 = tpu.memref_slice %arg2[%dma_start3A_109, %dma_start3A_110] : memref<10000x128xf32, #tpu.memory_space<hbm>> -> memref<10000x128xf32, #tpu.memory_space<hbm>>
      tpu.enqueue_indirect_dma source(%dma_start3A_111 : memref<10000x128xf32, #tpu.memory_space<hbm>>) target(%arg8 : memref<128x128xf32, #tpu.memory_space<vmem>>) offsets(%dma_start3A_108 : memref<128xi32, #tpu.memory_space<vmem>>) semaphore(%arg11 : memref<!tpu.dma_semaphore, #tpu.memory_space<semaphore_mem>>)
      %dma_wait3A_112 = arith.constant 0 : i32
      %dma_wait3A_113 = tpu.memref_slice %arg7[%while3A_100, %dma_wait3A_112] : memref<40x128xi32, #tpu.memory_space<vmem>> -> memref<1x128xi32, #tpu.memory_space<vmem>>
      %dma_wait3A_114 = tpu.memref_squeeze %dma_wait3A_113 : memref<1x128xi32, #tpu.memory_space<vmem>> -> memref<128xi32, #tpu.memory_space<vmem>>
      %dma_wait3A_115 = arith.constant 0 : i32
      %dma_wait3A_116 = arith.constant 0 : i32
      %dma_wait3A_117 = tpu.memref_slice %arg10[%dma_wait3A_115, %dma_wait3A_116] : memref<10112x128xf32, #tpu.memory_space<vmem_shared>> -> memref<10112x128xf32, #tpu.memory_space<vmem_shared>>
      tpu.wait_indirect_dma semaphore(%arg12 : memref<!tpu.dma_semaphore, #tpu.memory_space<semaphore_mem>>) src(%arg9 : memref<128x128xf32, #tpu.memory_space<vmem>>) dst(%dma_wait3A_117 : memref<10112x128xf32, #tpu.memory_space<vmem_shared>>)
      %add3A_118 = arith.constant 1 : i32
      %add3A_119 = arith.addi %add3A_101, %add3A_118 : i32
      %dma_start3A_120 = arith.constant 0 : i32
      %dma_start3A_121 = tpu.memref_slice %arg6[%add3A_119, %dma_start3A_120] : memref<40x128xi32, #tpu.memory_space<vmem>> -> memref<1x128xi32, #tpu.memory_space<vmem>>
      %dma_start3A_122 = tpu.memref_squeeze %dma_start3A_121 : memref<1x128xi32, #tpu.memory_space<vmem>> -> memref<128xi32, #tpu.memory_space<vmem>>
      %dma_start3A_123 = arith.constant 0 : i32
      %dma_start3A_124 = arith.constant 0 : i32
      %dma_start3A_125 = tpu.memref_slice %arg2[%dma_start3A_123, %dma_start3A_124] : memref<10000x128xf32, #tpu.memory_space<hbm>> -> memref<10000x128xf32, #tpu.memory_space<hbm>>
      tpu.enqueue_indirect_dma source(%dma_start3A_125 : memref<10000x128xf32, #tpu.memory_space<hbm>>) target(%arg9 : memref<128x128xf32, #tpu.memory_space<vmem>>) offsets(%dma_start3A_122 : memref<128xi32, #tpu.memory_space<vmem>>) semaphore(%arg11 : memref<!tpu.dma_semaphore, #tpu.memory_space<semaphore_mem>>)
      %dma_wait3A_126 = arith.constant 0 : i32
      %dma_wait3A_127 = tpu.memref_slice %arg6[%while3A_100, %dma_wait3A_126] : memref<40x128xi32, #tpu.memory_space<vmem>> -> memref<1x128xi32, #tpu.memory_space<vmem>>
      %dma_wait3A_128 = tpu.memref_squeeze %dma_wait3A_127 : memref<1x128xi32, #tpu.memory_space<vmem>> -> memref<128xi32, #tpu.memory_space<vmem>>
      %dma_wait3A_129 = arith.constant 0 : i32
      %dma_wait3A_130 = arith.constant 0 : i32
      %dma_wait3A_131 = tpu.memref_slice %arg2[%dma_wait3A_129, %dma_wait3A_130] : memref<10000x128xf32, #tpu.memory_space<hbm>> -> memref<10000x128xf32, #tpu.memory_space<hbm>>
      tpu.wait_indirect_dma semaphore(%arg11 : memref<!tpu.dma_semaphore, #tpu.memory_space<semaphore_mem>>) src(%dma_wait3A_131 : memref<10000x128xf32, #tpu.memory_space<hbm>>) dst(%arg8 : memref<128x128xf32, #tpu.memory_space<vmem>>)
      %dma_start3A_132 = arith.constant 0 : i32
      %dma_start3A_133 = tpu.memref_slice %arg7[%add3A_101, %dma_start3A_132] : memref<40x128xi32, #tpu.memory_space<vmem>> -> memref<1x128xi32, #tpu.memory_space<vmem>>
      %dma_start3A_134 = tpu.memref_squeeze %dma_start3A_133 : memref<1x128xi32, #tpu.memory_space<vmem>> -> memref<128xi32, #tpu.memory_space<vmem>>
      %dma_start3A_135 = arith.constant 0 : i32
      %dma_start3A_136 = arith.constant 0 : i32
      %dma_start3A_137 = tpu.memref_slice %arg10[%dma_start3A_135, %dma_start3A_136] : memref<10112x128xf32, #tpu.memory_space<vmem_shared>> -> memref<10112x128xf32, #tpu.memory_space<vmem_shared>>
      tpu.enqueue_indirect_dma source(%arg8 : memref<128x128xf32, #tpu.memory_space<vmem>>) target(%dma_start3A_137 : memref<10112x128xf32, #tpu.memory_space<vmem_shared>>) offsets(%dma_start3A_134 : memref<128xi32, #tpu.memory_space<vmem>>) semaphore(%arg12 : memref<!tpu.dma_semaphore, #tpu.memory_space<semaphore_mem>>) {add = true}
      %dma_wait3A_138 = arith.constant 0 : i32
      %dma_wait3A_139 = tpu.memref_slice %arg6[%while3A_100, %dma_wait3A_138] : memref<40x128xi32, #tpu.memory_space<vmem>> -> memref<1x128xi32, #tpu.memory_space<vmem>>
      %dma_wait3A_140 = tpu.memref_squeeze %dma_wait3A_139 : memref<1x128xi32, #tpu.memory_space<vmem>> -> memref<128xi32, #tpu.memory_space<vmem>>
      %dma_wait3A_141 = arith.constant 0 : i32
      %dma_wait3A_142 = arith.constant 0 : i32
      %dma_wait3A_143 = tpu.memref_slice %arg2[%dma_wait3A_141, %dma_wait3A_142] : memref<10000x128xf32, #tpu.memory_space<hbm>> -> memref<10000x128xf32, #tpu.memory_space<hbm>>
      tpu.wait_indirect_dma semaphore(%arg11 : memref<!tpu.dma_semaphore, #tpu.memory_space<semaphore_mem>>) src(%dma_wait3A_143 : memref<10000x128xf32, #tpu.memory_space<hbm>>) dst(%arg9 : memref<128x128xf32, #tpu.memory_space<vmem>>)
      %add3A_144 = arith.constant 1 : i32
      %add3A_145 = arith.addi %add3A_101, %add3A_144 : i32
      %dma_start3A_146 = arith.constant 0 : i32
      %dma_start3A_147 = tpu.memref_slice %arg7[%add3A_145, %dma_start3A_146] : memref<40x128xi32, #tpu.memory_space<vmem>> -> memref<1x128xi32, #tpu.memory_space<vmem>>
      %dma_start3A_148 = tpu.memref_squeeze %dma_start3A_147 : memref<1x128xi32, #tpu.memory_space<vmem>> -> memref<128xi32, #tpu.memory_space<vmem>>
      %dma_start3A_149 = arith.constant 0 : i32
      %dma_start3A_150 = arith.constant 0 : i32
      %dma_start3A_151 = tpu.memref_slice %arg10[%dma_start3A_149, %dma_start3A_150] : memref<10112x128xf32, #tpu.memory_space<vmem_shared>> -> memref<10112x128xf32, #tpu.memory_space<vmem_shared>>
      tpu.enqueue_indirect_dma source(%arg9 : memref<128x128xf32, #tpu.memory_space<vmem>>) target(%dma_start3A_151 : memref<10112x128xf32, #tpu.memory_space<vmem_shared>>) offsets(%dma_start3A_148 : memref<128xi32, #tpu.memory_space<vmem>>) semaphore(%arg12 : memref<!tpu.dma_semaphore, #tpu.memory_space<semaphore_mem>>) {add = true}
    }
    %while3A_39 = arith.constant 0 : i32
    %while3A_40 = arith.constant 1 : i32
    %while3A_41 = arith.subi %while3A_40, %while3A_39 : i32
    %while3A_42 = arith.addi %while3A_39, %while3A_41 : i32
    %while3A_43 = arith.constant 1 : i32
    %while3A_44 = arith.divsi %while3A_41, %while3A_43 : i32
    %while3A_45 = arith.muli %while3A_44, %while3A_43 : i32
    %while3A_46 = arith.addi %while3A_39, %while3A_45 : i32
    %while3A_47 = arith.constant 1 : i32
    scf.for %while3A_100 = %while3A_39 to %while3A_46 step %while3A_47  : i32 {
      %dma_wait3A = arith.constant 0 : i32
      %dma_wait3A_101 = tpu.memref_slice %arg7[%while3A_100, %dma_wait3A] : memref<40x128xi32, #tpu.memory_space<vmem>> -> memref<1x128xi32, #tpu.memory_space<vmem>>
      %dma_wait3A_102 = tpu.memref_squeeze %dma_wait3A_101 : memref<1x128xi32, #tpu.memory_space<vmem>> -> memref<128xi32, #tpu.memory_space<vmem>>
      %dma_wait3A_103 = arith.constant 0 : i32
      %dma_wait3A_104 = arith.constant 0 : i32
      %dma_wait3A_105 = tpu.memref_slice %arg10[%dma_wait3A_103, %dma_wait3A_104] : memref<10112x128xf32, #tpu.memory_space<vmem_shared>> -> memref<10112x128xf32, #tpu.memory_space<vmem_shared>>
      tpu.wait_indirect_dma semaphore(%arg12 : memref<!tpu.dma_semaphore, #tpu.memory_space<semaphore_mem>>) src(%arg8 : memref<128x128xf32, #tpu.memory_space<vmem>>) dst(%dma_wait3A_105 : memref<10112x128xf32, #tpu.memory_space<vmem_shared>>)
      %dma_wait3A_106 = arith.constant 0 : i32
      %dma_wait3A_107 = tpu.memref_slice %arg7[%while3A_100, %dma_wait3A_106] : memref<40x128xi32, #tpu.memory_space<vmem>> -> memref<1x128xi32, #tpu.memory_space<vmem>>
      %dma_wait3A_108 = tpu.memref_squeeze %dma_wait3A_107 : memref<1x128xi32, #tpu.memory_space<vmem>> -> memref<128xi32, #tpu.memory_space<vmem>>
      %dma_wait3A_109 = arith.constant 0 : i32
      %dma_wait3A_110 = arith.constant 0 : i32
      %dma_wait3A_111 = tpu.memref_slice %arg10[%dma_wait3A_109, %dma_wait3A_110] : memref<10112x128xf32, #tpu.memory_space<vmem_shared>> -> memref<10112x128xf32, #tpu.memory_space<vmem_shared>>
      tpu.wait_indirect_dma semaphore(%arg12 : memref<!tpu.dma_semaphore, #tpu.memory_space<semaphore_mem>>) src(%arg9 : memref<128x128xf32, #tpu.memory_space<vmem>>) dst(%dma_wait3A_111 : memref<10112x128xf32, #tpu.memory_space<vmem_shared>>)
    }
    %while3A_48 = arith.constant 1 : i32
    scf.for %while3A_100 = %while3A_46 to %while3A_42 step %while3A_48  : i32 {
      %dma_wait3A = arith.constant 0 : i32
      %dma_wait3A_101 = tpu.memref_slice %arg7[%while3A_100, %dma_wait3A] : memref<40x128xi32, #tpu.memory_space<vmem>> -> memref<1x128xi32, #tpu.memory_space<vmem>>
      %dma_wait3A_102 = tpu.memref_squeeze %dma_wait3A_101 : memref<1x128xi32, #tpu.memory_space<vmem>> -> memref<128xi32, #tpu.memory_space<vmem>>
      %dma_wait3A_103 = arith.constant 0 : i32
      %dma_wait3A_104 = arith.constant 0 : i32
      %dma_wait3A_105 = tpu.memref_slice %arg10[%dma_wait3A_103, %dma_wait3A_104] : memref<10112x128xf32, #tpu.memory_space<vmem_shared>> -> memref<10112x128xf32, #tpu.memory_space<vmem_shared>>
      tpu.wait_indirect_dma semaphore(%arg12 : memref<!tpu.dma_semaphore, #tpu.memory_space<semaphore_mem>>) src(%arg8 : memref<128x128xf32, #tpu.memory_space<vmem>>) dst(%dma_wait3A_105 : memref<10112x128xf32, #tpu.memory_space<vmem_shared>>)
      %dma_wait3A_106 = arith.constant 0 : i32
      %dma_wait3A_107 = tpu.memref_slice %arg7[%while3A_100, %dma_wait3A_106] : memref<40x128xi32, #tpu.memory_space<vmem>> -> memref<1x128xi32, #tpu.memory_space<vmem>>
      %dma_wait3A_108 = tpu.memref_squeeze %dma_wait3A_107 : memref<1x128xi32, #tpu.memory_space<vmem>> -> memref<128xi32, #tpu.memory_space<vmem>>
      %dma_wait3A_109 = arith.constant 0 : i32
      %dma_wait3A_110 = arith.constant 0 : i32
      %dma_wait3A_111 = tpu.memref_slice %arg10[%dma_wait3A_109, %dma_wait3A_110] : memref<10112x128xf32, #tpu.memory_space<vmem_shared>> -> memref<10112x128xf32, #tpu.memory_space<vmem_shared>>
      tpu.wait_indirect_dma semaphore(%arg12 : memref<!tpu.dma_semaphore, #tpu.memory_space<semaphore_mem>>) src(%arg9 : memref<128x128xf32, #tpu.memory_space<vmem>>) dst(%dma_wait3A_111 : memref<10112x128xf32, #tpu.memory_space<vmem_shared>>)
    }
    "tpu.region"() ({
      %run_scoped3A = tpu.sem_alloc : memref<!tpu.dma_semaphore, #tpu.memory_space<semaphore_mem>>
      %dma_start3A = arith.constant 40 : i32
      %dma_start3A_100 = arith.constant 0 : i32
      %dma_start3A_101 = tpu.memref_slice %arg3[%arg0, %arg1, %dma_start3A, %dma_start3A_100] : memref<2x16x80x128xi32, #tpu.memory_space<hbm>> -> memref<1x1x40x128xi32, #tpu.memory_space<hbm>>
      %dma_start3A_102 = tpu.memref_squeeze %dma_start3A_101 : memref<1x1x40x128xi32, #tpu.memory_space<hbm>> -> memref<40x128xi32, #tpu.memory_space<hbm>>
      %dma_start3A_103 = arith.constant 40 : i32
      %dma_start3A_104 = arith.constant 0 : i32
      %dma_start3A_105 = tpu.memref_slice %arg3[%arg0, %arg1, %dma_start3A_103, %dma_start3A_104] : memref<2x16x80x128xi32, #tpu.memory_space<hbm>> -> memref<1x1x40x128xi32, #tpu.memory_space<hbm>>
      %dma_start3A_106 = tpu.memref_squeeze %dma_start3A_105 : memref<1x1x40x128xi32, #tpu.memory_space<hbm>> -> memref<40x128xi32, #tpu.memory_space<hbm>>
      tpu.enqueue_dma source(%dma_start3A_106 : memref<40x128xi32, #tpu.memory_space<hbm>>) target(%arg6 : memref<40x128xi32, #tpu.memory_space<vmem>>) target_semaphore(%run_scoped3A : memref<!tpu.dma_semaphore, #tpu.memory_space<semaphore_mem>>)
      %dma_wait3A = arith.constant 40 : i32
      %dma_wait3A_107 = arith.constant 0 : i32
      %dma_wait3A_108 = tpu.memref_slice %arg3[%arg0, %arg1, %dma_wait3A, %dma_wait3A_107] : memref<2x16x80x128xi32, #tpu.memory_space<hbm>> -> memref<1x1x40x128xi32, #tpu.memory_space<hbm>>
      %dma_wait3A_109 = tpu.memref_squeeze %dma_wait3A_108 : memref<1x1x40x128xi32, #tpu.memory_space<hbm>> -> memref<40x128xi32, #tpu.memory_space<hbm>>
      %dma_wait3A_110 = arith.constant 40 : i32
      %dma_wait3A_111 = arith.constant 0 : i32
      %dma_wait3A_112 = tpu.memref_slice %arg3[%arg0, %arg1, %dma_wait3A_110, %dma_wait3A_111] : memref<2x16x80x128xi32, #tpu.memory_space<hbm>> -> memref<1x1x40x128xi32, #tpu.memory_space<hbm>>
      %dma_wait3A_113 = tpu.memref_squeeze %dma_wait3A_112 : memref<1x1x40x128xi32, #tpu.memory_space<hbm>> -> memref<40x128xi32, #tpu.memory_space<hbm>>
      tpu.wait_dma2 semaphore(%run_scoped3A : memref<!tpu.dma_semaphore, #tpu.memory_space<semaphore_mem>>) src(%dma_wait3A_113 : memref<40x128xi32, #tpu.memory_space<hbm>>) dst(%arg6 : memref<40x128xi32, #tpu.memory_space<vmem>>)
      tpu.yield
    }) : () -> ()
    "tpu.region"() ({
      %run_scoped3A = tpu.sem_alloc : memref<!tpu.dma_semaphore, #tpu.memory_space<semaphore_mem>>
      %dma_start3A = arith.constant 40 : i32
      %dma_start3A_100 = arith.constant 0 : i32
      %dma_start3A_101 = tpu.memref_slice %arg4[%arg0, %arg1, %dma_start3A, %dma_start3A_100] : memref<2x16x80x128xi32, #tpu.memory_space<hbm>> -> memref<1x1x40x128xi32, #tpu.memory_space<hbm>>
      %dma_start3A_102 = tpu.memref_squeeze %dma_start3A_101 : memref<1x1x40x128xi32, #tpu.memory_space<hbm>> -> memref<40x128xi32, #tpu.memory_space<hbm>>
      %dma_start3A_103 = arith.constant 40 : i32
      %dma_start3A_104 = arith.constant 0 : i32
      %dma_start3A_105 = tpu.memref_slice %arg4[%arg0, %arg1, %dma_start3A_103, %dma_start3A_104] : memref<2x16x80x128xi32, #tpu.memory_space<hbm>> -> memref<1x1x40x128xi32, #tpu.memory_space<hbm>>
      %dma_start3A_106 = tpu.memref_squeeze %dma_start3A_105 : memref<1x1x40x128xi32, #tpu.memory_space<hbm>> -> memref<40x128xi32, #tpu.memory_space<hbm>>
      tpu.enqueue_dma source(%dma_start3A_106 : memref<40x128xi32, #tpu.memory_space<hbm>>) target(%arg7 : memref<40x128xi32, #tpu.memory_space<vmem>>) target_semaphore(%run_scoped3A : memref<!tpu.dma_semaphore, #tpu.memory_space<semaphore_mem>>)
      %dma_wait3A = arith.constant 40 : i32
      %dma_wait3A_107 = arith.constant 0 : i32
      %dma_wait3A_108 = tpu.memref_slice %arg4[%arg0, %arg1, %dma_wait3A, %dma_wait3A_107] : memref<2x16x80x128xi32, #tpu.memory_space<hbm>> -> memref<1x1x40x128xi32, #tpu.memory_space<hbm>>
      %dma_wait3A_109 = tpu.memref_squeeze %dma_wait3A_108 : memref<1x1x40x128xi32, #tpu.memory_space<hbm>> -> memref<40x128xi32, #tpu.memory_space<hbm>>
      %dma_wait3A_110 = arith.constant 40 : i32
      %dma_wait3A_111 = arith.constant 0 : i32
      %dma_wait3A_112 = tpu.memref_slice %arg4[%arg0, %arg1, %dma_wait3A_110, %dma_wait3A_111] : memref<2x16x80x128xi32, #tpu.memory_space<hbm>> -> memref<1x1x40x128xi32, #tpu.memory_space<hbm>>
      %dma_wait3A_113 = tpu.memref_squeeze %dma_wait3A_112 : memref<1x1x40x128xi32, #tpu.memory_space<hbm>> -> memref<40x128xi32, #tpu.memory_space<hbm>>
      tpu.wait_dma2 semaphore(%run_scoped3A : memref<!tpu.dma_semaphore, #tpu.memory_space<semaphore_mem>>) src(%dma_wait3A_113 : memref<40x128xi32, #tpu.memory_space<hbm>>) dst(%arg7 : memref<40x128xi32, #tpu.memory_space<vmem>>)
      tpu.yield
    }) : () -> ()
    %while3A_49 = arith.constant 0 : i32
    %while3A_50 = arith.constant 1 : i32
    %while3A_51 = arith.subi %while3A_50, %while3A_49 : i32
    %while3A_52 = arith.addi %while3A_49, %while3A_51 : i32
    %while3A_53 = arith.constant 1 : i32
    %while3A_54 = arith.divsi %while3A_51, %while3A_53 : i32
    %while3A_55 = arith.muli %while3A_54, %while3A_53 : i32
    %while3A_56 = arith.addi %while3A_49, %while3A_55 : i32
    %while3A_57 = arith.constant 1 : i32
    scf.for %while3A_100 = %while3A_49 to %while3A_56 step %while3A_57  : i32 {
      %add3A_101 = arith.addi %while3A_100, %while3A_100 : i32
      %dma_start3A = arith.constant 0 : i32
      %dma_start3A_102 = tpu.memref_slice %arg6[%add3A_101, %dma_start3A] : memref<40x128xi32, #tpu.memory_space<vmem>> -> memref<1x128xi32, #tpu.memory_space<vmem>>
      %dma_start3A_103 = tpu.memref_squeeze %dma_start3A_102 : memref<1x128xi32, #tpu.memory_space<vmem>> -> memref<128xi32, #tpu.memory_space<vmem>>
      %dma_start3A_104 = arith.constant 0 : i32
      %dma_start3A_105 = arith.constant 0 : i32
      %dma_start3A_106 = tpu.memref_slice %arg2[%dma_start3A_104, %dma_start3A_105] : memref<10000x128xf32, #tpu.memory_space<hbm>> -> memref<10000x128xf32, #tpu.memory_space<hbm>>
      tpu.enqueue_indirect_dma source(%dma_start3A_106 : memref<10000x128xf32, #tpu.memory_space<hbm>>) target(%arg8 : memref<128x128xf32, #tpu.memory_space<vmem>>) offsets(%dma_start3A_103 : memref<128xi32, #tpu.memory_space<vmem>>) semaphore(%arg11 : memref<!tpu.dma_semaphore, #tpu.memory_space<semaphore_mem>>)
      %add3A_107 = arith.constant 1 : i32
      %add3A_108 = arith.addi %add3A_101, %add3A_107 : i32
      %dma_start3A_109 = arith.constant 0 : i32
      %dma_start3A_110 = tpu.memref_slice %arg6[%add3A_108, %dma_start3A_109] : memref<40x128xi32, #tpu.memory_space<vmem>> -> memref<1x128xi32, #tpu.memory_space<vmem>>
      %dma_start3A_111 = tpu.memref_squeeze %dma_start3A_110 : memref<1x128xi32, #tpu.memory_space<vmem>> -> memref<128xi32, #tpu.memory_space<vmem>>
      %dma_start3A_112 = arith.constant 0 : i32
      %dma_start3A_113 = arith.constant 0 : i32
      %dma_start3A_114 = tpu.memref_slice %arg2[%dma_start3A_112, %dma_start3A_113] : memref<10000x128xf32, #tpu.memory_space<hbm>> -> memref<10000x128xf32, #tpu.memory_space<hbm>>
      tpu.enqueue_indirect_dma source(%dma_start3A_114 : memref<10000x128xf32, #tpu.memory_space<hbm>>) target(%arg9 : memref<128x128xf32, #tpu.memory_space<vmem>>) offsets(%dma_start3A_111 : memref<128xi32, #tpu.memory_space<vmem>>) semaphore(%arg11 : memref<!tpu.dma_semaphore, #tpu.memory_space<semaphore_mem>>)
      %dma_wait3A = arith.constant 0 : i32
      %dma_wait3A_115 = tpu.memref_slice %arg6[%while3A_100, %dma_wait3A] : memref<40x128xi32, #tpu.memory_space<vmem>> -> memref<1x128xi32, #tpu.memory_space<vmem>>
      %dma_wait3A_116 = tpu.memref_squeeze %dma_wait3A_115 : memref<1x128xi32, #tpu.memory_space<vmem>> -> memref<128xi32, #tpu.memory_space<vmem>>
      %dma_wait3A_117 = arith.constant 0 : i32
      %dma_wait3A_118 = arith.constant 0 : i32
      %dma_wait3A_119 = tpu.memref_slice %arg2[%dma_wait3A_117, %dma_wait3A_118] : memref<10000x128xf32, #tpu.memory_space<hbm>> -> memref<10000x128xf32, #tpu.memory_space<hbm>>
      tpu.wait_indirect_dma semaphore(%arg11 : memref<!tpu.dma_semaphore, #tpu.memory_space<semaphore_mem>>) src(%dma_wait3A_119 : memref<10000x128xf32, #tpu.memory_space<hbm>>) dst(%arg8 : memref<128x128xf32, #tpu.memory_space<vmem>>)
      %dma_start3A_120 = arith.constant 0 : i32
      %dma_start3A_121 = tpu.memref_slice %arg7[%add3A_101, %dma_start3A_120] : memref<40x128xi32, #tpu.memory_space<vmem>> -> memref<1x128xi32, #tpu.memory_space<vmem>>
      %dma_start3A_122 = tpu.memref_squeeze %dma_start3A_121 : memref<1x128xi32, #tpu.memory_space<vmem>> -> memref<128xi32, #tpu.memory_space<vmem>>
      %dma_start3A_123 = arith.constant 0 : i32
      %dma_start3A_124 = arith.constant 0 : i32
      %dma_start3A_125 = tpu.memref_slice %arg10[%dma_start3A_123, %dma_start3A_124] : memref<10112x128xf32, #tpu.memory_space<vmem_shared>> -> memref<10112x128xf32, #tpu.memory_space<vmem_shared>>
      tpu.enqueue_indirect_dma source(%arg8 : memref<128x128xf32, #tpu.memory_space<vmem>>) target(%dma_start3A_125 : memref<10112x128xf32, #tpu.memory_space<vmem_shared>>) offsets(%dma_start3A_122 : memref<128xi32, #tpu.memory_space<vmem>>) semaphore(%arg12 : memref<!tpu.dma_semaphore, #tpu.memory_space<semaphore_mem>>) {add = true}
      %dma_wait3A_126 = arith.constant 0 : i32
      %dma_wait3A_127 = tpu.memref_slice %arg6[%while3A_100, %dma_wait3A_126] : memref<40x128xi32, #tpu.memory_space<vmem>> -> memref<1x128xi32, #tpu.memory_space<vmem>>
      %dma_wait3A_128 = tpu.memref_squeeze %dma_wait3A_127 : memref<1x128xi32, #tpu.memory_space<vmem>> -> memref<128xi32, #tpu.memory_space<vmem>>
      %dma_wait3A_129 = arith.constant 0 : i32
      %dma_wait3A_130 = arith.constant 0 : i32
      %dma_wait3A_131 = tpu.memref_slice %arg2[%dma_wait3A_129, %dma_wait3A_130] : memref<10000x128xf32, #tpu.memory_space<hbm>> -> memref<10000x128xf32, #tpu.memory_space<hbm>>
      tpu.wait_indirect_dma semaphore(%arg11 : memref<!tpu.dma_semaphore, #tpu.memory_space<semaphore_mem>>) src(%dma_wait3A_131 : memref<10000x128xf32, #tpu.memory_space<hbm>>) dst(%arg9 : memref<128x128xf32, #tpu.memory_space<vmem>>)
      %add3A_132 = arith.constant 1 : i32
      %add3A_133 = arith.addi %add3A_101, %add3A_132 : i32
      %dma_start3A_134 = arith.constant 0 : i32
      %dma_start3A_135 = tpu.memref_slice %arg7[%add3A_133, %dma_start3A_134] : memref<40x128xi32, #tpu.memory_space<vmem>> -> memref<1x128xi32, #tpu.memory_space<vmem>>
      %dma_start3A_136 = tpu.memref_squeeze %dma_start3A_135 : memref<1x128xi32, #tpu.memory_space<vmem>> -> memref<128xi32, #tpu.memory_space<vmem>>
      %dma_start3A_137 = arith.constant 0 : i32
      %dma_start3A_138 = arith.constant 0 : i32
      %dma_start3A_139 = tpu.memref_slice %arg10[%dma_start3A_137, %dma_start3A_138] : memref<10112x128xf32, #tpu.memory_space<vmem_shared>> -> memref<10112x128xf32, #tpu.memory_space<vmem_shared>>
      tpu.enqueue_indirect_dma source(%arg9 : memref<128x128xf32, #tpu.memory_space<vmem>>) target(%dma_start3A_139 : memref<10112x128xf32, #tpu.memory_space<vmem_shared>>) offsets(%dma_start3A_136 : memref<128xi32, #tpu.memory_space<vmem>>) semaphore(%arg12 : memref<!tpu.dma_semaphore, #tpu.memory_space<semaphore_mem>>) {add = true}
    }
    %while3A_58 = arith.constant 1 : i32
    scf.for %while3A_100 = %while3A_56 to %while3A_52 step %while3A_58  : i32 {
      %add3A_101 = arith.addi %while3A_100, %while3A_100 : i32
      %dma_start3A = arith.constant 0 : i32
      %dma_start3A_102 = tpu.memref_slice %arg6[%add3A_101, %dma_start3A] : memref<40x128xi32, #tpu.memory_space<vmem>> -> memref<1x128xi32, #tpu.memory_space<vmem>>
      %dma_start3A_103 = tpu.memref_squeeze %dma_start3A_102 : memref<1x128xi32, #tpu.memory_space<vmem>> -> memref<128xi32, #tpu.memory_space<vmem>>
      %dma_start3A_104 = arith.constant 0 : i32
      %dma_start3A_105 = arith.constant 0 : i32
      %dma_start3A_106 = tpu.memref_slice %arg2[%dma_start3A_104, %dma_start3A_105] : memref<10000x128xf32, #tpu.memory_space<hbm>> -> memref<10000x128xf32, #tpu.memory_space<hbm>>
      tpu.enqueue_indirect_dma source(%dma_start3A_106 : memref<10000x128xf32, #tpu.memory_space<hbm>>) target(%arg8 : memref<128x128xf32, #tpu.memory_space<vmem>>) offsets(%dma_start3A_103 : memref<128xi32, #tpu.memory_space<vmem>>) semaphore(%arg11 : memref<!tpu.dma_semaphore, #tpu.memory_space<semaphore_mem>>)
      %add3A_107 = arith.constant 1 : i32
      %add3A_108 = arith.addi %add3A_101, %add3A_107 : i32
      %dma_start3A_109 = arith.constant 0 : i32
      %dma_start3A_110 = tpu.memref_slice %arg6[%add3A_108, %dma_start3A_109] : memref<40x128xi32, #tpu.memory_space<vmem>> -> memref<1x128xi32, #tpu.memory_space<vmem>>
      %dma_start3A_111 = tpu.memref_squeeze %dma_start3A_110 : memref<1x128xi32, #tpu.memory_space<vmem>> -> memref<128xi32, #tpu.memory_space<vmem>>
      %dma_start3A_112 = arith.constant 0 : i32
      %dma_start3A_113 = arith.constant 0 : i32
      %dma_start3A_114 = tpu.memref_slice %arg2[%dma_start3A_112, %dma_start3A_113] : memref<10000x128xf32, #tpu.memory_space<hbm>> -> memref<10000x128xf32, #tpu.memory_space<hbm>>
      tpu.enqueue_indirect_dma source(%dma_start3A_114 : memref<10000x128xf32, #tpu.memory_space<hbm>>) target(%arg9 : memref<128x128xf32, #tpu.memory_space<vmem>>) offsets(%dma_start3A_111 : memref<128xi32, #tpu.memory_space<vmem>>) semaphore(%arg11 : memref<!tpu.dma_semaphore, #tpu.memory_space<semaphore_mem>>)
      %dma_wait3A = arith.constant 0 : i32
      %dma_wait3A_115 = tpu.memref_slice %arg6[%while3A_100, %dma_wait3A] : memref<40x128xi32, #tpu.memory_space<vmem>> -> memref<1x128xi32, #tpu.memory_space<vmem>>
      %dma_wait3A_116 = tpu.memref_squeeze %dma_wait3A_115 : memref<1x128xi32, #tpu.memory_space<vmem>> -> memref<128xi32, #tpu.memory_space<vmem>>
      %dma_wait3A_117 = arith.constant 0 : i32
      %dma_wait3A_118 = arith.constant 0 : i32
      %dma_wait3A_119 = tpu.memref_slice %arg2[%dma_wait3A_117, %dma_wait3A_118] : memref<10000x128xf32, #tpu.memory_space<hbm>> -> memref<10000x128xf32, #tpu.memory_space<hbm>>
      tpu.wait_indirect_dma semaphore(%arg11 : memref<!tpu.dma_semaphore, #tpu.memory_space<semaphore_mem>>) src(%dma_wait3A_119 : memref<10000x128xf32, #tpu.memory_space<hbm>>) dst(%arg8 : memref<128x128xf32, #tpu.memory_space<vmem>>)
      %dma_start3A_120 = arith.constant 0 : i32
      %dma_start3A_121 = tpu.memref_slice %arg7[%add3A_101, %dma_start3A_120] : memref<40x128xi32, #tpu.memory_space<vmem>> -> memref<1x128xi32, #tpu.memory_space<vmem>>
      %dma_start3A_122 = tpu.memref_squeeze %dma_start3A_121 : memref<1x128xi32, #tpu.memory_space<vmem>> -> memref<128xi32, #tpu.memory_space<vmem>>
      %dma_start3A_123 = arith.constant 0 : i32
      %dma_start3A_124 = arith.constant 0 : i32
      %dma_start3A_125 = tpu.memref_slice %arg10[%dma_start3A_123, %dma_start3A_124] : memref<10112x128xf32, #tpu.memory_space<vmem_shared>> -> memref<10112x128xf32, #tpu.memory_space<vmem_shared>>
      tpu.enqueue_indirect_dma source(%arg8 : memref<128x128xf32, #tpu.memory_space<vmem>>) target(%dma_start3A_125 : memref<10112x128xf32, #tpu.memory_space<vmem_shared>>) offsets(%dma_start3A_122 : memref<128xi32, #tpu.memory_space<vmem>>) semaphore(%arg12 : memref<!tpu.dma_semaphore, #tpu.memory_space<semaphore_mem>>) {add = true}
      %dma_wait3A_126 = arith.constant 0 : i32
      %dma_wait3A_127 = tpu.memref_slice %arg6[%while3A_100, %dma_wait3A_126] : memref<40x128xi32, #tpu.memory_space<vmem>> -> memref<1x128xi32, #tpu.memory_space<vmem>>
      %dma_wait3A_128 = tpu.memref_squeeze %dma_wait3A_127 : memref<1x128xi32, #tpu.memory_space<vmem>> -> memref<128xi32, #tpu.memory_space<vmem>>
      %dma_wait3A_129 = arith.constant 0 : i32
      %dma_wait3A_130 = arith.constant 0 : i32
      %dma_wait3A_131 = tpu.memref_slice %arg2[%dma_wait3A_129, %dma_wait3A_130] : memref<10000x128xf32, #tpu.memory_space<hbm>> -> memref<10000x128xf32, #tpu.memory_space<hbm>>
      tpu.wait_indirect_dma semaphore(%arg11 : memref<!tpu.dma_semaphore, #tpu.memory_space<semaphore_mem>>) src(%dma_wait3A_131 : memref<10000x128xf32, #tpu.memory_space<hbm>>) dst(%arg9 : memref<128x128xf32, #tpu.memory_space<vmem>>)
      %add3A_132 = arith.constant 1 : i32
      %add3A_133 = arith.addi %add3A_101, %add3A_132 : i32
      %dma_start3A_134 = arith.constant 0 : i32
      %dma_start3A_135 = tpu.memref_slice %arg7[%add3A_133, %dma_start3A_134] : memref<40x128xi32, #tpu.memory_space<vmem>> -> memref<1x128xi32, #tpu.memory_space<vmem>>
      %dma_start3A_136 = tpu.memref_squeeze %dma_start3A_135 : memref<1x128xi32, #tpu.memory_space<vmem>> -> memref<128xi32, #tpu.memory_space<vmem>>
      %dma_start3A_137 = arith.constant 0 : i32
      %dma_start3A_138 = arith.constant 0 : i32
      %dma_start3A_139 = tpu.memref_slice %arg10[%dma_start3A_137, %dma_start3A_138] : memref<10112x128xf32, #tpu.memory_space<vmem_shared>> -> memref<10112x128xf32, #tpu.memory_space<vmem_shared>>
      tpu.enqueue_indirect_dma source(%arg9 : memref<128x128xf32, #tpu.memory_space<vmem>>) target(%dma_start3A_139 : memref<10112x128xf32, #tpu.memory_space<vmem_shared>>) offsets(%dma_start3A_136 : memref<128xi32, #tpu.memory_space<vmem>>) semaphore(%arg12 : memref<!tpu.dma_semaphore, #tpu.memory_space<semaphore_mem>>) {add = true}
    }
    %while3A_59 = arith.constant 1 : i32
    %while3A_60 = arith.constant 20 : i32
    %while3A_61 = arith.subi %while3A_60, %while3A_59 : i32
    %while3A_62 = arith.addi %while3A_59, %while3A_61 : i32
    %while3A_63 = arith.constant 1 : i32
    %while3A_64 = arith.divsi %while3A_61, %while3A_63 : i32
    %while3A_65 = arith.muli %while3A_64, %while3A_63 : i32
    %while3A_66 = arith.addi %while3A_59, %while3A_65 : i32
    %while3A_67 = arith.constant 1 : i32
    scf.for %while3A_100 = %while3A_59 to %while3A_66 step %while3A_67  : i32 {
      %add3A_101 = arith.addi %while3A_100, %while3A_100 : i32
      %dma_wait3A = arith.constant 0 : i32
      %dma_wait3A_102 = tpu.memref_slice %arg7[%while3A_100, %dma_wait3A] : memref<40x128xi32, #tpu.memory_space<vmem>> -> memref<1x128xi32, #tpu.memory_space<vmem>>
      %dma_wait3A_103 = tpu.memref_squeeze %dma_wait3A_102 : memref<1x128xi32, #tpu.memory_space<vmem>> -> memref<128xi32, #tpu.memory_space<vmem>>
      %dma_wait3A_104 = arith.constant 0 : i32
      %dma_wait3A_105 = arith.constant 0 : i32
      %dma_wait3A_106 = tpu.memref_slice %arg10[%dma_wait3A_104, %dma_wait3A_105] : memref<10112x128xf32, #tpu.memory_space<vmem_shared>> -> memref<10112x128xf32, #tpu.memory_space<vmem_shared>>
      tpu.wait_indirect_dma semaphore(%arg12 : memref<!tpu.dma_semaphore, #tpu.memory_space<semaphore_mem>>) src(%arg8 : memref<128x128xf32, #tpu.memory_space<vmem>>) dst(%dma_wait3A_106 : memref<10112x128xf32, #tpu.memory_space<vmem_shared>>)
      %dma_start3A = arith.constant 0 : i32
      %dma_start3A_107 = tpu.memref_slice %arg6[%add3A_101, %dma_start3A] : memref<40x128xi32, #tpu.memory_space<vmem>> -> memref<1x128xi32, #tpu.memory_space<vmem>>
      %dma_start3A_108 = tpu.memref_squeeze %dma_start3A_107 : memref<1x128xi32, #tpu.memory_space<vmem>> -> memref<128xi32, #tpu.memory_space<vmem>>
      %dma_start3A_109 = arith.constant 0 : i32
      %dma_start3A_110 = arith.constant 0 : i32
      %dma_start3A_111 = tpu.memref_slice %arg2[%dma_start3A_109, %dma_start3A_110] : memref<10000x128xf32, #tpu.memory_space<hbm>> -> memref<10000x128xf32, #tpu.memory_space<hbm>>
      tpu.enqueue_indirect_dma source(%dma_start3A_111 : memref<10000x128xf32, #tpu.memory_space<hbm>>) target(%arg8 : memref<128x128xf32, #tpu.memory_space<vmem>>) offsets(%dma_start3A_108 : memref<128xi32, #tpu.memory_space<vmem>>) semaphore(%arg11 : memref<!tpu.dma_semaphore, #tpu.memory_space<semaphore_mem>>)
      %dma_wait3A_112 = arith.constant 0 : i32
      %dma_wait3A_113 = tpu.memref_slice %arg7[%while3A_100, %dma_wait3A_112] : memref<40x128xi32, #tpu.memory_space<vmem>> -> memref<1x128xi32, #tpu.memory_space<vmem>>
      %dma_wait3A_114 = tpu.memref_squeeze %dma_wait3A_113 : memref<1x128xi32, #tpu.memory_space<vmem>> -> memref<128xi32, #tpu.memory_space<vmem>>
      %dma_wait3A_115 = arith.constant 0 : i32
      %dma_wait3A_116 = arith.constant 0 : i32
      %dma_wait3A_117 = tpu.memref_slice %arg10[%dma_wait3A_115, %dma_wait3A_116] : memref<10112x128xf32, #tpu.memory_space<vmem_shared>> -> memref<10112x128xf32, #tpu.memory_space<vmem_shared>>
      tpu.wait_indirect_dma semaphore(%arg12 : memref<!tpu.dma_semaphore, #tpu.memory_space<semaphore_mem>>) src(%arg9 : memref<128x128xf32, #tpu.memory_space<vmem>>) dst(%dma_wait3A_117 : memref<10112x128xf32, #tpu.memory_space<vmem_shared>>)
      %add3A_118 = arith.constant 1 : i32
      %add3A_119 = arith.addi %add3A_101, %add3A_118 : i32
      %dma_start3A_120 = arith.constant 0 : i32
      %dma_start3A_121 = tpu.memref_slice %arg6[%add3A_119, %dma_start3A_120] : memref<40x128xi32, #tpu.memory_space<vmem>> -> memref<1x128xi32, #tpu.memory_space<vmem>>
      %dma_start3A_122 = tpu.memref_squeeze %dma_start3A_121 : memref<1x128xi32, #tpu.memory_space<vmem>> -> memref<128xi32, #tpu.memory_space<vmem>>
      %dma_start3A_123 = arith.constant 0 : i32
      %dma_start3A_124 = arith.constant 0 : i32
      %dma_start3A_125 = tpu.memref_slice %arg2[%dma_start3A_123, %dma_start3A_124] : memref<10000x128xf32, #tpu.memory_space<hbm>> -> memref<10000x128xf32, #tpu.memory_space<hbm>>
      tpu.enqueue_indirect_dma source(%dma_start3A_125 : memref<10000x128xf32, #tpu.memory_space<hbm>>) target(%arg9 : memref<128x128xf32, #tpu.memory_space<vmem>>) offsets(%dma_start3A_122 : memref<128xi32, #tpu.memory_space<vmem>>) semaphore(%arg11 : memref<!tpu.dma_semaphore, #tpu.memory_space<semaphore_mem>>)
      %dma_wait3A_126 = arith.constant 0 : i32
      %dma_wait3A_127 = tpu.memref_slice %arg6[%while3A_100, %dma_wait3A_126] : memref<40x128xi32, #tpu.memory_space<vmem>> -> memref<1x128xi32, #tpu.memory_space<vmem>>
      %dma_wait3A_128 = tpu.memref_squeeze %dma_wait3A_127 : memref<1x128xi32, #tpu.memory_space<vmem>> -> memref<128xi32, #tpu.memory_space<vmem>>
      %dma_wait3A_129 = arith.constant 0 : i32
      %dma_wait3A_130 = arith.constant 0 : i32
      %dma_wait3A_131 = tpu.memref_slice %arg2[%dma_wait3A_129, %dma_wait3A_130] : memref<10000x128xf32, #tpu.memory_space<hbm>> -> memref<10000x128xf32, #tpu.memory_space<hbm>>
      tpu.wait_indirect_dma semaphore(%arg11 : memref<!tpu.dma_semaphore, #tpu.memory_space<semaphore_mem>>) src(%dma_wait3A_131 : memref<10000x128xf32, #tpu.memory_space<hbm>>) dst(%arg8 : memref<128x128xf32, #tpu.memory_space<vmem>>)
      %dma_start3A_132 = arith.constant 0 : i32
      %dma_start3A_133 = tpu.memref_slice %arg7[%add3A_101, %dma_start3A_132] : memref<40x128xi32, #tpu.memory_space<vmem>> -> memref<1x128xi32, #tpu.memory_space<vmem>>
      %dma_start3A_134 = tpu.memref_squeeze %dma_start3A_133 : memref<1x128xi32, #tpu.memory_space<vmem>> -> memref<128xi32, #tpu.memory_space<vmem>>
      %dma_start3A_135 = arith.constant 0 : i32
      %dma_start3A_136 = arith.constant 0 : i32
      %dma_start3A_137 = tpu.memref_slice %arg10[%dma_start3A_135, %dma_start3A_136] : memref<10112x128xf32, #tpu.memory_space<vmem_shared>> -> memref<10112x128xf32, #tpu.memory_space<vmem_shared>>
      tpu.enqueue_indirect_dma source(%arg8 : memref<128x128xf32, #tpu.memory_space<vmem>>) target(%dma_start3A_137 : memref<10112x128xf32, #tpu.memory_space<vmem_shared>>) offsets(%dma_start3A_134 : memref<128xi32, #tpu.memory_space<vmem>>) semaphore(%arg12 : memref<!tpu.dma_semaphore, #tpu.memory_space<semaphore_mem>>) {add = true}
      %dma_wait3A_138 = arith.constant 0 : i32
      %dma_wait3A_139 = tpu.memref_slice %arg6[%while3A_100, %dma_wait3A_138] : memref<40x128xi32, #tpu.memory_space<vmem>> -> memref<1x128xi32, #tpu.memory_space<vmem>>
      %dma_wait3A_140 = tpu.memref_squeeze %dma_wait3A_139 : memref<1x128xi32, #tpu.memory_space<vmem>> -> memref<128xi32, #tpu.memory_space<vmem>>
      %dma_wait3A_141 = arith.constant 0 : i32
      %dma_wait3A_142 = arith.constant 0 : i32
      %dma_wait3A_143 = tpu.memref_slice %arg2[%dma_wait3A_141, %dma_wait3A_142] : memref<10000x128xf32, #tpu.memory_space<hbm>> -> memref<10000x128xf32, #tpu.memory_space<hbm>>
      tpu.wait_indirect_dma semaphore(%arg11 : memref<!tpu.dma_semaphore, #tpu.memory_space<semaphore_mem>>) src(%dma_wait3A_143 : memref<10000x128xf32, #tpu.memory_space<hbm>>) dst(%arg9 : memref<128x128xf32, #tpu.memory_space<vmem>>)
      %add3A_144 = arith.constant 1 : i32
      %add3A_145 = arith.addi %add3A_101, %add3A_144 : i32
      %dma_start3A_146 = arith.constant 0 : i32
      %dma_start3A_147 = tpu.memref_slice %arg7[%add3A_145, %dma_start3A_146] : memref<40x128xi32, #tpu.memory_space<vmem>> -> memref<1x128xi32, #tpu.memory_space<vmem>>
      %dma_start3A_148 = tpu.memref_squeeze %dma_start3A_147 : memref<1x128xi32, #tpu.memory_space<vmem>> -> memref<128xi32, #tpu.memory_space<vmem>>
      %dma_start3A_149 = arith.constant 0 : i32
      %dma_start3A_150 = arith.constant 0 : i32
      %dma_start3A_151 = tpu.memref_slice %arg10[%dma_start3A_149, %dma_start3A_150] : memref<10112x128xf32, #tpu.memory_space<vmem_shared>> -> memref<10112x128xf32, #tpu.memory_space<vmem_shared>>
      tpu.enqueue_indirect_dma source(%arg9 : memref<128x128xf32, #tpu.memory_space<vmem>>) target(%dma_start3A_151 : memref<10112x128xf32, #tpu.memory_space<vmem_shared>>) offsets(%dma_start3A_148 : memref<128xi32, #tpu.memory_space<vmem>>) semaphore(%arg12 : memref<!tpu.dma_semaphore, #tpu.memory_space<semaphore_mem>>) {add = true}
    }
    %while3A_68 = arith.constant 1 : i32
    scf.for %while3A_100 = %while3A_66 to %while3A_62 step %while3A_68  : i32 {
      %add3A_101 = arith.addi %while3A_100, %while3A_100 : i32
      %dma_wait3A = arith.constant 0 : i32
      %dma_wait3A_102 = tpu.memref_slice %arg7[%while3A_100, %dma_wait3A] : memref<40x128xi32, #tpu.memory_space<vmem>> -> memref<1x128xi32, #tpu.memory_space<vmem>>
      %dma_wait3A_103 = tpu.memref_squeeze %dma_wait3A_102 : memref<1x128xi32, #tpu.memory_space<vmem>> -> memref<128xi32, #tpu.memory_space<vmem>>
      %dma_wait3A_104 = arith.constant 0 : i32
      %dma_wait3A_105 = arith.constant 0 : i32
      %dma_wait3A_106 = tpu.memref_slice %arg10[%dma_wait3A_104, %dma_wait3A_105] : memref<10112x128xf32, #tpu.memory_space<vmem_shared>> -> memref<10112x128xf32, #tpu.memory_space<vmem_shared>>
      tpu.wait_indirect_dma semaphore(%arg12 : memref<!tpu.dma_semaphore, #tpu.memory_space<semaphore_mem>>) src(%arg8 : memref<128x128xf32, #tpu.memory_space<vmem>>) dst(%dma_wait3A_106 : memref<10112x128xf32, #tpu.memory_space<vmem_shared>>)
      %dma_start3A = arith.constant 0 : i32
      %dma_start3A_107 = tpu.memref_slice %arg6[%add3A_101, %dma_start3A] : memref<40x128xi32, #tpu.memory_space<vmem>> -> memref<1x128xi32, #tpu.memory_space<vmem>>
      %dma_start3A_108 = tpu.memref_squeeze %dma_start3A_107 : memref<1x128xi32, #tpu.memory_space<vmem>> -> memref<128xi32, #tpu.memory_space<vmem>>
      %dma_start3A_109 = arith.constant 0 : i32
      %dma_start3A_110 = arith.constant 0 : i32
      %dma_start3A_111 = tpu.memref_slice %arg2[%dma_start3A_109, %dma_start3A_110] : memref<10000x128xf32, #tpu.memory_space<hbm>> -> memref<10000x128xf32, #tpu.memory_space<hbm>>
      tpu.enqueue_indirect_dma source(%dma_start3A_111 : memref<10000x128xf32, #tpu.memory_space<hbm>>) target(%arg8 : memref<128x128xf32, #tpu.memory_space<vmem>>) offsets(%dma_start3A_108 : memref<128xi32, #tpu.memory_space<vmem>>) semaphore(%arg11 : memref<!tpu.dma_semaphore, #tpu.memory_space<semaphore_mem>>)
      %dma_wait3A_112 = arith.constant 0 : i32
      %dma_wait3A_113 = tpu.memref_slice %arg7[%while3A_100, %dma_wait3A_112] : memref<40x128xi32, #tpu.memory_space<vmem>> -> memref<1x128xi32, #tpu.memory_space<vmem>>
      %dma_wait3A_114 = tpu.memref_squeeze %dma_wait3A_113 : memref<1x128xi32, #tpu.memory_space<vmem>> -> memref<128xi32, #tpu.memory_space<vmem>>
      %dma_wait3A_115 = arith.constant 0 : i32
      %dma_wait3A_116 = arith.constant 0 : i32
      %dma_wait3A_117 = tpu.memref_slice %arg10[%dma_wait3A_115, %dma_wait3A_116] : memref<10112x128xf32, #tpu.memory_space<vmem_shared>> -> memref<10112x128xf32, #tpu.memory_space<vmem_shared>>
      tpu.wait_indirect_dma semaphore(%arg12 : memref<!tpu.dma_semaphore, #tpu.memory_space<semaphore_mem>>) src(%arg9 : memref<128x128xf32, #tpu.memory_space<vmem>>) dst(%dma_wait3A_117 : memref<10112x128xf32, #tpu.memory_space<vmem_shared>>)
      %add3A_118 = arith.constant 1 : i32
      %add3A_119 = arith.addi %add3A_101, %add3A_118 : i32
      %dma_start3A_120 = arith.constant 0 : i32
      %dma_start3A_121 = tpu.memref_slice %arg6[%add3A_119, %dma_start3A_120] : memref<40x128xi32, #tpu.memory_space<vmem>> -> memref<1x128xi32, #tpu.memory_space<vmem>>
      %dma_start3A_122 = tpu.memref_squeeze %dma_start3A_121 : memref<1x128xi32, #tpu.memory_space<vmem>> -> memref<128xi32, #tpu.memory_space<vmem>>
      %dma_start3A_123 = arith.constant 0 : i32
      %dma_start3A_124 = arith.constant 0 : i32
      %dma_start3A_125 = tpu.memref_slice %arg2[%dma_start3A_123, %dma_start3A_124] : memref<10000x128xf32, #tpu.memory_space<hbm>> -> memref<10000x128xf32, #tpu.memory_space<hbm>>
      tpu.enqueue_indirect_dma source(%dma_start3A_125 : memref<10000x128xf32, #tpu.memory_space<hbm>>) target(%arg9 : memref<128x128xf32, #tpu.memory_space<vmem>>) offsets(%dma_start3A_122 : memref<128xi32, #tpu.memory_space<vmem>>) semaphore(%arg11 : memref<!tpu.dma_semaphore, #tpu.memory_space<semaphore_mem>>)
      %dma_wait3A_126 = arith.constant 0 : i32
      %dma_wait3A_127 = tpu.memref_slice %arg6[%while3A_100, %dma_wait3A_126] : memref<40x128xi32, #tpu.memory_space<vmem>> -> memref<1x128xi32, #tpu.memory_space<vmem>>
      %dma_wait3A_128 = tpu.memref_squeeze %dma_wait3A_127 : memref<1x128xi32, #tpu.memory_space<vmem>> -> memref<128xi32, #tpu.memory_space<vmem>>
      %dma_wait3A_129 = arith.constant 0 : i32
      %dma_wait3A_130 = arith.constant 0 : i32
      %dma_wait3A_131 = tpu.memref_slice %arg2[%dma_wait3A_129, %dma_wait3A_130] : memref<10000x128xf32, #tpu.memory_space<hbm>> -> memref<10000x128xf32, #tpu.memory_space<hbm>>
      tpu.wait_indirect_dma semaphore(%arg11 : memref<!tpu.dma_semaphore, #tpu.memory_space<semaphore_mem>>) src(%dma_wait3A_131 : memref<10000x128xf32, #tpu.memory_space<hbm>>) dst(%arg8 : memref<128x128xf32, #tpu.memory_space<vmem>>)
      %dma_start3A_132 = arith.constant 0 : i32
      %dma_start3A_133 = tpu.memref_slice %arg7[%add3A_101, %dma_start3A_132] : memref<40x128xi32, #tpu.memory_space<vmem>> -> memref<1x128xi32, #tpu.memory_space<vmem>>
      %dma_start3A_134 = tpu.memref_squeeze %dma_start3A_133 : memref<1x128xi32, #tpu.memory_space<vmem>> -> memref<128xi32, #tpu.memory_space<vmem>>
      %dma_start3A_135 = arith.constant 0 : i32
      %dma_start3A_136 = arith.constant 0 : i32
      %dma_start3A_137 = tpu.memref_slice %arg10[%dma_start3A_135, %dma_start3A_136] : memref<10112x128xf32, #tpu.memory_space<vmem_shared>> -> memref<10112x128xf32, #tpu.memory_space<vmem_shared>>
      tpu.enqueue_indirect_dma source(%arg8 : memref<128x128xf32, #tpu.memory_space<vmem>>) target(%dma_start3A_137 : memref<10112x128xf32, #tpu.memory_space<vmem_shared>>) offsets(%dma_start3A_134 : memref<128xi32, #tpu.memory_space<vmem>>) semaphore(%arg12 : memref<!tpu.dma_semaphore, #tpu.memory_space<semaphore_mem>>) {add = true}
      %dma_wait3A_138 = arith.constant 0 : i32
      %dma_wait3A_139 = tpu.memref_slice %arg6[%while3A_100, %dma_wait3A_138] : memref<40x128xi32, #tpu.memory_space<vmem>> -> memref<1x128xi32, #tpu.memory_space<vmem>>
      %dma_wait3A_140 = tpu.memref_squeeze %dma_wait3A_139 : memref<1x128xi32, #tpu.memory_space<vmem>> -> memref<128xi32, #tpu.memory_space<vmem>>
      %dma_wait3A_141 = arith.constant 0 : i32
      %dma_wait3A_142 = arith.constant 0 : i32
      %dma_wait3A_143 = tpu.memref_slice %arg2[%dma_wait3A_141, %dma_wait3A_142] : memref<10000x128xf32, #tpu.memory_space<hbm>> -> memref<10000x128xf32, #tpu.memory_space<hbm>>
      tpu.wait_indirect_dma semaphore(%arg11 : memref<!tpu.dma_semaphore, #tpu.memory_space<semaphore_mem>>) src(%dma_wait3A_143 : memref<10000x128xf32, #tpu.memory_space<hbm>>) dst(%arg9 : memref<128x128xf32, #tpu.memory_space<vmem>>)
      %add3A_144 = arith.constant 1 : i32
      %add3A_145 = arith.addi %add3A_101, %add3A_144 : i32
      %dma_start3A_146 = arith.constant 0 : i32
      %dma_start3A_147 = tpu.memref_slice %arg7[%add3A_145, %dma_start3A_146] : memref<40x128xi32, #tpu.memory_space<vmem>> -> memref<1x128xi32, #tpu.memory_space<vmem>>
      %dma_start3A_148 = tpu.memref_squeeze %dma_start3A_147 : memref<1x128xi32, #tpu.memory_space<vmem>> -> memref<128xi32, #tpu.memory_space<vmem>>
      %dma_start3A_149 = arith.constant 0 : i32
      %dma_start3A_150 = arith.constant 0 : i32
      %dma_start3A_151 = tpu.memref_slice %arg10[%dma_start3A_149, %dma_start3A_150] : memref<10112x128xf32, #tpu.memory_space<vmem_shared>> -> memref<10112x128xf32, #tpu.memory_space<vmem_shared>>
      tpu.enqueue_indirect_dma source(%arg9 : memref<128x128xf32, #tpu.memory_space<vmem>>) target(%dma_start3A_151 : memref<10112x128xf32, #tpu.memory_space<vmem_shared>>) offsets(%dma_start3A_148 : memref<128xi32, #tpu.memory_space<vmem>>) semaphore(%arg12 : memref<!tpu.dma_semaphore, #tpu.memory_space<semaphore_mem>>) {add = true}
    }
    %while3A_69 = arith.constant 0 : i32
    %while3A_70 = arith.constant 1 : i32
    %while3A_71 = arith.subi %while3A_70, %while3A_69 : i32
    %while3A_72 = arith.addi %while3A_69, %while3A_71 : i32
    %while3A_73 = arith.constant 1 : i32
    %while3A_74 = arith.divsi %while3A_71, %while3A_73 : i32
    %while3A_75 = arith.muli %while3A_74, %while3A_73 : i32
    %while3A_76 = arith.addi %while3A_69, %while3A_75 : i32
    %while3A_77 = arith.constant 1 : i32
    scf.for %while3A_100 = %while3A_69 to %while3A_76 step %while3A_77  : i32 {
      %dma_wait3A = arith.constant 0 : i32
      %dma_wait3A_101 = tpu.memref_slice %arg7[%while3A_100, %dma_wait3A] : memref<40x128xi32, #tpu.memory_space<vmem>> -> memref<1x128xi32, #tpu.memory_space<vmem>>
      %dma_wait3A_102 = tpu.memref_squeeze %dma_wait3A_101 : memref<1x128xi32, #tpu.memory_space<vmem>> -> memref<128xi32, #tpu.memory_space<vmem>>
      %dma_wait3A_103 = arith.constant 0 : i32
      %dma_wait3A_104 = arith.constant 0 : i32
      %dma_wait3A_105 = tpu.memref_slice %arg10[%dma_wait3A_103, %dma_wait3A_104] : memref<10112x128xf32, #tpu.memory_space<vmem_shared>> -> memref<10112x128xf32, #tpu.memory_space<vmem_shared>>
      tpu.wait_indirect_dma semaphore(%arg12 : memref<!tpu.dma_semaphore, #tpu.memory_space<semaphore_mem>>) src(%arg8 : memref<128x128xf32, #tpu.memory_space<vmem>>) dst(%dma_wait3A_105 : memref<10112x128xf32, #tpu.memory_space<vmem_shared>>)
      %dma_wait3A_106 = arith.constant 0 : i32
      %dma_wait3A_107 = tpu.memref_slice %arg7[%while3A_100, %dma_wait3A_106] : memref<40x128xi32, #tpu.memory_space<vmem>> -> memref<1x128xi32, #tpu.memory_space<vmem>>
      %dma_wait3A_108 = tpu.memref_squeeze %dma_wait3A_107 : memref<1x128xi32, #tpu.memory_space<vmem>> -> memref<128xi32, #tpu.memory_space<vmem>>
      %dma_wait3A_109 = arith.constant 0 : i32
      %dma_wait3A_110 = arith.constant 0 : i32
      %dma_wait3A_111 = tpu.memref_slice %arg10[%dma_wait3A_109, %dma_wait3A_110] : memref<10112x128xf32, #tpu.memory_space<vmem_shared>> -> memref<10112x128xf32, #tpu.memory_space<vmem_shared>>
      tpu.wait_indirect_dma semaphore(%arg12 : memref<!tpu.dma_semaphore, #tpu.memory_space<semaphore_mem>>) src(%arg9 : memref<128x128xf32, #tpu.memory_space<vmem>>) dst(%dma_wait3A_111 : memref<10112x128xf32, #tpu.memory_space<vmem_shared>>)
    }
    %while3A_78 = arith.constant 1 : i32
    scf.for %while3A_100 = %while3A_76 to %while3A_72 step %while3A_78  : i32 {
      %dma_wait3A = arith.constant 0 : i32
      %dma_wait3A_101 = tpu.memref_slice %arg7[%while3A_100, %dma_wait3A] : memref<40x128xi32, #tpu.memory_space<vmem>> -> memref<1x128xi32, #tpu.memory_space<vmem>>
      %dma_wait3A_102 = tpu.memref_squeeze %dma_wait3A_101 : memref<1x128xi32, #tpu.memory_space<vmem>> -> memref<128xi32, #tpu.memory_space<vmem>>
      %dma_wait3A_103 = arith.constant 0 : i32
      %dma_wait3A_104 = arith.constant 0 : i32
      %dma_wait3A_105 = tpu.memref_slice %arg10[%dma_wait3A_103, %dma_wait3A_104] : memref<10112x128xf32, #tpu.memory_space<vmem_shared>> -> memref<10112x128xf32, #tpu.memory_space<vmem_shared>>
      tpu.wait_indirect_dma semaphore(%arg12 : memref<!tpu.dma_semaphore, #tpu.memory_space<semaphore_mem>>) src(%arg8 : memref<128x128xf32, #tpu.memory_space<vmem>>) dst(%dma_wait3A_105 : memref<10112x128xf32, #tpu.memory_space<vmem_shared>>)
      %dma_wait3A_106 = arith.constant 0 : i32
      %dma_wait3A_107 = tpu.memref_slice %arg7[%while3A_100, %dma_wait3A_106] : memref<40x128xi32, #tpu.memory_space<vmem>> -> memref<1x128xi32, #tpu.memory_space<vmem>>
      %dma_wait3A_108 = tpu.memref_squeeze %dma_wait3A_107 : memref<1x128xi32, #tpu.memory_space<vmem>> -> memref<128xi32, #tpu.memory_space<vmem>>
      %dma_wait3A_109 = arith.constant 0 : i32
      %dma_wait3A_110 = arith.constant 0 : i32
      %dma_wait3A_111 = tpu.memref_slice %arg10[%dma_wait3A_109, %dma_wait3A_110] : memref<10112x128xf32, #tpu.memory_space<vmem_shared>> -> memref<10112x128xf32, #tpu.memory_space<vmem_shared>>
      tpu.wait_indirect_dma semaphore(%arg12 : memref<!tpu.dma_semaphore, #tpu.memory_space<semaphore_mem>>) src(%arg9 : memref<128x128xf32, #tpu.memory_space<vmem>>) dst(%dma_wait3A_111 : memref<10112x128xf32, #tpu.memory_space<vmem_shared>>)
    }
    %barrier3A_79 = arith.constant 0 : index
    tpu.barrier barrier_id(%barrier3A_79)
    %add3A_80 = arith.constant 0 : i32
    %add3A_81 = arith.addi %mul3A_0, %add3A_80 : i32
    "tpu.region"() ({
      %run_scoped3A = tpu.sem_alloc : memref<!tpu.dma_semaphore, #tpu.memory_space<semaphore_mem>>
      %dma_start3A = arith.constant 0 : i32
      %dma_start3A_100 = tpu.memref_slice %arg10[%add3A_81, %dma_start3A] : memref<10112x128xf32, #tpu.memory_space<vmem_shared>> -> memref<128x128xf32, #tpu.memory_space<vmem_shared>>
      %dma_start3A_101 = arith.constant 0 : i32
      %dma_start3A_102 = tpu.memref_slice %arg10[%add3A_81, %dma_start3A_101] : memref<10112x128xf32, #tpu.memory_space<vmem_shared>> -> memref<128x128xf32, #tpu.memory_space<vmem_shared>>
      tpu.enqueue_dma source(%dma_start3A_102 : memref<128x128xf32, #tpu.memory_space<vmem_shared>>) target(%arg8 : memref<128x128xf32, #tpu.memory_space<vmem>>) target_semaphore(%run_scoped3A : memref<!tpu.dma_semaphore, #tpu.memory_space<semaphore_mem>>)
      %dma_wait3A = arith.constant 0 : i32
      %dma_wait3A_103 = tpu.memref_slice %arg10[%add3A_81, %dma_wait3A] : memref<10112x128xf32, #tpu.memory_space<vmem_shared>> -> memref<128x128xf32, #tpu.memory_space<vmem_shared>>
      %dma_wait3A_104 = arith.constant 0 : i32
      %dma_wait3A_105 = tpu.memref_slice %arg10[%add3A_81, %dma_wait3A_104] : memref<10112x128xf32, #tpu.memory_space<vmem_shared>> -> memref<128x128xf32, #tpu.memory_space<vmem_shared>>
      tpu.wait_dma2 semaphore(%run_scoped3A : memref<!tpu.dma_semaphore, #tpu.memory_space<semaphore_mem>>) src(%dma_wait3A_105 : memref<128x128xf32, #tpu.memory_space<vmem_shared>>) dst(%arg8 : memref<128x128xf32, #tpu.memory_space<vmem>>)
      tpu.yield
    }) : () -> ()
    %add3A_82 = arith.constant 0 : i32
    %add3A_83 = arith.addi %mul3A_0, %add3A_82 : i32
    "tpu.region"() ({
      %run_scoped3A = tpu.sem_alloc : memref<!tpu.dma_semaphore, #tpu.memory_space<semaphore_mem>>
      %dma_start3A = arith.constant 0 : i32
      %dma_start3A_100 = tpu.memref_slice %arg5[%arg0, %add3A_83, %dma_start3A] : memref<2x10112x128xf32, #tpu.memory_space<hbm>> -> memref<1x128x128xf32, #tpu.memory_space<hbm>>
      %dma_start3A_101 = tpu.memref_squeeze %dma_start3A_100 : memref<1x128x128xf32, #tpu.memory_space<hbm>> -> memref<128x128xf32, #tpu.memory_space<hbm>>
      %dma_start3A_102 = arith.constant 0 : i32
      %dma_start3A_103 = tpu.memref_slice %arg5[%arg0, %add3A_83, %dma_start3A_102] : memref<2x10112x128xf32, #tpu.memory_space<hbm>> -> memref<1x128x128xf32, #tpu.memory_space<hbm>>
      %dma_start3A_104 = tpu.memref_squeeze %dma_start3A_103 : memref<1x128x128xf32, #tpu.memory_space<hbm>> -> memref<128x128xf32, #tpu.memory_space<hbm>>
      tpu.enqueue_dma source(%arg8 : memref<128x128xf32, #tpu.memory_space<vmem>>) target(%dma_start3A_104 : memref<128x128xf32, #tpu.memory_space<hbm>>) target_semaphore(%run_scoped3A : memref<!tpu.dma_semaphore, #tpu.memory_space<semaphore_mem>>)
      %dma_wait3A = arith.constant 0 : i32
      %dma_wait3A_105 = tpu.memref_slice %arg5[%arg0, %add3A_83, %dma_wait3A] : memref<2x10112x128xf32, #tpu.memory_space<hbm>> -> memref<1x128x128xf32, #tpu.memory_space<hbm>>
      %dma_wait3A_106 = tpu.memref_squeeze %dma_wait3A_105 : memref<1x128x128xf32, #tpu.memory_space<hbm>> -> memref<128x128xf32, #tpu.memory_space<hbm>>
      %dma_wait3A_107 = arith.constant 0 : i32
      %dma_wait3A_108 = tpu.memref_slice %arg5[%arg0, %add3A_83, %dma_wait3A_107] : memref<2x10112x128xf32, #tpu.memory_space<hbm>> -> memref<1x128x128xf32, #tpu.memory_space<hbm>>
      %dma_wait3A_109 = tpu.memref_squeeze %dma_wait3A_108 : memref<1x128x128xf32, #tpu.memory_space<hbm>> -> memref<128x128xf32, #tpu.memory_space<hbm>>
      tpu.wait_dma2 semaphore(%run_scoped3A : memref<!tpu.dma_semaphore, #tpu.memory_space<semaphore_mem>>) src(%arg8 : memref<128x128xf32, #tpu.memory_space<vmem>>) dst(%dma_wait3A_109 : memref<128x128xf32, #tpu.memory_space<hbm>>)
      tpu.yield
    }) : () -> ()
    %add3A_84 = arith.constant 128 : i32
    %add3A_85 = arith.addi %mul3A_0, %add3A_84 : i32
    "tpu.region"() ({
      %run_scoped3A = tpu.sem_alloc : memref<!tpu.dma_semaphore, #tpu.memory_space<semaphore_mem>>
      %dma_start3A = arith.constant 0 : i32
      %dma_start3A_100 = tpu.memref_slice %arg10[%add3A_85, %dma_start3A] : memref<10112x128xf32, #tpu.memory_space<vmem_shared>> -> memref<128x128xf32, #tpu.memory_space<vmem_shared>>
      %dma_start3A_101 = arith.constant 0 : i32
      %dma_start3A_102 = tpu.memref_slice %arg10[%add3A_85, %dma_start3A_101] : memref<10112x128xf32, #tpu.memory_space<vmem_shared>> -> memref<128x128xf32, #tpu.memory_space<vmem_shared>>
      tpu.enqueue_dma source(%dma_start3A_102 : memref<128x128xf32, #tpu.memory_space<vmem_shared>>) target(%arg8 : memref<128x128xf32, #tpu.memory_space<vmem>>) target_semaphore(%run_scoped3A : memref<!tpu.dma_semaphore, #tpu.memory_space<semaphore_mem>>)
      %dma_wait3A = arith.constant 0 : i32
      %dma_wait3A_103 = tpu.memref_slice %arg10[%add3A_85, %dma_wait3A] : memref<10112x128xf32, #tpu.memory_space<vmem_shared>> -> memref<128x128xf32, #tpu.memory_space<vmem_shared>>
      %dma_wait3A_104 = arith.constant 0 : i32
      %dma_wait3A_105 = tpu.memref_slice %arg10[%add3A_85, %dma_wait3A_104] : memref<10112x128xf32, #tpu.memory_space<vmem_shared>> -> memref<128x128xf32, #tpu.memory_space<vmem_shared>>
      tpu.wait_dma2 semaphore(%run_scoped3A : memref<!tpu.dma_semaphore, #tpu.memory_space<semaphore_mem>>) src(%dma_wait3A_105 : memref<128x128xf32, #tpu.memory_space<vmem_shared>>) dst(%arg8 : memref<128x128xf32, #tpu.memory_space<vmem>>)
      tpu.yield
    }) : () -> ()
    %add3A_86 = arith.constant 128 : i32
    %add3A_87 = arith.addi %mul3A_0, %add3A_86 : i32
    "tpu.region"() ({
      %run_scoped3A = tpu.sem_alloc : memref<!tpu.dma_semaphore, #tpu.memory_space<semaphore_mem>>
      %dma_start3A = arith.constant 0 : i32
      %dma_start3A_100 = tpu.memref_slice %arg5[%arg0, %add3A_87, %dma_start3A] : memref<2x10112x128xf32, #tpu.memory_space<hbm>> -> memref<1x128x128xf32, #tpu.memory_space<hbm>>
      %dma_start3A_101 = tpu.memref_squeeze %dma_start3A_100 : memref<1x128x128xf32, #tpu.memory_space<hbm>> -> memref<128x128xf32, #tpu.memory_space<hbm>>
      %dma_start3A_102 = arith.constant 0 : i32
      %dma_start3A_103 = tpu.memref_slice %arg5[%arg0, %add3A_87, %dma_start3A_102] : memref<2x10112x128xf32, #tpu.memory_space<hbm>> -> memref<1x128x128xf32, #tpu.memory_space<hbm>>
      %dma_start3A_104 = tpu.memref_squeeze %dma_start3A_103 : memref<1x128x128xf32, #tpu.memory_space<hbm>> -> memref<128x128xf32, #tpu.memory_space<hbm>>
      tpu.enqueue_dma source(%arg8 : memref<128x128xf32, #tpu.memory_space<vmem>>) target(%dma_start3A_104 : memref<128x128xf32, #tpu.memory_space<hbm>>) target_semaphore(%run_scoped3A : memref<!tpu.dma_semaphore, #tpu.memory_space<semaphore_mem>>)
      %dma_wait3A = arith.constant 0 : i32
      %dma_wait3A_105 = tpu.memref_slice %arg5[%arg0, %add3A_87, %dma_wait3A] : memref<2x10112x128xf32, #tpu.memory_space<hbm>> -> memref<1x128x128xf32, #tpu.memory_space<hbm>>
      %dma_wait3A_106 = tpu.memref_squeeze %dma_wait3A_105 : memref<1x128x128xf32, #tpu.memory_space<hbm>> -> memref<128x128xf32, #tpu.memory_space<hbm>>
      %dma_wait3A_107 = arith.constant 0 : i32
      %dma_wait3A_108 = tpu.memref_slice %arg5[%arg0, %add3A_87, %dma_wait3A_107] : memref<2x10112x128xf32, #tpu.memory_space<hbm>> -> memref<1x128x128xf32, #tpu.memory_space<hbm>>
      %dma_wait3A_109 = tpu.memref_squeeze %dma_wait3A_108 : memref<1x128x128xf32, #tpu.memory_space<hbm>> -> memref<128x128xf32, #tpu.memory_space<hbm>>
      tpu.wait_dma2 semaphore(%run_scoped3A : memref<!tpu.dma_semaphore, #tpu.memory_space<semaphore_mem>>) src(%arg8 : memref<128x128xf32, #tpu.memory_space<vmem>>) dst(%dma_wait3A_109 : memref<128x128xf32, #tpu.memory_space<hbm>>)
      tpu.yield
    }) : () -> ()
    %add3A_88 = arith.constant 256 : i32
    %add3A_89 = arith.addi %mul3A_0, %add3A_88 : i32
    "tpu.region"() ({
      %run_scoped3A = tpu.sem_alloc : memref<!tpu.dma_semaphore, #tpu.memory_space<semaphore_mem>>
      %dma_start3A = arith.constant 0 : i32
      %dma_start3A_100 = tpu.memref_slice %arg10[%add3A_89, %dma_start3A] : memref<10112x128xf32, #tpu.memory_space<vmem_shared>> -> memref<128x128xf32, #tpu.memory_space<vmem_shared>>
      %dma_start3A_101 = arith.constant 0 : i32
      %dma_start3A_102 = tpu.memref_slice %arg10[%add3A_89, %dma_start3A_101] : memref<10112x128xf32, #tpu.memory_space<vmem_shared>> -> memref<128x128xf32, #tpu.memory_space<vmem_shared>>
      tpu.enqueue_dma source(%dma_start3A_102 : memref<128x128xf32, #tpu.memory_space<vmem_shared>>) target(%arg8 : memref<128x128xf32, #tpu.memory_space<vmem>>) target_semaphore(%run_scoped3A : memref<!tpu.dma_semaphore, #tpu.memory_space<semaphore_mem>>)
      %dma_wait3A = arith.constant 0 : i32
      %dma_wait3A_103 = tpu.memref_slice %arg10[%add3A_89, %dma_wait3A] : memref<10112x128xf32, #tpu.memory_space<vmem_shared>> -> memref<128x128xf32, #tpu.memory_space<vmem_shared>>
      %dma_wait3A_104 = arith.constant 0 : i32
      %dma_wait3A_105 = tpu.memref_slice %arg10[%add3A_89, %dma_wait3A_104] : memref<10112x128xf32, #tpu.memory_space<vmem_shared>> -> memref<128x128xf32, #tpu.memory_space<vmem_shared>>
      tpu.wait_dma2 semaphore(%run_scoped3A : memref<!tpu.dma_semaphore, #tpu.memory_space<semaphore_mem>>) src(%dma_wait3A_105 : memref<128x128xf32, #tpu.memory_space<vmem_shared>>) dst(%arg8 : memref<128x128xf32, #tpu.memory_space<vmem>>)
      tpu.yield
    }) : () -> ()
    %add3A_90 = arith.constant 256 : i32
    %add3A_91 = arith.addi %mul3A_0, %add3A_90 : i32
    "tpu.region"() ({
      %run_scoped3A = tpu.sem_alloc : memref<!tpu.dma_semaphore, #tpu.memory_space<semaphore_mem>>
      %dma_start3A = arith.constant 0 : i32
      %dma_start3A_100 = tpu.memref_slice %arg5[%arg0, %add3A_91, %dma_start3A] : memref<2x10112x128xf32, #tpu.memory_space<hbm>> -> memref<1x128x128xf32, #tpu.memory_space<hbm>>
      %dma_start3A_101 = tpu.memref_squeeze %dma_start3A_100 : memref<1x128x128xf32, #tpu.memory_space<hbm>> -> memref<128x128xf32, #tpu.memory_space<hbm>>
      %dma_start3A_102 = arith.constant 0 : i32
      %dma_start3A_103 = tpu.memref_slice %arg5[%arg0, %add3A_91, %dma_start3A_102] : memref<2x10112x128xf32, #tpu.memory_space<hbm>> -> memref<1x128x128xf32, #tpu.memory_space<hbm>>
      %dma_start3A_104 = tpu.memref_squeeze %dma_start3A_103 : memref<1x128x128xf32, #tpu.memory_space<hbm>> -> memref<128x128xf32, #tpu.memory_space<hbm>>
      tpu.enqueue_dma source(%arg8 : memref<128x128xf32, #tpu.memory_space<vmem>>) target(%dma_start3A_104 : memref<128x128xf32, #tpu.memory_space<hbm>>) target_semaphore(%run_scoped3A : memref<!tpu.dma_semaphore, #tpu.memory_space<semaphore_mem>>)
      %dma_wait3A = arith.constant 0 : i32
      %dma_wait3A_105 = tpu.memref_slice %arg5[%arg0, %add3A_91, %dma_wait3A] : memref<2x10112x128xf32, #tpu.memory_space<hbm>> -> memref<1x128x128xf32, #tpu.memory_space<hbm>>
      %dma_wait3A_106 = tpu.memref_squeeze %dma_wait3A_105 : memref<1x128x128xf32, #tpu.memory_space<hbm>> -> memref<128x128xf32, #tpu.memory_space<hbm>>
      %dma_wait3A_107 = arith.constant 0 : i32
      %dma_wait3A_108 = tpu.memref_slice %arg5[%arg0, %add3A_91, %dma_wait3A_107] : memref<2x10112x128xf32, #tpu.memory_space<hbm>> -> memref<1x128x128xf32, #tpu.memory_space<hbm>>
      %dma_wait3A_109 = tpu.memref_squeeze %dma_wait3A_108 : memref<1x128x128xf32, #tpu.memory_space<hbm>> -> memref<128x128xf32, #tpu.memory_space<hbm>>
      tpu.wait_dma2 semaphore(%run_scoped3A : memref<!tpu.dma_semaphore, #tpu.memory_space<semaphore_mem>>) src(%arg8 : memref<128x128xf32, #tpu.memory_space<vmem>>) dst(%dma_wait3A_109 : memref<128x128xf32, #tpu.memory_space<hbm>>)
      tpu.yield
    }) : () -> ()
    %add3A_92 = arith.constant 384 : i32
    %add3A_93 = arith.addi %mul3A_0, %add3A_92 : i32
    "tpu.region"() ({
      %run_scoped3A = tpu.sem_alloc : memref<!tpu.dma_semaphore, #tpu.memory_space<semaphore_mem>>
      %dma_start3A = arith.constant 0 : i32
      %dma_start3A_100 = tpu.memref_slice %arg10[%add3A_93, %dma_start3A] : memref<10112x128xf32, #tpu.memory_space<vmem_shared>> -> memref<128x128xf32, #tpu.memory_space<vmem_shared>>
      %dma_start3A_101 = arith.constant 0 : i32
      %dma_start3A_102 = tpu.memref_slice %arg10[%add3A_93, %dma_start3A_101] : memref<10112x128xf32, #tpu.memory_space<vmem_shared>> -> memref<128x128xf32, #tpu.memory_space<vmem_shared>>
      tpu.enqueue_dma source(%dma_start3A_102 : memref<128x128xf32, #tpu.memory_space<vmem_shared>>) target(%arg8 : memref<128x128xf32, #tpu.memory_space<vmem>>) target_semaphore(%run_scoped3A : memref<!tpu.dma_semaphore, #tpu.memory_space<semaphore_mem>>)
      %dma_wait3A = arith.constant 0 : i32
      %dma_wait3A_103 = tpu.memref_slice %arg10[%add3A_93, %dma_wait3A] : memref<10112x128xf32, #tpu.memory_space<vmem_shared>> -> memref<128x128xf32, #tpu.memory_space<vmem_shared>>
      %dma_wait3A_104 = arith.constant 0 : i32
      %dma_wait3A_105 = tpu.memref_slice %arg10[%add3A_93, %dma_wait3A_104] : memref<10112x128xf32, #tpu.memory_space<vmem_shared>> -> memref<128x128xf32, #tpu.memory_space<vmem_shared>>
      tpu.wait_dma2 semaphore(%run_scoped3A : memref<!tpu.dma_semaphore, #tpu.memory_space<semaphore_mem>>) src(%dma_wait3A_105 : memref<128x128xf32, #tpu.memory_space<vmem_shared>>) dst(%arg8 : memref<128x128xf32, #tpu.memory_space<vmem>>)
      tpu.yield
    }) : () -> ()
    %add3A_94 = arith.constant 384 : i32
    %add3A_95 = arith.addi %mul3A_0, %add3A_94 : i32
    "tpu.region"() ({
      %run_scoped3A = tpu.sem_alloc : memref<!tpu.dma_semaphore, #tpu.memory_space<semaphore_mem>>
      %dma_start3A = arith.constant 0 : i32
      %dma_start3A_100 = tpu.memref_slice %arg5[%arg0, %add3A_95, %dma_start3A] : memref<2x10112x128xf32, #tpu.memory_space<hbm>> -> memref<1x128x128xf32, #tpu.memory_space<hbm>>
      %dma_start3A_101 = tpu.memref_squeeze %dma_start3A_100 : memref<1x128x128xf32, #tpu.memory_space<hbm>> -> memref<128x128xf32, #tpu.memory_space<hbm>>
      %dma_start3A_102 = arith.constant 0 : i32
      %dma_start3A_103 = tpu.memref_slice %arg5[%arg0, %add3A_95, %dma_start3A_102] : memref<2x10112x128xf32, #tpu.memory_space<hbm>> -> memref<1x128x128xf32, #tpu.memory_space<hbm>>
      %dma_start3A_104 = tpu.memref_squeeze %dma_start3A_103 : memref<1x128x128xf32, #tpu.memory_space<hbm>> -> memref<128x128xf32, #tpu.memory_space<hbm>>
      tpu.enqueue_dma source(%arg8 : memref<128x128xf32, #tpu.memory_space<vmem>>) target(%dma_start3A_104 : memref<128x128xf32, #tpu.memory_space<hbm>>) target_semaphore(%run_scoped3A : memref<!tpu.dma_semaphore, #tpu.memory_space<semaphore_mem>>)
      %dma_wait3A = arith.constant 0 : i32
      %dma_wait3A_105 = tpu.memref_slice %arg5[%arg0, %add3A_95, %dma_wait3A] : memref<2x10112x128xf32, #tpu.memory_space<hbm>> -> memref<1x128x128xf32, #tpu.memory_space<hbm>>
      %dma_wait3A_106 = tpu.memref_squeeze %dma_wait3A_105 : memref<1x128x128xf32, #tpu.memory_space<hbm>> -> memref<128x128xf32, #tpu.memory_space<hbm>>
      %dma_wait3A_107 = arith.constant 0 : i32
      %dma_wait3A_108 = tpu.memref_slice %arg5[%arg0, %add3A_95, %dma_wait3A_107] : memref<2x10112x128xf32, #tpu.memory_space<hbm>> -> memref<1x128x128xf32, #tpu.memory_space<hbm>>
      %dma_wait3A_109 = tpu.memref_squeeze %dma_wait3A_108 : memref<1x128x128xf32, #tpu.memory_space<hbm>> -> memref<128x128xf32, #tpu.memory_space<hbm>>
      tpu.wait_dma2 semaphore(%run_scoped3A : memref<!tpu.dma_semaphore, #tpu.memory_space<semaphore_mem>>) src(%arg8 : memref<128x128xf32, #tpu.memory_space<vmem>>) dst(%dma_wait3A_109 : memref<128x128xf32, #tpu.memory_space<hbm>>)
      tpu.yield
    }) : () -> ()
    %add3A_96 = arith.constant 512 : i32
    %add3A_97 = arith.addi %mul3A_0, %add3A_96 : i32
    "tpu.region"() ({
      %run_scoped3A = tpu.sem_alloc : memref<!tpu.dma_semaphore, #tpu.memory_space<semaphore_mem>>
      %dma_start3A = arith.constant 0 : i32
      %dma_start3A_100 = arith.constant 0 : i32
      %dma_start3A_101 = tpu.memref_slice %arg8[%dma_start3A, %dma_start3A_100] : memref<128x128xf32, #tpu.memory_space<vmem>> -> memref<120x128xf32, #tpu.memory_space<vmem>>
      %dma_start3A_102 = arith.constant 0 : i32
      %dma_start3A_103 = tpu.memref_slice %arg10[%add3A_97, %dma_start3A_102] : memref<10112x128xf32, #tpu.memory_space<vmem_shared>> -> memref<120x128xf32, #tpu.memory_space<vmem_shared>>
      %dma_start3A_104 = arith.constant 0 : i32
      %dma_start3A_105 = arith.constant 0 : i32
      %dma_start3A_106 = tpu.memref_slice %arg8[%dma_start3A_104, %dma_start3A_105] : memref<128x128xf32, #tpu.memory_space<vmem>> -> memref<120x128xf32, #tpu.memory_space<vmem>>
      %dma_start3A_107 = arith.constant 0 : i32
      %dma_start3A_108 = tpu.memref_slice %arg10[%add3A_97, %dma_start3A_107] : memref<10112x128xf32, #tpu.memory_space<vmem_shared>> -> memref<120x128xf32, #tpu.memory_space<vmem_shared>>
      tpu.enqueue_dma source(%dma_start3A_108 : memref<120x128xf32, #tpu.memory_space<vmem_shared>>) target(%dma_start3A_106 : memref<120x128xf32, #tpu.memory_space<vmem>>) target_semaphore(%run_scoped3A : memref<!tpu.dma_semaphore, #tpu.memory_space<semaphore_mem>>)
      %dma_wait3A = arith.constant 0 : i32
      %dma_wait3A_109 = arith.constant 0 : i32
      %dma_wait3A_110 = tpu.memref_slice %arg8[%dma_wait3A, %dma_wait3A_109] : memref<128x128xf32, #tpu.memory_space<vmem>> -> memref<120x128xf32, #tpu.memory_space<vmem>>
      %dma_wait3A_111 = arith.constant 0 : i32
      %dma_wait3A_112 = tpu.memref_slice %arg10[%add3A_97, %dma_wait3A_111] : memref<10112x128xf32, #tpu.memory_space<vmem_shared>> -> memref<120x128xf32, #tpu.memory_space<vmem_shared>>
      %dma_wait3A_113 = arith.constant 0 : i32
      %dma_wait3A_114 = arith.constant 0 : i32
      %dma_wait3A_115 = tpu.memref_slice %arg8[%dma_wait3A_113, %dma_wait3A_114] : memref<128x128xf32, #tpu.memory_space<vmem>> -> memref<120x128xf32, #tpu.memory_space<vmem>>
      %dma_wait3A_116 = arith.constant 0 : i32
      %dma_wait3A_117 = tpu.memref_slice %arg10[%add3A_97, %dma_wait3A_116] : memref<10112x128xf32, #tpu.memory_space<vmem_shared>> -> memref<120x128xf32, #tpu.memory_space<vmem_shared>>
      tpu.wait_dma2 semaphore(%run_scoped3A : memref<!tpu.dma_semaphore, #tpu.memory_space<semaphore_mem>>) src(%dma_wait3A_117 : memref<120x128xf32, #tpu.memory_space<vmem_shared>>) dst(%dma_wait3A_115 : memref<120x128xf32, #tpu.memory_space<vmem>>)
      tpu.yield
    }) : () -> ()
    %add3A_98 = arith.constant 512 : i32
    %add3A_99 = arith.addi %mul3A_0, %add3A_98 : i32
    "tpu.region"() ({
      %run_scoped3A = tpu.sem_alloc : memref<!tpu.dma_semaphore, #tpu.memory_space<semaphore_mem>>
      %dma_start3A = arith.constant 0 : i32
      %dma_start3A_100 = arith.constant 0 : i32
      %dma_start3A_101 = tpu.memref_slice %arg8[%dma_start3A, %dma_start3A_100] : memref<128x128xf32, #tpu.memory_space<vmem>> -> memref<120x128xf32, #tpu.memory_space<vmem>>
      %dma_start3A_102 = arith.constant 0 : i32
      %dma_start3A_103 = tpu.memref_slice %arg5[%arg0, %add3A_99, %dma_start3A_102] : memref<2x10112x128xf32, #tpu.memory_space<hbm>> -> memref<1x120x128xf32, #tpu.memory_space<hbm>>
      %dma_start3A_104 = tpu.memref_squeeze %dma_start3A_103 : memref<1x120x128xf32, #tpu.memory_space<hbm>> -> memref<120x128xf32, #tpu.memory_space<hbm>>
      %dma_start3A_105 = arith.constant 0 : i32
      %dma_start3A_106 = tpu.memref_slice %arg5[%arg0, %add3A_99, %dma_start3A_105] : memref<2x10112x128xf32, #tpu.memory_space<hbm>> -> memref<1x120x128xf32, #tpu.memory_space<hbm>>
      %dma_start3A_107 = tpu.memref_squeeze %dma_start3A_106 : memref<1x120x128xf32, #tpu.memory_space<hbm>> -> memref<120x128xf32, #tpu.memory_space<hbm>>
      %dma_start3A_108 = arith.constant 0 : i32
      %dma_start3A_109 = arith.constant 0 : i32
      %dma_start3A_110 = tpu.memref_slice %arg8[%dma_start3A_108, %dma_start3A_109] : memref<128x128xf32, #tpu.memory_space<vmem>> -> memref<120x128xf32, #tpu.memory_space<vmem>>
      tpu.enqueue_dma source(%dma_start3A_110 : memref<120x128xf32, #tpu.memory_space<vmem>>) target(%dma_start3A_107 : memref<120x128xf32, #tpu.memory_space<hbm>>) target_semaphore(%run_scoped3A : memref<!tpu.dma_semaphore, #tpu.memory_space<semaphore_mem>>)
      %dma_wait3A = arith.constant 0 : i32
      %dma_wait3A_111 = arith.constant 0 : i32
      %dma_wait3A_112 = tpu.memref_slice %arg8[%dma_wait3A, %dma_wait3A_111] : memref<128x128xf32, #tpu.memory_space<vmem>> -> memref<120x128xf32, #tpu.memory_space<vmem>>
      %dma_wait3A_113 = arith.constant 0 : i32
      %dma_wait3A_114 = tpu.memref_slice %arg5[%arg0, %add3A_99, %dma_wait3A_113] : memref<2x10112x128xf32, #tpu.memory_space<hbm>> -> memref<1x120x128xf32, #tpu.memory_space<hbm>>
      %dma_wait3A_115 = tpu.memref_squeeze %dma_wait3A_114 : memref<1x120x128xf32, #tpu.memory_space<hbm>> -> memref<120x128xf32, #tpu.memory_space<hbm>>
      %dma_wait3A_116 = arith.constant 0 : i32
      %dma_wait3A_117 = tpu.memref_slice %arg5[%arg0, %add3A_99, %dma_wait3A_116] : memref<2x10112x128xf32, #tpu.memory_space<hbm>> -> memref<1x120x128xf32, #tpu.memory_space<hbm>>
      %dma_wait3A_118 = tpu.memref_squeeze %dma_wait3A_117 : memref<1x120x128xf32, #tpu.memory_space<hbm>> -> memref<120x128xf32, #tpu.memory_space<hbm>>
      %dma_wait3A_119 = arith.constant 0 : i32
      %dma_wait3A_120 = arith.constant 0 : i32
      %dma_wait3A_121 = tpu.memref_slice %arg8[%dma_wait3A_119, %dma_wait3A_120] : memref<128x128xf32, #tpu.memory_space<vmem>> -> memref<120x128xf32, #tpu.memory_space<vmem>>
      tpu.wait_dma2 semaphore(%run_scoped3A : memref<!tpu.dma_semaphore, #tpu.memory_space<semaphore_mem>>) src(%dma_wait3A_121 : memref<120x128xf32, #tpu.memory_space<vmem>>) dst(%dma_wait3A_118 : memref<120x128xf32, #tpu.memory_space<hbm>>)
      tpu.yield
    }) : () -> ()
    return
  }
}

module attributes {stable_mosaic.version = 14 : i64} {
  func.func @k1_body(%arg0: i32, %arg1: memref<400x128xf32, #tpu.memory_space<vmem>>, %arg2: memref<128x128xf32, #tpu.memory_space<vmem>>, %arg3: memref<1x400x1xf32, #tpu.memory_space<vmem>>, %arg4: memref<1x400x1xf32, #tpu.memory_space<vmem>>, %arg5: memref<400x128xf32, #tpu.memory_space<vmem>>, %arg6: memref<400x1xf32, #tpu.memory_space<vmem>>) attributes {dimension_semantics = [#tpu.dimension_semantics<arbitrary>], iteration_bounds = array<i64: 25>, scalar_prefetch = 0 : i64, scratch_operands = 0 : i64, tpu.core_type = #tpu.core_type<tc>, window_params = [{transform_indices = @transform_0, window_bounds = array<i64: 400, 128>}, {pipeline_mode = #tpu.pipeline_mode<synchronous>, transform_indices = @transform_1, window_bounds = array<i64: 128, 128>}, {transform_indices = @transform_2, window_bounds = array<i64: 1, 400, 1>}, {transform_indices = @transform_3, window_bounds = array<i64: 1, 400, 1>}, {transform_indices = @transform_4, window_bounds = array<i64: 400, 128>}, {transform_indices = @transform_5, window_bounds = array<i64: 400, 1>}]} {
    %get3A = arith.constant 0 : index
    %get3A_0 = arith.constant 0 : index
    %get3A_1 = arith.constant 0 : index
    %get3A_2 = vector.load %arg3[%get3A, %get3A_0, %get3A_1] : memref<1x400x1xf32, #tpu.memory_space<vmem>>, vector<1x400x1xf32>
    %get3A_3 = vector.shape_cast %get3A_2 : vector<1x400x1xf32> to vector<400x1xf32>
    %get3A_4 = arith.constant 0 : index
    %get3A_5 = arith.constant 0 : index
    %get3A_6 = arith.constant 0 : index
    %get3A_7 = vector.load %arg4[%get3A_4, %get3A_5, %get3A_6] : memref<1x400x1xf32, #tpu.memory_space<vmem>>, vector<1x400x1xf32>
    %get3A_8 = vector.shape_cast %get3A_7 : vector<1x400x1xf32> to vector<400x1xf32>
    %add3A = arith.addf %get3A_3, %get3A_8 : vector<400x1xf32>
    %add3A_9 = arith.constant 1.000000e+00 : f32
    %add3A_10 = vector.broadcast %add3A_9 : f32 to vector<400x1xf32>
    %add3A_11 = arith.addf %add3A, %add3A_10 : vector<400x1xf32>
    %rsqrt3A = math.rsqrt %add3A_11 : vector<400x1xf32>
    %swap3A = arith.constant 0 : index
    %swap3A_12 = arith.constant 0 : index
    %swap3A_13 = vector.load %arg6[%swap3A, %swap3A_12] : memref<400x1xf32, #tpu.memory_space<vmem>>, vector<400x1xf32>
    tpu.vector_store %arg6[%swap3A, %swap3A_12], %rsqrt3A {strides = array<i32>} : memref<400x1xf32, #tpu.memory_space<vmem>>, vector<400x1xf32>,
    %get3A_14 = arith.constant 0 : index
    %get3A_15 = arith.constant 0 : index
    %get3A_16 = vector.load %arg1[%get3A_14, %get3A_15] : memref<400x128xf32, #tpu.memory_space<vmem>>, vector<400x128xf32>
    %get3A_17 = arith.constant 0 : index
    %get3A_18 = arith.constant 0 : index
    %get3A_19 = vector.load %arg2[%get3A_17, %get3A_18] : memref<128x128xf32, #tpu.memory_space<vmem>>, vector<128x128xf32>
    %dot_general3A = arith.constant dense<0.000000e+00> : vector<400x128xf32>
    %dot_general3A_20 = tpu.matmul %get3A_16, %get3A_19, %dot_general3A {dimension_numbers = #tpu.dot_dimension_numbers<[1], [0], [0], [1], [0, 0, 1, 1], [], []>, transpose_lhs_hint = false} : vector<400x128xf32>, vector<128x128xf32>, vector<400x128xf32> -> vector<400x128xf32>
    %mul3A = vector.broadcast %rsqrt3A : vector<400x1xf32> to vector<400x128xf32>
    %mul3A_21 = arith.mulf %dot_general3A_20, %mul3A : vector<400x128xf32>
    %swap3A_22 = arith.constant 0 : index
    %swap3A_23 = arith.constant 0 : index
    %swap3A_24 = vector.load %arg5[%swap3A_22, %swap3A_23] : memref<400x128xf32, #tpu.memory_space<vmem>>, vector<400x128xf32>
    tpu.vector_store %arg5[%swap3A_22, %swap3A_23], %mul3A_21 {strides = array<i32>} : memref<400x128xf32, #tpu.memory_space<vmem>>, vector<400x128xf32>,
    return
  }
  func.func @transform_0(%arg0: i32) -> (i32, i32) {
    %c0_i32 = arith.constant 0 : i32
    %c0_i32_0 = arith.constant 0 : i32
    return %arg0, %c0_i32 : i32, i32
  }
  func.func @transform_1(%arg0: i32) -> (i32, i32) {
    %c0_i32 = arith.constant 0 : i32
    %c0_i32_0 = arith.constant 0 : i32
    %c0_i32_1 = arith.constant 0 : i32
    return %c0_i32, %c0_i32_0 : i32, i32
  }
  func.func @transform_2(%arg0: i32) -> (i32, i32, i32) {
    %c0_i32 = arith.constant 0 : i32
    %c0_i32_0 = arith.constant 0 : i32
    %c0_i32_1 = arith.constant 0 : i32
    return %c0_i32, %arg0, %c0_i32_0 : i32, i32, i32
  }
  func.func @transform_3(%arg0: i32) -> (i32, i32, i32) {
    %c1_i32 = arith.constant 1 : i32
    %c0_i32 = arith.constant 0 : i32
    %c0_i32_0 = arith.constant 0 : i32
    return %c1_i32, %arg0, %c0_i32 : i32, i32, i32
  }
  func.func @transform_4(%arg0: i32) -> (i32, i32) {
    %c0_i32 = arith.constant 0 : i32
    %c0_i32_0 = arith.constant 0 : i32
    return %arg0, %c0_i32 : i32, i32
  }
  func.func @transform_5(%arg0: i32) -> (i32, i32) {
    %c0_i32 = arith.constant 0 : i32
    %c0_i32_0 = arith.constant 0 : i32
    return %arg0, %c0_i32 : i32, i32
  }
}

module attributes {stable_mosaic.version = 14 : i64} {
  func.func @k2_body(%arg0: i32, %arg1: memref<1x400x128xf32, #tpu.memory_space<vmem>>, %arg2: memref<1x400x128xf32, #tpu.memory_space<vmem>>, %arg3: memref<400x128xf32, #tpu.memory_space<vmem>>, %arg4: memref<400x1xf32, #tpu.memory_space<vmem>>, %arg5: memref<1x128xf32, #tpu.memory_space<vmem>>, %arg6: memref<128x128xf32, #tpu.memory_space<vmem>>, %arg7: memref<400x128xf32, #tpu.memory_space<vmem>>) attributes {dimension_semantics = [#tpu.dimension_semantics<arbitrary>], iteration_bounds = array<i64: 25>, scalar_prefetch = 0 : i64, scratch_operands = 0 : i64, tpu.core_type = #tpu.core_type<tc>, window_params = [{transform_indices = @transform_0, window_bounds = array<i64: 1, 400, 128>}, {transform_indices = @transform_1, window_bounds = array<i64: 1, 400, 128>}, {transform_indices = @transform_2, window_bounds = array<i64: 400, 128>}, {transform_indices = @transform_3, window_bounds = array<i64: 400, 1>}, {pipeline_mode = #tpu.pipeline_mode<synchronous>, transform_indices = @transform_4, window_bounds = array<i64: 1, 128>}, {pipeline_mode = #tpu.pipeline_mode<synchronous>, transform_indices = @transform_5, window_bounds = array<i64: 128, 128>}, {transform_indices = @transform_6, window_bounds = array<i64: 400, 128>}]} {
    %get3A = arith.constant 0 : index
    %get3A_0 = arith.constant 0 : index
    %get3A_1 = vector.load %arg4[%get3A, %get3A_0] : memref<400x1xf32, #tpu.memory_space<vmem>>, vector<400x1xf32>
    %get3A_2 = arith.constant 0 : index
    %get3A_3 = arith.constant 0 : index
    %get3A_4 = arith.constant 0 : index
    %get3A_5 = vector.load %arg1[%get3A_2, %get3A_3, %get3A_4] : memref<1x400x128xf32, #tpu.memory_space<vmem>>, vector<1x400x128xf32>
    %get3A_6 = vector.shape_cast %get3A_5 : vector<1x400x128xf32> to vector<400x128xf32>
    %get3A_7 = arith.constant 0 : index
    %get3A_8 = arith.constant 0 : index
    %get3A_9 = arith.constant 0 : index
    %get3A_10 = vector.load %arg2[%get3A_7, %get3A_8, %get3A_9] : memref<1x400x128xf32, #tpu.memory_space<vmem>>, vector<1x400x128xf32>
    %get3A_11 = vector.shape_cast %get3A_10 : vector<1x400x128xf32> to vector<400x128xf32>
    %add3A = arith.addf %get3A_6, %get3A_11 : vector<400x128xf32>
    %get3A_12 = arith.constant 0 : index
    %get3A_13 = arith.constant 0 : index
    %get3A_14 = vector.load %arg3[%get3A_12, %get3A_13] : memref<400x128xf32, #tpu.memory_space<vmem>>, vector<400x128xf32>
    %add3A_15 = arith.addf %add3A, %get3A_14 : vector<400x128xf32>
    %mul3A = vector.broadcast %get3A_1 : vector<400x1xf32> to vector<400x128xf32>
    %mul3A_16 = arith.mulf %add3A_15, %mul3A : vector<400x128xf32>
    %get3A_17 = arith.constant 0 : index
    %get3A_18 = arith.constant 0 : index
    %get3A_19 = vector.load %arg5[%get3A_17, %get3A_18] : memref<1x128xf32, #tpu.memory_space<vmem>>, vector<1x128xf32>
    %add3A_20 = vector.broadcast %get3A_19 : vector<1x128xf32> to vector<400x128xf32>
    %add3A_21 = arith.addf %mul3A_16, %add3A_20 : vector<400x128xf32>
    %max3A = arith.constant 0.000000e+00 : f32
    %max3A_22 = vector.broadcast %max3A : f32 to vector<400x128xf32>
    %max3A_23 = arith.maximumf %add3A_21, %max3A_22 : vector<400x128xf32>
    %get3A_24 = arith.constant 0 : index
    %get3A_25 = arith.constant 0 : index
    %get3A_26 = vector.load %arg6[%get3A_24, %get3A_25] : memref<128x128xf32, #tpu.memory_space<vmem>>, vector<128x128xf32>
    %dot_general3A = arith.constant dense<0.000000e+00> : vector<400x128xf32>
    %dot_general3A_27 = tpu.matmul %max3A_23, %get3A_26, %dot_general3A {dimension_numbers = #tpu.dot_dimension_numbers<[1], [0], [0], [1], [0, 0, 1, 1], [], []>, transpose_lhs_hint = false} : vector<400x128xf32>, vector<128x128xf32>, vector<400x128xf32> -> vector<400x128xf32>
    %mul3A_28 = vector.broadcast %get3A_1 : vector<400x1xf32> to vector<400x128xf32>
    %mul3A_29 = arith.mulf %dot_general3A_27, %mul3A_28 : vector<400x128xf32>
    %swap3A = arith.constant 0 : index
    %swap3A_30 = arith.constant 0 : index
    %swap3A_31 = vector.load %arg7[%swap3A, %swap3A_30] : memref<400x128xf32, #tpu.memory_space<vmem>>, vector<400x128xf32>
    tpu.vector_store %arg7[%swap3A, %swap3A_30], %mul3A_29 {strides = array<i32>} : memref<400x128xf32, #tpu.memory_space<vmem>>, vector<400x128xf32>,
    return
  }
  func.func @transform_0(%arg0: i32) -> (i32, i32, i32) {
    %c0_i32 = arith.constant 0 : i32
    %c0_i32_0 = arith.constant 0 : i32
    %c0_i32_1 = arith.constant 0 : i32
    return %c0_i32, %arg0, %c0_i32_0 : i32, i32, i32
  }
  func.func @transform_1(%arg0: i32) -> (i32, i32, i32) {
    %c1_i32 = arith.constant 1 : i32
    %c0_i32 = arith.constant 0 : i32
    %c0_i32_0 = arith.constant 0 : i32
    return %c1_i32, %arg0, %c0_i32 : i32, i32, i32
  }
  func.func @transform_2(%arg0: i32) -> (i32, i32) {
    %c0_i32 = arith.constant 0 : i32
    %c0_i32_0 = arith.constant 0 : i32
    return %arg0, %c0_i32 : i32, i32
  }
  func.func @transform_3(%arg0: i32) -> (i32, i32) {
    %c0_i32 = arith.constant 0 : i32
    %c0_i32_0 = arith.constant 0 : i32
    return %arg0, %c0_i32 : i32, i32
  }
  func.func @transform_4(%arg0: i32) -> (i32, i32) {
    %c0_i32 = arith.constant 0 : i32
    %c0_i32_0 = arith.constant 0 : i32
    %c0_i32_1 = arith.constant 0 : i32
    return %c0_i32, %c0_i32_0 : i32, i32
  }
  func.func @transform_5(%arg0: i32) -> (i32, i32) {
    %c0_i32 = arith.constant 0 : i32
    %c0_i32_0 = arith.constant 0 : i32
    %c0_i32_1 = arith.constant 0 : i32
    return %c0_i32, %c0_i32_0 : i32, i32
  }
  func.func @transform_6(%arg0: i32) -> (i32, i32) {
    %c0_i32 = arith.constant 0 : i32
    %c0_i32_0 = arith.constant 0 : i32
    return %arg0, %c0_i32 : i32, i32
  }
}

module attributes {stable_mosaic.version = 14 : i64} {
  func.func @k3_body(%arg0: i32, %arg1: memref<1x400x128xf32, #tpu.memory_space<vmem>>, %arg2: memref<1x400x128xf32, #tpu.memory_space<vmem>>, %arg3: memref<400x128xf32, #tpu.memory_space<vmem>>, %arg4: memref<400x1xf32, #tpu.memory_space<vmem>>, %arg5: memref<1x128xf32, #tpu.memory_space<vmem>>, %arg6: memref<400x128xf32, #tpu.memory_space<vmem>>) attributes {dimension_semantics = [#tpu.dimension_semantics<arbitrary>], iteration_bounds = array<i64: 25>, scalar_prefetch = 0 : i64, scratch_operands = 0 : i64, tpu.core_type = #tpu.core_type<tc>, window_params = [{transform_indices = @transform_0, window_bounds = array<i64: 1, 400, 128>}, {transform_indices = @transform_1, window_bounds = array<i64: 1, 400, 128>}, {transform_indices = @transform_2, window_bounds = array<i64: 400, 128>}, {transform_indices = @transform_3, window_bounds = array<i64: 400, 1>}, {pipeline_mode = #tpu.pipeline_mode<synchronous>, transform_indices = @transform_4, window_bounds = array<i64: 1, 128>}, {transform_indices = @transform_5, window_bounds = array<i64: 400, 128>}]} {
    %get3A = arith.constant 0 : index
    %get3A_0 = arith.constant 0 : index
    %get3A_1 = arith.constant 0 : index
    %get3A_2 = vector.load %arg1[%get3A, %get3A_0, %get3A_1] : memref<1x400x128xf32, #tpu.memory_space<vmem>>, vector<1x400x128xf32>
    %get3A_3 = vector.shape_cast %get3A_2 : vector<1x400x128xf32> to vector<400x128xf32>
    %get3A_4 = arith.constant 0 : index
    %get3A_5 = arith.constant 0 : index
    %get3A_6 = arith.constant 0 : index
    %get3A_7 = vector.load %arg2[%get3A_4, %get3A_5, %get3A_6] : memref<1x400x128xf32, #tpu.memory_space<vmem>>, vector<1x400x128xf32>
    %get3A_8 = vector.shape_cast %get3A_7 : vector<1x400x128xf32> to vector<400x128xf32>
    %add3A = arith.addf %get3A_3, %get3A_8 : vector<400x128xf32>
    %get3A_9 = arith.constant 0 : index
    %get3A_10 = arith.constant 0 : index
    %get3A_11 = vector.load %arg3[%get3A_9, %get3A_10] : memref<400x128xf32, #tpu.memory_space<vmem>>, vector<400x128xf32>
    %add3A_12 = arith.addf %add3A, %get3A_11 : vector<400x128xf32>
    %get3A_13 = arith.constant 0 : index
    %get3A_14 = arith.constant 0 : index
    %get3A_15 = vector.load %arg4[%get3A_13, %get3A_14] : memref<400x1xf32, #tpu.memory_space<vmem>>, vector<400x1xf32>
    %mul3A = vector.broadcast %get3A_15 : vector<400x1xf32> to vector<400x128xf32>
    %mul3A_16 = arith.mulf %add3A_12, %mul3A : vector<400x128xf32>
    %get3A_17 = arith.constant 0 : index
    %get3A_18 = arith.constant 0 : index
    %get3A_19 = vector.load %arg5[%get3A_17, %get3A_18] : memref<1x128xf32, #tpu.memory_space<vmem>>, vector<1x128xf32>
    %add3A_20 = vector.broadcast %get3A_19 : vector<1x128xf32> to vector<400x128xf32>
    %add3A_21 = arith.addf %mul3A_16, %add3A_20 : vector<400x128xf32>
    %max3A = arith.constant 0.000000e+00 : f32
    %max3A_22 = vector.broadcast %max3A : f32 to vector<400x128xf32>
    %max3A_23 = arith.maximumf %add3A_21, %max3A_22 : vector<400x128xf32>
    %swap3A = arith.constant 0 : index
    %swap3A_24 = arith.constant 0 : index
    %swap3A_25 = vector.load %arg6[%swap3A, %swap3A_24] : memref<400x128xf32, #tpu.memory_space<vmem>>, vector<400x128xf32>
    tpu.vector_store %arg6[%swap3A, %swap3A_24], %max3A_23 {strides = array<i32>} : memref<400x128xf32, #tpu.memory_space<vmem>>, vector<400x128xf32>,
    return
  }
  func.func @transform_0(%arg0: i32) -> (i32, i32, i32) {
    %c0_i32 = arith.constant 0 : i32
    %c0_i32_0 = arith.constant 0 : i32
    %c0_i32_1 = arith.constant 0 : i32
    return %c0_i32, %arg0, %c0_i32_0 : i32, i32, i32
  }
  func.func @transform_1(%arg0: i32) -> (i32, i32, i32) {
    %c1_i32 = arith.constant 1 : i32
    %c0_i32 = arith.constant 0 : i32
    %c0_i32_0 = arith.constant 0 : i32
    return %c1_i32, %arg0, %c0_i32 : i32, i32, i32
  }
  func.func @transform_2(%arg0: i32) -> (i32, i32) {
    %c0_i32 = arith.constant 0 : i32
    %c0_i32_0 = arith.constant 0 : i32
    return %arg0, %c0_i32 : i32, i32
  }
  func.func @transform_3(%arg0: i32) -> (i32, i32) {
    %c0_i32 = arith.constant 0 : i32
    %c0_i32_0 = arith.constant 0 : i32
    return %arg0, %c0_i32 : i32, i32
  }
  func.func @transform_4(%arg0: i32) -> (i32, i32) {
    %c0_i32 = arith.constant 0 : i32
    %c0_i32_0 = arith.constant 0 : i32
    %c0_i32_1 = arith.constant 0 : i32
    return %c0_i32, %c0_i32_0 : i32, i32
  }
  func.func @transform_5(%arg0: i32) -> (i32, i32) {
    %c0_i32 = arith.constant 0 : i32
    %c0_i32_0 = arith.constant 0 : i32
    return %arg0, %c0_i32 : i32, i32
  }
}

</mosaic_0001>

<sc_bundles>
// kernel: kernel.11.cloned.1.call-start
scs
__scs_entry_jumppad:
0x0: {  	(pc) =	sbr.rel $0x88, $3  }
0x1: {  	(tag) =	ssettag $0x0;
	lr =	simm.s32 $0x1  }
0x2: {  	[smem:$0x3F9B] =	sst lr;
	_ =	strace $0xD0000000  }
0x3: {  	_ = 	snop  }
0x4: {  	_ = 	snop  }
0x5: {  	_ = 	snop  }
0x6: {  	_ = 	snop  }
0x7: {  	_ = 	snop  }
__scs_overlays_trampoline_lowered:
0x8: {  	[smem:$0x3FAA] =	sst s0  }
0x9: {  	[smem:$0x3FAB] =	sst s1  }
0xa: {  	[smem:$0x3FAC] =	sst s2  }
0xb: {  	[smem:$0x3FAD] =	sst s3  }
0xc: {  	[smem:$0x3FAE] =	sst s4  }
0xd: {  	[smem:$0x3FAF] =	sst s5  }
0xe: {  	[smem:$0x3FB0] =	sst s6  }
0xf: {  	[smem:$0x3FB1] =	sst s7  }
0x10: {  	[smem:$0x3FB2] =	sst s8  }
0x11: {  	[smem:$0x3FB3] =	sst s9;
	s0 =	simm.s32 @!p0 $0x0  }
0x12: {  	s1 =	sld [smem:$0x3F99];
	s0 =	simm.s32 @p0 $0x1  }
0x13: {  	[smem:$0x3FB4] =	sst s0;
	s0 =	simm.s32 @!p1 $0x0  }
0x14: {  	s2 =	sld [smem:$0x3F98];
	s0 =	simm.s32 @p1 $0x1  }
0x15: {  	[smem:$0x3FB5] =	sst s0;
	s0 =	simm.s32 @!p2 $0x0  }
0x16: {  	s3 =	sld [smem:$0x3FDB];
	s0 =	simm.s32 @p2 $0x1  }
0x17: {  	s4 =	simm.s32 $0x1BF5;
	[smem:$0x3FB7] =	sst s0  }
0x18: {  	s0 =	sld [smem:$0x3F9A];
	_ =	swait.ge [sflag:s4], $0x0  }
0x19: {  	s7 =	sld [smem:$0x3F9B]  }
0x1a: {  	s8 =	sadd.s32 $0xFFFFE003, lr  }
0x1b: {  	s9 =	sadd.s32 $0xFFFFFEF7, lr;
	s5 =	simm.s32 $0xFFFFFFFF;
	p2 =	slt.u32 s8, $0xFFFFF086  }
0x1c: {  	p1 =	slt.u32 s9, $0xF7A;
	s5 =	simm.s32 @!p2 $0x0  }
0x1d: {  	s5 =	simm.s32 @p1 $0x1;
	p0 =	seq.s32 s7, s2  }
0x1e: {  	s7 =	smul.u32 @!p0 $0xF7A, s2;
	p2 =	seq.s32 @!p0 s5, $0x0  }
0x1f: {  	s9 =	smul.u32 $0xF7A, s1;
	s8 =	simm.s32 @!p0 $0x1BF5;
	p2 =	por !p2, p0  }
0x20: {  	[sflag:s8] =	ssyncset.s32 @!p0 $0xFFFFF086;
	s6 =	sadd.s32 @!p0 s3, s7;
	s7 =	simm.s32 @!p0 $0x108  }
0x21: {  	s3 =	sadd.s32 s3, s9;
	s6 =	sadd.s32 @!p0 $0x88, s6;
	s7 =	simm.s32 @p2 $0x1082  }
0x22: {  	[simem:s7], [sflag:s8] =	dma.local @!p0 [hbm:s6], $0xF7A  }
0x23: {  	s9 =	sor.u32 $0xD0000000, s2;
	s6 =	simm.s32 $0x108;
	_ =	swait.ge @!p0 [sflag:s8], $0x0  }
0x24: {  	s3 =	sadd.s32 $0x88, s3;
	s6 =	simm.s32 @!p1 $0x1082;
	[sflag:s4] =	ssyncset.s32 $0xFFFFF086  }
0x25: {  	[simem:s6], [sflag:s4] =	dma.local [hbm:s3], $0xF7A  }
0x26: {  	[smem:$0x3F9B] =	sst s1;
	(tag) =	ssettag s2;
	_ =	strace s9  }
0x27: {  	s1 =	sld [smem:$0x3FAB]  }
0x28: {  	s2 =	sld [smem:$0x3FAC]  }
0x29: {  	s4 =	sld [smem:$0x3FAE]  }
0x2a: {  	p0 =	seq.s32 s5, $0x0;
	s5 =	sld [smem:$0x3FAF]  }
0x2b: {  	s6 =	sld [smem:$0x3FB0]  }
0x2c: {  	s7 =	sld [smem:$0x3FB1]  }
0x2d: {  	s3 =	simm.s32 $0x108;
	s8 =	sld [smem:$0x3FB2]  }
0x2e: {  	s3 =	simm.s32 @!p0 $0x1082;
	s9 =	sld [smem:$0x3FB3]  }
0x2f: {  	lr =	sadd.s32 s0, s3;
	s0 =	sld [smem:$0x3FAA]  }
0x30: {  	s3 =	sld [smem:$0x3FAD]  }
0x31: {  	[smem:$0x3FB6] =	sst s10  }
0x32: {  	s10 =	sld [smem:$0x3FB4];
	_ =	sdelay $0x3  }
0x33: {  	p0 =	seq.s32 s10, $0x1;
	s10 =	sld [smem:$0x3FB6];
	_ =	sdelay $0x3  }
0x34: {  	[smem:$0x3FB6] =	sst s10  }
0x35: {  	s10 =	sld [smem:$0x3FB5];
	_ =	sdelay $0x3  }
0x36: {  	p1 =	seq.s32 s10, $0x1;
	s10 =	sld [smem:$0x3FB6];
	_ =	sdelay $0x3  }
0x37: {  	[smem:$0x3FB6] =	sst s10  }
0x38: {  	s10 =	sld [smem:$0x3FB7]  }
0x39: {  	_ = 	snop;
	(pc) =	sbr.ind lr, $3  }
0x3a: {  	_ = 	snop  }
0x3b: {  	_ = 	snop  }
0x3c: {  	p2 =	seq.s32 s10, $0x1;
	s10 =	sld [smem:$0x3FB6]  }
0x3d: {  	_ =	shalt  }
0x3e: {  	_ =	shalt  }
0x3f: {  	_ =	shalt  }
0x40: {  	_ =	shalt  }
0x41: {  	_ =	shalt  }
0x42: {  	_ =	shalt  }
0x43: {  	_ =	shalt  }
0x44: {  	_ =	shalt  }
0x45: {  	_ =	shalt  }
0x46: {  	_ =	shalt  }
0x47: {  	_ =	shalt  }
0x48: {  	_ =	shalt  }
0x49: {  	_ =	shalt  }
0x4a: {  	_ =	shalt  }
0x4b: {  	_ =	shalt  }
0x4c: {  	_ =	shalt  }
0x4d: {  	_ =	shalt  }
0x4e: {  	_ =	shalt  }
0x4f: {  	_ =	shalt  }
0x50: {  	_ =	shalt  }
0x51: {  	_ =	shalt  }
0x52: {  	_ =	shalt  }
0x53: {  	_ =	shalt  }
0x54: {  	_ =	shalt  }
0x55: {  	_ =	shalt  }
0x56: {  	_ =	shalt  }
0x57: {  	_ =	shalt  }
0x58: {  	_ =	shalt  }
0x59: {  	_ =	shalt  }
0x5a: {  	_ =	shalt  }
0x5b: {  	_ =	shalt  }
0x5c: {  	_ =	shalt  }
0x5d: {  	_ =	shalt  }
0x5e: {  	_ =	shalt  }
0x5f: {  	_ =	shalt  }
0x60: {  	_ =	shalt  }
0x61: {  	_ =	shalt  }
0x62: {  	_ =	shalt  }
0x63: {  	_ =	shalt  }
0x64: {  	_ =	shalt  }
0x65: {  	_ =	shalt  }
0x66: {  	_ =	shalt  }
0x67: {  	_ =	shalt  }
0x68: {  	_ =	shalt  }
0x69: {  	_ =	shalt  }
0x6a: {  	_ =	shalt  }
0x6b: {  	_ =	shalt  }
0x6c: {  	_ =	shalt  }
0x6d: {  	_ =	shalt  }
0x6e: {  	_ =	shalt  }
0x6f: {  	_ =	shalt  }
0x70: {  	_ =	shalt  }
0x71: {  	_ =	shalt  }
0x72: {  	_ =	shalt  }
0x73: {  	_ =	shalt  }
0x74: {  	_ =	shalt  }
0x75: {  	_ =	shalt  }
0x76: {  	_ =	shalt  }
0x77: {  	_ =	shalt  }
0x78: {  	_ =	shalt  }
0x79: {  	_ =	shalt  }
0x7a: {  	_ =	shalt  }
0x7b: {  	_ =	shalt  }
0x7c: {  	_ =	shalt  }
0x7d: {  	_ =	shalt  }
0x7e: {  	_ =	shalt  }
0x7f: {  	_ =	shalt  }
0x80: {  	_ =	shalt  }
0x81: {  	_ =	shalt  }
0x82: {  	_ =	shalt  }
0x83: {  	_ =	shalt  }
0x84: {  	_ =	shalt  }
0x85: {  	_ =	shalt  }
0x86: {  	_ =	shalt  }
0x87: {  	_ =	shalt  }
.Lfunc_end0:
.L_simem_size_0:
called_computation.1_lowered:
.L_overlay_start_0:
0x88: {  	s2 =	sld [smem:$0x3FD9]  }
0x89: {  	s3 =	sld [smem:$0x3FFE];
	_ =	sdelay $0x1  }
0x8a: {  	s1 =	srdreg.scid  }
0x8b: {  	s0 =	sand.u32 $0x1, s1  }
0x8c: {  	s17 =	sshll.u32 s0, $0xA;
	s2 =	sadd.s32 s3, s2  }
0x8d: {  	s2 =	sadd.s32 s2, s17  }
0x8e: {  	[smem:$0x3FC2] =	sst s2  }
0x8f: {  	_ = 	snop  }
0x90: {  	s2 =	sld [smem:$0x3FD0];
	(tm) =	ssettm $0x1  }
0x91: {  	s18 =	sld [smem:$0x3FFB];
	_ =	sdelay $0x3  }
0x92: {  	_ =	strace s18  }
0x93: {  	s3 =	sld [smem:$0x3FFC];
	_ =	sdelay $0x3  }
0x94: {  	_ =	strace s3  }
0x95: {  	s3 =	sld [smem:$0x3FFD];
	_ =	sdelay $0x3  }
0x96: {  	_ =	strace s3  }
0x97: {  	_ =	strace $0x8FFFFFFF  }
0x98: {  	s19 =	sld [smem:$0x3FDB];
	_ =	sdelay $0x1  }
0x99: {  	s4 =	simm.s32 $_scs_section_size  }
0x9a: {  	s5 =	simm.s32 $_size__tile_overlayer_lowered;
	s6 =	simm.s32 $_tile_overlayer_lowered  }
0x9b: {  	s22 =	simm.s32 $0x1BFF;
	s21 =	sshll.u32 s6, $0x1;
	s3 =	sadd.s32 s4, s19  }
0x9c: {  	s7 =	simm.s32 $0x0;
	s20 =	sshll.u32 s5, $0x1;
	s5 =	sadd.s32 s21, s3  }
0x9d: {  	[timem:s7], [sflag:s22] =	dma.local [hbm:s5], s20  }
0x9e: {  	_ =	swait.ge [sflag:s22], s20  }
0x9f: {  	s4 =	ssub.s32 $0x0, s20;
	[sflag:s22] =	ssyncset.done $0x0  }
0xa0: {  	[sflag:s22] =	ssyncadd.s32 s4;
	_ =	sdelay $0x1  }
0xa1: {  	s23 =	simm.s32 $0x1B8B  }
0xa2: {  	_ =	swait.ge [sflag:s23], $0x1  }
0xa3: {  	[sflag:s23] =	ssyncset.done $0x0  }
0xa4: {  	s25 =	simm.s32 $0x1B8E;
	s24 =	sld [smem:$0x3FFE];
	[sflag:s23] =	ssyncadd.s32 $0xFFFFFFFF  }
0xa5: {  	s26 =	simm.s32 $execute0_lowered;
	[smem:$0x3FD2] =	sst s25  }
0xa6: {  	s5 =	sshll.u32 s26, $0x1;
	_ =	strace $0x80000049;
	[dreg:$0x1] =	wrdreg $0xFFFFFFFF  }
0xa7: {  	s28 =	simm.s32 $_size_execute0_lowered;
	s3 =	sadd.s32 s3, s5;
	[dreg:$0x0] =	wrdreg $0x0  }
0xa8: {  	s5 =	sshll.u32 s28, $0x1;
	[dreg:$0x2] =	wrdreg s3  }
0xa9: {  	[dreg:$0x3] =	wrdreg s5  }
0xaa: {  	[dreg:$0x4] =	wrdreg $0xC0  }
0xab: {  	_ =	task [dreg:s7], $0x5FFFF  }
0xac: {  	[dreg:$0x1] =	wrdreg $0xFFFFFFFF  }
0xad: {  	[dreg:$0x0] =	wrdreg $0x60  }
0xae: {  	[dreg:$0x2] =	wrdreg s2  }
0xaf: {  	[dreg:$0x3] =	wrdreg s24  }
0xb0: {  	[dreg:$0x4] =	wrdreg $0xA8000  }
0xb1: {  	[dreg:$0x5] =	wrdreg $0x9  }
0xb2: {  	_ =	task.clear_ibuf [dreg:s7], $0x6FFFF;
	_ =	strace $0x90000049  }
0xb3: {  	s29 =	simm.s32 $0x9;
	_ =	strace $0x8000004B  }
0xb4: {  	_ =	swait.ge [sflag:s29], $0x1  }
0xb5: {  	[sflag:s29] =	ssyncadd.s32 $0xFFFFFFFF  }
0xb6: {  	_ =	strace $0x9000004B  }
0xb7: {  	_ =	sfence  }
0xb8: {  	s30 =	sld [smem:$0x0];
	_ =	sdelay $0x2  }
0xb9: {  	s31 =	sshll.u32 s1, $0xD;
	s1 =	sshrl.u32 s1, $0x2  }
0xba: {  	s3 =	sand.u32 $0x4000, s31;
	s1 =	sadd.s32 s1, s30  }
0xbb: {  	s0 =	sor.u32 s3, s0;
	s1 =	sshll.u32 s1, $0x11  }
0xbc: {  	s0 =	sor.u32 s1, s0  }
0xbd: {  	s0 =	sadd.s32 $0x8F2B, s0  }
0xbe: {  	[sflag:s0] =	ssyncadd.remote.s32 $0x1  }
0xbf: {  	_ =	sfence.sel $0xFFFF  }
0xc0: {  	[dreg:$0x0] =	wrdreg $0xFFFFFFFF;
	(pc) =	sbr.abs _section_cstart, $3  }
0xc1: {  	[dreg:$0x1] =	wrdreg $0xFFFFFFFF  }
0xc2: {  	_ =	task.clear_ibuf [dreg:s7], $0x2FFFF;
	_ =	strace $0x9FFFFFFF  }
0xc3: {  	(tm) =	ssettm $0x7FFFFFFF  }
tec
execute0_lowered:
.L_overlay_start_1:
0x0: {  	(tag) =	ssettag $0x1  }
0x1: {  	s1 =	rddreg [dreg:$0x0]  }
0x2: {  	s5 =	rddreg [dreg:$0x1]  }
0x3: {  	s2 =	rddreg [dreg:$0x2];
	s4 =	simm.s32 $0x0;
	s3 =	srdreg.scid  }
0x4: {  	s28 =	simm.s32 $0x2;
	[smem:$0x7FF] =	sst s4;
	s10 =	sand.u32 $0x1, s3  }
0x5: {  	s29 =	simm.s32 $0x0;
	s3 =	stileid.u32;
	s6 =	smul.u32 $0x28000, s10  }
0x6: {  	s12 =	sadd.s32 $0xC200, s5;
	s13 =	sadd.s32 $0x2200, s5;
	s7 =	smul.u32 $0x2800, s3  }
0x7: {  	s18 =	sadd.s32 $0x16200, s5;
	s22 =	ssub.s32 $0x2, s10;
	s23 =	smul.u32 $0x4F000, s3  }
0x8: {  	_ =	strace $0x8000004A;
	s15 =	smul.u32 $0x13C00, s3;
	s8 =	sshrl.u32 s22, $0x1  }
0x9: {  	s6 =	sadd.s32 s7, s6;
	s19 =	ssub.s32 s22, s8;
	s7 =	sshrl.u32 s23, $0x2  }
0xa: {  	s16 =	sadd.s32 $0x4000, s15;
	s17 =	sadd.s32 $0x8000, s15;
	s20 =	sadd.s32 $0xC000, s15  }
0xb: {  	s21 =	sadd.s32 $0x10000, s15;
	s22 =	smul.u32 $0x13C000, s10;
	s23 =	simm.s32 $0x80  }
0xc: {  	s14 =	sshrl.u32 s6, $0x3;
	s7 =	sadd.s32 s7, s2;
	s8 =	sadd.s32 s16, s2  }
0xd: {  	s9 =	sadd.s32 s17, s2;
	s10 =	sadd.s32 s20, s2;
	s11 =	sadd.s32 s21, s2  }
0xe: {  	s19 =	smax.u32 s19, $0x1;
	s5 =	sadd.s32 s12, s14;
	s6 =	sadd.s32 s13, s14  }
0xf: {  	s14 =	sadd.s32 $0x280, s14;
	s15 =	sadd.s32 s15, s22;
	s16 =	sadd.s32 s22, s16  }
0x10: {  	s26 =	sadd.s32 s22, s17;
	s30 =	sadd.s32 s22, s20;
	s31 =	sadd.s32 s22, s21  }
0x11: {  	s21 =	simm.s32 $0x1400;
	s22 =	simm.s32 $0x6800;
	s12 =	sadd.s32 s12, s14  }
0x12: {  	s13 =	sadd.s32 s13, s14;
	s24 =	sshrl.u32 s15, $0x3;
	s25 =	sshrl.u32 s16, $0x3  }
0x13: {  	s16 =	sshrl.u32 s26, $0x3;
	s17 =	sshrl.u32 s30, $0x3;
	s20 =	sshrl.u32 s31, $0x3  }
0x14: {  	s26 =	simm.s32 $0x1480;
	s14 =	sadd.s32 s18, s24;
	s15 =	sadd.s32 s18, s25  }
0x15: {  	s16 =	sadd.s32 s18, s16;
	s17 =	sadd.s32 s18, s17;
	s18 =	sadd.s32 s18, s20  }
0x16: {  	v0 =	vimm.f32 $0.0e+00;
	s20 =	simm.s32 $0x3;
	s24 =	simm.s32 $0x2800;
	s25 =	simm.s32 $0x1  }
.LBB2_1:
0x17: {  	[tilespmem:s4], [sflag:$0x3] =	stream.linear.gather [hbm4b:s5+s4], $0x1400, $0x38;
	[tilespmem:$0x1E400] =	vst v63  }
0x18: {  	_ =	swait.ge [sflag:s20], $0x1400  }
0x19: {  	[sflag:s20] =	ssyncset.done $0x0  }
0x1a: {  	[sflag:s20] =	ssyncadd.s32 $0xFFFFEC00  }
0x1b: {  	[tilespmem:s21], [sflag:$0x3] =	stream.linear.gather [hbm4b:s6+s4], $0x1400, $0x38;
	[tilespmem:$0x1E400] =	vst v63  }
0x1c: {  	_ =	swait.ge [sflag:s20], $0x1400  }
0x1d: {  	[sflag:s20] =	ssyncset.done $0x0  }
0x1e: {  	s30 =	simm.s32 $0x0;
	s31 =	simm.s32 $0x200;
	[sflag:s20] =	ssyncadd.s32 $0xFFFFEC00  }
.LBB2_2:
0x1f: {  	p0 =	sne.s32 s31, $0xFE00;
	[tilespmem:s30+$0x6870] =	vst v0  }
0x20: {  	[tilespmem:s30+$0x6800] =	vst v0  }
0x21: {  	[tilespmem:s30+$0x6810] =	vst v0  }
.Ltmp0:
0x22: {  	[tilespmem:s30+$0x6820] =	vst v0;
	(pc) =	sbr.rel @p0 .LBB2_2-.Ltmp0, $4  }
0x23: {  	[tilespmem:s30+$0x6830] =	vst v0  }
0x24: {  	[tilespmem:s30+$0x6840] =	vst v0  }
0x25: {  	[tilespmem:s30+$0x6850] =	vst v0  }
0x26: {  	[tilespmem:s30+$0x6860] =	vst v0;
	s30 =	sshra.s32 s31, $0x2;
	s31 =	sadd.s32 $0x200, s31  }
0x27: {  	[tilespmem:s30+$0x6870] =	vst v0  }
0x28: {  	[tilespmem:s30+$0x6800] =	vst v0  }
0x29: {  	[tilespmem:s30+$0x6810] =	vst v0  }
0x2a: {  	[tilespmem:s30+$0x6820] =	vst v0  }
0x2b: {  	[tilespmem:s30+$0x6830] =	vst v0  }
0x2c: {  	[tilespmem:s30+$0x6840] =	vst v0  }
0x2d: {  	[tilespmem:s30+$0x6850] =	vst v0  }
0x2e: {  	[tilespmem:s30+$0x6860] =	vst v0  }
0x2f: {  	[spmem:s7] =	stream.linear.scatter [tilespmem:s22], [sflag:$0x3], $0x4000, $0x38;
	[tilespmem:$0x1E400] =	vst v63  }
0x30: {  	_ =	swait.ge [sflag:s20], $0x4000  }
0x31: {  	[sflag:s20] =	ssyncset.done $0x0  }
0x32: {  	[sflag:s20] =	ssyncadd.s32 $0xFFFFC000  }
0x33: {  	[spmem:s8] =	stream.linear.scatter [tilespmem:s22], [sflag:$0x3], $0x4000, $0x38;
	[tilespmem:$0x1E400] =	vst v63  }
0x34: {  	_ =	swait.ge [sflag:s20], $0x4000  }
0x35: {  	[sflag:s20] =	ssyncset.done $0x0  }
0x36: {  	[sflag:s20] =	ssyncadd.s32 $0xFFFFC000  }
0x37: {  	[spmem:s9] =	stream.linear.scatter [tilespmem:s22], [sflag:$0x3], $0x4000, $0x38;
	[tilespmem:$0x1E400] =	vst v63  }
0x38: {  	_ =	swait.ge [sflag:s20], $0x4000  }
0x39: {  	[sflag:s20] =	ssyncset.done $0x0  }
0x3a: {  	[sflag:s20] =	ssyncadd.s32 $0xFFFFC000  }
0x3b: {  	[spmem:s10] =	stream.linear.scatter [tilespmem:s22], [sflag:$0x3], $0x4000, $0x38;
	[tilespmem:$0x1E400] =	vst v63  }
0x3c: {  	_ =	swait.ge [sflag:s20], $0x4000  }
0x3d: {  	[sflag:s20] =	ssyncset.done $0x0  }
0x3e: {  	[sflag:s20] =	ssyncadd.s32 $0xFFFFC000  }
0x3f: {  	[spmem:s11] =	stream.linear.scatter [tilespmem:s22], [sflag:$0x3], $0x3C00, $0x38;
	[tilespmem:$0x1E400] =	vst v63  }
0x40: {  	_ =	swait.ge [sflag:s20], $0x3C00  }
0x41: {  	[sflag:s20] =	ssyncset.done $0x0  }
0x42: {  	[sflag:s20] =	ssyncadd.s32 $0xFFFFC400  }
0x43: {  	[bflag:$0x0] =	sbarrier.arrive $0xFFFF  }
0x44: {  	[tilespmem:s24], [sflag:$0x1] =	stream.indirect.gather [hbm4b:s1+s23], $0x80, s4, s23, $0xb8;
	[tilespmem:$0x1E400] =	vst v63  }
0x45: {  	_ = 	snop  }
0x46: {  	[tilespmem:s22], [sflag:$0x1] =	stream.indirect.gather [hbm4b:s1+s23], $0x80, s23, s23, $0xb8;
	[tilespmem:$0x1E400] =	vst v63  }
0x47: {  	_ =	swait.ge [sflag:s25], $0x4000  }
0x48: {  	[sflag:s25] =	ssyncset.done $0x0  }
0x49: {  	[sflag:s25] =	ssyncadd.s32 $0xFFFFC000  }
0x4a: {  	[spmem:s2] =	stream.indirect.scatter.add.f32 [tilespmem:s24], [sflag:$0x2], $0x80, s21, s23, $0xb8;
	[tilespmem:$0x1E400] =	vst v63  }
0x4b: {  	_ =	swait.ge [sflag:s25], $0x4000  }
0x4c: {  	[sflag:s25] =	ssyncset.done $0x0  }
0x4d: {  	[sflag:s25] =	ssyncadd.s32 $0xFFFFC000  }
0x4e: {  	[spmem:s2] =	stream.indirect.scatter.add.f32 [tilespmem:s22], [sflag:$0x2], $0x80, s26, s23, $0xb8;
	[tilespmem:$0x1E400] =	vst v63  }
0x4f: {  	_ =	swait.ge [sflag:s28], $0x4000  }
0x50: {  	[sflag:s28] =	ssyncset.done $0x0  }
0x51: {  	s30 =	simm.s32 $0x100;
	[sflag:s28] =	ssyncadd.s32 $0xFFFFC000  }
0x52: {  	[tilespmem:s24], [sflag:$0x1] =	stream.indirect.gather [hbm4b:s1+s23], $0x80, s30, s23, $0xb8;
	[tilespmem:$0x1E400] =	vst v63  }
0x53: {  	_ =	swait.ge [sflag:s28], $0x4000  }
0x54: {  	[sflag:s28] =	ssyncset.done $0x0  }
0x55: {  	s30 =	simm.s32 $0x180;
	[sflag:s28] =	ssyncadd.s32 $0xFFFFC000  }
0x56: {  	[tilespmem:s22], [sflag:$0x1] =	stream.indirect.gather [hbm4b:s1+s23], $0x80, s30, s23, $0xb8;
	[tilespmem:$0x1E400] =	vst v63  }
0x57: {  	_ =	swait.ge [sflag:s25], $0x4000  }
0x58: {  	[sflag:s25] =	ssyncset.done $0x0  }
0x59: {  	s30 =	simm.s32 $0x1500;
	[sflag:s25] =	ssyncadd.s32 $0xFFFFC000  }
0x5a: {  	[spmem:s2] =	stream.indirect.scatter.add.f32 [tilespmem:s24], [sflag:$0x2], $0x80, s30, s23, $0xb8;
	[tilespmem:$0x1E400] =	vst v63  }
0x5b: {  	_ =	swait.ge [sflag:s25], $0x4000  }
0x5c: {  	[sflag:s25] =	ssyncset.done $0x0  }
0x5d: {  	s31 =	simm.s32 $0x1580;
	s30 =	simm.s32 $0xFFFFB800;
	[sflag:s25] =	ssyncadd.s32 $0xFFFFC000  }
.LBB2_4:
0x5e: {  	[spmem:s2] =	stream.indirect.scatter.add.f32 [tilespmem:s22], [sflag:$0x2], $0x80, s31, s23, $0xb8;
	[tilespmem:$0x1E400] =	vst v63  }
0x5f: {  	s31 =	smov.u32 s30  }
0x60: {  	p0 =	sne.s32 s30, $0xFFFFFC00;
	s30 =	sadd.s32 $0x400, s30;
	_ =	swait.ge [sflag:s28], $0x4000  }
0x61: {  	s31 =	sshra.s32 s31, $0x2;
	[sflag:s28] =	ssyncset.done $0x0  }
0x62: {  	s0 =	sadd.s32 $0x1400, s31;
	[sflag:s28] =	ssyncadd.s32 $0xFFFFC000  }
0x63: {  	[tilespmem:s24], [sflag:$0x1] =	stream.indirect.gather [hbm4b:s1+s23], $0x80, s0, s23, $0xb8;
	[tilespmem:$0x1E400] =	vst v63  }
0x64: {  	_ =	swait.ge [sflag:s28], $0x4000  }
0x65: {  	[sflag:s28] =	ssyncset.done $0x0  }
0x66: {  	s0 =	sadd.s32 $0x1480, s31;
	[sflag:s28] =	ssyncadd.s32 $0xFFFFC000  }
0x67: {  	[tilespmem:s22], [sflag:$0x1] =	stream.indirect.gather [hbm4b:s1+s23], $0x80, s0, s23, $0xb8;
	[tilespmem:$0x1E400] =	vst v63  }
0x68: {  	_ =	swait.ge [sflag:s25], $0x4000  }
0x69: {  	[sflag:s25] =	ssyncset.done $0x0  }
.Ltmp1:
0x6a: {  	s0 =	sadd.s32 $0x2800, s31;
	[sflag:s25] =	ssyncadd.s32 $0xFFFFC000;
	(pc) =	sbr.rel @p0 .LBB2_4-.Ltmp1, $4  }
0x6b: {  	[spmem:s2] =	stream.indirect.scatter.add.f32 [tilespmem:s24], [sflag:$0x2], $0x80, s0, s23, $0xb8;
	[tilespmem:$0x1E400] =	vst v63  }
0x6c: {  	_ =	swait.ge [sflag:s25], $0x4000  }
0x6d: {  	[sflag:s25] =	ssyncset.done $0x0  }
0x6e: {  	s31 =	sadd.s32 $0x2880, s31;
	[sflag:s25] =	ssyncadd.s32 $0xFFFFC000  }
0x6f: {  	[spmem:s2] =	stream.indirect.scatter.add.f32 [tilespmem:s22], [sflag:$0x2], $0x80, s31, s23, $0xb8;
	[tilespmem:$0x1E400] =	vst v63  }
0x70: {  	_ =	swait.ge [sflag:s28], $0x4000  }
0x71: {  	[sflag:s28] =	ssyncset.done $0x0  }
0x72: {  	[sflag:s28] =	ssyncadd.s32 $0xFFFFC000  }
0x73: {  	_ =	swait.ge [sflag:s28], $0x4000  }
0x74: {  	[sflag:s28] =	ssyncset.done $0x0  }
0x75: {  	[sflag:s28] =	ssyncadd.s32 $0xFFFFC000  }
0x76: {  	[tilespmem:s4], [sflag:$0x3] =	stream.linear.gather [hbm4b:s12+s4], $0x1400, $0x38;
	[tilespmem:$0x1E400] =	vst v63  }
0x77: {  	_ =	swait.ge [sflag:s20], $0x1400  }
0x78: {  	[sflag:s20] =	ssyncset.done $0x0  }
0x79: {  	[sflag:s20] =	ssyncadd.s32 $0xFFFFEC00  }
0x7a: {  	[tilespmem:s21], [sflag:$0x3] =	stream.linear.gather [hbm4b:s13+s4], $0x1400, $0x38;
	[tilespmem:$0x1E400] =	vst v63  }
0x7b: {  	_ =	swait.ge [sflag:s20], $0x1400  }
0x7c: {  	[sflag:s20] =	ssyncset.done $0x0  }
0x7d: {  	[sflag:s20] =	ssyncadd.s32 $0xFFFFEC00  }
0x7e: {  	[tilespmem:s24], [sflag:$0x1] =	stream.indirect.gather [hbm4b:s1+s23], $0x80, s4, s23, $0xb8;
	[tilespmem:$0x1E400] =	vst v63  }
0x7f: {  	_ = 	snop  }
0x80: {  	[tilespmem:s22], [sflag:$0x1] =	stream.indirect.gather [hbm4b:s1+s23], $0x80, s23, s23, $0xb8;
	[tilespmem:$0x1E400] =	vst v63  }
0x81: {  	_ =	swait.ge [sflag:s25], $0x4000  }
0x82: {  	[sflag:s25] =	ssyncset.done $0x0  }
0x83: {  	[sflag:s25] =	ssyncadd.s32 $0xFFFFC000  }
0x84: {  	[spmem:s2] =	stream.indirect.scatter.add.f32 [tilespmem:s24], [sflag:$0x2], $0x80, s21, s23, $0xb8;
	[tilespmem:$0x1E400] =	vst v63  }
0x85: {  	_ =	swait.ge [sflag:s25], $0x4000  }
0x86: {  	[sflag:s25] =	ssyncset.done $0x0  }
0x87: {  	[sflag:s25] =	ssyncadd.s32 $0xFFFFC000  }
0x88: {  	[spmem:s2] =	stream.indirect.scatter.add.f32 [tilespmem:s22], [sflag:$0x2], $0x80, s26, s23, $0xb8;
	[tilespmem:$0x1E400] =	vst v63  }
0x89: {  	_ =	swait.ge [sflag:s28], $0x4000  }
0x8a: {  	[sflag:s28] =	ssyncset.done $0x0  }
0x8b: {  	s0 =	simm.s32 $0x100;
	[sflag:s28] =	ssyncadd.s32 $0xFFFFC000  }
0x8c: {  	[tilespmem:s24], [sflag:$0x1] =	stream.indirect.gather [hbm4b:s1+s23], $0x80, s0, s23, $0xb8;
	[tilespmem:$0x1E400] =	vst v63  }
0x8d: {  	_ =	swait.ge [sflag:s28], $0x4000  }
0x8e: {  	[sflag:s28] =	ssyncset.done $0x0  }
0x8f: {  	s0 =	simm.s32 $0x180;
	[sflag:s28] =	ssyncadd.s32 $0xFFFFC000  }
0x90: {  	[tilespmem:s22], [sflag:$0x1] =	stream.indirect.gather [hbm4b:s1+s23], $0x80, s0, s23, $0xb8;
	[tilespmem:$0x1E400] =	vst v63  }
0x91: {  	_ =	swait.ge [sflag:s25], $0x4000  }
0x92: {  	[sflag:s25] =	ssyncset.done $0x0  }
0x93: {  	s0 =	simm.s32 $0x1500;
	[sflag:s25] =	ssyncadd.s32 $0xFFFFC000  }
0x94: {  	[spmem:s2] =	stream.indirect.scatter.add.f32 [tilespmem:s24], [sflag:$0x2], $0x80, s0, s23, $0xb8;
	[tilespmem:$0x1E400] =	vst v63  }
0x95: {  	_ =	swait.ge [sflag:s25], $0x4000  }
0x96: {  	[sflag:s25] =	ssyncset.done $0x0  }
0x97: {  	s30 =	simm.s32 $0xFFFFB800;
	s31 =	simm.s32 $0x1580;
	[sflag:s25] =	ssyncadd.s32 $0xFFFFC000  }
.LBB2_6:
0x98: {  	[spmem:s2] =	stream.indirect.scatter.add.f32 [tilespmem:s22], [sflag:$0x2], $0x80, s31, s23, $0xb8;
	[tilespmem:$0x1E400] =	vst v63  }
0x99: {  	s0 =	smov.u32 s30  }
0x9a: {  	p0 =	sne.s32 s30, $0xFFFFFC00;
	s30 =	sadd.s32 $0x400, s30;
	_ =	swait.ge [sflag:s28], $0x4000  }
0x9b: {  	s0 =	sshra.s32 s0, $0x2;
	[sflag:s28] =	ssyncset.done $0x0  }
0x9c: {  	s31 =	sadd.s32 $0x1400, s0;
	[sflag:s28] =	ssyncadd.s32 $0xFFFFC000  }
0x9d: {  	[tilespmem:s24], [sflag:$0x1] =	stream.indirect.gather [hbm4b:s1+s23], $0x80, s31, s23, $0xb8;
	[tilespmem:$0x1E400] =	vst v63  }
0x9e: {  	_ =	swait.ge [sflag:s28], $0x4000  }
0x9f: {  	[sflag:s28] =	ssyncset.done $0x0  }
0xa0: {  	s31 =	sadd.s32 $0x1480, s0;
	[sflag:s28] =	ssyncadd.s32 $0xFFFFC000  }
0xa1: {  	[tilespmem:s22], [sflag:$0x1] =	stream.indirect.gather [hbm4b:s1+s23], $0x80, s31, s23, $0xb8;
	[tilespmem:$0x1E400] =	vst v63  }
0xa2: {  	_ =	swait.ge [sflag:s25], $0x4000  }
0xa3: {  	[sflag:s25] =	ssyncset.done $0x0  }
.Ltmp2:
0xa4: {  	s31 =	sadd.s32 $0x2800, s0;
	[sflag:s25] =	ssyncadd.s32 $0xFFFFC000;
	(pc) =	sbr.rel @p0 .LBB2_6-.Ltmp2, $4  }
0xa5: {  	[spmem:s2] =	stream.indirect.scatter.add.f32 [tilespmem:s24], [sflag:$0x2], $0x80, s31, s23, $0xb8;
	[tilespmem:$0x1E400] =	vst v63  }
0xa6: {  	_ =	swait.ge [sflag:s25], $0x4000  }
0xa7: {  	[sflag:s25] =	ssyncset.done $0x0  }
0xa8: {  	s31 =	sadd.s32 $0x2880, s0;
	[sflag:s25] =	ssyncadd.s32 $0xFFFFC000  }
0xa9: {  	[spmem:s2] =	stream.indirect.scatter.add.f32 [tilespmem:s22], [sflag:$0x2], $0x80, s31, s23, $0xb8;
	[tilespmem:$0x1E400] =	vst v63  }
0xaa: {  	_ =	swait.ge [sflag:s28], $0x4000  }
0xab: {  	[sflag:s28] =	ssyncset.done $0x0  }
0xac: {  	[sflag:s28] =	ssyncadd.s32 $0xFFFFC000  }
0xad: {  	_ =	swait.ge [sflag:s28], $0x4000  }
0xae: {  	[sflag:s28] =	ssyncset.done $0x0  }
0xaf: {  	[sflag:s28] =	ssyncadd.s32 $0xFFFFC000  }
0xb0: {  	[bflag:$0x0] =	sbarrier.arrive $0xFFFF  }
0xb1: {  	[tilespmem:s24], [sflag:$0x3] =	stream.linear.gather [spmem:s7], $0x4000, $0x38;
	[tilespmem:$0x1E400] =	vst v63  }
0xb2: {  	_ =	swait.ge [sflag:s20], $0x4000  }
0xb3: {  	[sflag:s20] =	ssyncset.done $0x0  }
0xb4: {  	[sflag:s20] =	ssyncadd.s32 $0xFFFFC000  }
0xb5: {  	[hbm4b:s14+s4] =	stream.linear.scatter [tilespmem:s24], [sflag:$0x3], $0x4000, $0x38;
	[tilespmem:$0x1E400] =	vst v63  }
0xb6: {  	_ =	swait.ge [sflag:s20], $0x4000  }
0xb7: {  	[sflag:s20] =	ssyncset.done $0x0  }
0xb8: {  	[sflag:s20] =	ssyncadd.s32 $0xFFFFC000  }
0xb9: {  	[tilespmem:s24], [sflag:$0x3] =	stream.linear.gather [spmem:s8], $0x4000, $0x38;
	[tilespmem:$0x1E400] =	vst v63  }
0xba: {  	_ =	swait.ge [sflag:s20], $0x4000  }
0xbb: {  	[sflag:s20] =	ssyncset.done $0x0  }
0xbc: {  	[sflag:s20] =	ssyncadd.s32 $0xFFFFC000  }
0xbd: {  	[hbm4b:s15+s4] =	stream.linear.scatter [tilespmem:s24], [sflag:$0x3], $0x4000, $0x38;
	[tilespmem:$0x1E400] =	vst v63  }
0xbe: {  	_ =	swait.ge [sflag:s20], $0x4000  }
0xbf: {  	[sflag:s20] =	ssyncset.done $0x0  }
0xc0: {  	[sflag:s20] =	ssyncadd.s32 $0xFFFFC000  }
0xc1: {  	[tilespmem:s24], [sflag:$0x3] =	stream.linear.gather [spmem:s9], $0x4000, $0x38;
	[tilespmem:$0x1E400] =	vst v63  }
0xc2: {  	_ =	swait.ge [sflag:s20], $0x4000  }
0xc3: {  	[sflag:s20] =	ssyncset.done $0x0  }
0xc4: {  	[sflag:s20] =	ssyncadd.s32 $0xFFFFC000  }
0xc5: {  	[hbm4b:s16+s4] =	stream.linear.scatter [tilespmem:s24], [sflag:$0x3], $0x4000, $0x38;
	[tilespmem:$0x1E400] =	vst v63  }
0xc6: {  	_ =	swait.ge [sflag:s20], $0x4000  }
0xc7: {  	[sflag:s20] =	ssyncset.done $0x0  }
0xc8: {  	[sflag:s20] =	ssyncadd.s32 $0xFFFFC000  }
0xc9: {  	[tilespmem:s24], [sflag:$0x3] =	stream.linear.gather [spmem:s10], $0x4000, $0x38;
	[tilespmem:$0x1E400] =	vst v63  }
0xca: {  	_ =	swait.ge [sflag:s20], $0x4000  }
0xcb: {  	[sflag:s20] =	ssyncset.done $0x0  }
0xcc: {  	[sflag:s20] =	ssyncadd.s32 $0xFFFFC000  }
0xcd: {  	[hbm4b:s17+s4] =	stream.linear.scatter [tilespmem:s24], [sflag:$0x3], $0x4000, $0x38;
	[tilespmem:$0x1E400] =	vst v63  }
0xce: {  	_ =	swait.ge [sflag:s20], $0x4000  }
0xcf: {  	[sflag:s20] =	ssyncset.done $0x0  }
0xd0: {  	[sflag:s20] =	ssyncadd.s32 $0xFFFFC000  }
0xd1: {  	[tilespmem:s24], [sflag:$0x3] =	stream.linear.gather [spmem:s11], $0x3C00, $0x38;
	[tilespmem:$0x1E400] =	vst v63  }
0xd2: {  	s29 =	sadd.s32 $0x1, s29;
	_ =	swait.ge [sflag:s20], $0x3C00  }
0xd3: {  	p0 =	sne.s32 s29, s19;
	[sflag:s20] =	ssyncset.done $0x0  }
.Ltmp3:
0xd4: {  	[sflag:s20] =	ssyncadd.s32 $0xFFFFC400;
	(pc) =	sbr.rel @p0 .LBB2_1-.Ltmp3, $4  }
0xd5: {  	[hbm4b:s18+s4] =	stream.linear.scatter [tilespmem:s24], [sflag:$0x3], $0x3C00, $0x38;
	[tilespmem:$0x1E400] =	vst v63  }
0xd6: {  	_ =	swait.ge [sflag:s20], $0x3C00  }
0xd7: {  	[sflag:s20] =	ssyncset.done $0x0  }
0xd8: {  	[sflag:s20] =	ssyncadd.s32 $0xFFFFC400  }
0xd9: {  	_ =	sfence.sel $0x180000  }
0xda: {  	[bflag:$0x0] =	sbarrier.arrive $0xFFFF  }
0xdb: {  	_ =	strace $0x9000004A  }
0xdc: {  	[bflag:$0x2] =	sbarrier.arrive $0xFFFF  }
0xdd: {  	p0 =	sne.s32 s3, $0x0;
	s0 =	rddreg [dreg:$0x3]  }
0xde: {  	s0 =	sadd.s32 @!p0 $0x100000, s0  }
0xdf: {  	[sflag:s0] =	ssyncadd.tile.s32 @!p0 $0x1;
	_ =	shalt  }
.Lfunc_end2:
_tile_overlayer_lowered:
.L_overlay_start_2:
0xe0: {  	(tag) =	ssettag $0x2  }
0xe1: {  	s0 =	rddreg [dreg:$0x0];
	s2 =	stileid.u32  }
0xe2: {  	s1 =	rddreg [dreg:$0x1];
	p0 =	sne.s32 s2, $0x0  }
0xe3: {  	s3 =	rddreg [dreg:$0x2];
	[bflag:$0x3] =	sbarrier.arrive $0xFFFF;
	s2 =	simm.s32 @!p0 $0x1C03  }
0xe4: {  	[timem:s3], [sflag:s2] =	dma.local @!p0 [hbm:s0], s1  }
0xe5: {  	s0 =	simm.s32 @!p0 $0x3  }
0xe6: {  	_ =	swait.ge @!p0 [sflag:s0], s1  }
0xe7: {  	s1 =	ssub.s32 @!p0 $0x0, s1;
	[sflag:s0] =	ssyncset.done @!p0 $0x0  }
0xe8: {  	[sflag:s0] =	ssyncadd.s32 @!p0 s1  }
0xe9: {  	[bflag:$0x3] =	sbarrier.arrive $0xFFFF  }
0xea: {  	_ =	shalt  }

// kernel: kernel.14.cloned.1.call-start
scs
__scs_entry_jumppad:
0x0: {  	(pc) =	sbr.rel $0x88, $3  }
0x1: {  	(tag) =	ssettag $0x0;
	lr =	simm.s32 $0x1  }
0x2: {  	[smem:$0x3F9B] =	sst lr;
	_ =	strace $0xD0000000  }
0x3: {  	_ = 	snop  }
0x4: {  	_ = 	snop  }
0x5: {  	_ = 	snop  }
0x6: {  	_ = 	snop  }
0x7: {  	_ = 	snop  }
__scs_overlays_trampoline_lowered:
0x8: {  	[smem:$0x3FAA] =	sst s0  }
0x9: {  	[smem:$0x3FAB] =	sst s1  }
0xa: {  	[smem:$0x3FAC] =	sst s2  }
0xb: {  	[smem:$0x3FAD] =	sst s3  }
0xc: {  	[smem:$0x3FAE] =	sst s4  }
0xd: {  	[smem:$0x3FAF] =	sst s5  }
0xe: {  	[smem:$0x3FB0] =	sst s6  }
0xf: {  	[smem:$0x3FB1] =	sst s7  }
0x10: {  	[smem:$0x3FB2] =	sst s8  }
0x11: {  	[smem:$0x3FB3] =	sst s9;
	s0 =	simm.s32 @!p0 $0x0  }
0x12: {  	s1 =	sld [smem:$0x3F99];
	s0 =	simm.s32 @p0 $0x1  }
0x13: {  	[smem:$0x3FB4] =	sst s0;
	s0 =	simm.s32 @!p1 $0x0  }
0x14: {  	s2 =	sld [smem:$0x3F98];
	s0 =	simm.s32 @p1 $0x1  }
0x15: {  	[smem:$0x3FB5] =	sst s0;
	s0 =	simm.s32 @!p2 $0x0  }
0x16: {  	s3 =	sld [smem:$0x3FDB];
	s0 =	simm.s32 @p2 $0x1  }
0x17: {  	s4 =	simm.s32 $0x1BF5;
	[smem:$0x3FB7] =	sst s0  }
0x18: {  	s0 =	sld [smem:$0x3F9A];
	_ =	swait.ge [sflag:s4], $0x0  }
0x19: {  	s7 =	sld [smem:$0x3F9B]  }
0x1a: {  	s8 =	sadd.s32 $0xFFFFE003, lr  }
0x1b: {  	s9 =	sadd.s32 $0xFFFFFEF7, lr;
	s5 =	simm.s32 $0xFFFFFFFF;
	p2 =	slt.u32 s8, $0xFFFFF086  }
0x1c: {  	p1 =	slt.u32 s9, $0xF7A;
	s5 =	simm.s32 @!p2 $0x0  }
0x1d: {  	s5 =	simm.s32 @p1 $0x1;
	p0 =	seq.s32 s7, s2  }
0x1e: {  	s7 =	smul.u32 @!p0 $0xF7A, s2;
	p2 =	seq.s32 @!p0 s5, $0x0  }
0x1f: {  	s9 =	smul.u32 $0xF7A, s1;
	s8 =	simm.s32 @!p0 $0x1BF5;
	p2 =	por !p2, p0  }
0x20: {  	[sflag:s8] =	ssyncset.s32 @!p0 $0xFFFFF086;
	s6 =	sadd.s32 @!p0 s3, s7;
	s7 =	simm.s32 @!p0 $0x108  }
0x21: {  	s3 =	sadd.s32 s3, s9;
	s6 =	sadd.s32 @!p0 $0x88, s6;
	s7 =	simm.s32 @p2 $0x1082  }
0x22: {  	[simem:s7], [sflag:s8] =	dma.local @!p0 [hbm:s6], $0xF7A  }
0x23: {  	s9 =	sor.u32 $0xD0000000, s2;
	s6 =	simm.s32 $0x108;
	_ =	swait.ge @!p0 [sflag:s8], $0x0  }
0x24: {  	s3 =	sadd.s32 $0x88, s3;
	s6 =	simm.s32 @!p1 $0x1082;
	[sflag:s4] =	ssyncset.s32 $0xFFFFF086  }
0x25: {  	[simem:s6], [sflag:s4] =	dma.local [hbm:s3], $0xF7A  }
0x26: {  	[smem:$0x3F9B] =	sst s1;
	(tag) =	ssettag s2;
	_ =	strace s9  }
0x27: {  	s1 =	sld [smem:$0x3FAB]  }
0x28: {  	s2 =	sld [smem:$0x3FAC]  }
0x29: {  	s4 =	sld [smem:$0x3FAE]  }
0x2a: {  	p0 =	seq.s32 s5, $0x0;
	s5 =	sld [smem:$0x3FAF]  }
0x2b: {  	s6 =	sld [smem:$0x3FB0]  }
0x2c: {  	s7 =	sld [smem:$0x3FB1]  }
0x2d: {  	s3 =	simm.s32 $0x108;
	s8 =	sld [smem:$0x3FB2]  }
0x2e: {  	s3 =	simm.s32 @!p0 $0x1082;
	s9 =	sld [smem:$0x3FB3]  }
0x2f: {  	lr =	sadd.s32 s0, s3;
	s0 =	sld [smem:$0x3FAA]  }
0x30: {  	s3 =	sld [smem:$0x3FAD]  }
0x31: {  	[smem:$0x3FB6] =	sst s10  }
0x32: {  	s10 =	sld [smem:$0x3FB4];
	_ =	sdelay $0x3  }
0x33: {  	p0 =	seq.s32 s10, $0x1;
	s10 =	sld [smem:$0x3FB6];
	_ =	sdelay $0x3  }
0x34: {  	[smem:$0x3FB6] =	sst s10  }
0x35: {  	s10 =	sld [smem:$0x3FB5];
	_ =	sdelay $0x3  }
0x36: {  	p1 =	seq.s32 s10, $0x1;
	s10 =	sld [smem:$0x3FB6];
	_ =	sdelay $0x3  }
0x37: {  	[smem:$0x3FB6] =	sst s10  }
0x38: {  	s10 =	sld [smem:$0x3FB7]  }
0x39: {  	_ = 	snop;
	(pc) =	sbr.ind lr, $3  }
0x3a: {  	_ = 	snop  }
0x3b: {  	_ = 	snop  }
0x3c: {  	p2 =	seq.s32 s10, $0x1;
	s10 =	sld [smem:$0x3FB6]  }
0x3d: {  	_ =	shalt  }
0x3e: {  	_ =	shalt  }
0x3f: {  	_ =	shalt  }
0x40: {  	_ =	shalt  }
0x41: {  	_ =	shalt  }
0x42: {  	_ =	shalt  }
0x43: {  	_ =	shalt  }
0x44: {  	_ =	shalt  }
0x45: {  	_ =	shalt  }
0x46: {  	_ =	shalt  }
0x47: {  	_ =	shalt  }
0x48: {  	_ =	shalt  }
0x49: {  	_ =	shalt  }
0x4a: {  	_ =	shalt  }
0x4b: {  	_ =	shalt  }
0x4c: {  	_ =	shalt  }
0x4d: {  	_ =	shalt  }
0x4e: {  	_ =	shalt  }
0x4f: {  	_ =	shalt  }
0x50: {  	_ =	shalt  }
0x51: {  	_ =	shalt  }
0x52: {  	_ =	shalt  }
0x53: {  	_ =	shalt  }
0x54: {  	_ =	shalt  }
0x55: {  	_ =	shalt  }
0x56: {  	_ =	shalt  }
0x57: {  	_ =	shalt  }
0x58: {  	_ =	shalt  }
0x59: {  	_ =	shalt  }
0x5a: {  	_ =	shalt  }
0x5b: {  	_ =	shalt  }
0x5c: {  	_ =	shalt  }
0x5d: {  	_ =	shalt  }
0x5e: {  	_ =	shalt  }
0x5f: {  	_ =	shalt  }
0x60: {  	_ =	shalt  }
0x61: {  	_ =	shalt  }
0x62: {  	_ =	shalt  }
0x63: {  	_ =	shalt  }
0x64: {  	_ =	shalt  }
0x65: {  	_ =	shalt  }
0x66: {  	_ =	shalt  }
0x67: {  	_ =	shalt  }
0x68: {  	_ =	shalt  }
0x69: {  	_ =	shalt  }
0x6a: {  	_ =	shalt  }
0x6b: {  	_ =	shalt  }
0x6c: {  	_ =	shalt  }
0x6d: {  	_ =	shalt  }
0x6e: {  	_ =	shalt  }
0x6f: {  	_ =	shalt  }
0x70: {  	_ =	shalt  }
0x71: {  	_ =	shalt  }
0x72: {  	_ =	shalt  }
0x73: {  	_ =	shalt  }
0x74: {  	_ =	shalt  }
0x75: {  	_ =	shalt  }
0x76: {  	_ =	shalt  }
0x77: {  	_ =	shalt  }
0x78: {  	_ =	shalt  }
0x79: {  	_ =	shalt  }
0x7a: {  	_ =	shalt  }
0x7b: {  	_ =	shalt  }
0x7c: {  	_ =	shalt  }
0x7d: {  	_ =	shalt  }
0x7e: {  	_ =	shalt  }
0x7f: {  	_ =	shalt  }
0x80: {  	_ =	shalt  }
0x81: {  	_ =	shalt  }
0x82: {  	_ =	shalt  }
0x83: {  	_ =	shalt  }
0x84: {  	_ =	shalt  }
0x85: {  	_ =	shalt  }
0x86: {  	_ =	shalt  }
0x87: {  	_ =	shalt  }
.Lfunc_end0:
.L_simem_size_0:
called_computation.2_lowered:
.L_overlay_start_0:
0x88: {  	s2 =	sld [smem:$0x3FD9]  }
0x89: {  	s3 =	sld [smem:$0x3FFE];
	_ =	sdelay $0x1  }
0x8a: {  	s1 =	srdreg.scid  }
0x8b: {  	s0 =	sand.u32 $0x1, s1  }
0x8c: {  	s17 =	sshll.u32 s0, $0xA;
	s2 =	sadd.s32 s3, s2  }
0x8d: {  	s2 =	sadd.s32 s2, s17  }
0x8e: {  	[smem:$0x3FC2] =	sst s2  }
0x8f: {  	_ = 	snop  }
0x90: {  	s2 =	sld [smem:$0x3FD0];
	(tm) =	ssettm $0x1  }
0x91: {  	s18 =	sld [smem:$0x3FFB];
	_ =	sdelay $0x3  }
0x92: {  	_ =	strace s18  }
0x93: {  	s3 =	sld [smem:$0x3FFC];
	_ =	sdelay $0x3  }
0x94: {  	_ =	strace s3  }
0x95: {  	s3 =	sld [smem:$0x3FFD];
	_ =	sdelay $0x3  }
0x96: {  	_ =	strace s3  }
0x97: {  	_ =	strace $0x8FFFFFFF  }
0x98: {  	s19 =	sld [smem:$0x3FDB];
	_ =	sdelay $0x1  }
0x99: {  	s4 =	simm.s32 $_scs_section_size  }
0x9a: {  	s5 =	simm.s32 $_size__tile_overlayer_lowered;
	s6 =	simm.s32 $_tile_overlayer_lowered  }
0x9b: {  	s22 =	simm.s32 $0x1BFF;
	s21 =	sshll.u32 s6, $0x1;
	s3 =	sadd.s32 s4, s19  }
0x9c: {  	s7 =	simm.s32 $0x0;
	s20 =	sshll.u32 s5, $0x1;
	s5 =	sadd.s32 s21, s3  }
0x9d: {  	[timem:s7], [sflag:s22] =	dma.local [hbm:s5], s20  }
0x9e: {  	_ =	swait.ge [sflag:s22], s20  }
0x9f: {  	s4 =	ssub.s32 $0x0, s20;
	[sflag:s22] =	ssyncset.done $0x0  }
0xa0: {  	[sflag:s22] =	ssyncadd.s32 s4;
	_ =	sdelay $0x1  }
0xa1: {  	s23 =	simm.s32 $0x1B8B  }
0xa2: {  	_ =	swait.ge [sflag:s23], $0x1  }
0xa3: {  	[sflag:s23] =	ssyncset.done $0x0  }
0xa4: {  	s25 =	simm.s32 $0x1B8E;
	s24 =	sld [smem:$0x3FFE];
	[sflag:s23] =	ssyncadd.s32 $0xFFFFFFFF  }
0xa5: {  	s26 =	simm.s32 $execute0_lowered;
	[smem:$0x3FD2] =	sst s25  }
0xa6: {  	s5 =	sshll.u32 s26, $0x1;
	_ =	strace $0x8000004C;
	[dreg:$0x1] =	wrdreg $0xFFFFFFFF  }
0xa7: {  	s28 =	simm.s32 $_size_execute0_lowered;
	s3 =	sadd.s32 s3, s5;
	[dreg:$0x0] =	wrdreg $0x0  }
0xa8: {  	s5 =	sshll.u32 s28, $0x1;
	[dreg:$0x2] =	wrdreg s3  }
0xa9: {  	[dreg:$0x3] =	wrdreg s5  }
0xaa: {  	[dreg:$0x4] =	wrdreg $0xC0  }
0xab: {  	_ =	task [dreg:s7], $0x5FFFF  }
0xac: {  	[dreg:$0x1] =	wrdreg $0xFFFFFFFF  }
0xad: {  	[dreg:$0x0] =	wrdreg $0x60  }
0xae: {  	[dreg:$0x2] =	wrdreg s2  }
0xaf: {  	[dreg:$0x3] =	wrdreg s24  }
0xb0: {  	[dreg:$0x4] =	wrdreg $0xA8000  }
0xb1: {  	[dreg:$0x5] =	wrdreg $0x9  }
0xb2: {  	_ =	task.clear_ibuf [dreg:s7], $0x6FFFF;
	_ =	strace $0x9000004C  }
0xb3: {  	s29 =	simm.s32 $0x9;
	_ =	strace $0x8000004E  }
0xb4: {  	_ =	swait.ge [sflag:s29], $0x1  }
0xb5: {  	[sflag:s29] =	ssyncadd.s32 $0xFFFFFFFF  }
0xb6: {  	_ =	strace $0x9000004E  }
0xb7: {  	_ =	sfence  }
0xb8: {  	s30 =	sld [smem:$0x0];
	_ =	sdelay $0x2  }
0xb9: {  	s31 =	sshll.u32 s1, $0xD;
	s1 =	sshrl.u32 s1, $0x2  }
0xba: {  	s3 =	sand.u32 $0x4000, s31;
	s1 =	sadd.s32 s1, s30  }
0xbb: {  	s0 =	sor.u32 s3, s0;
	s1 =	sshll.u32 s1, $0x11  }
0xbc: {  	s0 =	sor.u32 s1, s0  }
0xbd: {  	s0 =	sadd.s32 $0x8F2B, s0  }
0xbe: {  	[sflag:s0] =	ssyncadd.remote.s32 $0x1  }
0xbf: {  	_ =	sfence.sel $0xFFFF  }
0xc0: {  	[dreg:$0x0] =	wrdreg $0xFFFFFFFF;
	(pc) =	sbr.abs _section_cstart, $3  }
0xc1: {  	[dreg:$0x1] =	wrdreg $0xFFFFFFFF  }
0xc2: {  	_ =	task.clear_ibuf [dreg:s7], $0x2FFFF;
	_ =	strace $0x9FFFFFFF  }
0xc3: {  	(tm) =	ssettm $0x7FFFFFFF  }
tec
execute0_lowered:
.L_overlay_start_1:
0x0: {  	(tag) =	ssettag $0x1  }
0x1: {  	s1 =	rddreg [dreg:$0x0]  }
0x2: {  	s5 =	rddreg [dreg:$0x1]  }
0x3: {  	s2 =	rddreg [dreg:$0x2];
	s4 =	simm.s32 $0x0;
	s3 =	srdreg.scid  }
0x4: {  	s28 =	simm.s32 $0x2;
	[smem:$0x7FF] =	sst s4;
	s10 =	sand.u32 $0x1, s3  }
0x5: {  	s29 =	simm.s32 $0x0;
	s3 =	stileid.u32;
	s6 =	smul.u32 $0x28000, s10  }
0x6: {  	s12 =	sadd.s32 $0xC200, s5;
	s13 =	sadd.s32 $0x2200, s5;
	s7 =	smul.u32 $0x2800, s3  }
0x7: {  	s18 =	sadd.s32 $0x16200, s5;
	s22 =	ssub.s32 $0x2, s10;
	s23 =	smul.u32 $0x4F000, s3  }
0x8: {  	_ =	strace $0x8000004D;
	s15 =	smul.u32 $0x13C00, s3;
	s8 =	sshrl.u32 s22, $0x1  }
0x9: {  	s6 =	sadd.s32 s7, s6;
	s19 =	ssub.s32 s22, s8;
	s7 =	sshrl.u32 s23, $0x2  }
0xa: {  	s16 =	sadd.s32 $0x4000, s15;
	s17 =	sadd.s32 $0x8000, s15;
	s20 =	sadd.s32 $0xC000, s15  }
0xb: {  	s21 =	sadd.s32 $0x10000, s15;
	s22 =	smul.u32 $0x13C000, s10;
	s23 =	simm.s32 $0x80  }
0xc: {  	s14 =	sshrl.u32 s6, $0x3;
	s7 =	sadd.s32 s7, s2;
	s8 =	sadd.s32 s16, s2  }
0xd: {  	s9 =	sadd.s32 s17, s2;
	s10 =	sadd.s32 s20, s2;
	s11 =	sadd.s32 s21, s2  }
0xe: {  	s19 =	smax.u32 s19, $0x1;
	s5 =	sadd.s32 s12, s14;
	s6 =	sadd.s32 s13, s14  }
0xf: {  	s14 =	sadd.s32 $0x280, s14;
	s15 =	sadd.s32 s15, s22;
	s16 =	sadd.s32 s22, s16  }
0x10: {  	s26 =	sadd.s32 s22, s17;
	s30 =	sadd.s32 s22, s20;
	s31 =	sadd.s32 s22, s21  }
0x11: {  	s21 =	simm.s32 $0x1400;
	s22 =	simm.s32 $0x6800;
	s12 =	sadd.s32 s12, s14  }
0x12: {  	s13 =	sadd.s32 s13, s14;
	s24 =	sshrl.u32 s15, $0x3;
	s25 =	sshrl.u32 s16, $0x3  }
0x13: {  	s16 =	sshrl.u32 s26, $0x3;
	s17 =	sshrl.u32 s30, $0x3;
	s20 =	sshrl.u32 s31, $0x3  }
0x14: {  	s26 =	simm.s32 $0x1480;
	s14 =	sadd.s32 s18, s24;
	s15 =	sadd.s32 s18, s25  }
0x15: {  	s16 =	sadd.s32 s18, s16;
	s17 =	sadd.s32 s18, s17;
	s18 =	sadd.s32 s18, s20  }
0x16: {  	v0 =	vimm.f32 $0.0e+00;
	s20 =	simm.s32 $0x3;
	s24 =	simm.s32 $0x2800;
	s25 =	simm.s32 $0x1  }
.LBB2_1:
0x17: {  	[tilespmem:s4], [sflag:$0x3] =	stream.linear.gather [hbm4b:s5+s4], $0x1400, $0x38;
	[tilespmem:$0x1E400] =	vst v63  }
0x18: {  	_ =	swait.ge [sflag:s20], $0x1400  }
0x19: {  	[sflag:s20] =	ssyncset.done $0x0  }
0x1a: {  	[sflag:s20] =	ssyncadd.s32 $0xFFFFEC00  }
0x1b: {  	[tilespmem:s21], [sflag:$0x3] =	stream.linear.gather [hbm4b:s6+s4], $0x1400, $0x38;
	[tilespmem:$0x1E400] =	vst v63  }
0x1c: {  	_ =	swait.ge [sflag:s20], $0x1400  }
0x1d: {  	[sflag:s20] =	ssyncset.done $0x0  }
0x1e: {  	s30 =	simm.s32 $0x0;
	s31 =	simm.s32 $0x200;
	[sflag:s20] =	ssyncadd.s32 $0xFFFFEC00  }
.LBB2_2:
0x1f: {  	p0 =	sne.s32 s31, $0xFE00;
	[tilespmem:s30+$0x6870] =	vst v0  }
0x20: {  	[tilespmem:s30+$0x6800] =	vst v0  }
0x21: {  	[tilespmem:s30+$0x6810] =	vst v0  }
.Ltmp0:
0x22: {  	[tilespmem:s30+$0x6820] =	vst v0;
	(pc) =	sbr.rel @p0 .LBB2_2-.Ltmp0, $4  }
0x23: {  	[tilespmem:s30+$0x6830] =	vst v0  }
0x24: {  	[tilespmem:s30+$0x6840] =	vst v0  }
0x25: {  	[tilespmem:s30+$0x6850] =	vst v0  }
0x26: {  	[tilespmem:s30+$0x6860] =	vst v0;
	s30 =	sshra.s32 s31, $0x2;
	s31 =	sadd.s32 $0x200, s31  }
0x27: {  	[tilespmem:s30+$0x6870] =	vst v0  }
0x28: {  	[tilespmem:s30+$0x6800] =	vst v0  }
0x29: {  	[tilespmem:s30+$0x6810] =	vst v0  }
0x2a: {  	[tilespmem:s30+$0x6820] =	vst v0  }
0x2b: {  	[tilespmem:s30+$0x6830] =	vst v0  }
0x2c: {  	[tilespmem:s30+$0x6840] =	vst v0  }
0x2d: {  	[tilespmem:s30+$0x6850] =	vst v0  }
0x2e: {  	[tilespmem:s30+$0x6860] =	vst v0  }
0x2f: {  	[spmem:s7] =	stream.linear.scatter [tilespmem:s22], [sflag:$0x3], $0x4000, $0x38;
	[tilespmem:$0x1E400] =	vst v63  }
0x30: {  	_ =	swait.ge [sflag:s20], $0x4000  }
0x31: {  	[sflag:s20] =	ssyncset.done $0x0  }
0x32: {  	[sflag:s20] =	ssyncadd.s32 $0xFFFFC000  }
0x33: {  	[spmem:s8] =	stream.linear.scatter [tilespmem:s22], [sflag:$0x3], $0x4000, $0x38;
	[tilespmem:$0x1E400] =	vst v63  }
0x34: {  	_ =	swait.ge [sflag:s20], $0x4000  }
0x35: {  	[sflag:s20] =	ssyncset.done $0x0  }
0x36: {  	[sflag:s20] =	ssyncadd.s32 $0xFFFFC000  }
0x37: {  	[spmem:s9] =	stream.linear.scatter [tilespmem:s22], [sflag:$0x3], $0x4000, $0x38;
	[tilespmem:$0x1E400] =	vst v63  }
0x38: {  	_ =	swait.ge [sflag:s20], $0x4000  }
0x39: {  	[sflag:s20] =	ssyncset.done $0x0  }
0x3a: {  	[sflag:s20] =	ssyncadd.s32 $0xFFFFC000  }
0x3b: {  	[spmem:s10] =	stream.linear.scatter [tilespmem:s22], [sflag:$0x3], $0x4000, $0x38;
	[tilespmem:$0x1E400] =	vst v63  }
0x3c: {  	_ =	swait.ge [sflag:s20], $0x4000  }
0x3d: {  	[sflag:s20] =	ssyncset.done $0x0  }
0x3e: {  	[sflag:s20] =	ssyncadd.s32 $0xFFFFC000  }
0x3f: {  	[spmem:s11] =	stream.linear.scatter [tilespmem:s22], [sflag:$0x3], $0x3C00, $0x38;
	[tilespmem:$0x1E400] =	vst v63  }
0x40: {  	_ =	swait.ge [sflag:s20], $0x3C00  }
0x41: {  	[sflag:s20] =	ssyncset.done $0x0  }
0x42: {  	[sflag:s20] =	ssyncadd.s32 $0xFFFFC400  }
0x43: {  	[bflag:$0x0] =	sbarrier.arrive $0xFFFF  }
0x44: {  	[tilespmem:s24], [sflag:$0x1] =	stream.indirect.gather [hbm4b:s1+s23], $0x80, s4, s23, $0xb8;
	[tilespmem:$0x1E400] =	vst v63  }
0x45: {  	_ = 	snop  }
0x46: {  	[tilespmem:s22], [sflag:$0x1] =	stream.indirect.gather [hbm4b:s1+s23], $0x80, s23, s23, $0xb8;
	[tilespmem:$0x1E400] =	vst v63  }
0x47: {  	_ =	swait.ge [sflag:s25], $0x4000  }
0x48: {  	[sflag:s25] =	ssyncset.done $0x0  }
0x49: {  	[sflag:s25] =	ssyncadd.s32 $0xFFFFC000  }
0x4a: {  	[spmem:s2] =	stream.indirect.scatter.add.f32 [tilespmem:s24], [sflag:$0x2], $0x80, s21, s23, $0xb8;
	[tilespmem:$0x1E400] =	vst v63  }
0x4b: {  	_ =	swait.ge [sflag:s25], $0x4000  }
0x4c: {  	[sflag:s25] =	ssyncset.done $0x0  }
0x4d: {  	[sflag:s25] =	ssyncadd.s32 $0xFFFFC000  }
0x4e: {  	[spmem:s2] =	stream.indirect.scatter.add.f32 [tilespmem:s22], [sflag:$0x2], $0x80, s26, s23, $0xb8;
	[tilespmem:$0x1E400] =	vst v63  }
0x4f: {  	_ =	swait.ge [sflag:s28], $0x4000  }
0x50: {  	[sflag:s28] =	ssyncset.done $0x0  }
0x51: {  	s30 =	simm.s32 $0x100;
	[sflag:s28] =	ssyncadd.s32 $0xFFFFC000  }
0x52: {  	[tilespmem:s24], [sflag:$0x1] =	stream.indirect.gather [hbm4b:s1+s23], $0x80, s30, s23, $0xb8;
	[tilespmem:$0x1E400] =	vst v63  }
0x53: {  	_ =	swait.ge [sflag:s28], $0x4000  }
0x54: {  	[sflag:s28] =	ssyncset.done $0x0  }
0x55: {  	s30 =	simm.s32 $0x180;
	[sflag:s28] =	ssyncadd.s32 $0xFFFFC000  }
0x56: {  	[tilespmem:s22], [sflag:$0x1] =	stream.indirect.gather [hbm4b:s1+s23], $0x80, s30, s23, $0xb8;
	[tilespmem:$0x1E400] =	vst v63  }
0x57: {  	_ =	swait.ge [sflag:s25], $0x4000  }
0x58: {  	[sflag:s25] =	ssyncset.done $0x0  }
0x59: {  	s30 =	simm.s32 $0x1500;
	[sflag:s25] =	ssyncadd.s32 $0xFFFFC000  }
0x5a: {  	[spmem:s2] =	stream.indirect.scatter.add.f32 [tilespmem:s24], [sflag:$0x2], $0x80, s30, s23, $0xb8;
	[tilespmem:$0x1E400] =	vst v63  }
0x5b: {  	_ =	swait.ge [sflag:s25], $0x4000  }
0x5c: {  	[sflag:s25] =	ssyncset.done $0x0  }
0x5d: {  	s31 =	simm.s32 $0x1580;
	s30 =	simm.s32 $0xFFFFB800;
	[sflag:s25] =	ssyncadd.s32 $0xFFFFC000  }
.LBB2_4:
0x5e: {  	[spmem:s2] =	stream.indirect.scatter.add.f32 [tilespmem:s22], [sflag:$0x2], $0x80, s31, s23, $0xb8;
	[tilespmem:$0x1E400] =	vst v63  }
0x5f: {  	s31 =	smov.u32 s30  }
0x60: {  	p0 =	sne.s32 s30, $0xFFFFFC00;
	s30 =	sadd.s32 $0x400, s30;
	_ =	swait.ge [sflag:s28], $0x4000  }
0x61: {  	s31 =	sshra.s32 s31, $0x2;
	[sflag:s28] =	ssyncset.done $0x0  }
0x62: {  	s0 =	sadd.s32 $0x1400, s31;
	[sflag:s28] =	ssyncadd.s32 $0xFFFFC000  }
0x63: {  	[tilespmem:s24], [sflag:$0x1] =	stream.indirect.gather [hbm4b:s1+s23], $0x80, s0, s23, $0xb8;
	[tilespmem:$0x1E400] =	vst v63  }
0x64: {  	_ =	swait.ge [sflag:s28], $0x4000  }
0x65: {  	[sflag:s28] =	ssyncset.done $0x0  }
0x66: {  	s0 =	sadd.s32 $0x1480, s31;
	[sflag:s28] =	ssyncadd.s32 $0xFFFFC000  }
0x67: {  	[tilespmem:s22], [sflag:$0x1] =	stream.indirect.gather [hbm4b:s1+s23], $0x80, s0, s23, $0xb8;
	[tilespmem:$0x1E400] =	vst v63  }
0x68: {  	_ =	swait.ge [sflag:s25], $0x4000  }
0x69: {  	[sflag:s25] =	ssyncset.done $0x0  }
.Ltmp1:
0x6a: {  	s0 =	sadd.s32 $0x2800, s31;
	[sflag:s25] =	ssyncadd.s32 $0xFFFFC000;
	(pc) =	sbr.rel @p0 .LBB2_4-.Ltmp1, $4  }
0x6b: {  	[spmem:s2] =	stream.indirect.scatter.add.f32 [tilespmem:s24], [sflag:$0x2], $0x80, s0, s23, $0xb8;
	[tilespmem:$0x1E400] =	vst v63  }
0x6c: {  	_ =	swait.ge [sflag:s25], $0x4000  }
0x6d: {  	[sflag:s25] =	ssyncset.done $0x0  }
0x6e: {  	s31 =	sadd.s32 $0x2880, s31;
	[sflag:s25] =	ssyncadd.s32 $0xFFFFC000  }
0x6f: {  	[spmem:s2] =	stream.indirect.scatter.add.f32 [tilespmem:s22], [sflag:$0x2], $0x80, s31, s23, $0xb8;
	[tilespmem:$0x1E400] =	vst v63  }
0x70: {  	_ =	swait.ge [sflag:s28], $0x4000  }
0x71: {  	[sflag:s28] =	ssyncset.done $0x0  }
0x72: {  	[sflag:s28] =	ssyncadd.s32 $0xFFFFC000  }
0x73: {  	_ =	swait.ge [sflag:s28], $0x4000  }
0x74: {  	[sflag:s28] =	ssyncset.done $0x0  }
0x75: {  	[sflag:s28] =	ssyncadd.s32 $0xFFFFC000  }
0x76: {  	[tilespmem:s4], [sflag:$0x3] =	stream.linear.gather [hbm4b:s12+s4], $0x1400, $0x38;
	[tilespmem:$0x1E400] =	vst v63  }
0x77: {  	_ =	swait.ge [sflag:s20], $0x1400  }
0x78: {  	[sflag:s20] =	ssyncset.done $0x0  }
0x79: {  	[sflag:s20] =	ssyncadd.s32 $0xFFFFEC00  }
0x7a: {  	[tilespmem:s21], [sflag:$0x3] =	stream.linear.gather [hbm4b:s13+s4], $0x1400, $0x38;
	[tilespmem:$0x1E400] =	vst v63  }
0x7b: {  	_ =	swait.ge [sflag:s20], $0x1400  }
0x7c: {  	[sflag:s20] =	ssyncset.done $0x0  }
0x7d: {  	[sflag:s20] =	ssyncadd.s32 $0xFFFFEC00  }
0x7e: {  	[tilespmem:s24], [sflag:$0x1] =	stream.indirect.gather [hbm4b:s1+s23], $0x80, s4, s23, $0xb8;
	[tilespmem:$0x1E400] =	vst v63  }
0x7f: {  	_ = 	snop  }
0x80: {  	[tilespmem:s22], [sflag:$0x1] =	stream.indirect.gather [hbm4b:s1+s23], $0x80, s23, s23, $0xb8;
	[tilespmem:$0x1E400] =	vst v63  }
0x81: {  	_ =	swait.ge [sflag:s25], $0x4000  }
0x82: {  	[sflag:s25] =	ssyncset.done $0x0  }
0x83: {  	[sflag:s25] =	ssyncadd.s32 $0xFFFFC000  }
0x84: {  	[spmem:s2] =	stream.indirect.scatter.add.f32 [tilespmem:s24], [sflag:$0x2], $0x80, s21, s23, $0xb8;
	[tilespmem:$0x1E400] =	vst v63  }
0x85: {  	_ =	swait.ge [sflag:s25], $0x4000  }
0x86: {  	[sflag:s25] =	ssyncset.done $0x0  }
0x87: {  	[sflag:s25] =	ssyncadd.s32 $0xFFFFC000  }
0x88: {  	[spmem:s2] =	stream.indirect.scatter.add.f32 [tilespmem:s22], [sflag:$0x2], $0x80, s26, s23, $0xb8;
	[tilespmem:$0x1E400] =	vst v63  }
0x89: {  	_ =	swait.ge [sflag:s28], $0x4000  }
0x8a: {  	[sflag:s28] =	ssyncset.done $0x0  }
0x8b: {  	s0 =	simm.s32 $0x100;
	[sflag:s28] =	ssyncadd.s32 $0xFFFFC000  }
0x8c: {  	[tilespmem:s24], [sflag:$0x1] =	stream.indirect.gather [hbm4b:s1+s23], $0x80, s0, s23, $0xb8;
	[tilespmem:$0x1E400] =	vst v63  }
0x8d: {  	_ =	swait.ge [sflag:s28], $0x4000  }
0x8e: {  	[sflag:s28] =	ssyncset.done $0x0  }
0x8f: {  	s0 =	simm.s32 $0x180;
	[sflag:s28] =	ssyncadd.s32 $0xFFFFC000  }
0x90: {  	[tilespmem:s22], [sflag:$0x1] =	stream.indirect.gather [hbm4b:s1+s23], $0x80, s0, s23, $0xb8;
	[tilespmem:$0x1E400] =	vst v63  }
0x91: {  	_ =	swait.ge [sflag:s25], $0x4000  }
0x92: {  	[sflag:s25] =	ssyncset.done $0x0  }
0x93: {  	s0 =	simm.s32 $0x1500;
	[sflag:s25] =	ssyncadd.s32 $0xFFFFC000  }
0x94: {  	[spmem:s2] =	stream.indirect.scatter.add.f32 [tilespmem:s24], [sflag:$0x2], $0x80, s0, s23, $0xb8;
	[tilespmem:$0x1E400] =	vst v63  }
0x95: {  	_ =	swait.ge [sflag:s25], $0x4000  }
0x96: {  	[sflag:s25] =	ssyncset.done $0x0  }
0x97: {  	s30 =	simm.s32 $0xFFFFB800;
	s31 =	simm.s32 $0x1580;
	[sflag:s25] =	ssyncadd.s32 $0xFFFFC000  }
.LBB2_6:
0x98: {  	[spmem:s2] =	stream.indirect.scatter.add.f32 [tilespmem:s22], [sflag:$0x2], $0x80, s31, s23, $0xb8;
	[tilespmem:$0x1E400] =	vst v63  }
0x99: {  	s0 =	smov.u32 s30  }
0x9a: {  	p0 =	sne.s32 s30, $0xFFFFFC00;
	s30 =	sadd.s32 $0x400, s30;
	_ =	swait.ge [sflag:s28], $0x4000  }
0x9b: {  	s0 =	sshra.s32 s0, $0x2;
	[sflag:s28] =	ssyncset.done $0x0  }
0x9c: {  	s31 =	sadd.s32 $0x1400, s0;
	[sflag:s28] =	ssyncadd.s32 $0xFFFFC000  }
0x9d: {  	[tilespmem:s24], [sflag:$0x1] =	stream.indirect.gather [hbm4b:s1+s23], $0x80, s31, s23, $0xb8;
	[tilespmem:$0x1E400] =	vst v63  }
0x9e: {  	_ =	swait.ge [sflag:s28], $0x4000  }
0x9f: {  	[sflag:s28] =	ssyncset.done $0x0  }
0xa0: {  	s31 =	sadd.s32 $0x1480, s0;
	[sflag:s28] =	ssyncadd.s32 $0xFFFFC000  }
0xa1: {  	[tilespmem:s22], [sflag:$0x1] =	stream.indirect.gather [hbm4b:s1+s23], $0x80, s31, s23, $0xb8;
	[tilespmem:$0x1E400] =	vst v63  }
0xa2: {  	_ =	swait.ge [sflag:s25], $0x4000  }
0xa3: {  	[sflag:s25] =	ssyncset.done $0x0  }
.Ltmp2:
0xa4: {  	s31 =	sadd.s32 $0x2800, s0;
	[sflag:s25] =	ssyncadd.s32 $0xFFFFC000;
	(pc) =	sbr.rel @p0 .LBB2_6-.Ltmp2, $4  }
0xa5: {  	[spmem:s2] =	stream.indirect.scatter.add.f32 [tilespmem:s24], [sflag:$0x2], $0x80, s31, s23, $0xb8;
	[tilespmem:$0x1E400] =	vst v63  }
0xa6: {  	_ =	swait.ge [sflag:s25], $0x4000  }
0xa7: {  	[sflag:s25] =	ssyncset.done $0x0  }
0xa8: {  	s31 =	sadd.s32 $0x2880, s0;
	[sflag:s25] =	ssyncadd.s32 $0xFFFFC000  }
0xa9: {  	[spmem:s2] =	stream.indirect.scatter.add.f32 [tilespmem:s22], [sflag:$0x2], $0x80, s31, s23, $0xb8;
	[tilespmem:$0x1E400] =	vst v63  }
0xaa: {  	_ =	swait.ge [sflag:s28], $0x4000  }
0xab: {  	[sflag:s28] =	ssyncset.done $0x0  }
0xac: {  	[sflag:s28] =	ssyncadd.s32 $0xFFFFC000  }
0xad: {  	_ =	swait.ge [sflag:s28], $0x4000  }
0xae: {  	[sflag:s28] =	ssyncset.done $0x0  }
0xaf: {  	[sflag:s28] =	ssyncadd.s32 $0xFFFFC000  }
0xb0: {  	[bflag:$0x0] =	sbarrier.arrive $0xFFFF  }
0xb1: {  	[tilespmem:s24], [sflag:$0x3] =	stream.linear.gather [spmem:s7], $0x4000, $0x38;
	[tilespmem:$0x1E400] =	vst v63  }
0xb2: {  	_ =	swait.ge [sflag:s20], $0x4000  }
0xb3: {  	[sflag:s20] =	ssyncset.done $0x0  }
0xb4: {  	[sflag:s20] =	ssyncadd.s32 $0xFFFFC000  }
0xb5: {  	[hbm4b:s14+s4] =	stream.linear.scatter [tilespmem:s24], [sflag:$0x3], $0x4000, $0x38;
	[tilespmem:$0x1E400] =	vst v63  }
0xb6: {  	_ =	swait.ge [sflag:s20], $0x4000  }
0xb7: {  	[sflag:s20] =	ssyncset.done $0x0  }
0xb8: {  	[sflag:s20] =	ssyncadd.s32 $0xFFFFC000  }
0xb9: {  	[tilespmem:s24], [sflag:$0x3] =	stream.linear.gather [spmem:s8], $0x4000, $0x38;
	[tilespmem:$0x1E400] =	vst v63  }
0xba: {  	_ =	swait.ge [sflag:s20], $0x4000  }
0xbb: {  	[sflag:s20] =	ssyncset.done $0x0  }
0xbc: {  	[sflag:s20] =	ssyncadd.s32 $0xFFFFC000  }
0xbd: {  	[hbm4b:s15+s4] =	stream.linear.scatter [tilespmem:s24], [sflag:$0x3], $0x4000, $0x38;
	[tilespmem:$0x1E400] =	vst v63  }
0xbe: {  	_ =	swait.ge [sflag:s20], $0x4000  }
0xbf: {  	[sflag:s20] =	ssyncset.done $0x0  }
0xc0: {  	[sflag:s20] =	ssyncadd.s32 $0xFFFFC000  }
0xc1: {  	[tilespmem:s24], [sflag:$0x3] =	stream.linear.gather [spmem:s9], $0x4000, $0x38;
	[tilespmem:$0x1E400] =	vst v63  }
0xc2: {  	_ =	swait.ge [sflag:s20], $0x4000  }
0xc3: {  	[sflag:s20] =	ssyncset.done $0x0  }
0xc4: {  	[sflag:s20] =	ssyncadd.s32 $0xFFFFC000  }
0xc5: {  	[hbm4b:s16+s4] =	stream.linear.scatter [tilespmem:s24], [sflag:$0x3], $0x4000, $0x38;
	[tilespmem:$0x1E400] =	vst v63  }
0xc6: {  	_ =	swait.ge [sflag:s20], $0x4000  }
0xc7: {  	[sflag:s20] =	ssyncset.done $0x0  }
0xc8: {  	[sflag:s20] =	ssyncadd.s32 $0xFFFFC000  }
0xc9: {  	[tilespmem:s24], [sflag:$0x3] =	stream.linear.gather [spmem:s10], $0x4000, $0x38;
	[tilespmem:$0x1E400] =	vst v63  }
0xca: {  	_ =	swait.ge [sflag:s20], $0x4000  }
0xcb: {  	[sflag:s20] =	ssyncset.done $0x0  }
0xcc: {  	[sflag:s20] =	ssyncadd.s32 $0xFFFFC000  }
0xcd: {  	[hbm4b:s17+s4] =	stream.linear.scatter [tilespmem:s24], [sflag:$0x3], $0x4000, $0x38;
	[tilespmem:$0x1E400] =	vst v63  }
0xce: {  	_ =	swait.ge [sflag:s20], $0x4000  }
0xcf: {  	[sflag:s20] =	ssyncset.done $0x0  }
0xd0: {  	[sflag:s20] =	ssyncadd.s32 $0xFFFFC000  }
0xd1: {  	[tilespmem:s24], [sflag:$0x3] =	stream.linear.gather [spmem:s11], $0x3C00, $0x38;
	[tilespmem:$0x1E400] =	vst v63  }
0xd2: {  	s29 =	sadd.s32 $0x1, s29;
	_ =	swait.ge [sflag:s20], $0x3C00  }
0xd3: {  	p0 =	sne.s32 s29, s19;
	[sflag:s20] =	ssyncset.done $0x0  }
.Ltmp3:
0xd4: {  	[sflag:s20] =	ssyncadd.s32 $0xFFFFC400;
	(pc) =	sbr.rel @p0 .LBB2_1-.Ltmp3, $4  }
0xd5: {  	[hbm4b:s18+s4] =	stream.linear.scatter [tilespmem:s24], [sflag:$0x3], $0x3C00, $0x38;
	[tilespmem:$0x1E400] =	vst v63  }
0xd6: {  	_ =	swait.ge [sflag:s20], $0x3C00  }
0xd7: {  	[sflag:s20] =	ssyncset.done $0x0  }
0xd8: {  	[sflag:s20] =	ssyncadd.s32 $0xFFFFC400  }
0xd9: {  	_ =	sfence.sel $0x180000  }
0xda: {  	[bflag:$0x0] =	sbarrier.arrive $0xFFFF  }
0xdb: {  	_ =	strace $0x9000004D  }
0xdc: {  	[bflag:$0x2] =	sbarrier.arrive $0xFFFF  }
0xdd: {  	p0 =	sne.s32 s3, $0x0;
	s0 =	rddreg [dreg:$0x3]  }
0xde: {  	s0 =	sadd.s32 @!p0 $0x100000, s0  }
0xdf: {  	[sflag:s0] =	ssyncadd.tile.s32 @!p0 $0x1;
	_ =	shalt  }
.Lfunc_end2:
_tile_overlayer_lowered:
.L_overlay_start_2:
0xe0: {  	(tag) =	ssettag $0x2  }
0xe1: {  	s0 =	rddreg [dreg:$0x0];
	s2 =	stileid.u32  }
0xe2: {  	s1 =	rddreg [dreg:$0x1];
	p0 =	sne.s32 s2, $0x0  }
0xe3: {  	s3 =	rddreg [dreg:$0x2];
	[bflag:$0x3] =	sbarrier.arrive $0xFFFF;
	s2 =	simm.s32 @!p0 $0x1C03  }
0xe4: {  	[timem:s3], [sflag:s2] =	dma.local @!p0 [hbm:s0], s1  }
0xe5: {  	s0 =	simm.s32 @!p0 $0x3  }
0xe6: {  	_ =	swait.ge @!p0 [sflag:s0], s1  }
0xe7: {  	s1 =	ssub.s32 @!p0 $0x0, s1;
	[sflag:s0] =	ssyncset.done @!p0 $0x0  }
0xe8: {  	[sflag:s0] =	ssyncadd.s32 @!p0 s1  }
0xe9: {  	[bflag:$0x3] =	sbarrier.arrive $0xFFFF  }
0xea: {  	_ =	shalt  }

// kernel: kernel.8.cloned.1.call-start
scs
__scs_entry_jumppad:
0x0: {  	(pc) =	sbr.rel $0x88, $3  }
0x1: {  	(tag) =	ssettag $0x0;
	lr =	simm.s32 $0x1  }
0x2: {  	[smem:$0x3F9B] =	sst lr;
	_ =	strace $0xD0000000  }
0x3: {  	_ = 	snop  }
0x4: {  	_ = 	snop  }
0x5: {  	_ = 	snop  }
0x6: {  	_ = 	snop  }
0x7: {  	_ = 	snop  }
__scs_overlays_trampoline_lowered:
0x8: {  	[smem:$0x3FAA] =	sst s0  }
0x9: {  	[smem:$0x3FAB] =	sst s1  }
0xa: {  	[smem:$0x3FAC] =	sst s2  }
0xb: {  	[smem:$0x3FAD] =	sst s3  }
0xc: {  	[smem:$0x3FAE] =	sst s4  }
0xd: {  	[smem:$0x3FAF] =	sst s5  }
0xe: {  	[smem:$0x3FB0] =	sst s6  }
0xf: {  	[smem:$0x3FB1] =	sst s7  }
0x10: {  	[smem:$0x3FB2] =	sst s8  }
0x11: {  	[smem:$0x3FB3] =	sst s9;
	s0 =	simm.s32 @!p0 $0x0  }
0x12: {  	s1 =	sld [smem:$0x3F99];
	s0 =	simm.s32 @p0 $0x1  }
0x13: {  	[smem:$0x3FB4] =	sst s0;
	s0 =	simm.s32 @!p1 $0x0  }
0x14: {  	s2 =	sld [smem:$0x3F98];
	s0 =	simm.s32 @p1 $0x1  }
0x15: {  	[smem:$0x3FB5] =	sst s0;
	s0 =	simm.s32 @!p2 $0x0  }
0x16: {  	s3 =	sld [smem:$0x3FDB];
	s0 =	simm.s32 @p2 $0x1  }
0x17: {  	s4 =	simm.s32 $0x1BF5;
	[smem:$0x3FB7] =	sst s0  }
0x18: {  	s0 =	sld [smem:$0x3F9A];
	_ =	swait.ge [sflag:s4], $0x0  }
0x19: {  	s7 =	sld [smem:$0x3F9B]  }
0x1a: {  	s8 =	sadd.s32 $0xFFFFE003, lr  }
0x1b: {  	s9 =	sadd.s32 $0xFFFFFEF7, lr;
	s5 =	simm.s32 $0xFFFFFFFF;
	p2 =	slt.u32 s8, $0xFFFFF086  }
0x1c: {  	p1 =	slt.u32 s9, $0xF7A;
	s5 =	simm.s32 @!p2 $0x0  }
0x1d: {  	s5 =	simm.s32 @p1 $0x1;
	p0 =	seq.s32 s7, s2  }
0x1e: {  	s7 =	smul.u32 @!p0 $0xF7A, s2;
	p2 =	seq.s32 @!p0 s5, $0x0  }
0x1f: {  	s9 =	smul.u32 $0xF7A, s1;
	s8 =	simm.s32 @!p0 $0x1BF5;
	p2 =	por !p2, p0  }
0x20: {  	[sflag:s8] =	ssyncset.s32 @!p0 $0xFFFFF086;
	s6 =	sadd.s32 @!p0 s3, s7;
	s7 =	simm.s32 @!p0 $0x108  }
0x21: {  	s3 =	sadd.s32 s3, s9;
	s6 =	sadd.s32 @!p0 $0x88, s6;
	s7 =	simm.s32 @p2 $0x1082  }
0x22: {  	[simem:s7], [sflag:s8] =	dma.local @!p0 [hbm:s6], $0xF7A  }
0x23: {  	s9 =	sor.u32 $0xD0000000, s2;
	s6 =	simm.s32 $0x108;
	_ =	swait.ge @!p0 [sflag:s8], $0x0  }
0x24: {  	s3 =	sadd.s32 $0x88, s3;
	s6 =	simm.s32 @!p1 $0x1082;
	[sflag:s4] =	ssyncset.s32 $0xFFFFF086  }
0x25: {  	[simem:s6], [sflag:s4] =	dma.local [hbm:s3], $0xF7A  }
0x26: {  	[smem:$0x3F9B] =	sst s1;
	(tag) =	ssettag s2;
	_ =	strace s9  }
0x27: {  	s1 =	sld [smem:$0x3FAB]  }
0x28: {  	s2 =	sld [smem:$0x3FAC]  }
0x29: {  	s4 =	sld [smem:$0x3FAE]  }
0x2a: {  	p0 =	seq.s32 s5, $0x0;
	s5 =	sld [smem:$0x3FAF]  }
0x2b: {  	s6 =	sld [smem:$0x3FB0]  }
0x2c: {  	s7 =	sld [smem:$0x3FB1]  }
0x2d: {  	s3 =	simm.s32 $0x108;
	s8 =	sld [smem:$0x3FB2]  }
0x2e: {  	s3 =	simm.s32 @!p0 $0x1082;
	s9 =	sld [smem:$0x3FB3]  }
0x2f: {  	lr =	sadd.s32 s0, s3;
	s0 =	sld [smem:$0x3FAA]  }
0x30: {  	s3 =	sld [smem:$0x3FAD]  }
0x31: {  	[smem:$0x3FB6] =	sst s10  }
0x32: {  	s10 =	sld [smem:$0x3FB4];
	_ =	sdelay $0x3  }
0x33: {  	p0 =	seq.s32 s10, $0x1;
	s10 =	sld [smem:$0x3FB6];
	_ =	sdelay $0x3  }
0x34: {  	[smem:$0x3FB6] =	sst s10  }
0x35: {  	s10 =	sld [smem:$0x3FB5];
	_ =	sdelay $0x3  }
0x36: {  	p1 =	seq.s32 s10, $0x1;
	s10 =	sld [smem:$0x3FB6];
	_ =	sdelay $0x3  }
0x37: {  	[smem:$0x3FB6] =	sst s10  }
0x38: {  	s10 =	sld [smem:$0x3FB7]  }
0x39: {  	_ = 	snop;
	(pc) =	sbr.ind lr, $3  }
0x3a: {  	_ = 	snop  }
0x3b: {  	_ = 	snop  }
0x3c: {  	p2 =	seq.s32 s10, $0x1;
	s10 =	sld [smem:$0x3FB6]  }
0x3d: {  	_ =	shalt  }
0x3e: {  	_ =	shalt  }
0x3f: {  	_ =	shalt  }
0x40: {  	_ =	shalt  }
0x41: {  	_ =	shalt  }
0x42: {  	_ =	shalt  }
0x43: {  	_ =	shalt  }
0x44: {  	_ =	shalt  }
0x45: {  	_ =	shalt  }
0x46: {  	_ =	shalt  }
0x47: {  	_ =	shalt  }
0x48: {  	_ =	shalt  }
0x49: {  	_ =	shalt  }
0x4a: {  	_ =	shalt  }
0x4b: {  	_ =	shalt  }
0x4c: {  	_ =	shalt  }
0x4d: {  	_ =	shalt  }
0x4e: {  	_ =	shalt  }
0x4f: {  	_ =	shalt  }
0x50: {  	_ =	shalt  }
0x51: {  	_ =	shalt  }
0x52: {  	_ =	shalt  }
0x53: {  	_ =	shalt  }
0x54: {  	_ =	shalt  }
0x55: {  	_ =	shalt  }
0x56: {  	_ =	shalt  }
0x57: {  	_ =	shalt  }
0x58: {  	_ =	shalt  }
0x59: {  	_ =	shalt  }
0x5a: {  	_ =	shalt  }
0x5b: {  	_ =	shalt  }
0x5c: {  	_ =	shalt  }
0x5d: {  	_ =	shalt  }
0x5e: {  	_ =	shalt  }
0x5f: {  	_ =	shalt  }
0x60: {  	_ =	shalt  }
0x61: {  	_ =	shalt  }
0x62: {  	_ =	shalt  }
0x63: {  	_ =	shalt  }
0x64: {  	_ =	shalt  }
0x65: {  	_ =	shalt  }
0x66: {  	_ =	shalt  }
0x67: {  	_ =	shalt  }
0x68: {  	_ =	shalt  }
0x69: {  	_ =	shalt  }
0x6a: {  	_ =	shalt  }
0x6b: {  	_ =	shalt  }
0x6c: {  	_ =	shalt  }
0x6d: {  	_ =	shalt  }
0x6e: {  	_ =	shalt  }
0x6f: {  	_ =	shalt  }
0x70: {  	_ =	shalt  }
0x71: {  	_ =	shalt  }
0x72: {  	_ =	shalt  }
0x73: {  	_ =	shalt  }
0x74: {  	_ =	shalt  }
0x75: {  	_ =	shalt  }
0x76: {  	_ =	shalt  }
0x77: {  	_ =	shalt  }
0x78: {  	_ =	shalt  }
0x79: {  	_ =	shalt  }
0x7a: {  	_ =	shalt  }
0x7b: {  	_ =	shalt  }
0x7c: {  	_ =	shalt  }
0x7d: {  	_ =	shalt  }
0x7e: {  	_ =	shalt  }
0x7f: {  	_ =	shalt  }
0x80: {  	_ =	shalt  }
0x81: {  	_ =	shalt  }
0x82: {  	_ =	shalt  }
0x83: {  	_ =	shalt  }
0x84: {  	_ =	shalt  }
0x85: {  	_ =	shalt  }
0x86: {  	_ =	shalt  }
0x87: {  	_ =	shalt  }
.Lfunc_end0:
.L_simem_size_0:
called_computation_lowered:
.L_overlay_start_0:
0x88: {  	s2 =	sld [smem:$0x3FD9]  }
0x89: {  	s3 =	sld [smem:$0x3FFE];
	_ =	sdelay $0x1  }
0x8a: {  	s1 =	srdreg.scid  }
0x8b: {  	s0 =	sand.u32 $0x1, s1  }
0x8c: {  	s17 =	sshll.u32 s0, $0xA;
	s2 =	sadd.s32 s3, s2  }
0x8d: {  	s2 =	sadd.s32 s2, s17  }
0x8e: {  	[smem:$0x3FC2] =	sst s2  }
0x8f: {  	_ = 	snop  }
0x90: {  	s2 =	sld [smem:$0x3FD0];
	(tm) =	ssettm $0x1  }
0x91: {  	s18 =	sld [smem:$0x3FFB];
	_ =	sdelay $0x3  }
0x92: {  	_ =	strace s18  }
0x93: {  	s3 =	sld [smem:$0x3FFC];
	_ =	sdelay $0x3  }
0x94: {  	_ =	strace s3  }
0x95: {  	s3 =	sld [smem:$0x3FFD];
	_ =	sdelay $0x3  }
0x96: {  	_ =	strace s3  }
0x97: {  	_ =	strace $0x8FFFFFFF  }
0x98: {  	s19 =	sld [smem:$0x3FDB];
	_ =	sdelay $0x1  }
0x99: {  	s4 =	simm.s32 $_scs_section_size  }
0x9a: {  	s5 =	simm.s32 $_size__tile_overlayer_lowered;
	s6 =	simm.s32 $_tile_overlayer_lowered  }
0x9b: {  	s22 =	simm.s32 $0x1BFF;
	s21 =	sshll.u32 s6, $0x1;
	s3 =	sadd.s32 s4, s19  }
0x9c: {  	s7 =	simm.s32 $0x0;
	s20 =	sshll.u32 s5, $0x1;
	s5 =	sadd.s32 s21, s3  }
0x9d: {  	[timem:s7], [sflag:s22] =	dma.local [hbm:s5], s20  }
0x9e: {  	_ =	swait.ge [sflag:s22], s20  }
0x9f: {  	s4 =	ssub.s32 $0x0, s20;
	[sflag:s22] =	ssyncset.done $0x0  }
0xa0: {  	[sflag:s22] =	ssyncadd.s32 s4;
	_ =	sdelay $0x1  }
0xa1: {  	s23 =	simm.s32 $0x1B8B  }
0xa2: {  	_ =	swait.ge [sflag:s23], $0x1  }
0xa3: {  	[sflag:s23] =	ssyncset.done $0x0  }
0xa4: {  	s25 =	simm.s32 $0x1B8E;
	s24 =	sld [smem:$0x3FFE];
	[sflag:s23] =	ssyncadd.s32 $0xFFFFFFFF  }
0xa5: {  	s26 =	simm.s32 $execute0_lowered;
	[smem:$0x3FD2] =	sst s25  }
0xa6: {  	s5 =	sshll.u32 s26, $0x1;
	_ =	strace $0x80000046;
	[dreg:$0x1] =	wrdreg $0xFFFFFFFF  }
0xa7: {  	s28 =	simm.s32 $_size_execute0_lowered;
	s3 =	sadd.s32 s3, s5;
	[dreg:$0x0] =	wrdreg $0x0  }
0xa8: {  	s5 =	sshll.u32 s28, $0x1;
	[dreg:$0x2] =	wrdreg s3  }
0xa9: {  	[dreg:$0x3] =	wrdreg s5  }
0xaa: {  	[dreg:$0x4] =	wrdreg $0xC0  }
0xab: {  	_ =	task [dreg:s7], $0x5FFFF  }
0xac: {  	[dreg:$0x1] =	wrdreg $0xFFFFFFFF  }
0xad: {  	[dreg:$0x0] =	wrdreg $0x60  }
0xae: {  	[dreg:$0x2] =	wrdreg s24  }
0xaf: {  	[dreg:$0x3] =	wrdreg s2  }
0xb0: {  	[dreg:$0x4] =	wrdreg $0x29000  }
0xb1: {  	[dreg:$0x5] =	wrdreg $0x9  }
0xb2: {  	_ =	task.clear_ibuf [dreg:s7], $0x6FFFF;
	_ =	strace $0x90000046  }
0xb3: {  	s29 =	simm.s32 $0x9;
	_ =	strace $0x80000048  }
0xb4: {  	_ =	swait.ge [sflag:s29], $0x1  }
0xb5: {  	[sflag:s29] =	ssyncadd.s32 $0xFFFFFFFF  }
0xb6: {  	_ =	strace $0x90000048  }
0xb7: {  	_ =	sfence  }
0xb8: {  	s30 =	sld [smem:$0x0];
	_ =	sdelay $0x2  }
0xb9: {  	s31 =	sshll.u32 s1, $0xD;
	s1 =	sshrl.u32 s1, $0x2  }
0xba: {  	s3 =	sand.u32 $0x4000, s31;
	s1 =	sadd.s32 s1, s30  }
0xbb: {  	s0 =	sor.u32 s3, s0;
	s1 =	sshll.u32 s1, $0x11  }
0xbc: {  	s0 =	sor.u32 s1, s0  }
0xbd: {  	s0 =	sadd.s32 $0x8F2B, s0  }
0xbe: {  	[sflag:s0] =	ssyncadd.remote.s32 $0x1  }
0xbf: {  	_ =	sfence.sel $0xFFFF  }
0xc0: {  	[dreg:$0x0] =	wrdreg $0xFFFFFFFF;
	(pc) =	sbr.abs _section_cstart, $3  }
0xc1: {  	[dreg:$0x1] =	wrdreg $0xFFFFFFFF  }
0xc2: {  	_ =	task.clear_ibuf [dreg:s7], $0x2FFFF;
	_ =	strace $0x9FFFFFFF  }
0xc3: {  	(tm) =	ssettm $0x7FFFFFFF  }
tec
execute0_lowered:
.L_overlay_start_1:
0x0: {  	(tag) =	ssettag $0x1  }
0x1: {  	s4 =	rddreg [dreg:$0x0]  }
0x2: {  	s8 =	rddreg [dreg:$0x1];
	s0 =	srdreg.scid  }
0x3: {  	s2 =	rddreg [dreg:$0x2];
	s1 =	stileid.u32;
	s3 =	simm.s32 $0x0  }
0x4: {  	s16 =	simm.s32 $0x1;
	s17 =	simm.s32 $0x2880;
	s7 =	smul.u32 $0x2800, s1  }
0x5: {  	s18 =	simm.s32 $0x80;
	s5 =	sand.u32 $0x1, s0;
	s9 =	smul.u32 $0x278, s1  }
0x6: {  	s19 =	simm.s32 $0x2800;
	s20 =	simm.s32 $0x0;
	s6 =	smul.u32 $0x28000, s5  }
0x7: {  	[smem:$0x7FF] =	sst s3;
	s29 =	ssub.s32 $0x2, s5;
	s5 =	smul.u32 $0x2780, s5  }
0x8: {  	s0 =	rddreg [dreg:$0x3];
	_ =	strace $0x80000047;
	s10 =	sshrl.u32 s29, $0x1  }
0x9: {  	s6 =	sadd.s32 s7, s6;
	s15 =	ssub.s32 s29, s10;
	s30 =	sadd.s32 s9, s5  }
0xa: {  	s5 =	sadd.s32 s9, s2;
	s6 =	sshrl.u32 s6, $0x3;
	s31 =	sshrl.u32 s30, $0x3  }
0xb: {  	s7 =	sadd.s32 $0x100, s5;
	s9 =	sadd.s32 $0x180, s5;
	s10 =	sadd.s32 $0x200, s5  }
0xc: {  	s15 =	smax.u32 s15, $0x1;
	s4 =	sadd.s32 s6, s4;
	s8 =	sadd.s32 s8, s31  }
0xd: {  	s6 =	sadd.s32 $0x80, s5;
	s4 =	sadd.s32 $0x2200, s4;
	s11 =	sadd.s32 $0x10, s8  }
0xe: {  	v0 =	vimm.f32 $1.000000000e+00;
	v1 =	vimm.f32 $0.0e+00;
	s12 =	sadd.s32 $0x20, s8;
	s13 =	sadd.s32 $0x30, s8;
	s14 =	sadd.s32 $0x40, s8  }
.LBB2_1:
0xf: {  	[tilespmem:s3], [sflag:$0x1] =	stream.linear.gather [hbm4b:s4+s3], $0x2800, $0x38;
	[tilespmem:$0x2B78] =	vst v63  }
0x10: {  	_ =	swait.ge [sflag:s16], $0x2800  }
0x11: {  	[sflag:s16] =	ssyncset.done $0x0  }
0x12: {  	[sflag:s16] =	ssyncadd.s32 $0xFFFFD800  }
0x13: {  	[tilespmem:$0x2800] =	vst v0  }
0x14: {  	[tilespmem:$0x2880] =	vst v1  }
0x15: {  	[tilespmem:$0x2810] =	vst v0  }
0x16: {  	[tilespmem:$0x2890] =	vst v1  }
0x17: {  	[tilespmem:$0x2820] =	vst v0  }
0x18: {  	[tilespmem:$0x28A0] =	vst v1  }
0x19: {  	[tilespmem:$0x2830] =	vst v0  }
0x1a: {  	[tilespmem:$0x28B0] =	vst v1  }
0x1b: {  	[tilespmem:$0x2840] =	vst v0  }
0x1c: {  	[tilespmem:$0x28C0] =	vst v1  }
0x1d: {  	[tilespmem:$0x2850] =	vst v0  }
0x1e: {  	[tilespmem:$0x28D0] =	vst v1  }
0x1f: {  	[tilespmem:$0x2860] =	vst v0  }
0x20: {  	[tilespmem:$0x28E0] =	vst v1  }
0x21: {  	[tilespmem:$0x2870] =	vst v0  }
0x22: {  	[tilespmem:$0x28F0] =	vst v1  }
0x23: {  	[spmem:s5] =	stream.linear.scatter [tilespmem:s17], [sflag:$0x1], $0x80, $0x38;
	[tilespmem:$0x2B78] =	vst v63  }
0x24: {  	_ =	swait.ge [sflag:s16], $0x80  }
0x25: {  	[sflag:s16] =	ssyncset.done $0x0  }
0x26: {  	[sflag:s16] =	ssyncadd.s32 $0xFFFFFF80  }
0x27: {  	[spmem:s6] =	stream.linear.scatter [tilespmem:s17], [sflag:$0x1], $0x80, $0x38;
	[tilespmem:$0x2B78] =	vst v63  }
0x28: {  	_ =	swait.ge [sflag:s16], $0x80  }
0x29: {  	[sflag:s16] =	ssyncset.done $0x0  }
0x2a: {  	[sflag:s16] =	ssyncadd.s32 $0xFFFFFF80  }
0x2b: {  	[spmem:s7] =	stream.linear.scatter [tilespmem:s17], [sflag:$0x1], $0x80, $0x38;
	[tilespmem:$0x2B78] =	vst v63  }
0x2c: {  	_ =	swait.ge [sflag:s16], $0x80  }
0x2d: {  	[sflag:s16] =	ssyncset.done $0x0  }
0x2e: {  	[sflag:s16] =	ssyncadd.s32 $0xFFFFFF80  }
0x2f: {  	[spmem:s9] =	stream.linear.scatter [tilespmem:s17], [sflag:$0x1], $0x80, $0x38;
	[tilespmem:$0x2B78] =	vst v63  }
0x30: {  	_ =	swait.ge [sflag:s16], $0x80  }
0x31: {  	[sflag:s16] =	ssyncset.done $0x0  }
0x32: {  	[sflag:s16] =	ssyncadd.s32 $0xFFFFFF80  }
0x33: {  	[spmem:s10] =	stream.linear.scatter [tilespmem:s17], [sflag:$0x1], $0x78, $0x38;
	[tilespmem:$0x2B78] =	vst v63  }
0x34: {  	_ =	swait.ge [sflag:s16], $0x78  }
0x35: {  	[sflag:s16] =	ssyncset.done $0x0  }
0x36: {  	[sflag:s16] =	ssyncadd.s32 $0xFFFFFF88  }
0x37: {  	s21 =	simm.s32 $0x0;
	[bflag:$0x0] =	sbarrier.arrive $0xFFFF  }
0x38: {  	[spmem:s2] =	stream.indirect.scatter.add.f32 [tilespmem:s19], [sflag:$0x1], $0x1, s21, s18, $0xb8;
	[tilespmem:$0x2B78] =	vst v63  }
0x39: {  	_ =	swait.ge [sflag:s16], $0x80  }
0x3a: {  	s21 =	simm.s32 $0x200;
	[sflag:s16] =	ssyncset.done $0x0  }
.LBB2_2:
0x3b: {  	s22 =	sshra.s32 s21, $0x2;
	[sflag:s16] =	ssyncadd.s32 $0xFFFFFF80;
	p0 =	sne.s32 s21, $0x9E00  }
0x3c: {  	[spmem:s2] =	stream.indirect.scatter.add.f32 [tilespmem:s19], [sflag:$0x1], $0x1, s22, s18, $0xb8;
	[tilespmem:$0x2B78] =	vst v63  }
.Ltmp0:
0x3d: {  	_ = 	snop;
	(pc) =	sbr.rel @p0 .LBB2_2-.Ltmp0, $4  }
0x3e: {  	_ = 	snop  }
0x3f: {  	s21 =	sadd.s32 $0x200, s21  }
0x40: {  	_ =	swait.ge [sflag:s16], $0x80  }
0x41: {  	[sflag:s16] =	ssyncset.done $0x0  }
0x42: {  	[sflag:s16] =	ssyncadd.s32 $0xFFFFFF80  }
0x43: {  	[bflag:$0x0] =	sbarrier.arrive $0xFFFF  }
0x44: {  	[tilespmem:s17], [sflag:$0x1] =	stream.linear.gather [spmem:s5], $0x80, $0x38;
	[tilespmem:$0x2B78] =	vst v63  }
0x45: {  	_ =	swait.ge [sflag:s16], $0x80  }
0x46: {  	[sflag:s16] =	ssyncset.done $0x0  }
0x47: {  	[sflag:s16] =	ssyncadd.s32 $0xFFFFFF80  }
0x48: {  	[hbm4b:s8+s3] =	stream.linear.scatter [tilespmem:s17], [sflag:$0x1], $0x80, $0x38;
	[tilespmem:$0x2B78] =	vst v63  }
0x49: {  	_ =	swait.ge [sflag:s16], $0x80  }
0x4a: {  	[sflag:s16] =	ssyncset.done $0x0  }
0x4b: {  	[sflag:s16] =	ssyncadd.s32 $0xFFFFFF80  }
0x4c: {  	[tilespmem:s17], [sflag:$0x1] =	stream.linear.gather [spmem:s6], $0x80, $0x38;
	[tilespmem:$0x2B78] =	vst v63  }
0x4d: {  	_ =	swait.ge [sflag:s16], $0x80  }
0x4e: {  	[sflag:s16] =	ssyncset.done $0x0  }
0x4f: {  	[sflag:s16] =	ssyncadd.s32 $0xFFFFFF80  }
0x50: {  	[hbm4b:s11+s3] =	stream.linear.scatter [tilespmem:s17], [sflag:$0x1], $0x80, $0x38;
	[tilespmem:$0x2B78] =	vst v63  }
0x51: {  	_ =	swait.ge [sflag:s16], $0x80  }
0x52: {  	[sflag:s16] =	ssyncset.done $0x0  }
0x53: {  	[sflag:s16] =	ssyncadd.s32 $0xFFFFFF80  }
0x54: {  	[tilespmem:s17], [sflag:$0x1] =	stream.linear.gather [spmem:s7], $0x80, $0x38;
	[tilespmem:$0x2B78] =	vst v63  }
0x55: {  	_ =	swait.ge [sflag:s16], $0x80  }
0x56: {  	[sflag:s16] =	ssyncset.done $0x0  }
0x57: {  	[sflag:s16] =	ssyncadd.s32 $0xFFFFFF80  }
0x58: {  	[hbm4b:s12+s3] =	stream.linear.scatter [tilespmem:s17], [sflag:$0x1], $0x80, $0x38;
	[tilespmem:$0x2B78] =	vst v63  }
0x59: {  	_ =	swait.ge [sflag:s16], $0x80  }
0x5a: {  	[sflag:s16] =	ssyncset.done $0x0  }
0x5b: {  	[sflag:s16] =	ssyncadd.s32 $0xFFFFFF80  }
0x5c: {  	[tilespmem:s17], [sflag:$0x1] =	stream.linear.gather [spmem:s9], $0x80, $0x38;
	[tilespmem:$0x2B78] =	vst v63  }
0x5d: {  	_ =	swait.ge [sflag:s16], $0x80  }
0x5e: {  	[sflag:s16] =	ssyncset.done $0x0  }
0x5f: {  	[sflag:s16] =	ssyncadd.s32 $0xFFFFFF80  }
0x60: {  	[hbm4b:s13+s3] =	stream.linear.scatter [tilespmem:s17], [sflag:$0x1], $0x80, $0x38;
	[tilespmem:$0x2B78] =	vst v63  }
0x61: {  	_ =	swait.ge [sflag:s16], $0x80  }
0x62: {  	[sflag:s16] =	ssyncset.done $0x0  }
0x63: {  	[sflag:s16] =	ssyncadd.s32 $0xFFFFFF80  }
0x64: {  	[tilespmem:s17], [sflag:$0x1] =	stream.linear.gather [spmem:s10], $0x78, $0x38;
	[tilespmem:$0x2B78] =	vst v63  }
0x65: {  	s20 =	sadd.s32 $0x1, s20;
	_ =	swait.ge [sflag:s16], $0x78  }
0x66: {  	p0 =	sne.s32 s20, s15;
	[sflag:s16] =	ssyncset.done $0x0  }
.Ltmp1:
0x67: {  	[sflag:s16] =	ssyncadd.s32 $0xFFFFFF88;
	(pc) =	sbr.rel @p0 .LBB2_1-.Ltmp1, $4  }
0x68: {  	[hbm4b:s14+s3] =	stream.linear.scatter [tilespmem:s17], [sflag:$0x1], $0x78, $0x38;
	[tilespmem:$0x2B78] =	vst v63  }
0x69: {  	_ =	swait.ge [sflag:s16], $0x78  }
0x6a: {  	[sflag:s16] =	ssyncset.done $0x0  }
0x6b: {  	[sflag:s16] =	ssyncadd.s32 $0xFFFFFF88  }
0x6c: {  	_ =	sfence.sel $0x180000  }
0x6d: {  	[bflag:$0x0] =	sbarrier.arrive $0xFFFF  }
0x6e: {  	p0 =	sne.s32 s1, $0x0;
	_ =	strace $0x90000047  }
0x6f: {  	s0 =	sadd.s32 @!p0 $0x100000, s0;
	[bflag:$0x2] =	sbarrier.arrive $0xFFFF  }
0x70: {  	[sflag:s0] =	ssyncadd.tile.s32 @!p0 $0x1;
	_ =	shalt  }
.Lfunc_end2:
_tile_overlayer_lowered:
.L_overlay_start_2:
0x71: {  	(tag) =	ssettag $0x2  }
0x72: {  	s0 =	rddreg [dreg:$0x0];
	s2 =	stileid.u32  }
0x73: {  	s1 =	rddreg [dreg:$0x1];
	p0 =	sne.s32 s2, $0x0  }
0x74: {  	s3 =	rddreg [dreg:$0x2];
	[bflag:$0x3] =	sbarrier.arrive $0xFFFF;
	s2 =	simm.s32 @!p0 $0x1C01  }
0x75: {  	[timem:s3], [sflag:s2] =	dma.local @!p0 [hbm:s0], s1  }
0x76: {  	s0 =	simm.s32 @!p0 $0x1  }
0x77: {  	_ =	swait.ge @!p0 [sflag:s0], s1  }
0x78: {  	s1 =	ssub.s32 @!p0 $0x0, s1;
	[sflag:s0] =	ssyncset.done @!p0 $0x0  }
0x79: {  	[sflag:s0] =	ssyncadd.s32 @!p0 s1  }
0x7a: {  	[bflag:$0x3] =	sbarrier.arrive $0xFFFF  }
0x7b: {  	_ =	shalt  }

</sc_bundles>
